<compile_context>
chip_gen: v7x
topology: tpu7x:2x2x1
jax: 0.10.2.dev20260603
libtpu: 0.0.44.dev20260713+nightly
codegen_flags: <defaults>
</compile_context>

<pallas_src>
import functools

import jax
import jax.numpy as jnp
from jax import lax
from jax.experimental import pallas as pl
from jax.experimental.pallas import tpu as pltpu
from jax.experimental.pallas import tpu_sc as plsc

N_NODES = 10000
D_FEAT = 128
N_EDGES = 320000

NC = 2
NS = 16
NW = NC * NS
CHUNK = 128
CPT = 80
E_PAD = NW * CPT * CHUNK
N_PAD = 10112
ROWS_PER_TILE = N_PAD // NS

_PARTS = ((0, 128), (128, 128), (256, 128), (384, 128), (512, 120))

IDX_STAGE = 8


def _mesh():
    return plsc.VectorSubcoreMesh(
        core_axis_name="c", subcore_axis_name="s", num_cores=NC)


CHUNK_G = 64
N_CHUNKS_G = E_PAD // CHUNK_G
CPT_FAST = 288
CPT_SLOW = (N_CHUNKS_G - NS * CPT_FAST) // NS
_PARTS_G = tuple((i * 64, 64) for i in range(9)) + ((576, 56),)


@functools.lru_cache(maxsize=None)
def _make_sc_pass():
    @functools.partial(
        pl.kernel,
        mesh=_mesh(),
        out_type=[jax.ShapeDtypeStruct((NC, N_PAD, D_FEAT), jnp.float32)],
        scratch_types=[
            pltpu.VMEM((IDX_STAGE, CHUNK_G), jnp.int32),
            pltpu.VMEM((IDX_STAGE, CHUNK_G), jnp.int32),
            pltpu.VMEM((CHUNK_G, D_FEAT), jnp.float32),
            pltpu.VMEM((CHUNK_G, D_FEAT), jnp.float32),
            pltpu.VMEM((CHUNK_G, D_FEAT), jnp.float32),
            pltpu.VMEM_SHARED((N_PAD, D_FEAT), jnp.float32),
            pltpu.SemaphoreType.DMA,
            pltpu.SemaphoreType.DMA,
            pltpu.SemaphoreType.DMA,
        ],
    )
    def sc_pass(x_hbm, src_hbm, dst_hbm, acc_out,
                src_v, dst_v, rows0, rows1, rows2, acc_sh, sem0, sem1, sem2):
        cid = lax.axis_index("c")
        sid = lax.axis_index("s")
        rows = (rows0, rows1, rows2)
        sems = (sem0, sem1, sem2)

        base = jnp.where(cid == 0, sid * CPT_FAST,
                         NS * CPT_FAST + sid * CPT_SLOW)
        n_gather = jnp.where(cid == 0, CPT_FAST // IDX_STAGE,
                             CPT_SLOW // IDX_STAGE)

        zrow = jnp.zeros((16,), jnp.float32)

        def fill_rows0(val):
            def body(i, carry):
                for j in range(D_FEAT // 16):
                    rows0[i, pl.ds(j * 16, 16)] = val
                return carry
            return body

        lax.fori_loop(0, CHUNK_G, fill_rows0(zrow), 0)

        r0 = sid * ROWS_PER_TILE
        for off, sz in _PARTS_G:
            pltpu.sync_copy(rows0.at[pl.ds(0, sz)],
                            acc_sh.at[pl.ds(r0 + off, sz)])

        plsc.subcore_barrier()

        def gather_body(s, carry):
            s8 = pl.multiple_of(base + s * IDX_STAGE, IDX_STAGE)
            pltpu.sync_copy(src_hbm.at[pl.ds(s8, IDX_STAGE)], src_v)
            pltpu.sync_copy(dst_hbm.at[pl.ds(s8, IDX_STAGE)], dst_v)
            handles = [None] * IDX_STAGE
            for j in range(2):
                handles[j] = pltpu.async_copy(
                    x_hbm.at[src_v.at[j]], rows[j], sems[j])
            for j in range(IDX_STAGE):
                if j + 2 < IDX_STAGE:
                    b = (j + 2) % 3
                    handles[j + 2] = pltpu.async_copy(
                        x_hbm.at[src_v.at[j + 2]], rows[b], sems[b])
                handles[j].wait()
                pltpu.sync_copy(rows[j % 3], acc_sh.at[dst_v.at[j]], add=True)
            return carry

        lax.fori_loop(0, n_gather, gather_body, 0)

        plsc.subcore_barrier()

        for off, sz in _PARTS_G:
            pltpu.sync_copy(acc_sh.at[pl.ds(r0 + off, sz)],
                            rows1.at[pl.ds(0, sz)])
            pltpu.sync_copy(rows1.at[pl.ds(0, sz)],
                            acc_out.at[cid, pl.ds(r0 + off, sz)])

    return sc_pass


@functools.lru_cache(maxsize=None)
def _make_deg_pass():
    @functools.partial(
        pl.kernel,
        mesh=_mesh(),
        out_type=[jax.ShapeDtypeStruct((NC, N_PAD, D_FEAT), jnp.float32)],
        scratch_types=[
            pltpu.VMEM((IDX_STAGE, CHUNK), jnp.int32),
            pltpu.VMEM((CHUNK, D_FEAT), jnp.float32),
            pltpu.VMEM_SHARED((N_PAD, D_FEAT), jnp.float32),
        ],
    )
    def deg_pass(dst_hbm, deg_out, dst_v, ones_v, deg_sh):
        cid = lax.axis_index("c")
        sid = lax.axis_index("s")
        wid = sid * NC + cid

        zrow = jnp.zeros((16,), jnp.float32)
        orow = jnp.full((16,), 1.0, jnp.float32)

        def fill_body(val):
            def body(i, carry):
                for j in range(D_FEAT // 16):
                    ones_v[i, pl.ds(j * 16, 16)] = val
                return carry
            return body

        lax.fori_loop(0, CHUNK, fill_body(zrow), 0)

        r0 = sid * ROWS_PER_TILE
        for off, sz in _PARTS:
            pltpu.sync_copy(ones_v.at[pl.ds(0, sz)],
                            deg_sh.at[pl.ds(r0 + off, sz)])

        lax.fori_loop(0, CHUNK, fill_body(orow), 0)

        plsc.subcore_barrier()

        def stage_body(s, carry):
            s8 = pl.multiple_of(s * IDX_STAGE, IDX_STAGE)
            pltpu.sync_copy(dst_hbm.at[wid, pl.ds(s8, IDX_STAGE)], dst_v)
            for j in range(IDX_STAGE):
                pltpu.sync_copy(ones_v, deg_sh.at[dst_v.at[j]], add=True)
            return carry

        lax.fori_loop(0, CPT // IDX_STAGE, stage_body, 0)

        plsc.subcore_barrier()

        for off, sz in _PARTS:
            pltpu.sync_copy(deg_sh.at[pl.ds(r0 + off, sz)],
                            ones_v.at[pl.ds(0, sz)])
            pltpu.sync_copy(ones_v.at[pl.ds(0, sz)],
                            deg_out.at[cid, pl.ds(r0 + off, sz)])

    return deg_pass


_TC_BLOCK = 400


def _tc_body(final, p_ref, deg_ref, x_ref, wl_ref, b_ref, wr_ref, o_ref):
    summed = p_ref[0] + p_ref[1]
    deg = deg_ref[0, :, 0:1] + deg_ref[1, :, 0:1]
    agg = summed / jnp.maximum(deg, 1.0)
    out = (jnp.dot(agg, wl_ref[...], precision=lax.Precision.HIGHEST)
           + b_ref[...]
           + jnp.dot(x_ref[...], wr_ref[...], precision=lax.Precision.HIGHEST))
    norm = jnp.sqrt(jnp.sum(out * out, axis=-1, keepdims=True))
    out = out / jnp.maximum(norm, 1e-12)
    out = jnp.maximum(out, 0.0)
    if final:
        m = jnp.max(out, axis=-1, keepdims=True)
        s = out - m
        lse = jnp.log(jnp.sum(jnp.exp(s), axis=-1, keepdims=True))
        out = s - lse
    o_ref[...] = out


def _tc_layer(p, degp, x_in, wl_t, b_row, wr_t, final):
    n = x_in.shape[0]
    return pl.pallas_call(
        functools.partial(_tc_body, final),
        grid=(n // _TC_BLOCK,),
        in_specs=[
            pl.BlockSpec((NC, _TC_BLOCK, D_FEAT), lambda i: (0, i, 0)),
            pl.BlockSpec((NC, _TC_BLOCK, D_FEAT), lambda i: (0, i, 0)),
            pl.BlockSpec((_TC_BLOCK, D_FEAT), lambda i: (i, 0)),
            pl.BlockSpec((D_FEAT, D_FEAT), lambda i: (0, 0)),
            pl.BlockSpec((1, D_FEAT), lambda i: (0, 0)),
            pl.BlockSpec((D_FEAT, D_FEAT), lambda i: (0, 0)),
        ],
        out_specs=pl.BlockSpec((_TC_BLOCK, D_FEAT), lambda i: (i, 0)),
        out_shape=jax.ShapeDtypeStruct((n, D_FEAT), jnp.float32),
    )(p, degp, x_in, wl_t, b_row, wr_t)


def kernel(x, edge_index, W_l1, b_l1, W_r1, W_l2, b_l2, W_r2):
    src = edge_index[0].astype(jnp.int32)
    dst = edge_index[1].astype(jnp.int32)
    pad = E_PAD - N_EDGES
    src_p = jnp.concatenate([src, jnp.zeros((pad,), jnp.int32)])
    dst_p = jnp.concatenate([dst, jnp.full((pad,), N_NODES, jnp.int32)])
    src_g = src_p.reshape(N_CHUNKS_G, CHUNK_G)
    dst_g = dst_p.reshape(N_CHUNKS_G, CHUNK_G)
    dst_d = dst_p.reshape(NW, CPT, CHUNK)

    d1 = _make_deg_pass()(dst_d)[0]
    p1 = _make_sc_pass()(x, src_g, dst_g)[0]
    h1 = _tc_layer(p1, d1, x, W_l1.T, b_l1.reshape(1, -1), W_r1.T, final=False)
    p2 = _make_sc_pass()(h1, src_g, dst_g)[0]
    out = _tc_layer(p2, d1, h1, W_l2.T, b_l2.reshape(1, -1), W_r2.T, final=True)
    return out

# --- scband reference (transcript-rebuilt; emitter-appended) ---
"""Pipeline reference for scband-graph-sagemodel-24103356465366 (READ-ONLY COPY).

The authoritative reference and input builder live on the scoring server;
editing this copy changes nothing except your own understanding.
"""

import jax, jax.numpy as jnp
import numpy as np

N_NODES = 10000
D_FEAT = 128
N_EDGES = 320000


def _sage_conv(x, edge_index, W_l, b_l, W_r, num_nodes):
    # PyG SAGEConv with aggr='mean', root_weight=True, normalize=True.
    src = edge_index[0]
    dst = edge_index[1]
    msgs = jnp.take(x, src, axis=0)  # gather source node features [E, d]
    summed = jax.ops.segment_sum(msgs, dst, num_segments=num_nodes)
    deg = jax.ops.segment_sum(jnp.ones((msgs.shape[0],), dtype=x.dtype), dst, num_segments=num_nodes)
    agg = summed / jnp.clip(deg, 1.0, None)[:, None]
    out = agg @ W_l.T + b_l + x @ W_r.T  # lin_l(agg) + lin_r(x)
    # F.normalize(out, p=2, dim=-1)
    norm = jnp.sqrt(jnp.sum(out * out, axis=-1, keepdims=True))
    out = out / jnp.clip(norm, 1e-12, None)
    return out


def setup_inputs(seed: int = 0) -> dict:
    key = jax.random.key(seed)
    k_x, k_e, k1, k2, k3, k4, k5, k6 = jax.random.split(key, 8)
    x = jax.random.normal(k_x, (N_NODES, D_FEAT), dtype=jnp.float32)
    edge_index = jax.random.randint(k_e, (2, N_EDGES), 0, N_NODES, dtype=jnp.int64)
    s = 1.0 / np.sqrt(D_FEAT)
    W_l1 = jax.random.uniform(k1, (D_FEAT, D_FEAT), minval=-s, maxval=s, dtype=jnp.float32)
    b_l1 = jax.random.uniform(k2, (D_FEAT,), minval=-s, maxval=s, dtype=jnp.float32)
    W_r1 = jax.random.uniform(k3, (D_FEAT, D_FEAT), minval=-s, maxval=s, dtype=jnp.float32)
    W_l2 = jax.random.uniform(k4, (D_FEAT, D_FEAT), minval=-s, maxval=s, dtype=jnp.float32)
    b_l2 = jax.random.uniform(k5, (D_FEAT,), minval=-s, maxval=s, dtype=jnp.float32)
    W_r2 = jax.random.uniform(k6, (D_FEAT, D_FEAT), minval=-s, maxval=s, dtype=jnp.float32)
    return {"x": x, "edge_index": edge_index, "W_l1": W_l1, "b_l1": b_l1, "W_r1": W_r1,
            "W_l2": W_l2, "b_l2": b_l2, "W_r2": W_r2}


def reference(x, edge_index, W_l1, b_l1, W_r1, W_l2, b_l2, W_r2):
    num_nodes = x.shape[0]
    h = _sage_conv(x, edge_index, W_l1, b_l1, W_r1, num_nodes)
    h = jax.nn.relu(h)
    # dropout(p=0.0) is identity
    h = _sage_conv(h, edge_index, W_l2, b_l2, W_r2, num_nodes)
    h = jax.nn.relu(h)
    return jax.nn.log_softmax(h, axis=1)

if __name__ == "__main__":
    import jax
    _d = setup_inputs()
    print(jax.jit(kernel)(*tuple(_d.values())))

</pallas_src>

<mosaic_0001>
#map = affine_map<(d0, d1) -> (0, 0, 0)>
module attributes {stable_mosaic.version = 14 : i64} {
  func.func @deg_pass(%arg0: i32, %arg1: i32, %arg2: memref<32x80x128xi32, #tpu.memory_space<hbm>>, %arg3: memref<2x10112x128xf32, #tpu.memory_space<hbm>>, %arg4: memref<8x128xi32, #tpu.memory_space<vmem>>, %arg5: memref<128x128xf32, #tpu.memory_space<vmem>>, %arg6: memref<10112x128xf32, #tpu.memory_space<vmem_shared>>) attributes {dimension_semantics = [#tpu.dimension_semantics<core_parallel>, #tpu.dimension_semantics<subcore_parallel>], iteration_bounds = array<i64: 2, 16>, scalar_prefetch = 0 : i64, scratch_operands = 3 : i64, tpu.core_type = #tpu.core_type<sc_vector_subcore>, window_params = [{transform_indices = #map}, {transform_indices = #map}]} {
    %mul3A = arith.constant 2 : i32
    %mul3A_0 = arith.muli %arg1, %mul3A : i32
    %add3A = arith.addi %mul3A_0, %arg0 : i32
    %broadcast_in_dim3A = arith.constant 0.000000e+00 : f32
    %broadcast_in_dim3A_1 = vector.broadcast %broadcast_in_dim3A : f32 to vector<16xf32>
    %broadcast_in_dim3A_2 = arith.constant 1.000000e+00 : f32
    %broadcast_in_dim3A_3 = vector.broadcast %broadcast_in_dim3A_2 : f32 to vector<16xf32>
    %scan3A = arith.constant 0 : i32
    %scan3A_4 = arith.constant 0 : i32
    %scan3A_5 = arith.constant 128 : i32
    %scan3A_6 = arith.addi %scan3A_4, %scan3A_5 : i32
    %scan3A_7 = arith.constant 1 : i32
    scf.for %scan3A_54 = %scan3A_4 to %scan3A_6 step %scan3A_7  : i32 {
      %swap3A = arith.index_cast %scan3A_54 : i32 to index
      %swap3A_55 = arith.constant 0 : index
      %swap3A_56 = tpu.vector_load %arg5[%swap3A, %swap3A_55] {strides = array<i32>} : memref<128x128xf32, #tpu.memory_space<vmem>>, vector<1x16xf32>,
      %swap3A_57 = vector.shape_cast %swap3A_56 : vector<1x16xf32> to vector<16xf32>
      %swap3A_58 = vector.shape_cast %broadcast_in_dim3A_1 : vector<16xf32> to vector<1x16xf32>
      tpu.vector_store %arg5[%swap3A, %swap3A_55], %swap3A_58 {strides = array<i32>} : memref<128x128xf32, #tpu.memory_space<vmem>>, vector<1x16xf32>,
      %swap3A_59 = arith.index_cast %scan3A_54 : i32 to index
      %swap3A_60 = arith.constant 16 : index
      %swap3A_61 = tpu.vector_load %arg5[%swap3A_59, %swap3A_60] {strides = array<i32>} : memref<128x128xf32, #tpu.memory_space<vmem>>, vector<1x16xf32>,
      %swap3A_62 = vector.shape_cast %swap3A_61 : vector<1x16xf32> to vector<16xf32>
      %swap3A_63 = vector.shape_cast %broadcast_in_dim3A_1 : vector<16xf32> to vector<1x16xf32>
      tpu.vector_store %arg5[%swap3A_59, %swap3A_60], %swap3A_63 {strides = array<i32>} : memref<128x128xf32, #tpu.memory_space<vmem>>, vector<1x16xf32>,
      %swap3A_64 = arith.index_cast %scan3A_54 : i32 to index
      %swap3A_65 = arith.constant 32 : index
      %swap3A_66 = tpu.vector_load %arg5[%swap3A_64, %swap3A_65] {strides = array<i32>} : memref<128x128xf32, #tpu.memory_space<vmem>>, vector<1x16xf32>,
      %swap3A_67 = vector.shape_cast %swap3A_66 : vector<1x16xf32> to vector<16xf32>
      %swap3A_68 = vector.shape_cast %broadcast_in_dim3A_1 : vector<16xf32> to vector<1x16xf32>
      tpu.vector_store %arg5[%swap3A_64, %swap3A_65], %swap3A_68 {strides = array<i32>} : memref<128x128xf32, #tpu.memory_space<vmem>>, vector<1x16xf32>,
      %swap3A_69 = arith.index_cast %scan3A_54 : i32 to index
      %swap3A_70 = arith.constant 48 : index
      %swap3A_71 = tpu.vector_load %arg5[%swap3A_69, %swap3A_70] {strides = array<i32>} : memref<128x128xf32, #tpu.memory_space<vmem>>, vector<1x16xf32>,
      %swap3A_72 = vector.shape_cast %swap3A_71 : vector<1x16xf32> to vector<16xf32>
      %swap3A_73 = vector.shape_cast %broadcast_in_dim3A_1 : vector<16xf32> to vector<1x16xf32>
      tpu.vector_store %arg5[%swap3A_69, %swap3A_70], %swap3A_73 {strides = array<i32>} : memref<128x128xf32, #tpu.memory_space<vmem>>, vector<1x16xf32>,
      %swap3A_74 = arith.index_cast %scan3A_54 : i32 to index
      %swap3A_75 = arith.constant 64 : index
      %swap3A_76 = tpu.vector_load %arg5[%swap3A_74, %swap3A_75] {strides = array<i32>} : memref<128x128xf32, #tpu.memory_space<vmem>>, vector<1x16xf32>,
      %swap3A_77 = vector.shape_cast %swap3A_76 : vector<1x16xf32> to vector<16xf32>
      %swap3A_78 = vector.shape_cast %broadcast_in_dim3A_1 : vector<16xf32> to vector<1x16xf32>
      tpu.vector_store %arg5[%swap3A_74, %swap3A_75], %swap3A_78 {strides = array<i32>} : memref<128x128xf32, #tpu.memory_space<vmem>>, vector<1x16xf32>,
      %swap3A_79 = arith.index_cast %scan3A_54 : i32 to index
      %swap3A_80 = arith.constant 80 : index
      %swap3A_81 = tpu.vector_load %arg5[%swap3A_79, %swap3A_80] {strides = array<i32>} : memref<128x128xf32, #tpu.memory_space<vmem>>, vector<1x16xf32>,
      %swap3A_82 = vector.shape_cast %swap3A_81 : vector<1x16xf32> to vector<16xf32>
      %swap3A_83 = vector.shape_cast %broadcast_in_dim3A_1 : vector<16xf32> to vector<1x16xf32>
      tpu.vector_store %arg5[%swap3A_79, %swap3A_80], %swap3A_83 {strides = array<i32>} : memref<128x128xf32, #tpu.memory_space<vmem>>, vector<1x16xf32>,
      %swap3A_84 = arith.index_cast %scan3A_54 : i32 to index
      %swap3A_85 = arith.constant 96 : index
      %swap3A_86 = tpu.vector_load %arg5[%swap3A_84, %swap3A_85] {strides = array<i32>} : memref<128x128xf32, #tpu.memory_space<vmem>>, vector<1x16xf32>,
      %swap3A_87 = vector.shape_cast %swap3A_86 : vector<1x16xf32> to vector<16xf32>
      %swap3A_88 = vector.shape_cast %broadcast_in_dim3A_1 : vector<16xf32> to vector<1x16xf32>
      tpu.vector_store %arg5[%swap3A_84, %swap3A_85], %swap3A_88 {strides = array<i32>} : memref<128x128xf32, #tpu.memory_space<vmem>>, vector<1x16xf32>,
      %swap3A_89 = arith.index_cast %scan3A_54 : i32 to index
      %swap3A_90 = arith.constant 112 : index
      %swap3A_91 = tpu.vector_load %arg5[%swap3A_89, %swap3A_90] {strides = array<i32>} : memref<128x128xf32, #tpu.memory_space<vmem>>, vector<1x16xf32>,
      %swap3A_92 = vector.shape_cast %swap3A_91 : vector<1x16xf32> to vector<16xf32>
      %swap3A_93 = vector.shape_cast %broadcast_in_dim3A_1 : vector<16xf32> to vector<1x16xf32>
      tpu.vector_store %arg5[%swap3A_89, %swap3A_90], %swap3A_93 {strides = array<i32>} : memref<128x128xf32, #tpu.memory_space<vmem>>, vector<1x16xf32>,
    }
    %scan3A_8 = arith.constant 128 : i32
    %mul3A_9 = arith.constant 632 : i32
    %mul3A_10 = arith.muli %arg1, %mul3A_9 : i32
    %add3A_11 = arith.constant 0 : i32
    %add3A_12 = arith.addi %mul3A_10, %add3A_11 : i32
    "tpu.region"() ({
      %run_scoped3A = tpu.sem_alloc : memref<!tpu.dma_semaphore, #tpu.memory_space<semaphore_mem>>
      %dma_start3A = arith.constant 0 : i32
      %dma_start3A_54 = arith.constant 0 : i32
      %dma_start3A_55 = tpu.memref_slice %arg5[%dma_start3A, %dma_start3A_54] : memref<128x128xf32, #tpu.memory_space<vmem>> -> memref<128x128xf32, #tpu.memory_space<vmem>>
      %dma_start3A_56 = arith.constant 0 : i32
      %dma_start3A_57 = tpu.memref_slice %arg6[%add3A_12, %dma_start3A_56] : memref<10112x128xf32, #tpu.memory_space<vmem_shared>> -> memref<128x128xf32, #tpu.memory_space<vmem_shared>>
      %dma_start3A_58 = arith.constant 0 : i32
      %dma_start3A_59 = tpu.memref_slice %arg6[%add3A_12, %dma_start3A_58] : memref<10112x128xf32, #tpu.memory_space<vmem_shared>> -> memref<128x128xf32, #tpu.memory_space<vmem_shared>>
      %dma_start3A_60 = arith.constant 0 : i32
      %dma_start3A_61 = arith.constant 0 : i32
      %dma_start3A_62 = tpu.memref_slice %arg5[%dma_start3A_60, %dma_start3A_61] : memref<128x128xf32, #tpu.memory_space<vmem>> -> memref<128x128xf32, #tpu.memory_space<vmem>>
      tpu.enqueue_dma source(%dma_start3A_62 : memref<128x128xf32, #tpu.memory_space<vmem>>) target(%dma_start3A_59 : memref<128x128xf32, #tpu.memory_space<vmem_shared>>) target_semaphore(%run_scoped3A : memref<!tpu.dma_semaphore, #tpu.memory_space<semaphore_mem>>)
      %dma_wait3A = arith.constant 0 : i32
      %dma_wait3A_63 = arith.constant 0 : i32
      %dma_wait3A_64 = tpu.memref_slice %arg5[%dma_wait3A, %dma_wait3A_63] : memref<128x128xf32, #tpu.memory_space<vmem>> -> memref<128x128xf32, #tpu.memory_space<vmem>>
      %dma_wait3A_65 = arith.constant 0 : i32
      %dma_wait3A_66 = tpu.memref_slice %arg6[%add3A_12, %dma_wait3A_65] : memref<10112x128xf32, #tpu.memory_space<vmem_shared>> -> memref<128x128xf32, #tpu.memory_space<vmem_shared>>
      %dma_wait3A_67 = arith.constant 0 : i32
      %dma_wait3A_68 = tpu.memref_slice %arg6[%add3A_12, %dma_wait3A_67] : memref<10112x128xf32, #tpu.memory_space<vmem_shared>> -> memref<128x128xf32, #tpu.memory_space<vmem_shared>>
      %dma_wait3A_69 = arith.constant 0 : i32
      %dma_wait3A_70 = arith.constant 0 : i32
      %dma_wait3A_71 = tpu.memref_slice %arg5[%dma_wait3A_69, %dma_wait3A_70] : memref<128x128xf32, #tpu.memory_space<vmem>> -> memref<128x128xf32, #tpu.memory_space<vmem>>
      tpu.wait_dma2 semaphore(%run_scoped3A : memref<!tpu.dma_semaphore, #tpu.memory_space<semaphore_mem>>) src(%dma_wait3A_71 : memref<128x128xf32, #tpu.memory_space<vmem>>) dst(%dma_wait3A_68 : memref<128x128xf32, #tpu.memory_space<vmem_shared>>)
      tpu.yield
    }) : () -> ()
    %add3A_13 = arith.constant 128 : i32
    %add3A_14 = arith.addi %mul3A_10, %add3A_13 : i32
    "tpu.region"() ({
      %run_scoped3A = tpu.sem_alloc : memref<!tpu.dma_semaphore, #tpu.memory_space<semaphore_mem>>
      %dma_start3A = arith.constant 0 : i32
      %dma_start3A_54 = arith.constant 0 : i32
      %dma_start3A_55 = tpu.memref_slice %arg5[%dma_start3A, %dma_start3A_54] : memref<128x128xf32, #tpu.memory_space<vmem>> -> memref<128x128xf32, #tpu.memory_space<vmem>>
      %dma_start3A_56 = arith.constant 0 : i32
      %dma_start3A_57 = tpu.memref_slice %arg6[%add3A_14, %dma_start3A_56] : memref<10112x128xf32, #tpu.memory_space<vmem_shared>> -> memref<128x128xf32, #tpu.memory_space<vmem_shared>>
      %dma_start3A_58 = arith.constant 0 : i32
      %dma_start3A_59 = tpu.memref_slice %arg6[%add3A_14, %dma_start3A_58] : memref<10112x128xf32, #tpu.memory_space<vmem_shared>> -> memref<128x128xf32, #tpu.memory_space<vmem_shared>>
      %dma_start3A_60 = arith.constant 0 : i32
      %dma_start3A_61 = arith.constant 0 : i32
      %dma_start3A_62 = tpu.memref_slice %arg5[%dma_start3A_60, %dma_start3A_61] : memref<128x128xf32, #tpu.memory_space<vmem>> -> memref<128x128xf32, #tpu.memory_space<vmem>>
      tpu.enqueue_dma source(%dma_start3A_62 : memref<128x128xf32, #tpu.memory_space<vmem>>) target(%dma_start3A_59 : memref<128x128xf32, #tpu.memory_space<vmem_shared>>) target_semaphore(%run_scoped3A : memref<!tpu.dma_semaphore, #tpu.memory_space<semaphore_mem>>)
      %dma_wait3A = arith.constant 0 : i32
      %dma_wait3A_63 = arith.constant 0 : i32
      %dma_wait3A_64 = tpu.memref_slice %arg5[%dma_wait3A, %dma_wait3A_63] : memref<128x128xf32, #tpu.memory_space<vmem>> -> memref<128x128xf32, #tpu.memory_space<vmem>>
      %dma_wait3A_65 = arith.constant 0 : i32
      %dma_wait3A_66 = tpu.memref_slice %arg6[%add3A_14, %dma_wait3A_65] : memref<10112x128xf32, #tpu.memory_space<vmem_shared>> -> memref<128x128xf32, #tpu.memory_space<vmem_shared>>
      %dma_wait3A_67 = arith.constant 0 : i32
      %dma_wait3A_68 = tpu.memref_slice %arg6[%add3A_14, %dma_wait3A_67] : memref<10112x128xf32, #tpu.memory_space<vmem_shared>> -> memref<128x128xf32, #tpu.memory_space<vmem_shared>>
      %dma_wait3A_69 = arith.constant 0 : i32
      %dma_wait3A_70 = arith.constant 0 : i32
      %dma_wait3A_71 = tpu.memref_slice %arg5[%dma_wait3A_69, %dma_wait3A_70] : memref<128x128xf32, #tpu.memory_space<vmem>> -> memref<128x128xf32, #tpu.memory_space<vmem>>
      tpu.wait_dma2 semaphore(%run_scoped3A : memref<!tpu.dma_semaphore, #tpu.memory_space<semaphore_mem>>) src(%dma_wait3A_71 : memref<128x128xf32, #tpu.memory_space<vmem>>) dst(%dma_wait3A_68 : memref<128x128xf32, #tpu.memory_space<vmem_shared>>)
      tpu.yield
    }) : () -> ()
    %add3A_15 = arith.constant 256 : i32
    %add3A_16 = arith.addi %mul3A_10, %add3A_15 : i32
    "tpu.region"() ({
      %run_scoped3A = tpu.sem_alloc : memref<!tpu.dma_semaphore, #tpu.memory_space<semaphore_mem>>
      %dma_start3A = arith.constant 0 : i32
      %dma_start3A_54 = arith.constant 0 : i32
      %dma_start3A_55 = tpu.memref_slice %arg5[%dma_start3A, %dma_start3A_54] : memref<128x128xf32, #tpu.memory_space<vmem>> -> memref<128x128xf32, #tpu.memory_space<vmem>>
      %dma_start3A_56 = arith.constant 0 : i32
      %dma_start3A_57 = tpu.memref_slice %arg6[%add3A_16, %dma_start3A_56] : memref<10112x128xf32, #tpu.memory_space<vmem_shared>> -> memref<128x128xf32, #tpu.memory_space<vmem_shared>>
      %dma_start3A_58 = arith.constant 0 : i32
      %dma_start3A_59 = tpu.memref_slice %arg6[%add3A_16, %dma_start3A_58] : memref<10112x128xf32, #tpu.memory_space<vmem_shared>> -> memref<128x128xf32, #tpu.memory_space<vmem_shared>>
      %dma_start3A_60 = arith.constant 0 : i32
      %dma_start3A_61 = arith.constant 0 : i32
      %dma_start3A_62 = tpu.memref_slice %arg5[%dma_start3A_60, %dma_start3A_61] : memref<128x128xf32, #tpu.memory_space<vmem>> -> memref<128x128xf32, #tpu.memory_space<vmem>>
      tpu.enqueue_dma source(%dma_start3A_62 : memref<128x128xf32, #tpu.memory_space<vmem>>) target(%dma_start3A_59 : memref<128x128xf32, #tpu.memory_space<vmem_shared>>) target_semaphore(%run_scoped3A : memref<!tpu.dma_semaphore, #tpu.memory_space<semaphore_mem>>)
      %dma_wait3A = arith.constant 0 : i32
      %dma_wait3A_63 = arith.constant 0 : i32
      %dma_wait3A_64 = tpu.memref_slice %arg5[%dma_wait3A, %dma_wait3A_63] : memref<128x128xf32, #tpu.memory_space<vmem>> -> memref<128x128xf32, #tpu.memory_space<vmem>>
      %dma_wait3A_65 = arith.constant 0 : i32
      %dma_wait3A_66 = tpu.memref_slice %arg6[%add3A_16, %dma_wait3A_65] : memref<10112x128xf32, #tpu.memory_space<vmem_shared>> -> memref<128x128xf32, #tpu.memory_space<vmem_shared>>
      %dma_wait3A_67 = arith.constant 0 : i32
      %dma_wait3A_68 = tpu.memref_slice %arg6[%add3A_16, %dma_wait3A_67] : memref<10112x128xf32, #tpu.memory_space<vmem_shared>> -> memref<128x128xf32, #tpu.memory_space<vmem_shared>>
      %dma_wait3A_69 = arith.constant 0 : i32
      %dma_wait3A_70 = arith.constant 0 : i32
      %dma_wait3A_71 = tpu.memref_slice %arg5[%dma_wait3A_69, %dma_wait3A_70] : memref<128x128xf32, #tpu.memory_space<vmem>> -> memref<128x128xf32, #tpu.memory_space<vmem>>
      tpu.wait_dma2 semaphore(%run_scoped3A : memref<!tpu.dma_semaphore, #tpu.memory_space<semaphore_mem>>) src(%dma_wait3A_71 : memref<128x128xf32, #tpu.memory_space<vmem>>) dst(%dma_wait3A_68 : memref<128x128xf32, #tpu.memory_space<vmem_shared>>)
      tpu.yield
    }) : () -> ()
    %add3A_17 = arith.constant 384 : i32
    %add3A_18 = arith.addi %mul3A_10, %add3A_17 : i32
    "tpu.region"() ({
      %run_scoped3A = tpu.sem_alloc : memref<!tpu.dma_semaphore, #tpu.memory_space<semaphore_mem>>
      %dma_start3A = arith.constant 0 : i32
      %dma_start3A_54 = arith.constant 0 : i32
      %dma_start3A_55 = tpu.memref_slice %arg5[%dma_start3A, %dma_start3A_54] : memref<128x128xf32, #tpu.memory_space<vmem>> -> memref<128x128xf32, #tpu.memory_space<vmem>>
      %dma_start3A_56 = arith.constant 0 : i32
      %dma_start3A_57 = tpu.memref_slice %arg6[%add3A_18, %dma_start3A_56] : memref<10112x128xf32, #tpu.memory_space<vmem_shared>> -> memref<128x128xf32, #tpu.memory_space<vmem_shared>>
      %dma_start3A_58 = arith.constant 0 : i32
      %dma_start3A_59 = tpu.memref_slice %arg6[%add3A_18, %dma_start3A_58] : memref<10112x128xf32, #tpu.memory_space<vmem_shared>> -> memref<128x128xf32, #tpu.memory_space<vmem_shared>>
      %dma_start3A_60 = arith.constant 0 : i32
      %dma_start3A_61 = arith.constant 0 : i32
      %dma_start3A_62 = tpu.memref_slice %arg5[%dma_start3A_60, %dma_start3A_61] : memref<128x128xf32, #tpu.memory_space<vmem>> -> memref<128x128xf32, #tpu.memory_space<vmem>>
      tpu.enqueue_dma source(%dma_start3A_62 : memref<128x128xf32, #tpu.memory_space<vmem>>) target(%dma_start3A_59 : memref<128x128xf32, #tpu.memory_space<vmem_shared>>) target_semaphore(%run_scoped3A : memref<!tpu.dma_semaphore, #tpu.memory_space<semaphore_mem>>)
      %dma_wait3A = arith.constant 0 : i32
      %dma_wait3A_63 = arith.constant 0 : i32
      %dma_wait3A_64 = tpu.memref_slice %arg5[%dma_wait3A, %dma_wait3A_63] : memref<128x128xf32, #tpu.memory_space<vmem>> -> memref<128x128xf32, #tpu.memory_space<vmem>>
      %dma_wait3A_65 = arith.constant 0 : i32
      %dma_wait3A_66 = tpu.memref_slice %arg6[%add3A_18, %dma_wait3A_65] : memref<10112x128xf32, #tpu.memory_space<vmem_shared>> -> memref<128x128xf32, #tpu.memory_space<vmem_shared>>
      %dma_wait3A_67 = arith.constant 0 : i32
      %dma_wait3A_68 = tpu.memref_slice %arg6[%add3A_18, %dma_wait3A_67] : memref<10112x128xf32, #tpu.memory_space<vmem_shared>> -> memref<128x128xf32, #tpu.memory_space<vmem_shared>>
      %dma_wait3A_69 = arith.constant 0 : i32
      %dma_wait3A_70 = arith.constant 0 : i32
      %dma_wait3A_71 = tpu.memref_slice %arg5[%dma_wait3A_69, %dma_wait3A_70] : memref<128x128xf32, #tpu.memory_space<vmem>> -> memref<128x128xf32, #tpu.memory_space<vmem>>
      tpu.wait_dma2 semaphore(%run_scoped3A : memref<!tpu.dma_semaphore, #tpu.memory_space<semaphore_mem>>) src(%dma_wait3A_71 : memref<128x128xf32, #tpu.memory_space<vmem>>) dst(%dma_wait3A_68 : memref<128x128xf32, #tpu.memory_space<vmem_shared>>)
      tpu.yield
    }) : () -> ()
    %add3A_19 = arith.constant 512 : i32
    %add3A_20 = arith.addi %mul3A_10, %add3A_19 : i32
    "tpu.region"() ({
      %run_scoped3A = tpu.sem_alloc : memref<!tpu.dma_semaphore, #tpu.memory_space<semaphore_mem>>
      %dma_start3A = arith.constant 0 : i32
      %dma_start3A_54 = arith.constant 0 : i32
      %dma_start3A_55 = tpu.memref_slice %arg5[%dma_start3A, %dma_start3A_54] : memref<128x128xf32, #tpu.memory_space<vmem>> -> memref<120x128xf32, #tpu.memory_space<vmem>>
      %dma_start3A_56 = arith.constant 0 : i32
      %dma_start3A_57 = tpu.memref_slice %arg6[%add3A_20, %dma_start3A_56] : memref<10112x128xf32, #tpu.memory_space<vmem_shared>> -> memref<120x128xf32, #tpu.memory_space<vmem_shared>>
      %dma_start3A_58 = arith.constant 0 : i32
      %dma_start3A_59 = tpu.memref_slice %arg6[%add3A_20, %dma_start3A_58] : memref<10112x128xf32, #tpu.memory_space<vmem_shared>> -> memref<120x128xf32, #tpu.memory_space<vmem_shared>>
      %dma_start3A_60 = arith.constant 0 : i32
      %dma_start3A_61 = arith.constant 0 : i32
      %dma_start3A_62 = tpu.memref_slice %arg5[%dma_start3A_60, %dma_start3A_61] : memref<128x128xf32, #tpu.memory_space<vmem>> -> memref<120x128xf32, #tpu.memory_space<vmem>>
      tpu.enqueue_dma source(%dma_start3A_62 : memref<120x128xf32, #tpu.memory_space<vmem>>) target(%dma_start3A_59 : memref<120x128xf32, #tpu.memory_space<vmem_shared>>) target_semaphore(%run_scoped3A : memref<!tpu.dma_semaphore, #tpu.memory_space<semaphore_mem>>)
      %dma_wait3A = arith.constant 0 : i32
      %dma_wait3A_63 = arith.constant 0 : i32
      %dma_wait3A_64 = tpu.memref_slice %arg5[%dma_wait3A, %dma_wait3A_63] : memref<128x128xf32, #tpu.memory_space<vmem>> -> memref<120x128xf32, #tpu.memory_space<vmem>>
      %dma_wait3A_65 = arith.constant 0 : i32
      %dma_wait3A_66 = tpu.memref_slice %arg6[%add3A_20, %dma_wait3A_65] : memref<10112x128xf32, #tpu.memory_space<vmem_shared>> -> memref<120x128xf32, #tpu.memory_space<vmem_shared>>
      %dma_wait3A_67 = arith.constant 0 : i32
      %dma_wait3A_68 = tpu.memref_slice %arg6[%add3A_20, %dma_wait3A_67] : memref<10112x128xf32, #tpu.memory_space<vmem_shared>> -> memref<120x128xf32, #tpu.memory_space<vmem_shared>>
      %dma_wait3A_69 = arith.constant 0 : i32
      %dma_wait3A_70 = arith.constant 0 : i32
      %dma_wait3A_71 = tpu.memref_slice %arg5[%dma_wait3A_69, %dma_wait3A_70] : memref<128x128xf32, #tpu.memory_space<vmem>> -> memref<120x128xf32, #tpu.memory_space<vmem>>
      tpu.wait_dma2 semaphore(%run_scoped3A : memref<!tpu.dma_semaphore, #tpu.memory_space<semaphore_mem>>) src(%dma_wait3A_71 : memref<120x128xf32, #tpu.memory_space<vmem>>) dst(%dma_wait3A_68 : memref<120x128xf32, #tpu.memory_space<vmem_shared>>)
      tpu.yield
    }) : () -> ()
    %scan3A_21 = arith.constant 0 : i32
    %scan3A_22 = arith.constant 0 : i32
    %scan3A_23 = arith.constant 128 : i32
    %scan3A_24 = arith.addi %scan3A_22, %scan3A_23 : i32
    %scan3A_25 = arith.constant 1 : i32
    scf.for %scan3A_54 = %scan3A_22 to %scan3A_24 step %scan3A_25  : i32 {
      %swap3A = arith.index_cast %scan3A_54 : i32 to index
      %swap3A_55 = arith.constant 0 : index
      %swap3A_56 = tpu.vector_load %arg5[%swap3A, %swap3A_55] {strides = array<i32>} : memref<128x128xf32, #tpu.memory_space<vmem>>, vector<1x16xf32>,
      %swap3A_57 = vector.shape_cast %swap3A_56 : vector<1x16xf32> to vector<16xf32>
      %swap3A_58 = vector.shape_cast %broadcast_in_dim3A_3 : vector<16xf32> to vector<1x16xf32>
      tpu.vector_store %arg5[%swap3A, %swap3A_55], %swap3A_58 {strides = array<i32>} : memref<128x128xf32, #tpu.memory_space<vmem>>, vector<1x16xf32>,
      %swap3A_59 = arith.index_cast %scan3A_54 : i32 to index
      %swap3A_60 = arith.constant 16 : index
      %swap3A_61 = tpu.vector_load %arg5[%swap3A_59, %swap3A_60] {strides = array<i32>} : memref<128x128xf32, #tpu.memory_space<vmem>>, vector<1x16xf32>,
      %swap3A_62 = vector.shape_cast %swap3A_61 : vector<1x16xf32> to vector<16xf32>
      %swap3A_63 = vector.shape_cast %broadcast_in_dim3A_3 : vector<16xf32> to vector<1x16xf32>
      tpu.vector_store %arg5[%swap3A_59, %swap3A_60], %swap3A_63 {strides = array<i32>} : memref<128x128xf32, #tpu.memory_space<vmem>>, vector<1x16xf32>,
      %swap3A_64 = arith.index_cast %scan3A_54 : i32 to index
      %swap3A_65 = arith.constant 32 : index
      %swap3A_66 = tpu.vector_load %arg5[%swap3A_64, %swap3A_65] {strides = array<i32>} : memref<128x128xf32, #tpu.memory_space<vmem>>, vector<1x16xf32>,
      %swap3A_67 = vector.shape_cast %swap3A_66 : vector<1x16xf32> to vector<16xf32>
      %swap3A_68 = vector.shape_cast %broadcast_in_dim3A_3 : vector<16xf32> to vector<1x16xf32>
      tpu.vector_store %arg5[%swap3A_64, %swap3A_65], %swap3A_68 {strides = array<i32>} : memref<128x128xf32, #tpu.memory_space<vmem>>, vector<1x16xf32>,
      %swap3A_69 = arith.index_cast %scan3A_54 : i32 to index
      %swap3A_70 = arith.constant 48 : index
      %swap3A_71 = tpu.vector_load %arg5[%swap3A_69, %swap3A_70] {strides = array<i32>} : memref<128x128xf32, #tpu.memory_space<vmem>>, vector<1x16xf32>,
      %swap3A_72 = vector.shape_cast %swap3A_71 : vector<1x16xf32> to vector<16xf32>
      %swap3A_73 = vector.shape_cast %broadcast_in_dim3A_3 : vector<16xf32> to vector<1x16xf32>
      tpu.vector_store %arg5[%swap3A_69, %swap3A_70], %swap3A_73 {strides = array<i32>} : memref<128x128xf32, #tpu.memory_space<vmem>>, vector<1x16xf32>,
      %swap3A_74 = arith.index_cast %scan3A_54 : i32 to index
      %swap3A_75 = arith.constant 64 : index
      %swap3A_76 = tpu.vector_load %arg5[%swap3A_74, %swap3A_75] {strides = array<i32>} : memref<128x128xf32, #tpu.memory_space<vmem>>, vector<1x16xf32>,
      %swap3A_77 = vector.shape_cast %swap3A_76 : vector<1x16xf32> to vector<16xf32>
      %swap3A_78 = vector.shape_cast %broadcast_in_dim3A_3 : vector<16xf32> to vector<1x16xf32>
      tpu.vector_store %arg5[%swap3A_74, %swap3A_75], %swap3A_78 {strides = array<i32>} : memref<128x128xf32, #tpu.memory_space<vmem>>, vector<1x16xf32>,
      %swap3A_79 = arith.index_cast %scan3A_54 : i32 to index
      %swap3A_80 = arith.constant 80 : index
      %swap3A_81 = tpu.vector_load %arg5[%swap3A_79, %swap3A_80] {strides = array<i32>} : memref<128x128xf32, #tpu.memory_space<vmem>>, vector<1x16xf32>,
      %swap3A_82 = vector.shape_cast %swap3A_81 : vector<1x16xf32> to vector<16xf32>
      %swap3A_83 = vector.shape_cast %broadcast_in_dim3A_3 : vector<16xf32> to vector<1x16xf32>
      tpu.vector_store %arg5[%swap3A_79, %swap3A_80], %swap3A_83 {strides = array<i32>} : memref<128x128xf32, #tpu.memory_space<vmem>>, vector<1x16xf32>,
      %swap3A_84 = arith.index_cast %scan3A_54 : i32 to index
      %swap3A_85 = arith.constant 96 : index
      %swap3A_86 = tpu.vector_load %arg5[%swap3A_84, %swap3A_85] {strides = array<i32>} : memref<128x128xf32, #tpu.memory_space<vmem>>, vector<1x16xf32>,
      %swap3A_87 = vector.shape_cast %swap3A_86 : vector<1x16xf32> to vector<16xf32>
      %swap3A_88 = vector.shape_cast %broadcast_in_dim3A_3 : vector<16xf32> to vector<1x16xf32>
      tpu.vector_store %arg5[%swap3A_84, %swap3A_85], %swap3A_88 {strides = array<i32>} : memref<128x128xf32, #tpu.memory_space<vmem>>, vector<1x16xf32>,
      %swap3A_89 = arith.index_cast %scan3A_54 : i32 to index
      %swap3A_90 = arith.constant 112 : index
      %swap3A_91 = tpu.vector_load %arg5[%swap3A_89, %swap3A_90] {strides = array<i32>} : memref<128x128xf32, #tpu.memory_space<vmem>>, vector<1x16xf32>,
      %swap3A_92 = vector.shape_cast %swap3A_91 : vector<1x16xf32> to vector<16xf32>
      %swap3A_93 = vector.shape_cast %broadcast_in_dim3A_3 : vector<16xf32> to vector<1x16xf32>
      tpu.vector_store %arg5[%swap3A_89, %swap3A_90], %swap3A_93 {strides = array<i32>} : memref<128x128xf32, #tpu.memory_space<vmem>>, vector<1x16xf32>,
    }
    %scan3A_26 = arith.constant 128 : i32
    %barrier3A = arith.constant 0 : index
    tpu.barrier barrier_id(%barrier3A)
    %scan3A_27 = arith.constant 0 : i32
    %scan3A_28 = arith.constant 0 : i32
    %scan3A_29 = arith.constant 10 : i32
    %scan3A_30 = arith.addi %scan3A_28, %scan3A_29 : i32
    %scan3A_31 = arith.constant 1 : i32
    scf.for %scan3A_54 = %scan3A_28 to %scan3A_30 step %scan3A_31  : i32 {
      %mul3A_55 = arith.constant 8 : i32
      %mul3A_56 = arith.muli %scan3A_54, %mul3A_55 : i32
      %multiple_of3A = tpu.assume_multiple %mul3A_56, 8 : i32
      "tpu.region"() ({
        %run_scoped3A_64 = tpu.sem_alloc : memref<!tpu.dma_semaphore, #tpu.memory_space<semaphore_mem>>
        %dma_start3A = arith.constant 0 : i32
        %dma_start3A_65 = tpu.memref_slice %arg2[%add3A, %multiple_of3A, %dma_start3A] : memref<32x80x128xi32, #tpu.memory_space<hbm>> -> memref<1x8x128xi32, #tpu.memory_space<hbm>>
        %dma_start3A_66 = tpu.memref_squeeze %dma_start3A_65 : memref<1x8x128xi32, #tpu.memory_space<hbm>> -> memref<8x128xi32, #tpu.memory_space<hbm>>
        %dma_start3A_67 = arith.constant 0 : i32
        %dma_start3A_68 = tpu.memref_slice %arg2[%add3A, %multiple_of3A, %dma_start3A_67] : memref<32x80x128xi32, #tpu.memory_space<hbm>> -> memref<1x8x128xi32, #tpu.memory_space<hbm>>
        %dma_start3A_69 = tpu.memref_squeeze %dma_start3A_68 : memref<1x8x128xi32, #tpu.memory_space<hbm>> -> memref<8x128xi32, #tpu.memory_space<hbm>>
        tpu.enqueue_dma source(%dma_start3A_69 : memref<8x128xi32, #tpu.memory_space<hbm>>) target(%arg4 : memref<8x128xi32, #tpu.memory_space<vmem>>) target_semaphore(%run_scoped3A_64 : memref<!tpu.dma_semaphore, #tpu.memory_space<semaphore_mem>>)
        %dma_wait3A = arith.constant 0 : i32
        %dma_wait3A_70 = tpu.memref_slice %arg2[%add3A, %multiple_of3A, %dma_wait3A] : memref<32x80x128xi32, #tpu.memory_space<hbm>> -> memref<1x8x128xi32, #tpu.memory_space<hbm>>
        %dma_wait3A_71 = tpu.memref_squeeze %dma_wait3A_70 : memref<1x8x128xi32, #tpu.memory_space<hbm>> -> memref<8x128xi32, #tpu.memory_space<hbm>>
        %dma_wait3A_72 = arith.constant 0 : i32
        %dma_wait3A_73 = tpu.memref_slice %arg2[%add3A, %multiple_of3A, %dma_wait3A_72] : memref<32x80x128xi32, #tpu.memory_space<hbm>> -> memref<1x8x128xi32, #tpu.memory_space<hbm>>
        %dma_wait3A_74 = tpu.memref_squeeze %dma_wait3A_73 : memref<1x8x128xi32, #tpu.memory_space<hbm>> -> memref<8x128xi32, #tpu.memory_space<hbm>>
        tpu.wait_dma2 semaphore(%run_scoped3A_64 : memref<!tpu.dma_semaphore, #tpu.memory_space<semaphore_mem>>) src(%dma_wait3A_74 : memref<8x128xi32, #tpu.memory_space<hbm>>) dst(%arg4 : memref<8x128xi32, #tpu.memory_space<vmem>>)
        tpu.yield
      }) : () -> ()
      %run_scoped3A = arith.constant 0 : i32
      "tpu.region"() ({
        %run_scoped3A_64 = tpu.sem_alloc : memref<!tpu.dma_semaphore, #tpu.memory_space<semaphore_mem>>
        %dma_start3A = arith.constant 0 : i32
        %dma_start3A_65 = tpu.memref_slice %arg4[%run_scoped3A, %dma_start3A] : memref<8x128xi32, #tpu.memory_space<vmem>> -> memref<1x128xi32, #tpu.memory_space<vmem>>
        %dma_start3A_66 = tpu.memref_squeeze %dma_start3A_65 : memref<1x128xi32, #tpu.memory_space<vmem>> -> memref<128xi32, #tpu.memory_space<vmem>>
        %dma_start3A_67 = arith.constant 0 : i32
        %dma_start3A_68 = arith.constant 0 : i32
        %dma_start3A_69 = tpu.memref_slice %arg6[%dma_start3A_67, %dma_start3A_68] : memref<10112x128xf32, #tpu.memory_space<vmem_shared>> -> memref<10112x128xf32, #tpu.memory_space<vmem_shared>>
        tpu.enqueue_indirect_dma source(%arg5 : memref<128x128xf32, #tpu.memory_space<vmem>>) target(%dma_start3A_69 : memref<10112x128xf32, #tpu.memory_space<vmem_shared>>) offsets(%dma_start3A_66 : memref<128xi32, #tpu.memory_space<vmem>>) semaphore(%run_scoped3A_64 : memref<!tpu.dma_semaphore, #tpu.memory_space<semaphore_mem>>) {add = true}
        %dma_wait3A = arith.constant 0 : i32
        %dma_wait3A_70 = tpu.memref_slice %arg4[%run_scoped3A, %dma_wait3A] : memref<8x128xi32, #tpu.memory_space<vmem>> -> memref<1x128xi32, #tpu.memory_space<vmem>>
        %dma_wait3A_71 = tpu.memref_squeeze %dma_wait3A_70 : memref<1x128xi32, #tpu.memory_space<vmem>> -> memref<128xi32, #tpu.memory_space<vmem>>
        %dma_wait3A_72 = arith.constant 0 : i32
        %dma_wait3A_73 = arith.constant 0 : i32
        %dma_wait3A_74 = tpu.memref_slice %arg6[%dma_wait3A_72, %dma_wait3A_73] : memref<10112x128xf32, #tpu.memory_space<vmem_shared>> -> memref<10112x128xf32, #tpu.memory_space<vmem_shared>>
        tpu.wait_indirect_dma semaphore(%run_scoped3A_64 : memref<!tpu.dma_semaphore, #tpu.memory_space<semaphore_mem>>) src(%arg5 : memref<128x128xf32, #tpu.memory_space<vmem>>) dst(%dma_wait3A_74 : memref<10112x128xf32, #tpu.memory_space<vmem_shared>>)
        tpu.yield
      }) : () -> ()
      %run_scoped3A_57 = arith.constant 1 : i32
      "tpu.region"() ({
        %run_scoped3A_64 = tpu.sem_alloc : memref<!tpu.dma_semaphore, #tpu.memory_space<semaphore_mem>>
        %dma_start3A = arith.constant 0 : i32
        %dma_start3A_65 = tpu.memref_slice %arg4[%run_scoped3A_57, %dma_start3A] : memref<8x128xi32, #tpu.memory_space<vmem>> -> memref<1x128xi32, #tpu.memory_space<vmem>>
        %dma_start3A_66 = tpu.memref_squeeze %dma_start3A_65 : memref<1x128xi32, #tpu.memory_space<vmem>> -> memref<128xi32, #tpu.memory_space<vmem>>
        %dma_start3A_67 = arith.constant 0 : i32
        %dma_start3A_68 = arith.constant 0 : i32
        %dma_start3A_69 = tpu.memref_slice %arg6[%dma_start3A_67, %dma_start3A_68] : memref<10112x128xf32, #tpu.memory_space<vmem_shared>> -> memref<10112x128xf32, #tpu.memory_space<vmem_shared>>
        tpu.enqueue_indirect_dma source(%arg5 : memref<128x128xf32, #tpu.memory_space<vmem>>) target(%dma_start3A_69 : memref<10112x128xf32, #tpu.memory_space<vmem_shared>>) offsets(%dma_start3A_66 : memref<128xi32, #tpu.memory_space<vmem>>) semaphore(%run_scoped3A_64 : memref<!tpu.dma_semaphore, #tpu.memory_space<semaphore_mem>>) {add = true}
        %dma_wait3A = arith.constant 0 : i32
        %dma_wait3A_70 = tpu.memref_slice %arg4[%run_scoped3A_57, %dma_wait3A] : memref<8x128xi32, #tpu.memory_space<vmem>> -> memref<1x128xi32, #tpu.memory_space<vmem>>
        %dma_wait3A_71 = tpu.memref_squeeze %dma_wait3A_70 : memref<1x128xi32, #tpu.memory_space<vmem>> -> memref<128xi32, #tpu.memory_space<vmem>>
        %dma_wait3A_72 = arith.constant 0 : i32
        %dma_wait3A_73 = arith.constant 0 : i32
        %dma_wait3A_74 = tpu.memref_slice %arg6[%dma_wait3A_72, %dma_wait3A_73] : memref<10112x128xf32, #tpu.memory_space<vmem_shared>> -> memref<10112x128xf32, #tpu.memory_space<vmem_shared>>
        tpu.wait_indirect_dma semaphore(%run_scoped3A_64 : memref<!tpu.dma_semaphore, #tpu.memory_space<semaphore_mem>>) src(%arg5 : memref<128x128xf32, #tpu.memory_space<vmem>>) dst(%dma_wait3A_74 : memref<10112x128xf32, #tpu.memory_space<vmem_shared>>)
        tpu.yield
      }) : () -> ()
      %run_scoped3A_58 = arith.constant 2 : i32
      "tpu.region"() ({
        %run_scoped3A_64 = tpu.sem_alloc : memref<!tpu.dma_semaphore, #tpu.memory_space<semaphore_mem>>
        %dma_start3A = arith.constant 0 : i32
        %dma_start3A_65 = tpu.memref_slice %arg4[%run_scoped3A_58, %dma_start3A] : memref<8x128xi32, #tpu.memory_space<vmem>> -> memref<1x128xi32, #tpu.memory_space<vmem>>
        %dma_start3A_66 = tpu.memref_squeeze %dma_start3A_65 : memref<1x128xi32, #tpu.memory_space<vmem>> -> memref<128xi32, #tpu.memory_space<vmem>>
        %dma_start3A_67 = arith.constant 0 : i32
        %dma_start3A_68 = arith.constant 0 : i32
        %dma_start3A_69 = tpu.memref_slice %arg6[%dma_start3A_67, %dma_start3A_68] : memref<10112x128xf32, #tpu.memory_space<vmem_shared>> -> memref<10112x128xf32, #tpu.memory_space<vmem_shared>>
        tpu.enqueue_indirect_dma source(%arg5 : memref<128x128xf32, #tpu.memory_space<vmem>>) target(%dma_start3A_69 : memref<10112x128xf32, #tpu.memory_space<vmem_shared>>) offsets(%dma_start3A_66 : memref<128xi32, #tpu.memory_space<vmem>>) semaphore(%run_scoped3A_64 : memref<!tpu.dma_semaphore, #tpu.memory_space<semaphore_mem>>) {add = true}
        %dma_wait3A = arith.constant 0 : i32
        %dma_wait3A_70 = tpu.memref_slice %arg4[%run_scoped3A_58, %dma_wait3A] : memref<8x128xi32, #tpu.memory_space<vmem>> -> memref<1x128xi32, #tpu.memory_space<vmem>>
        %dma_wait3A_71 = tpu.memref_squeeze %dma_wait3A_70 : memref<1x128xi32, #tpu.memory_space<vmem>> -> memref<128xi32, #tpu.memory_space<vmem>>
        %dma_wait3A_72 = arith.constant 0 : i32
        %dma_wait3A_73 = arith.constant 0 : i32
        %dma_wait3A_74 = tpu.memref_slice %arg6[%dma_wait3A_72, %dma_wait3A_73] : memref<10112x128xf32, #tpu.memory_space<vmem_shared>> -> memref<10112x128xf32, #tpu.memory_space<vmem_shared>>
        tpu.wait_indirect_dma semaphore(%run_scoped3A_64 : memref<!tpu.dma_semaphore, #tpu.memory_space<semaphore_mem>>) src(%arg5 : memref<128x128xf32, #tpu.memory_space<vmem>>) dst(%dma_wait3A_74 : memref<10112x128xf32, #tpu.memory_space<vmem_shared>>)
        tpu.yield
      }) : () -> ()
      %run_scoped3A_59 = arith.constant 3 : i32
      "tpu.region"() ({
        %run_scoped3A_64 = tpu.sem_alloc : memref<!tpu.dma_semaphore, #tpu.memory_space<semaphore_mem>>
        %dma_start3A = arith.constant 0 : i32
        %dma_start3A_65 = tpu.memref_slice %arg4[%run_scoped3A_59, %dma_start3A] : memref<8x128xi32, #tpu.memory_space<vmem>> -> memref<1x128xi32, #tpu.memory_space<vmem>>
        %dma_start3A_66 = tpu.memref_squeeze %dma_start3A_65 : memref<1x128xi32, #tpu.memory_space<vmem>> -> memref<128xi32, #tpu.memory_space<vmem>>
        %dma_start3A_67 = arith.constant 0 : i32
        %dma_start3A_68 = arith.constant 0 : i32
        %dma_start3A_69 = tpu.memref_slice %arg6[%dma_start3A_67, %dma_start3A_68] : memref<10112x128xf32, #tpu.memory_space<vmem_shared>> -> memref<10112x128xf32, #tpu.memory_space<vmem_shared>>
        tpu.enqueue_indirect_dma source(%arg5 : memref<128x128xf32, #tpu.memory_space<vmem>>) target(%dma_start3A_69 : memref<10112x128xf32, #tpu.memory_space<vmem_shared>>) offsets(%dma_start3A_66 : memref<128xi32, #tpu.memory_space<vmem>>) semaphore(%run_scoped3A_64 : memref<!tpu.dma_semaphore, #tpu.memory_space<semaphore_mem>>) {add = true}
        %dma_wait3A = arith.constant 0 : i32
        %dma_wait3A_70 = tpu.memref_slice %arg4[%run_scoped3A_59, %dma_wait3A] : memref<8x128xi32, #tpu.memory_space<vmem>> -> memref<1x128xi32, #tpu.memory_space<vmem>>
        %dma_wait3A_71 = tpu.memref_squeeze %dma_wait3A_70 : memref<1x128xi32, #tpu.memory_space<vmem>> -> memref<128xi32, #tpu.memory_space<vmem>>
        %dma_wait3A_72 = arith.constant 0 : i32
        %dma_wait3A_73 = arith.constant 0 : i32
        %dma_wait3A_74 = tpu.memref_slice %arg6[%dma_wait3A_72, %dma_wait3A_73] : memref<10112x128xf32, #tpu.memory_space<vmem_shared>> -> memref<10112x128xf32, #tpu.memory_space<vmem_shared>>
        tpu.wait_indirect_dma semaphore(%run_scoped3A_64 : memref<!tpu.dma_semaphore, #tpu.memory_space<semaphore_mem>>) src(%arg5 : memref<128x128xf32, #tpu.memory_space<vmem>>) dst(%dma_wait3A_74 : memref<10112x128xf32, #tpu.memory_space<vmem_shared>>)
        tpu.yield
      }) : () -> ()
      %run_scoped3A_60 = arith.constant 4 : i32
      "tpu.region"() ({
        %run_scoped3A_64 = tpu.sem_alloc : memref<!tpu.dma_semaphore, #tpu.memory_space<semaphore_mem>>
        %dma_start3A = arith.constant 0 : i32
        %dma_start3A_65 = tpu.memref_slice %arg4[%run_scoped3A_60, %dma_start3A] : memref<8x128xi32, #tpu.memory_space<vmem>> -> memref<1x128xi32, #tpu.memory_space<vmem>>
        %dma_start3A_66 = tpu.memref_squeeze %dma_start3A_65 : memref<1x128xi32, #tpu.memory_space<vmem>> -> memref<128xi32, #tpu.memory_space<vmem>>
        %dma_start3A_67 = arith.constant 0 : i32
        %dma_start3A_68 = arith.constant 0 : i32
        %dma_start3A_69 = tpu.memref_slice %arg6[%dma_start3A_67, %dma_start3A_68] : memref<10112x128xf32, #tpu.memory_space<vmem_shared>> -> memref<10112x128xf32, #tpu.memory_space<vmem_shared>>
        tpu.enqueue_indirect_dma source(%arg5 : memref<128x128xf32, #tpu.memory_space<vmem>>) target(%dma_start3A_69 : memref<10112x128xf32, #tpu.memory_space<vmem_shared>>) offsets(%dma_start3A_66 : memref<128xi32, #tpu.memory_space<vmem>>) semaphore(%run_scoped3A_64 : memref<!tpu.dma_semaphore, #tpu.memory_space<semaphore_mem>>) {add = true}
        %dma_wait3A = arith.constant 0 : i32
        %dma_wait3A_70 = tpu.memref_slice %arg4[%run_scoped3A_60, %dma_wait3A] : memref<8x128xi32, #tpu.memory_space<vmem>> -> memref<1x128xi32, #tpu.memory_space<vmem>>
        %dma_wait3A_71 = tpu.memref_squeeze %dma_wait3A_70 : memref<1x128xi32, #tpu.memory_space<vmem>> -> memref<128xi32, #tpu.memory_space<vmem>>
        %dma_wait3A_72 = arith.constant 0 : i32
        %dma_wait3A_73 = arith.constant 0 : i32
        %dma_wait3A_74 = tpu.memref_slice %arg6[%dma_wait3A_72, %dma_wait3A_73] : memref<10112x128xf32, #tpu.memory_space<vmem_shared>> -> memref<10112x128xf32, #tpu.memory_space<vmem_shared>>
        tpu.wait_indirect_dma semaphore(%run_scoped3A_64 : memref<!tpu.dma_semaphore, #tpu.memory_space<semaphore_mem>>) src(%arg5 : memref<128x128xf32, #tpu.memory_space<vmem>>) dst(%dma_wait3A_74 : memref<10112x128xf32, #tpu.memory_space<vmem_shared>>)
        tpu.yield
      }) : () -> ()
      %run_scoped3A_61 = arith.constant 5 : i32
      "tpu.region"() ({
        %run_scoped3A_64 = tpu.sem_alloc : memref<!tpu.dma_semaphore, #tpu.memory_space<semaphore_mem>>
        %dma_start3A = arith.constant 0 : i32
        %dma_start3A_65 = tpu.memref_slice %arg4[%run_scoped3A_61, %dma_start3A] : memref<8x128xi32, #tpu.memory_space<vmem>> -> memref<1x128xi32, #tpu.memory_space<vmem>>
        %dma_start3A_66 = tpu.memref_squeeze %dma_start3A_65 : memref<1x128xi32, #tpu.memory_space<vmem>> -> memref<128xi32, #tpu.memory_space<vmem>>
        %dma_start3A_67 = arith.constant 0 : i32
        %dma_start3A_68 = arith.constant 0 : i32
        %dma_start3A_69 = tpu.memref_slice %arg6[%dma_start3A_67, %dma_start3A_68] : memref<10112x128xf32, #tpu.memory_space<vmem_shared>> -> memref<10112x128xf32, #tpu.memory_space<vmem_shared>>
        tpu.enqueue_indirect_dma source(%arg5 : memref<128x128xf32, #tpu.memory_space<vmem>>) target(%dma_start3A_69 : memref<10112x128xf32, #tpu.memory_space<vmem_shared>>) offsets(%dma_start3A_66 : memref<128xi32, #tpu.memory_space<vmem>>) semaphore(%run_scoped3A_64 : memref<!tpu.dma_semaphore, #tpu.memory_space<semaphore_mem>>) {add = true}
        %dma_wait3A = arith.constant 0 : i32
        %dma_wait3A_70 = tpu.memref_slice %arg4[%run_scoped3A_61, %dma_wait3A] : memref<8x128xi32, #tpu.memory_space<vmem>> -> memref<1x128xi32, #tpu.memory_space<vmem>>
        %dma_wait3A_71 = tpu.memref_squeeze %dma_wait3A_70 : memref<1x128xi32, #tpu.memory_space<vmem>> -> memref<128xi32, #tpu.memory_space<vmem>>
        %dma_wait3A_72 = arith.constant 0 : i32
        %dma_wait3A_73 = arith.constant 0 : i32
        %dma_wait3A_74 = tpu.memref_slice %arg6[%dma_wait3A_72, %dma_wait3A_73] : memref<10112x128xf32, #tpu.memory_space<vmem_shared>> -> memref<10112x128xf32, #tpu.memory_space<vmem_shared>>
        tpu.wait_indirect_dma semaphore(%run_scoped3A_64 : memref<!tpu.dma_semaphore, #tpu.memory_space<semaphore_mem>>) src(%arg5 : memref<128x128xf32, #tpu.memory_space<vmem>>) dst(%dma_wait3A_74 : memref<10112x128xf32, #tpu.memory_space<vmem_shared>>)
        tpu.yield
      }) : () -> ()
      %run_scoped3A_62 = arith.constant 6 : i32
      "tpu.region"() ({
        %run_scoped3A_64 = tpu.sem_alloc : memref<!tpu.dma_semaphore, #tpu.memory_space<semaphore_mem>>
        %dma_start3A = arith.constant 0 : i32
        %dma_start3A_65 = tpu.memref_slice %arg4[%run_scoped3A_62, %dma_start3A] : memref<8x128xi32, #tpu.memory_space<vmem>> -> memref<1x128xi32, #tpu.memory_space<vmem>>
        %dma_start3A_66 = tpu.memref_squeeze %dma_start3A_65 : memref<1x128xi32, #tpu.memory_space<vmem>> -> memref<128xi32, #tpu.memory_space<vmem>>
        %dma_start3A_67 = arith.constant 0 : i32
        %dma_start3A_68 = arith.constant 0 : i32
        %dma_start3A_69 = tpu.memref_slice %arg6[%dma_start3A_67, %dma_start3A_68] : memref<10112x128xf32, #tpu.memory_space<vmem_shared>> -> memref<10112x128xf32, #tpu.memory_space<vmem_shared>>
        tpu.enqueue_indirect_dma source(%arg5 : memref<128x128xf32, #tpu.memory_space<vmem>>) target(%dma_start3A_69 : memref<10112x128xf32, #tpu.memory_space<vmem_shared>>) offsets(%dma_start3A_66 : memref<128xi32, #tpu.memory_space<vmem>>) semaphore(%run_scoped3A_64 : memref<!tpu.dma_semaphore, #tpu.memory_space<semaphore_mem>>) {add = true}
        %dma_wait3A = arith.constant 0 : i32
        %dma_wait3A_70 = tpu.memref_slice %arg4[%run_scoped3A_62, %dma_wait3A] : memref<8x128xi32, #tpu.memory_space<vmem>> -> memref<1x128xi32, #tpu.memory_space<vmem>>
        %dma_wait3A_71 = tpu.memref_squeeze %dma_wait3A_70 : memref<1x128xi32, #tpu.memory_space<vmem>> -> memref<128xi32, #tpu.memory_space<vmem>>
        %dma_wait3A_72 = arith.constant 0 : i32
        %dma_wait3A_73 = arith.constant 0 : i32
        %dma_wait3A_74 = tpu.memref_slice %arg6[%dma_wait3A_72, %dma_wait3A_73] : memref<10112x128xf32, #tpu.memory_space<vmem_shared>> -> memref<10112x128xf32, #tpu.memory_space<vmem_shared>>
        tpu.wait_indirect_dma semaphore(%run_scoped3A_64 : memref<!tpu.dma_semaphore, #tpu.memory_space<semaphore_mem>>) src(%arg5 : memref<128x128xf32, #tpu.memory_space<vmem>>) dst(%dma_wait3A_74 : memref<10112x128xf32, #tpu.memory_space<vmem_shared>>)
        tpu.yield
      }) : () -> ()
      %run_scoped3A_63 = arith.constant 7 : i32
      "tpu.region"() ({
        %run_scoped3A_64 = tpu.sem_alloc : memref<!tpu.dma_semaphore, #tpu.memory_space<semaphore_mem>>
        %dma_start3A = arith.constant 0 : i32
        %dma_start3A_65 = tpu.memref_slice %arg4[%run_scoped3A_63, %dma_start3A] : memref<8x128xi32, #tpu.memory_space<vmem>> -> memref<1x128xi32, #tpu.memory_space<vmem>>
        %dma_start3A_66 = tpu.memref_squeeze %dma_start3A_65 : memref<1x128xi32, #tpu.memory_space<vmem>> -> memref<128xi32, #tpu.memory_space<vmem>>
        %dma_start3A_67 = arith.constant 0 : i32
        %dma_start3A_68 = arith.constant 0 : i32
        %dma_start3A_69 = tpu.memref_slice %arg6[%dma_start3A_67, %dma_start3A_68] : memref<10112x128xf32, #tpu.memory_space<vmem_shared>> -> memref<10112x128xf32, #tpu.memory_space<vmem_shared>>
        tpu.enqueue_indirect_dma source(%arg5 : memref<128x128xf32, #tpu.memory_space<vmem>>) target(%dma_start3A_69 : memref<10112x128xf32, #tpu.memory_space<vmem_shared>>) offsets(%dma_start3A_66 : memref<128xi32, #tpu.memory_space<vmem>>) semaphore(%run_scoped3A_64 : memref<!tpu.dma_semaphore, #tpu.memory_space<semaphore_mem>>) {add = true}
        %dma_wait3A = arith.constant 0 : i32
        %dma_wait3A_70 = tpu.memref_slice %arg4[%run_scoped3A_63, %dma_wait3A] : memref<8x128xi32, #tpu.memory_space<vmem>> -> memref<1x128xi32, #tpu.memory_space<vmem>>
        %dma_wait3A_71 = tpu.memref_squeeze %dma_wait3A_70 : memref<1x128xi32, #tpu.memory_space<vmem>> -> memref<128xi32, #tpu.memory_space<vmem>>
        %dma_wait3A_72 = arith.constant 0 : i32
        %dma_wait3A_73 = arith.constant 0 : i32
        %dma_wait3A_74 = tpu.memref_slice %arg6[%dma_wait3A_72, %dma_wait3A_73] : memref<10112x128xf32, #tpu.memory_space<vmem_shared>> -> memref<10112x128xf32, #tpu.memory_space<vmem_shared>>
        tpu.wait_indirect_dma semaphore(%run_scoped3A_64 : memref<!tpu.dma_semaphore, #tpu.memory_space<semaphore_mem>>) src(%arg5 : memref<128x128xf32, #tpu.memory_space<vmem>>) dst(%dma_wait3A_74 : memref<10112x128xf32, #tpu.memory_space<vmem_shared>>)
        tpu.yield
      }) : () -> ()
    }
    %scan3A_32 = arith.constant 10 : i32
    %barrier3A_33 = arith.constant 0 : index
    tpu.barrier barrier_id(%barrier3A_33)
    %add3A_34 = arith.constant 0 : i32
    %add3A_35 = arith.addi %mul3A_10, %add3A_34 : i32
    "tpu.region"() ({
      %run_scoped3A = tpu.sem_alloc : memref<!tpu.dma_semaphore, #tpu.memory_space<semaphore_mem>>
      %dma_start3A = arith.constant 0 : i32
      %dma_start3A_54 = arith.constant 0 : i32
      %dma_start3A_55 = tpu.memref_slice %arg5[%dma_start3A, %dma_start3A_54] : memref<128x128xf32, #tpu.memory_space<vmem>> -> memref<128x128xf32, #tpu.memory_space<vmem>>
      %dma_start3A_56 = arith.constant 0 : i32
      %dma_start3A_57 = tpu.memref_slice %arg6[%add3A_35, %dma_start3A_56] : memref<10112x128xf32, #tpu.memory_space<vmem_shared>> -> memref<128x128xf32, #tpu.memory_space<vmem_shared>>
      %dma_start3A_58 = arith.constant 0 : i32
      %dma_start3A_59 = arith.constant 0 : i32
      %dma_start3A_60 = tpu.memref_slice %arg5[%dma_start3A_58, %dma_start3A_59] : memref<128x128xf32, #tpu.memory_space<vmem>> -> memref<128x128xf32, #tpu.memory_space<vmem>>
      %dma_start3A_61 = arith.constant 0 : i32
      %dma_start3A_62 = tpu.memref_slice %arg6[%add3A_35, %dma_start3A_61] : memref<10112x128xf32, #tpu.memory_space<vmem_shared>> -> memref<128x128xf32, #tpu.memory_space<vmem_shared>>
      tpu.enqueue_dma source(%dma_start3A_62 : memref<128x128xf32, #tpu.memory_space<vmem_shared>>) target(%dma_start3A_60 : memref<128x128xf32, #tpu.memory_space<vmem>>) target_semaphore(%run_scoped3A : memref<!tpu.dma_semaphore, #tpu.memory_space<semaphore_mem>>)
      %dma_wait3A = arith.constant 0 : i32
      %dma_wait3A_63 = arith.constant 0 : i32
      %dma_wait3A_64 = tpu.memref_slice %arg5[%dma_wait3A, %dma_wait3A_63] : memref<128x128xf32, #tpu.memory_space<vmem>> -> memref<128x128xf32, #tpu.memory_space<vmem>>
      %dma_wait3A_65 = arith.constant 0 : i32
      %dma_wait3A_66 = tpu.memref_slice %arg6[%add3A_35, %dma_wait3A_65] : memref<10112x128xf32, #tpu.memory_space<vmem_shared>> -> memref<128x128xf32, #tpu.memory_space<vmem_shared>>
      %dma_wait3A_67 = arith.constant 0 : i32
      %dma_wait3A_68 = arith.constant 0 : i32
      %dma_wait3A_69 = tpu.memref_slice %arg5[%dma_wait3A_67, %dma_wait3A_68] : memref<128x128xf32, #tpu.memory_space<vmem>> -> memref<128x128xf32, #tpu.memory_space<vmem>>
      %dma_wait3A_70 = arith.constant 0 : i32
      %dma_wait3A_71 = tpu.memref_slice %arg6[%add3A_35, %dma_wait3A_70] : memref<10112x128xf32, #tpu.memory_space<vmem_shared>> -> memref<128x128xf32, #tpu.memory_space<vmem_shared>>
      tpu.wait_dma2 semaphore(%run_scoped3A : memref<!tpu.dma_semaphore, #tpu.memory_space<semaphore_mem>>) src(%dma_wait3A_71 : memref<128x128xf32, #tpu.memory_space<vmem_shared>>) dst(%dma_wait3A_69 : memref<128x128xf32, #tpu.memory_space<vmem>>)
      tpu.yield
    }) : () -> ()
    %add3A_36 = arith.constant 0 : i32
    %add3A_37 = arith.addi %mul3A_10, %add3A_36 : i32
    "tpu.region"() ({
      %run_scoped3A = tpu.sem_alloc : memref<!tpu.dma_semaphore, #tpu.memory_space<semaphore_mem>>
      %dma_start3A = arith.constant 0 : i32
      %dma_start3A_54 = arith.constant 0 : i32
      %dma_start3A_55 = tpu.memref_slice %arg5[%dma_start3A, %dma_start3A_54] : memref<128x128xf32, #tpu.memory_space<vmem>> -> memref<128x128xf32, #tpu.memory_space<vmem>>
      %dma_start3A_56 = arith.constant 0 : i32
      %dma_start3A_57 = tpu.memref_slice %arg3[%arg0, %add3A_37, %dma_start3A_56] : memref<2x10112x128xf32, #tpu.memory_space<hbm>> -> memref<1x128x128xf32, #tpu.memory_space<hbm>>
      %dma_start3A_58 = tpu.memref_squeeze %dma_start3A_57 : memref<1x128x128xf32, #tpu.memory_space<hbm>> -> memref<128x128xf32, #tpu.memory_space<hbm>>
      %dma_start3A_59 = arith.constant 0 : i32
      %dma_start3A_60 = tpu.memref_slice %arg3[%arg0, %add3A_37, %dma_start3A_59] : memref<2x10112x128xf32, #tpu.memory_space<hbm>> -> memref<1x128x128xf32, #tpu.memory_space<hbm>>
      %dma_start3A_61 = tpu.memref_squeeze %dma_start3A_60 : memref<1x128x128xf32, #tpu.memory_space<hbm>> -> memref<128x128xf32, #tpu.memory_space<hbm>>
      %dma_start3A_62 = arith.constant 0 : i32
      %dma_start3A_63 = arith.constant 0 : i32
      %dma_start3A_64 = tpu.memref_slice %arg5[%dma_start3A_62, %dma_start3A_63] : memref<128x128xf32, #tpu.memory_space<vmem>> -> memref<128x128xf32, #tpu.memory_space<vmem>>
      tpu.enqueue_dma source(%dma_start3A_64 : memref<128x128xf32, #tpu.memory_space<vmem>>) target(%dma_start3A_61 : memref<128x128xf32, #tpu.memory_space<hbm>>) target_semaphore(%run_scoped3A : memref<!tpu.dma_semaphore, #tpu.memory_space<semaphore_mem>>)
      %dma_wait3A = arith.constant 0 : i32
      %dma_wait3A_65 = arith.constant 0 : i32
      %dma_wait3A_66 = tpu.memref_slice %arg5[%dma_wait3A, %dma_wait3A_65] : memref<128x128xf32, #tpu.memory_space<vmem>> -> memref<128x128xf32, #tpu.memory_space<vmem>>
      %dma_wait3A_67 = arith.constant 0 : i32
      %dma_wait3A_68 = tpu.memref_slice %arg3[%arg0, %add3A_37, %dma_wait3A_67] : memref<2x10112x128xf32, #tpu.memory_space<hbm>> -> memref<1x128x128xf32, #tpu.memory_space<hbm>>
      %dma_wait3A_69 = tpu.memref_squeeze %dma_wait3A_68 : memref<1x128x128xf32, #tpu.memory_space<hbm>> -> memref<128x128xf32, #tpu.memory_space<hbm>>
      %dma_wait3A_70 = arith.constant 0 : i32
      %dma_wait3A_71 = tpu.memref_slice %arg3[%arg0, %add3A_37, %dma_wait3A_70] : memref<2x10112x128xf32, #tpu.memory_space<hbm>> -> memref<1x128x128xf32, #tpu.memory_space<hbm>>
      %dma_wait3A_72 = tpu.memref_squeeze %dma_wait3A_71 : memref<1x128x128xf32, #tpu.memory_space<hbm>> -> memref<128x128xf32, #tpu.memory_space<hbm>>
      %dma_wait3A_73 = arith.constant 0 : i32
      %dma_wait3A_74 = arith.constant 0 : i32
      %dma_wait3A_75 = tpu.memref_slice %arg5[%dma_wait3A_73, %dma_wait3A_74] : memref<128x128xf32, #tpu.memory_space<vmem>> -> memref<128x128xf32, #tpu.memory_space<vmem>>
      tpu.wait_dma2 semaphore(%run_scoped3A : memref<!tpu.dma_semaphore, #tpu.memory_space<semaphore_mem>>) src(%dma_wait3A_75 : memref<128x128xf32, #tpu.memory_space<vmem>>) dst(%dma_wait3A_72 : memref<128x128xf32, #tpu.memory_space<hbm>>)
      tpu.yield
    }) : () -> ()
    %add3A_38 = arith.constant 128 : i32
    %add3A_39 = arith.addi %mul3A_10, %add3A_38 : i32
    "tpu.region"() ({
      %run_scoped3A = tpu.sem_alloc : memref<!tpu.dma_semaphore, #tpu.memory_space<semaphore_mem>>
      %dma_start3A = arith.constant 0 : i32
      %dma_start3A_54 = arith.constant 0 : i32
      %dma_start3A_55 = tpu.memref_slice %arg5[%dma_start3A, %dma_start3A_54] : memref<128x128xf32, #tpu.memory_space<vmem>> -> memref<128x128xf32, #tpu.memory_space<vmem>>
      %dma_start3A_56 = arith.constant 0 : i32
      %dma_start3A_57 = tpu.memref_slice %arg6[%add3A_39, %dma_start3A_56] : memref<10112x128xf32, #tpu.memory_space<vmem_shared>> -> memref<128x128xf32, #tpu.memory_space<vmem_shared>>
      %dma_start3A_58 = arith.constant 0 : i32
      %dma_start3A_59 = arith.constant 0 : i32
      %dma_start3A_60 = tpu.memref_slice %arg5[%dma_start3A_58, %dma_start3A_59] : memref<128x128xf32, #tpu.memory_space<vmem>> -> memref<128x128xf32, #tpu.memory_space<vmem>>
      %dma_start3A_61 = arith.constant 0 : i32
      %dma_start3A_62 = tpu.memref_slice %arg6[%add3A_39, %dma_start3A_61] : memref<10112x128xf32, #tpu.memory_space<vmem_shared>> -> memref<128x128xf32, #tpu.memory_space<vmem_shared>>
      tpu.enqueue_dma source(%dma_start3A_62 : memref<128x128xf32, #tpu.memory_space<vmem_shared>>) target(%dma_start3A_60 : memref<128x128xf32, #tpu.memory_space<vmem>>) target_semaphore(%run_scoped3A : memref<!tpu.dma_semaphore, #tpu.memory_space<semaphore_mem>>)
      %dma_wait3A = arith.constant 0 : i32
      %dma_wait3A_63 = arith.constant 0 : i32
      %dma_wait3A_64 = tpu.memref_slice %arg5[%dma_wait3A, %dma_wait3A_63] : memref<128x128xf32, #tpu.memory_space<vmem>> -> memref<128x128xf32, #tpu.memory_space<vmem>>
      %dma_wait3A_65 = arith.constant 0 : i32
      %dma_wait3A_66 = tpu.memref_slice %arg6[%add3A_39, %dma_wait3A_65] : memref<10112x128xf32, #tpu.memory_space<vmem_shared>> -> memref<128x128xf32, #tpu.memory_space<vmem_shared>>
      %dma_wait3A_67 = arith.constant 0 : i32
      %dma_wait3A_68 = arith.constant 0 : i32
      %dma_wait3A_69 = tpu.memref_slice %arg5[%dma_wait3A_67, %dma_wait3A_68] : memref<128x128xf32, #tpu.memory_space<vmem>> -> memref<128x128xf32, #tpu.memory_space<vmem>>
      %dma_wait3A_70 = arith.constant 0 : i32
      %dma_wait3A_71 = tpu.memref_slice %arg6[%add3A_39, %dma_wait3A_70] : memref<10112x128xf32, #tpu.memory_space<vmem_shared>> -> memref<128x128xf32, #tpu.memory_space<vmem_shared>>
      tpu.wait_dma2 semaphore(%run_scoped3A : memref<!tpu.dma_semaphore, #tpu.memory_space<semaphore_mem>>) src(%dma_wait3A_71 : memref<128x128xf32, #tpu.memory_space<vmem_shared>>) dst(%dma_wait3A_69 : memref<128x128xf32, #tpu.memory_space<vmem>>)
      tpu.yield
    }) : () -> ()
    %add3A_40 = arith.constant 128 : i32
    %add3A_41 = arith.addi %mul3A_10, %add3A_40 : i32
    "tpu.region"() ({
      %run_scoped3A = tpu.sem_alloc : memref<!tpu.dma_semaphore, #tpu.memory_space<semaphore_mem>>
      %dma_start3A = arith.constant 0 : i32
      %dma_start3A_54 = arith.constant 0 : i32
      %dma_start3A_55 = tpu.memref_slice %arg5[%dma_start3A, %dma_start3A_54] : memref<128x128xf32, #tpu.memory_space<vmem>> -> memref<128x128xf32, #tpu.memory_space<vmem>>
      %dma_start3A_56 = arith.constant 0 : i32
      %dma_start3A_57 = tpu.memref_slice %arg3[%arg0, %add3A_41, %dma_start3A_56] : memref<2x10112x128xf32, #tpu.memory_space<hbm>> -> memref<1x128x128xf32, #tpu.memory_space<hbm>>
      %dma_start3A_58 = tpu.memref_squeeze %dma_start3A_57 : memref<1x128x128xf32, #tpu.memory_space<hbm>> -> memref<128x128xf32, #tpu.memory_space<hbm>>
      %dma_start3A_59 = arith.constant 0 : i32
      %dma_start3A_60 = tpu.memref_slice %arg3[%arg0, %add3A_41, %dma_start3A_59] : memref<2x10112x128xf32, #tpu.memory_space<hbm>> -> memref<1x128x128xf32, #tpu.memory_space<hbm>>
      %dma_start3A_61 = tpu.memref_squeeze %dma_start3A_60 : memref<1x128x128xf32, #tpu.memory_space<hbm>> -> memref<128x128xf32, #tpu.memory_space<hbm>>
      %dma_start3A_62 = arith.constant 0 : i32
      %dma_start3A_63 = arith.constant 0 : i32
      %dma_start3A_64 = tpu.memref_slice %arg5[%dma_start3A_62, %dma_start3A_63] : memref<128x128xf32, #tpu.memory_space<vmem>> -> memref<128x128xf32, #tpu.memory_space<vmem>>
      tpu.enqueue_dma source(%dma_start3A_64 : memref<128x128xf32, #tpu.memory_space<vmem>>) target(%dma_start3A_61 : memref<128x128xf32, #tpu.memory_space<hbm>>) target_semaphore(%run_scoped3A : memref<!tpu.dma_semaphore, #tpu.memory_space<semaphore_mem>>)
      %dma_wait3A = arith.constant 0 : i32
      %dma_wait3A_65 = arith.constant 0 : i32
      %dma_wait3A_66 = tpu.memref_slice %arg5[%dma_wait3A, %dma_wait3A_65] : memref<128x128xf32, #tpu.memory_space<vmem>> -> memref<128x128xf32, #tpu.memory_space<vmem>>
      %dma_wait3A_67 = arith.constant 0 : i32
      %dma_wait3A_68 = tpu.memref_slice %arg3[%arg0, %add3A_41, %dma_wait3A_67] : memref<2x10112x128xf32, #tpu.memory_space<hbm>> -> memref<1x128x128xf32, #tpu.memory_space<hbm>>
      %dma_wait3A_69 = tpu.memref_squeeze %dma_wait3A_68 : memref<1x128x128xf32, #tpu.memory_space<hbm>> -> memref<128x128xf32, #tpu.memory_space<hbm>>
      %dma_wait3A_70 = arith.constant 0 : i32
      %dma_wait3A_71 = tpu.memref_slice %arg3[%arg0, %add3A_41, %dma_wait3A_70] : memref<2x10112x128xf32, #tpu.memory_space<hbm>> -> memref<1x128x128xf32, #tpu.memory_space<hbm>>
      %dma_wait3A_72 = tpu.memref_squeeze %dma_wait3A_71 : memref<1x128x128xf32, #tpu.memory_space<hbm>> -> memref<128x128xf32, #tpu.memory_space<hbm>>
      %dma_wait3A_73 = arith.constant 0 : i32
      %dma_wait3A_74 = arith.constant 0 : i32
      %dma_wait3A_75 = tpu.memref_slice %arg5[%dma_wait3A_73, %dma_wait3A_74] : memref<128x128xf32, #tpu.memory_space<vmem>> -> memref<128x128xf32, #tpu.memory_space<vmem>>
      tpu.wait_dma2 semaphore(%run_scoped3A : memref<!tpu.dma_semaphore, #tpu.memory_space<semaphore_mem>>) src(%dma_wait3A_75 : memref<128x128xf32, #tpu.memory_space<vmem>>) dst(%dma_wait3A_72 : memref<128x128xf32, #tpu.memory_space<hbm>>)
      tpu.yield
    }) : () -> ()
    %add3A_42 = arith.constant 256 : i32
    %add3A_43 = arith.addi %mul3A_10, %add3A_42 : i32
    "tpu.region"() ({
      %run_scoped3A = tpu.sem_alloc : memref<!tpu.dma_semaphore, #tpu.memory_space<semaphore_mem>>
      %dma_start3A = arith.constant 0 : i32
      %dma_start3A_54 = arith.constant 0 : i32
      %dma_start3A_55 = tpu.memref_slice %arg5[%dma_start3A, %dma_start3A_54] : memref<128x128xf32, #tpu.memory_space<vmem>> -> memref<128x128xf32, #tpu.memory_space<vmem>>
      %dma_start3A_56 = arith.constant 0 : i32
      %dma_start3A_57 = tpu.memref_slice %arg6[%add3A_43, %dma_start3A_56] : memref<10112x128xf32, #tpu.memory_space<vmem_shared>> -> memref<128x128xf32, #tpu.memory_space<vmem_shared>>
      %dma_start3A_58 = arith.constant 0 : i32
      %dma_start3A_59 = arith.constant 0 : i32
      %dma_start3A_60 = tpu.memref_slice %arg5[%dma_start3A_58, %dma_start3A_59] : memref<128x128xf32, #tpu.memory_space<vmem>> -> memref<128x128xf32, #tpu.memory_space<vmem>>
      %dma_start3A_61 = arith.constant 0 : i32
      %dma_start3A_62 = tpu.memref_slice %arg6[%add3A_43, %dma_start3A_61] : memref<10112x128xf32, #tpu.memory_space<vmem_shared>> -> memref<128x128xf32, #tpu.memory_space<vmem_shared>>
      tpu.enqueue_dma source(%dma_start3A_62 : memref<128x128xf32, #tpu.memory_space<vmem_shared>>) target(%dma_start3A_60 : memref<128x128xf32, #tpu.memory_space<vmem>>) target_semaphore(%run_scoped3A : memref<!tpu.dma_semaphore, #tpu.memory_space<semaphore_mem>>)
      %dma_wait3A = arith.constant 0 : i32
      %dma_wait3A_63 = arith.constant 0 : i32
      %dma_wait3A_64 = tpu.memref_slice %arg5[%dma_wait3A, %dma_wait3A_63] : memref<128x128xf32, #tpu.memory_space<vmem>> -> memref<128x128xf32, #tpu.memory_space<vmem>>
      %dma_wait3A_65 = arith.constant 0 : i32
      %dma_wait3A_66 = tpu.memref_slice %arg6[%add3A_43, %dma_wait3A_65] : memref<10112x128xf32, #tpu.memory_space<vmem_shared>> -> memref<128x128xf32, #tpu.memory_space<vmem_shared>>
      %dma_wait3A_67 = arith.constant 0 : i32
      %dma_wait3A_68 = arith.constant 0 : i32
      %dma_wait3A_69 = tpu.memref_slice %arg5[%dma_wait3A_67, %dma_wait3A_68] : memref<128x128xf32, #tpu.memory_space<vmem>> -> memref<128x128xf32, #tpu.memory_space<vmem>>
      %dma_wait3A_70 = arith.constant 0 : i32
      %dma_wait3A_71 = tpu.memref_slice %arg6[%add3A_43, %dma_wait3A_70] : memref<10112x128xf32, #tpu.memory_space<vmem_shared>> -> memref<128x128xf32, #tpu.memory_space<vmem_shared>>
      tpu.wait_dma2 semaphore(%run_scoped3A : memref<!tpu.dma_semaphore, #tpu.memory_space<semaphore_mem>>) src(%dma_wait3A_71 : memref<128x128xf32, #tpu.memory_space<vmem_shared>>) dst(%dma_wait3A_69 : memref<128x128xf32, #tpu.memory_space<vmem>>)
      tpu.yield
    }) : () -> ()
    %add3A_44 = arith.constant 256 : i32
    %add3A_45 = arith.addi %mul3A_10, %add3A_44 : i32
    "tpu.region"() ({
      %run_scoped3A = tpu.sem_alloc : memref<!tpu.dma_semaphore, #tpu.memory_space<semaphore_mem>>
      %dma_start3A = arith.constant 0 : i32
      %dma_start3A_54 = arith.constant 0 : i32
      %dma_start3A_55 = tpu.memref_slice %arg5[%dma_start3A, %dma_start3A_54] : memref<128x128xf32, #tpu.memory_space<vmem>> -> memref<128x128xf32, #tpu.memory_space<vmem>>
      %dma_start3A_56 = arith.constant 0 : i32
      %dma_start3A_57 = tpu.memref_slice %arg3[%arg0, %add3A_45, %dma_start3A_56] : memref<2x10112x128xf32, #tpu.memory_space<hbm>> -> memref<1x128x128xf32, #tpu.memory_space<hbm>>
      %dma_start3A_58 = tpu.memref_squeeze %dma_start3A_57 : memref<1x128x128xf32, #tpu.memory_space<hbm>> -> memref<128x128xf32, #tpu.memory_space<hbm>>
      %dma_start3A_59 = arith.constant 0 : i32
      %dma_start3A_60 = tpu.memref_slice %arg3[%arg0, %add3A_45, %dma_start3A_59] : memref<2x10112x128xf32, #tpu.memory_space<hbm>> -> memref<1x128x128xf32, #tpu.memory_space<hbm>>
      %dma_start3A_61 = tpu.memref_squeeze %dma_start3A_60 : memref<1x128x128xf32, #tpu.memory_space<hbm>> -> memref<128x128xf32, #tpu.memory_space<hbm>>
      %dma_start3A_62 = arith.constant 0 : i32
      %dma_start3A_63 = arith.constant 0 : i32
      %dma_start3A_64 = tpu.memref_slice %arg5[%dma_start3A_62, %dma_start3A_63] : memref<128x128xf32, #tpu.memory_space<vmem>> -> memref<128x128xf32, #tpu.memory_space<vmem>>
      tpu.enqueue_dma source(%dma_start3A_64 : memref<128x128xf32, #tpu.memory_space<vmem>>) target(%dma_start3A_61 : memref<128x128xf32, #tpu.memory_space<hbm>>) target_semaphore(%run_scoped3A : memref<!tpu.dma_semaphore, #tpu.memory_space<semaphore_mem>>)
      %dma_wait3A = arith.constant 0 : i32
      %dma_wait3A_65 = arith.constant 0 : i32
      %dma_wait3A_66 = tpu.memref_slice %arg5[%dma_wait3A, %dma_wait3A_65] : memref<128x128xf32, #tpu.memory_space<vmem>> -> memref<128x128xf32, #tpu.memory_space<vmem>>
      %dma_wait3A_67 = arith.constant 0 : i32
      %dma_wait3A_68 = tpu.memref_slice %arg3[%arg0, %add3A_45, %dma_wait3A_67] : memref<2x10112x128xf32, #tpu.memory_space<hbm>> -> memref<1x128x128xf32, #tpu.memory_space<hbm>>
      %dma_wait3A_69 = tpu.memref_squeeze %dma_wait3A_68 : memref<1x128x128xf32, #tpu.memory_space<hbm>> -> memref<128x128xf32, #tpu.memory_space<hbm>>
      %dma_wait3A_70 = arith.constant 0 : i32
      %dma_wait3A_71 = tpu.memref_slice %arg3[%arg0, %add3A_45, %dma_wait3A_70] : memref<2x10112x128xf32, #tpu.memory_space<hbm>> -> memref<1x128x128xf32, #tpu.memory_space<hbm>>
      %dma_wait3A_72 = tpu.memref_squeeze %dma_wait3A_71 : memref<1x128x128xf32, #tpu.memory_space<hbm>> -> memref<128x128xf32, #tpu.memory_space<hbm>>
      %dma_wait3A_73 = arith.constant 0 : i32
      %dma_wait3A_74 = arith.constant 0 : i32
      %dma_wait3A_75 = tpu.memref_slice %arg5[%dma_wait3A_73, %dma_wait3A_74] : memref<128x128xf32, #tpu.memory_space<vmem>> -> memref<128x128xf32, #tpu.memory_space<vmem>>
      tpu.wait_dma2 semaphore(%run_scoped3A : memref<!tpu.dma_semaphore, #tpu.memory_space<semaphore_mem>>) src(%dma_wait3A_75 : memref<128x128xf32, #tpu.memory_space<vmem>>) dst(%dma_wait3A_72 : memref<128x128xf32, #tpu.memory_space<hbm>>)
      tpu.yield
    }) : () -> ()
    %add3A_46 = arith.constant 384 : i32
    %add3A_47 = arith.addi %mul3A_10, %add3A_46 : i32
    "tpu.region"() ({
      %run_scoped3A = tpu.sem_alloc : memref<!tpu.dma_semaphore, #tpu.memory_space<semaphore_mem>>
      %dma_start3A = arith.constant 0 : i32
      %dma_start3A_54 = arith.constant 0 : i32
      %dma_start3A_55 = tpu.memref_slice %arg5[%dma_start3A, %dma_start3A_54] : memref<128x128xf32, #tpu.memory_space<vmem>> -> memref<128x128xf32, #tpu.memory_space<vmem>>
      %dma_start3A_56 = arith.constant 0 : i32
      %dma_start3A_57 = tpu.memref_slice %arg6[%add3A_47, %dma_start3A_56] : memref<10112x128xf32, #tpu.memory_space<vmem_shared>> -> memref<128x128xf32, #tpu.memory_space<vmem_shared>>
      %dma_start3A_58 = arith.constant 0 : i32
      %dma_start3A_59 = arith.constant 0 : i32
      %dma_start3A_60 = tpu.memref_slice %arg5[%dma_start3A_58, %dma_start3A_59] : memref<128x128xf32, #tpu.memory_space<vmem>> -> memref<128x128xf32, #tpu.memory_space<vmem>>
      %dma_start3A_61 = arith.constant 0 : i32
      %dma_start3A_62 = tpu.memref_slice %arg6[%add3A_47, %dma_start3A_61] : memref<10112x128xf32, #tpu.memory_space<vmem_shared>> -> memref<128x128xf32, #tpu.memory_space<vmem_shared>>
      tpu.enqueue_dma source(%dma_start3A_62 : memref<128x128xf32, #tpu.memory_space<vmem_shared>>) target(%dma_start3A_60 : memref<128x128xf32, #tpu.memory_space<vmem>>) target_semaphore(%run_scoped3A : memref<!tpu.dma_semaphore, #tpu.memory_space<semaphore_mem>>)
      %dma_wait3A = arith.constant 0 : i32
      %dma_wait3A_63 = arith.constant 0 : i32
      %dma_wait3A_64 = tpu.memref_slice %arg5[%dma_wait3A, %dma_wait3A_63] : memref<128x128xf32, #tpu.memory_space<vmem>> -> memref<128x128xf32, #tpu.memory_space<vmem>>
      %dma_wait3A_65 = arith.constant 0 : i32
      %dma_wait3A_66 = tpu.memref_slice %arg6[%add3A_47, %dma_wait3A_65] : memref<10112x128xf32, #tpu.memory_space<vmem_shared>> -> memref<128x128xf32, #tpu.memory_space<vmem_shared>>
      %dma_wait3A_67 = arith.constant 0 : i32
      %dma_wait3A_68 = arith.constant 0 : i32
      %dma_wait3A_69 = tpu.memref_slice %arg5[%dma_wait3A_67, %dma_wait3A_68] : memref<128x128xf32, #tpu.memory_space<vmem>> -> memref<128x128xf32, #tpu.memory_space<vmem>>
      %dma_wait3A_70 = arith.constant 0 : i32
      %dma_wait3A_71 = tpu.memref_slice %arg6[%add3A_47, %dma_wait3A_70] : memref<10112x128xf32, #tpu.memory_space<vmem_shared>> -> memref<128x128xf32, #tpu.memory_space<vmem_shared>>
      tpu.wait_dma2 semaphore(%run_scoped3A : memref<!tpu.dma_semaphore, #tpu.memory_space<semaphore_mem>>) src(%dma_wait3A_71 : memref<128x128xf32, #tpu.memory_space<vmem_shared>>) dst(%dma_wait3A_69 : memref<128x128xf32, #tpu.memory_space<vmem>>)
      tpu.yield
    }) : () -> ()
    %add3A_48 = arith.constant 384 : i32
    %add3A_49 = arith.addi %mul3A_10, %add3A_48 : i32
    "tpu.region"() ({
      %run_scoped3A = tpu.sem_alloc : memref<!tpu.dma_semaphore, #tpu.memory_space<semaphore_mem>>
      %dma_start3A = arith.constant 0 : i32
      %dma_start3A_54 = arith.constant 0 : i32
      %dma_start3A_55 = tpu.memref_slice %arg5[%dma_start3A, %dma_start3A_54] : memref<128x128xf32, #tpu.memory_space<vmem>> -> memref<128x128xf32, #tpu.memory_space<vmem>>
      %dma_start3A_56 = arith.constant 0 : i32
      %dma_start3A_57 = tpu.memref_slice %arg3[%arg0, %add3A_49, %dma_start3A_56] : memref<2x10112x128xf32, #tpu.memory_space<hbm>> -> memref<1x128x128xf32, #tpu.memory_space<hbm>>
      %dma_start3A_58 = tpu.memref_squeeze %dma_start3A_57 : memref<1x128x128xf32, #tpu.memory_space<hbm>> -> memref<128x128xf32, #tpu.memory_space<hbm>>
      %dma_start3A_59 = arith.constant 0 : i32
      %dma_start3A_60 = tpu.memref_slice %arg3[%arg0, %add3A_49, %dma_start3A_59] : memref<2x10112x128xf32, #tpu.memory_space<hbm>> -> memref<1x128x128xf32, #tpu.memory_space<hbm>>
      %dma_start3A_61 = tpu.memref_squeeze %dma_start3A_60 : memref<1x128x128xf32, #tpu.memory_space<hbm>> -> memref<128x128xf32, #tpu.memory_space<hbm>>
      %dma_start3A_62 = arith.constant 0 : i32
      %dma_start3A_63 = arith.constant 0 : i32
      %dma_start3A_64 = tpu.memref_slice %arg5[%dma_start3A_62, %dma_start3A_63] : memref<128x128xf32, #tpu.memory_space<vmem>> -> memref<128x128xf32, #tpu.memory_space<vmem>>
      tpu.enqueue_dma source(%dma_start3A_64 : memref<128x128xf32, #tpu.memory_space<vmem>>) target(%dma_start3A_61 : memref<128x128xf32, #tpu.memory_space<hbm>>) target_semaphore(%run_scoped3A : memref<!tpu.dma_semaphore, #tpu.memory_space<semaphore_mem>>)
      %dma_wait3A = arith.constant 0 : i32
      %dma_wait3A_65 = arith.constant 0 : i32
      %dma_wait3A_66 = tpu.memref_slice %arg5[%dma_wait3A, %dma_wait3A_65] : memref<128x128xf32, #tpu.memory_space<vmem>> -> memref<128x128xf32, #tpu.memory_space<vmem>>
      %dma_wait3A_67 = arith.constant 0 : i32
      %dma_wait3A_68 = tpu.memref_slice %arg3[%arg0, %add3A_49, %dma_wait3A_67] : memref<2x10112x128xf32, #tpu.memory_space<hbm>> -> memref<1x128x128xf32, #tpu.memory_space<hbm>>
      %dma_wait3A_69 = tpu.memref_squeeze %dma_wait3A_68 : memref<1x128x128xf32, #tpu.memory_space<hbm>> -> memref<128x128xf32, #tpu.memory_space<hbm>>
      %dma_wait3A_70 = arith.constant 0 : i32
      %dma_wait3A_71 = tpu.memref_slice %arg3[%arg0, %add3A_49, %dma_wait3A_70] : memref<2x10112x128xf32, #tpu.memory_space<hbm>> -> memref<1x128x128xf32, #tpu.memory_space<hbm>>
      %dma_wait3A_72 = tpu.memref_squeeze %dma_wait3A_71 : memref<1x128x128xf32, #tpu.memory_space<hbm>> -> memref<128x128xf32, #tpu.memory_space<hbm>>
      %dma_wait3A_73 = arith.constant 0 : i32
      %dma_wait3A_74 = arith.constant 0 : i32
      %dma_wait3A_75 = tpu.memref_slice %arg5[%dma_wait3A_73, %dma_wait3A_74] : memref<128x128xf32, #tpu.memory_space<vmem>> -> memref<128x128xf32, #tpu.memory_space<vmem>>
      tpu.wait_dma2 semaphore(%run_scoped3A : memref<!tpu.dma_semaphore, #tpu.memory_space<semaphore_mem>>) src(%dma_wait3A_75 : memref<128x128xf32, #tpu.memory_space<vmem>>) dst(%dma_wait3A_72 : memref<128x128xf32, #tpu.memory_space<hbm>>)
      tpu.yield
    }) : () -> ()
    %add3A_50 = arith.constant 512 : i32
    %add3A_51 = arith.addi %mul3A_10, %add3A_50 : i32
    "tpu.region"() ({
      %run_scoped3A = tpu.sem_alloc : memref<!tpu.dma_semaphore, #tpu.memory_space<semaphore_mem>>
      %dma_start3A = arith.constant 0 : i32
      %dma_start3A_54 = arith.constant 0 : i32
      %dma_start3A_55 = tpu.memref_slice %arg5[%dma_start3A, %dma_start3A_54] : memref<128x128xf32, #tpu.memory_space<vmem>> -> memref<120x128xf32, #tpu.memory_space<vmem>>
      %dma_start3A_56 = arith.constant 0 : i32
      %dma_start3A_57 = tpu.memref_slice %arg6[%add3A_51, %dma_start3A_56] : memref<10112x128xf32, #tpu.memory_space<vmem_shared>> -> memref<120x128xf32, #tpu.memory_space<vmem_shared>>
      %dma_start3A_58 = arith.constant 0 : i32
      %dma_start3A_59 = arith.constant 0 : i32
      %dma_start3A_60 = tpu.memref_slice %arg5[%dma_start3A_58, %dma_start3A_59] : memref<128x128xf32, #tpu.memory_space<vmem>> -> memref<120x128xf32, #tpu.memory_space<vmem>>
      %dma_start3A_61 = arith.constant 0 : i32
      %dma_start3A_62 = tpu.memref_slice %arg6[%add3A_51, %dma_start3A_61] : memref<10112x128xf32, #tpu.memory_space<vmem_shared>> -> memref<120x128xf32, #tpu.memory_space<vmem_shared>>
      tpu.enqueue_dma source(%dma_start3A_62 : memref<120x128xf32, #tpu.memory_space<vmem_shared>>) target(%dma_start3A_60 : memref<120x128xf32, #tpu.memory_space<vmem>>) target_semaphore(%run_scoped3A : memref<!tpu.dma_semaphore, #tpu.memory_space<semaphore_mem>>)
      %dma_wait3A = arith.constant 0 : i32
      %dma_wait3A_63 = arith.constant 0 : i32
      %dma_wait3A_64 = tpu.memref_slice %arg5[%dma_wait3A, %dma_wait3A_63] : memref<128x128xf32, #tpu.memory_space<vmem>> -> memref<120x128xf32, #tpu.memory_space<vmem>>
      %dma_wait3A_65 = arith.constant 0 : i32
      %dma_wait3A_66 = tpu.memref_slice %arg6[%add3A_51, %dma_wait3A_65] : memref<10112x128xf32, #tpu.memory_space<vmem_shared>> -> memref<120x128xf32, #tpu.memory_space<vmem_shared>>
      %dma_wait3A_67 = arith.constant 0 : i32
      %dma_wait3A_68 = arith.constant 0 : i32
      %dma_wait3A_69 = tpu.memref_slice %arg5[%dma_wait3A_67, %dma_wait3A_68] : memref<128x128xf32, #tpu.memory_space<vmem>> -> memref<120x128xf32, #tpu.memory_space<vmem>>
      %dma_wait3A_70 = arith.constant 0 : i32
      %dma_wait3A_71 = tpu.memref_slice %arg6[%add3A_51, %dma_wait3A_70] : memref<10112x128xf32, #tpu.memory_space<vmem_shared>> -> memref<120x128xf32, #tpu.memory_space<vmem_shared>>
      tpu.wait_dma2 semaphore(%run_scoped3A : memref<!tpu.dma_semaphore, #tpu.memory_space<semaphore_mem>>) src(%dma_wait3A_71 : memref<120x128xf32, #tpu.memory_space<vmem_shared>>) dst(%dma_wait3A_69 : memref<120x128xf32, #tpu.memory_space<vmem>>)
      tpu.yield
    }) : () -> ()
    %add3A_52 = arith.constant 512 : i32
    %add3A_53 = arith.addi %mul3A_10, %add3A_52 : i32
    "tpu.region"() ({
      %run_scoped3A = tpu.sem_alloc : memref<!tpu.dma_semaphore, #tpu.memory_space<semaphore_mem>>
      %dma_start3A = arith.constant 0 : i32
      %dma_start3A_54 = arith.constant 0 : i32
      %dma_start3A_55 = tpu.memref_slice %arg5[%dma_start3A, %dma_start3A_54] : memref<128x128xf32, #tpu.memory_space<vmem>> -> memref<120x128xf32, #tpu.memory_space<vmem>>
      %dma_start3A_56 = arith.constant 0 : i32
      %dma_start3A_57 = tpu.memref_slice %arg3[%arg0, %add3A_53, %dma_start3A_56] : memref<2x10112x128xf32, #tpu.memory_space<hbm>> -> memref<1x120x128xf32, #tpu.memory_space<hbm>>
      %dma_start3A_58 = tpu.memref_squeeze %dma_start3A_57 : memref<1x120x128xf32, #tpu.memory_space<hbm>> -> memref<120x128xf32, #tpu.memory_space<hbm>>
      %dma_start3A_59 = arith.constant 0 : i32
      %dma_start3A_60 = tpu.memref_slice %arg3[%arg0, %add3A_53, %dma_start3A_59] : memref<2x10112x128xf32, #tpu.memory_space<hbm>> -> memref<1x120x128xf32, #tpu.memory_space<hbm>>
      %dma_start3A_61 = tpu.memref_squeeze %dma_start3A_60 : memref<1x120x128xf32, #tpu.memory_space<hbm>> -> memref<120x128xf32, #tpu.memory_space<hbm>>
      %dma_start3A_62 = arith.constant 0 : i32
      %dma_start3A_63 = arith.constant 0 : i32
      %dma_start3A_64 = tpu.memref_slice %arg5[%dma_start3A_62, %dma_start3A_63] : memref<128x128xf32, #tpu.memory_space<vmem>> -> memref<120x128xf32, #tpu.memory_space<vmem>>
      tpu.enqueue_dma source(%dma_start3A_64 : memref<120x128xf32, #tpu.memory_space<vmem>>) target(%dma_start3A_61 : memref<120x128xf32, #tpu.memory_space<hbm>>) target_semaphore(%run_scoped3A : memref<!tpu.dma_semaphore, #tpu.memory_space<semaphore_mem>>)
      %dma_wait3A = arith.constant 0 : i32
      %dma_wait3A_65 = arith.constant 0 : i32
      %dma_wait3A_66 = tpu.memref_slice %arg5[%dma_wait3A, %dma_wait3A_65] : memref<128x128xf32, #tpu.memory_space<vmem>> -> memref<120x128xf32, #tpu.memory_space<vmem>>
      %dma_wait3A_67 = arith.constant 0 : i32
      %dma_wait3A_68 = tpu.memref_slice %arg3[%arg0, %add3A_53, %dma_wait3A_67] : memref<2x10112x128xf32, #tpu.memory_space<hbm>> -> memref<1x120x128xf32, #tpu.memory_space<hbm>>
      %dma_wait3A_69 = tpu.memref_squeeze %dma_wait3A_68 : memref<1x120x128xf32, #tpu.memory_space<hbm>> -> memref<120x128xf32, #tpu.memory_space<hbm>>
      %dma_wait3A_70 = arith.constant 0 : i32
      %dma_wait3A_71 = tpu.memref_slice %arg3[%arg0, %add3A_53, %dma_wait3A_70] : memref<2x10112x128xf32, #tpu.memory_space<hbm>> -> memref<1x120x128xf32, #tpu.memory_space<hbm>>
      %dma_wait3A_72 = tpu.memref_squeeze %dma_wait3A_71 : memref<1x120x128xf32, #tpu.memory_space<hbm>> -> memref<120x128xf32, #tpu.memory_space<hbm>>
      %dma_wait3A_73 = arith.constant 0 : i32
      %dma_wait3A_74 = arith.constant 0 : i32
      %dma_wait3A_75 = tpu.memref_slice %arg5[%dma_wait3A_73, %dma_wait3A_74] : memref<128x128xf32, #tpu.memory_space<vmem>> -> memref<120x128xf32, #tpu.memory_space<vmem>>
      tpu.wait_dma2 semaphore(%run_scoped3A : memref<!tpu.dma_semaphore, #tpu.memory_space<semaphore_mem>>) src(%dma_wait3A_75 : memref<120x128xf32, #tpu.memory_space<vmem>>) dst(%dma_wait3A_72 : memref<120x128xf32, #tpu.memory_space<hbm>>)
      tpu.yield
    }) : () -> ()
    return
  }
}

#map = affine_map<(d0, d1) -> (0, 0)>
#map1 = affine_map<(d0, d1) -> (0, 0, 0)>
module attributes {stable_mosaic.version = 14 : i64} {
  func.func @sc_pass(%arg0: i32, %arg1: i32, %arg2: memref<10000x128xf32, #tpu.memory_space<hbm>>, %arg3: memref<5120x64xi32, #tpu.memory_space<hbm>>, %arg4: memref<5120x64xi32, #tpu.memory_space<hbm>>, %arg5: memref<2x10112x128xf32, #tpu.memory_space<hbm>>, %arg6: memref<8x64xi32, #tpu.memory_space<vmem>>, %arg7: memref<8x64xi32, #tpu.memory_space<vmem>>, %arg8: memref<64x128xf32, #tpu.memory_space<vmem>>, %arg9: memref<64x128xf32, #tpu.memory_space<vmem>>, %arg10: memref<64x128xf32, #tpu.memory_space<vmem>>, %arg11: memref<10112x128xf32, #tpu.memory_space<vmem_shared>>, %arg12: memref<!tpu.dma_semaphore, #tpu.memory_space<semaphore_mem>>, %arg13: memref<!tpu.dma_semaphore, #tpu.memory_space<semaphore_mem>>, %arg14: memref<!tpu.dma_semaphore, #tpu.memory_space<semaphore_mem>>) attributes {dimension_semantics = [#tpu.dimension_semantics<core_parallel>, #tpu.dimension_semantics<subcore_parallel>], iteration_bounds = array<i64: 2, 16>, scalar_prefetch = 0 : i64, scratch_operands = 9 : i64, tpu.core_type = #tpu.core_type<sc_vector_subcore>, window_params = [{transform_indices = #map}, {transform_indices = #map}, {transform_indices = #map}, {transform_indices = #map1}]} {
    %eq3A = arith.constant 0 : i32
    %eq3A_0 = arith.cmpi eq, %arg0, %eq3A : i32
    %mul3A = arith.constant 288 : i32
    %mul3A_1 = arith.muli %arg1, %mul3A : i32
    %mul3A_2 = arith.constant 32 : i32
    %mul3A_3 = arith.muli %arg1, %mul3A_2 : i32
    %add3A = arith.constant 4608 : i32
    %add3A_4 = arith.addi %add3A, %mul3A_3 : i32
    %select_n3A = arith.select %eq3A_0, %mul3A_1, %add3A_4 : i32
    %eq3A_5 = arith.constant 0 : i32
    %eq3A_6 = arith.cmpi eq, %arg0, %eq3A_5 : i32
    %jit3A = arith.constant 36 : i32
    %jit3A_7 = arith.constant 4 : i32
    %select_n3A_8 = arith.select %eq3A_6, %jit3A, %jit3A_7 : i32
    %broadcast_in_dim3A = arith.constant 0.000000e+00 : f32
    %broadcast_in_dim3A_9 = vector.broadcast %broadcast_in_dim3A : f32 to vector<16xf32>
    %scan3A = arith.constant 0 : i32
    %scan3A_10 = arith.constant 0 : i32
    %scan3A_11 = arith.constant 64 : i32
    %scan3A_12 = arith.addi %scan3A_10, %scan3A_11 : i32
    %scan3A_13 = arith.constant 1 : i32
    scf.for %scan3A_87 = %scan3A_10 to %scan3A_12 step %scan3A_13  : i32 {
      %swap3A = arith.index_cast %scan3A_87 : i32 to index
      %swap3A_88 = arith.constant 0 : index
      %swap3A_89 = tpu.vector_load %arg8[%swap3A, %swap3A_88] {strides = array<i32>} : memref<64x128xf32, #tpu.memory_space<vmem>>, vector<1x16xf32>,
      %swap3A_90 = vector.shape_cast %swap3A_89 : vector<1x16xf32> to vector<16xf32>
      %swap3A_91 = vector.shape_cast %broadcast_in_dim3A_9 : vector<16xf32> to vector<1x16xf32>
      tpu.vector_store %arg8[%swap3A, %swap3A_88], %swap3A_91 {strides = array<i32>} : memref<64x128xf32, #tpu.memory_space<vmem>>, vector<1x16xf32>,
      %swap3A_92 = arith.index_cast %scan3A_87 : i32 to index
      %swap3A_93 = arith.constant 16 : index
      %swap3A_94 = tpu.vector_load %arg8[%swap3A_92, %swap3A_93] {strides = array<i32>} : memref<64x128xf32, #tpu.memory_space<vmem>>, vector<1x16xf32>,
      %swap3A_95 = vector.shape_cast %swap3A_94 : vector<1x16xf32> to vector<16xf32>
      %swap3A_96 = vector.shape_cast %broadcast_in_dim3A_9 : vector<16xf32> to vector<1x16xf32>
      tpu.vector_store %arg8[%swap3A_92, %swap3A_93], %swap3A_96 {strides = array<i32>} : memref<64x128xf32, #tpu.memory_space<vmem>>, vector<1x16xf32>,
      %swap3A_97 = arith.index_cast %scan3A_87 : i32 to index
      %swap3A_98 = arith.constant 32 : index
      %swap3A_99 = tpu.vector_load %arg8[%swap3A_97, %swap3A_98] {strides = array<i32>} : memref<64x128xf32, #tpu.memory_space<vmem>>, vector<1x16xf32>,
      %swap3A_100 = vector.shape_cast %swap3A_99 : vector<1x16xf32> to vector<16xf32>
      %swap3A_101 = vector.shape_cast %broadcast_in_dim3A_9 : vector<16xf32> to vector<1x16xf32>
      tpu.vector_store %arg8[%swap3A_97, %swap3A_98], %swap3A_101 {strides = array<i32>} : memref<64x128xf32, #tpu.memory_space<vmem>>, vector<1x16xf32>,
      %swap3A_102 = arith.index_cast %scan3A_87 : i32 to index
      %swap3A_103 = arith.constant 48 : index
      %swap3A_104 = tpu.vector_load %arg8[%swap3A_102, %swap3A_103] {strides = array<i32>} : memref<64x128xf32, #tpu.memory_space<vmem>>, vector<1x16xf32>,
      %swap3A_105 = vector.shape_cast %swap3A_104 : vector<1x16xf32> to vector<16xf32>
      %swap3A_106 = vector.shape_cast %broadcast_in_dim3A_9 : vector<16xf32> to vector<1x16xf32>
      tpu.vector_store %arg8[%swap3A_102, %swap3A_103], %swap3A_106 {strides = array<i32>} : memref<64x128xf32, #tpu.memory_space<vmem>>, vector<1x16xf32>,
      %swap3A_107 = arith.index_cast %scan3A_87 : i32 to index
      %swap3A_108 = arith.constant 64 : index
      %swap3A_109 = tpu.vector_load %arg8[%swap3A_107, %swap3A_108] {strides = array<i32>} : memref<64x128xf32, #tpu.memory_space<vmem>>, vector<1x16xf32>,
      %swap3A_110 = vector.shape_cast %swap3A_109 : vector<1x16xf32> to vector<16xf32>
      %swap3A_111 = vector.shape_cast %broadcast_in_dim3A_9 : vector<16xf32> to vector<1x16xf32>
      tpu.vector_store %arg8[%swap3A_107, %swap3A_108], %swap3A_111 {strides = array<i32>} : memref<64x128xf32, #tpu.memory_space<vmem>>, vector<1x16xf32>,
      %swap3A_112 = arith.index_cast %scan3A_87 : i32 to index
      %swap3A_113 = arith.constant 80 : index
      %swap3A_114 = tpu.vector_load %arg8[%swap3A_112, %swap3A_113] {strides = array<i32>} : memref<64x128xf32, #tpu.memory_space<vmem>>, vector<1x16xf32>,
      %swap3A_115 = vector.shape_cast %swap3A_114 : vector<1x16xf32> to vector<16xf32>
      %swap3A_116 = vector.shape_cast %broadcast_in_dim3A_9 : vector<16xf32> to vector<1x16xf32>
      tpu.vector_store %arg8[%swap3A_112, %swap3A_113], %swap3A_116 {strides = array<i32>} : memref<64x128xf32, #tpu.memory_space<vmem>>, vector<1x16xf32>,
      %swap3A_117 = arith.index_cast %scan3A_87 : i32 to index
      %swap3A_118 = arith.constant 96 : index
      %swap3A_119 = tpu.vector_load %arg8[%swap3A_117, %swap3A_118] {strides = array<i32>} : memref<64x128xf32, #tpu.memory_space<vmem>>, vector<1x16xf32>,
      %swap3A_120 = vector.shape_cast %swap3A_119 : vector<1x16xf32> to vector<16xf32>
      %swap3A_121 = vector.shape_cast %broadcast_in_dim3A_9 : vector<16xf32> to vector<1x16xf32>
      tpu.vector_store %arg8[%swap3A_117, %swap3A_118], %swap3A_121 {strides = array<i32>} : memref<64x128xf32, #tpu.memory_space<vmem>>, vector<1x16xf32>,
      %swap3A_122 = arith.index_cast %scan3A_87 : i32 to index
      %swap3A_123 = arith.constant 112 : index
      %swap3A_124 = tpu.vector_load %arg8[%swap3A_122, %swap3A_123] {strides = array<i32>} : memref<64x128xf32, #tpu.memory_space<vmem>>, vector<1x16xf32>,
      %swap3A_125 = vector.shape_cast %swap3A_124 : vector<1x16xf32> to vector<16xf32>
      %swap3A_126 = vector.shape_cast %broadcast_in_dim3A_9 : vector<16xf32> to vector<1x16xf32>
      tpu.vector_store %arg8[%swap3A_122, %swap3A_123], %swap3A_126 {strides = array<i32>} : memref<64x128xf32, #tpu.memory_space<vmem>>, vector<1x16xf32>,
    }
    %scan3A_14 = arith.constant 64 : i32
    %mul3A_15 = arith.constant 632 : i32
    %mul3A_16 = arith.muli %arg1, %mul3A_15 : i32
    %add3A_17 = arith.constant 0 : i32
    %add3A_18 = arith.addi %mul3A_16, %add3A_17 : i32
    "tpu.region"() ({
      %run_scoped3A = tpu.sem_alloc : memref<!tpu.dma_semaphore, #tpu.memory_space<semaphore_mem>>
      %dma_start3A = arith.constant 0 : i32
      %dma_start3A_87 = arith.constant 0 : i32
      %dma_start3A_88 = tpu.memref_slice %arg8[%dma_start3A, %dma_start3A_87] : memref<64x128xf32, #tpu.memory_space<vmem>> -> memref<64x128xf32, #tpu.memory_space<vmem>>
      %dma_start3A_89 = arith.constant 0 : i32
      %dma_start3A_90 = tpu.memref_slice %arg11[%add3A_18, %dma_start3A_89] : memref<10112x128xf32, #tpu.memory_space<vmem_shared>> -> memref<64x128xf32, #tpu.memory_space<vmem_shared>>
      %dma_start3A_91 = arith.constant 0 : i32
      %dma_start3A_92 = tpu.memref_slice %arg11[%add3A_18, %dma_start3A_91] : memref<10112x128xf32, #tpu.memory_space<vmem_shared>> -> memref<64x128xf32, #tpu.memory_space<vmem_shared>>
      %dma_start3A_93 = arith.constant 0 : i32
      %dma_start3A_94 = arith.constant 0 : i32
      %dma_start3A_95 = tpu.memref_slice %arg8[%dma_start3A_93, %dma_start3A_94] : memref<64x128xf32, #tpu.memory_space<vmem>> -> memref<64x128xf32, #tpu.memory_space<vmem>>
      tpu.enqueue_dma source(%dma_start3A_95 : memref<64x128xf32, #tpu.memory_space<vmem>>) target(%dma_start3A_92 : memref<64x128xf32, #tpu.memory_space<vmem_shared>>) target_semaphore(%run_scoped3A : memref<!tpu.dma_semaphore, #tpu.memory_space<semaphore_mem>>)
      %dma_wait3A = arith.constant 0 : i32
      %dma_wait3A_96 = arith.constant 0 : i32
      %dma_wait3A_97 = tpu.memref_slice %arg8[%dma_wait3A, %dma_wait3A_96] : memref<64x128xf32, #tpu.memory_space<vmem>> -> memref<64x128xf32, #tpu.memory_space<vmem>>
      %dma_wait3A_98 = arith.constant 0 : i32
      %dma_wait3A_99 = tpu.memref_slice %arg11[%add3A_18, %dma_wait3A_98] : memref<10112x128xf32, #tpu.memory_space<vmem_shared>> -> memref<64x128xf32, #tpu.memory_space<vmem_shared>>
      %dma_wait3A_100 = arith.constant 0 : i32
      %dma_wait3A_101 = tpu.memref_slice %arg11[%add3A_18, %dma_wait3A_100] : memref<10112x128xf32, #tpu.memory_space<vmem_shared>> -> memref<64x128xf32, #tpu.memory_space<vmem_shared>>
      %dma_wait3A_102 = arith.constant 0 : i32
      %dma_wait3A_103 = arith.constant 0 : i32
      %dma_wait3A_104 = tpu.memref_slice %arg8[%dma_wait3A_102, %dma_wait3A_103] : memref<64x128xf32, #tpu.memory_space<vmem>> -> memref<64x128xf32, #tpu.memory_space<vmem>>
      tpu.wait_dma2 semaphore(%run_scoped3A : memref<!tpu.dma_semaphore, #tpu.memory_space<semaphore_mem>>) src(%dma_wait3A_104 : memref<64x128xf32, #tpu.memory_space<vmem>>) dst(%dma_wait3A_101 : memref<64x128xf32, #tpu.memory_space<vmem_shared>>)
      tpu.yield
    }) : () -> ()
    %add3A_19 = arith.constant 64 : i32
    %add3A_20 = arith.addi %mul3A_16, %add3A_19 : i32
    "tpu.region"() ({
      %run_scoped3A = tpu.sem_alloc : memref<!tpu.dma_semaphore, #tpu.memory_space<semaphore_mem>>
      %dma_start3A = arith.constant 0 : i32
      %dma_start3A_87 = arith.constant 0 : i32
      %dma_start3A_88 = tpu.memref_slice %arg8[%dma_start3A, %dma_start3A_87] : memref<64x128xf32, #tpu.memory_space<vmem>> -> memref<64x128xf32, #tpu.memory_space<vmem>>
      %dma_start3A_89 = arith.constant 0 : i32
      %dma_start3A_90 = tpu.memref_slice %arg11[%add3A_20, %dma_start3A_89] : memref<10112x128xf32, #tpu.memory_space<vmem_shared>> -> memref<64x128xf32, #tpu.memory_space<vmem_shared>>
      %dma_start3A_91 = arith.constant 0 : i32
      %dma_start3A_92 = tpu.memref_slice %arg11[%add3A_20, %dma_start3A_91] : memref<10112x128xf32, #tpu.memory_space<vmem_shared>> -> memref<64x128xf32, #tpu.memory_space<vmem_shared>>
      %dma_start3A_93 = arith.constant 0 : i32
      %dma_start3A_94 = arith.constant 0 : i32
      %dma_start3A_95 = tpu.memref_slice %arg8[%dma_start3A_93, %dma_start3A_94] : memref<64x128xf32, #tpu.memory_space<vmem>> -> memref<64x128xf32, #tpu.memory_space<vmem>>
      tpu.enqueue_dma source(%dma_start3A_95 : memref<64x128xf32, #tpu.memory_space<vmem>>) target(%dma_start3A_92 : memref<64x128xf32, #tpu.memory_space<vmem_shared>>) target_semaphore(%run_scoped3A : memref<!tpu.dma_semaphore, #tpu.memory_space<semaphore_mem>>)
      %dma_wait3A = arith.constant 0 : i32
      %dma_wait3A_96 = arith.constant 0 : i32
      %dma_wait3A_97 = tpu.memref_slice %arg8[%dma_wait3A, %dma_wait3A_96] : memref<64x128xf32, #tpu.memory_space<vmem>> -> memref<64x128xf32, #tpu.memory_space<vmem>>
      %dma_wait3A_98 = arith.constant 0 : i32
      %dma_wait3A_99 = tpu.memref_slice %arg11[%add3A_20, %dma_wait3A_98] : memref<10112x128xf32, #tpu.memory_space<vmem_shared>> -> memref<64x128xf32, #tpu.memory_space<vmem_shared>>
      %dma_wait3A_100 = arith.constant 0 : i32
      %dma_wait3A_101 = tpu.memref_slice %arg11[%add3A_20, %dma_wait3A_100] : memref<10112x128xf32, #tpu.memory_space<vmem_shared>> -> memref<64x128xf32, #tpu.memory_space<vmem_shared>>
      %dma_wait3A_102 = arith.constant 0 : i32
      %dma_wait3A_103 = arith.constant 0 : i32
      %dma_wait3A_104 = tpu.memref_slice %arg8[%dma_wait3A_102, %dma_wait3A_103] : memref<64x128xf32, #tpu.memory_space<vmem>> -> memref<64x128xf32, #tpu.memory_space<vmem>>
      tpu.wait_dma2 semaphore(%run_scoped3A : memref<!tpu.dma_semaphore, #tpu.memory_space<semaphore_mem>>) src(%dma_wait3A_104 : memref<64x128xf32, #tpu.memory_space<vmem>>) dst(%dma_wait3A_101 : memref<64x128xf32, #tpu.memory_space<vmem_shared>>)
      tpu.yield
    }) : () -> ()
    %add3A_21 = arith.constant 128 : i32
    %add3A_22 = arith.addi %mul3A_16, %add3A_21 : i32
    "tpu.region"() ({
      %run_scoped3A = tpu.sem_alloc : memref<!tpu.dma_semaphore, #tpu.memory_space<semaphore_mem>>
      %dma_start3A = arith.constant 0 : i32
      %dma_start3A_87 = arith.constant 0 : i32
      %dma_start3A_88 = tpu.memref_slice %arg8[%dma_start3A, %dma_start3A_87] : memref<64x128xf32, #tpu.memory_space<vmem>> -> memref<64x128xf32, #tpu.memory_space<vmem>>
      %dma_start3A_89 = arith.constant 0 : i32
      %dma_start3A_90 = tpu.memref_slice %arg11[%add3A_22, %dma_start3A_89] : memref<10112x128xf32, #tpu.memory_space<vmem_shared>> -> memref<64x128xf32, #tpu.memory_space<vmem_shared>>
      %dma_start3A_91 = arith.constant 0 : i32
      %dma_start3A_92 = tpu.memref_slice %arg11[%add3A_22, %dma_start3A_91] : memref<10112x128xf32, #tpu.memory_space<vmem_shared>> -> memref<64x128xf32, #tpu.memory_space<vmem_shared>>
      %dma_start3A_93 = arith.constant 0 : i32
      %dma_start3A_94 = arith.constant 0 : i32
      %dma_start3A_95 = tpu.memref_slice %arg8[%dma_start3A_93, %dma_start3A_94] : memref<64x128xf32, #tpu.memory_space<vmem>> -> memref<64x128xf32, #tpu.memory_space<vmem>>
      tpu.enqueue_dma source(%dma_start3A_95 : memref<64x128xf32, #tpu.memory_space<vmem>>) target(%dma_start3A_92 : memref<64x128xf32, #tpu.memory_space<vmem_shared>>) target_semaphore(%run_scoped3A : memref<!tpu.dma_semaphore, #tpu.memory_space<semaphore_mem>>)
      %dma_wait3A = arith.constant 0 : i32
      %dma_wait3A_96 = arith.constant 0 : i32
      %dma_wait3A_97 = tpu.memref_slice %arg8[%dma_wait3A, %dma_wait3A_96] : memref<64x128xf32, #tpu.memory_space<vmem>> -> memref<64x128xf32, #tpu.memory_space<vmem>>
      %dma_wait3A_98 = arith.constant 0 : i32
      %dma_wait3A_99 = tpu.memref_slice %arg11[%add3A_22, %dma_wait3A_98] : memref<10112x128xf32, #tpu.memory_space<vmem_shared>> -> memref<64x128xf32, #tpu.memory_space<vmem_shared>>
      %dma_wait3A_100 = arith.constant 0 : i32
      %dma_wait3A_101 = tpu.memref_slice %arg11[%add3A_22, %dma_wait3A_100] : memref<10112x128xf32, #tpu.memory_space<vmem_shared>> -> memref<64x128xf32, #tpu.memory_space<vmem_shared>>
      %dma_wait3A_102 = arith.constant 0 : i32
      %dma_wait3A_103 = arith.constant 0 : i32
      %dma_wait3A_104 = tpu.memref_slice %arg8[%dma_wait3A_102, %dma_wait3A_103] : memref<64x128xf32, #tpu.memory_space<vmem>> -> memref<64x128xf32, #tpu.memory_space<vmem>>
      tpu.wait_dma2 semaphore(%run_scoped3A : memref<!tpu.dma_semaphore, #tpu.memory_space<semaphore_mem>>) src(%dma_wait3A_104 : memref<64x128xf32, #tpu.memory_space<vmem>>) dst(%dma_wait3A_101 : memref<64x128xf32, #tpu.memory_space<vmem_shared>>)
      tpu.yield
    }) : () -> ()
    %add3A_23 = arith.constant 192 : i32
    %add3A_24 = arith.addi %mul3A_16, %add3A_23 : i32
    "tpu.region"() ({
      %run_scoped3A = tpu.sem_alloc : memref<!tpu.dma_semaphore, #tpu.memory_space<semaphore_mem>>
      %dma_start3A = arith.constant 0 : i32
      %dma_start3A_87 = arith.constant 0 : i32
      %dma_start3A_88 = tpu.memref_slice %arg8[%dma_start3A, %dma_start3A_87] : memref<64x128xf32, #tpu.memory_space<vmem>> -> memref<64x128xf32, #tpu.memory_space<vmem>>
      %dma_start3A_89 = arith.constant 0 : i32
      %dma_start3A_90 = tpu.memref_slice %arg11[%add3A_24, %dma_start3A_89] : memref<10112x128xf32, #tpu.memory_space<vmem_shared>> -> memref<64x128xf32, #tpu.memory_space<vmem_shared>>
      %dma_start3A_91 = arith.constant 0 : i32
      %dma_start3A_92 = tpu.memref_slice %arg11[%add3A_24, %dma_start3A_91] : memref<10112x128xf32, #tpu.memory_space<vmem_shared>> -> memref<64x128xf32, #tpu.memory_space<vmem_shared>>
      %dma_start3A_93 = arith.constant 0 : i32
      %dma_start3A_94 = arith.constant 0 : i32
      %dma_start3A_95 = tpu.memref_slice %arg8[%dma_start3A_93, %dma_start3A_94] : memref<64x128xf32, #tpu.memory_space<vmem>> -> memref<64x128xf32, #tpu.memory_space<vmem>>
      tpu.enqueue_dma source(%dma_start3A_95 : memref<64x128xf32, #tpu.memory_space<vmem>>) target(%dma_start3A_92 : memref<64x128xf32, #tpu.memory_space<vmem_shared>>) target_semaphore(%run_scoped3A : memref<!tpu.dma_semaphore, #tpu.memory_space<semaphore_mem>>)
      %dma_wait3A = arith.constant 0 : i32
      %dma_wait3A_96 = arith.constant 0 : i32
      %dma_wait3A_97 = tpu.memref_slice %arg8[%dma_wait3A, %dma_wait3A_96] : memref<64x128xf32, #tpu.memory_space<vmem>> -> memref<64x128xf32, #tpu.memory_space<vmem>>
      %dma_wait3A_98 = arith.constant 0 : i32
      %dma_wait3A_99 = tpu.memref_slice %arg11[%add3A_24, %dma_wait3A_98] : memref<10112x128xf32, #tpu.memory_space<vmem_shared>> -> memref<64x128xf32, #tpu.memory_space<vmem_shared>>
      %dma_wait3A_100 = arith.constant 0 : i32
      %dma_wait3A_101 = tpu.memref_slice %arg11[%add3A_24, %dma_wait3A_100] : memref<10112x128xf32, #tpu.memory_space<vmem_shared>> -> memref<64x128xf32, #tpu.memory_space<vmem_shared>>
      %dma_wait3A_102 = arith.constant 0 : i32
      %dma_wait3A_103 = arith.constant 0 : i32
      %dma_wait3A_104 = tpu.memref_slice %arg8[%dma_wait3A_102, %dma_wait3A_103] : memref<64x128xf32, #tpu.memory_space<vmem>> -> memref<64x128xf32, #tpu.memory_space<vmem>>
      tpu.wait_dma2 semaphore(%run_scoped3A : memref<!tpu.dma_semaphore, #tpu.memory_space<semaphore_mem>>) src(%dma_wait3A_104 : memref<64x128xf32, #tpu.memory_space<vmem>>) dst(%dma_wait3A_101 : memref<64x128xf32, #tpu.memory_space<vmem_shared>>)
      tpu.yield
    }) : () -> ()
    %add3A_25 = arith.constant 256 : i32
    %add3A_26 = arith.addi %mul3A_16, %add3A_25 : i32
    "tpu.region"() ({
      %run_scoped3A = tpu.sem_alloc : memref<!tpu.dma_semaphore, #tpu.memory_space<semaphore_mem>>
      %dma_start3A = arith.constant 0 : i32
      %dma_start3A_87 = arith.constant 0 : i32
      %dma_start3A_88 = tpu.memref_slice %arg8[%dma_start3A, %dma_start3A_87] : memref<64x128xf32, #tpu.memory_space<vmem>> -> memref<64x128xf32, #tpu.memory_space<vmem>>
      %dma_start3A_89 = arith.constant 0 : i32
      %dma_start3A_90 = tpu.memref_slice %arg11[%add3A_26, %dma_start3A_89] : memref<10112x128xf32, #tpu.memory_space<vmem_shared>> -> memref<64x128xf32, #tpu.memory_space<vmem_shared>>
      %dma_start3A_91 = arith.constant 0 : i32
      %dma_start3A_92 = tpu.memref_slice %arg11[%add3A_26, %dma_start3A_91] : memref<10112x128xf32, #tpu.memory_space<vmem_shared>> -> memref<64x128xf32, #tpu.memory_space<vmem_shared>>
      %dma_start3A_93 = arith.constant 0 : i32
      %dma_start3A_94 = arith.constant 0 : i32
      %dma_start3A_95 = tpu.memref_slice %arg8[%dma_start3A_93, %dma_start3A_94] : memref<64x128xf32, #tpu.memory_space<vmem>> -> memref<64x128xf32, #tpu.memory_space<vmem>>
      tpu.enqueue_dma source(%dma_start3A_95 : memref<64x128xf32, #tpu.memory_space<vmem>>) target(%dma_start3A_92 : memref<64x128xf32, #tpu.memory_space<vmem_shared>>) target_semaphore(%run_scoped3A : memref<!tpu.dma_semaphore, #tpu.memory_space<semaphore_mem>>)
      %dma_wait3A = arith.constant 0 : i32
      %dma_wait3A_96 = arith.constant 0 : i32
      %dma_wait3A_97 = tpu.memref_slice %arg8[%dma_wait3A, %dma_wait3A_96] : memref<64x128xf32, #tpu.memory_space<vmem>> -> memref<64x128xf32, #tpu.memory_space<vmem>>
      %dma_wait3A_98 = arith.constant 0 : i32
      %dma_wait3A_99 = tpu.memref_slice %arg11[%add3A_26, %dma_wait3A_98] : memref<10112x128xf32, #tpu.memory_space<vmem_shared>> -> memref<64x128xf32, #tpu.memory_space<vmem_shared>>
      %dma_wait3A_100 = arith.constant 0 : i32
      %dma_wait3A_101 = tpu.memref_slice %arg11[%add3A_26, %dma_wait3A_100] : memref<10112x128xf32, #tpu.memory_space<vmem_shared>> -> memref<64x128xf32, #tpu.memory_space<vmem_shared>>
      %dma_wait3A_102 = arith.constant 0 : i32
      %dma_wait3A_103 = arith.constant 0 : i32
      %dma_wait3A_104 = tpu.memref_slice %arg8[%dma_wait3A_102, %dma_wait3A_103] : memref<64x128xf32, #tpu.memory_space<vmem>> -> memref<64x128xf32, #tpu.memory_space<vmem>>
      tpu.wait_dma2 semaphore(%run_scoped3A : memref<!tpu.dma_semaphore, #tpu.memory_space<semaphore_mem>>) src(%dma_wait3A_104 : memref<64x128xf32, #tpu.memory_space<vmem>>) dst(%dma_wait3A_101 : memref<64x128xf32, #tpu.memory_space<vmem_shared>>)
      tpu.yield
    }) : () -> ()
    %add3A_27 = arith.constant 320 : i32
    %add3A_28 = arith.addi %mul3A_16, %add3A_27 : i32
    "tpu.region"() ({
      %run_scoped3A = tpu.sem_alloc : memref<!tpu.dma_semaphore, #tpu.memory_space<semaphore_mem>>
      %dma_start3A = arith.constant 0 : i32
      %dma_start3A_87 = arith.constant 0 : i32
      %dma_start3A_88 = tpu.memref_slice %arg8[%dma_start3A, %dma_start3A_87] : memref<64x128xf32, #tpu.memory_space<vmem>> -> memref<64x128xf32, #tpu.memory_space<vmem>>
      %dma_start3A_89 = arith.constant 0 : i32
      %dma_start3A_90 = tpu.memref_slice %arg11[%add3A_28, %dma_start3A_89] : memref<10112x128xf32, #tpu.memory_space<vmem_shared>> -> memref<64x128xf32, #tpu.memory_space<vmem_shared>>
      %dma_start3A_91 = arith.constant 0 : i32
      %dma_start3A_92 = tpu.memref_slice %arg11[%add3A_28, %dma_start3A_91] : memref<10112x128xf32, #tpu.memory_space<vmem_shared>> -> memref<64x128xf32, #tpu.memory_space<vmem_shared>>
      %dma_start3A_93 = arith.constant 0 : i32
      %dma_start3A_94 = arith.constant 0 : i32
      %dma_start3A_95 = tpu.memref_slice %arg8[%dma_start3A_93, %dma_start3A_94] : memref<64x128xf32, #tpu.memory_space<vmem>> -> memref<64x128xf32, #tpu.memory_space<vmem>>
      tpu.enqueue_dma source(%dma_start3A_95 : memref<64x128xf32, #tpu.memory_space<vmem>>) target(%dma_start3A_92 : memref<64x128xf32, #tpu.memory_space<vmem_shared>>) target_semaphore(%run_scoped3A : memref<!tpu.dma_semaphore, #tpu.memory_space<semaphore_mem>>)
      %dma_wait3A = arith.constant 0 : i32
      %dma_wait3A_96 = arith.constant 0 : i32
      %dma_wait3A_97 = tpu.memref_slice %arg8[%dma_wait3A, %dma_wait3A_96] : memref<64x128xf32, #tpu.memory_space<vmem>> -> memref<64x128xf32, #tpu.memory_space<vmem>>
      %dma_wait3A_98 = arith.constant 0 : i32
      %dma_wait3A_99 = tpu.memref_slice %arg11[%add3A_28, %dma_wait3A_98] : memref<10112x128xf32, #tpu.memory_space<vmem_shared>> -> memref<64x128xf32, #tpu.memory_space<vmem_shared>>
      %dma_wait3A_100 = arith.constant 0 : i32
      %dma_wait3A_101 = tpu.memref_slice %arg11[%add3A_28, %dma_wait3A_100] : memref<10112x128xf32, #tpu.memory_space<vmem_shared>> -> memref<64x128xf32, #tpu.memory_space<vmem_shared>>
      %dma_wait3A_102 = arith.constant 0 : i32
      %dma_wait3A_103 = arith.constant 0 : i32
      %dma_wait3A_104 = tpu.memref_slice %arg8[%dma_wait3A_102, %dma_wait3A_103] : memref<64x128xf32, #tpu.memory_space<vmem>> -> memref<64x128xf32, #tpu.memory_space<vmem>>
      tpu.wait_dma2 semaphore(%run_scoped3A : memref<!tpu.dma_semaphore, #tpu.memory_space<semaphore_mem>>) src(%dma_wait3A_104 : memref<64x128xf32, #tpu.memory_space<vmem>>) dst(%dma_wait3A_101 : memref<64x128xf32, #tpu.memory_space<vmem_shared>>)
      tpu.yield
    }) : () -> ()
    %add3A_29 = arith.constant 384 : i32
    %add3A_30 = arith.addi %mul3A_16, %add3A_29 : i32
    "tpu.region"() ({
      %run_scoped3A = tpu.sem_alloc : memref<!tpu.dma_semaphore, #tpu.memory_space<semaphore_mem>>
      %dma_start3A = arith.constant 0 : i32
      %dma_start3A_87 = arith.constant 0 : i32
      %dma_start3A_88 = tpu.memref_slice %arg8[%dma_start3A, %dma_start3A_87] : memref<64x128xf32, #tpu.memory_space<vmem>> -> memref<64x128xf32, #tpu.memory_space<vmem>>
      %dma_start3A_89 = arith.constant 0 : i32
      %dma_start3A_90 = tpu.memref_slice %arg11[%add3A_30, %dma_start3A_89] : memref<10112x128xf32, #tpu.memory_space<vmem_shared>> -> memref<64x128xf32, #tpu.memory_space<vmem_shared>>
      %dma_start3A_91 = arith.constant 0 : i32
      %dma_start3A_92 = tpu.memref_slice %arg11[%add3A_30, %dma_start3A_91] : memref<10112x128xf32, #tpu.memory_space<vmem_shared>> -> memref<64x128xf32, #tpu.memory_space<vmem_shared>>
      %dma_start3A_93 = arith.constant 0 : i32
      %dma_start3A_94 = arith.constant 0 : i32
      %dma_start3A_95 = tpu.memref_slice %arg8[%dma_start3A_93, %dma_start3A_94] : memref<64x128xf32, #tpu.memory_space<vmem>> -> memref<64x128xf32, #tpu.memory_space<vmem>>
      tpu.enqueue_dma source(%dma_start3A_95 : memref<64x128xf32, #tpu.memory_space<vmem>>) target(%dma_start3A_92 : memref<64x128xf32, #tpu.memory_space<vmem_shared>>) target_semaphore(%run_scoped3A : memref<!tpu.dma_semaphore, #tpu.memory_space<semaphore_mem>>)
      %dma_wait3A = arith.constant 0 : i32
      %dma_wait3A_96 = arith.constant 0 : i32
      %dma_wait3A_97 = tpu.memref_slice %arg8[%dma_wait3A, %dma_wait3A_96] : memref<64x128xf32, #tpu.memory_space<vmem>> -> memref<64x128xf32, #tpu.memory_space<vmem>>
      %dma_wait3A_98 = arith.constant 0 : i32
      %dma_wait3A_99 = tpu.memref_slice %arg11[%add3A_30, %dma_wait3A_98] : memref<10112x128xf32, #tpu.memory_space<vmem_shared>> -> memref<64x128xf32, #tpu.memory_space<vmem_shared>>
      %dma_wait3A_100 = arith.constant 0 : i32
      %dma_wait3A_101 = tpu.memref_slice %arg11[%add3A_30, %dma_wait3A_100] : memref<10112x128xf32, #tpu.memory_space<vmem_shared>> -> memref<64x128xf32, #tpu.memory_space<vmem_shared>>
      %dma_wait3A_102 = arith.constant 0 : i32
      %dma_wait3A_103 = arith.constant 0 : i32
      %dma_wait3A_104 = tpu.memref_slice %arg8[%dma_wait3A_102, %dma_wait3A_103] : memref<64x128xf32, #tpu.memory_space<vmem>> -> memref<64x128xf32, #tpu.memory_space<vmem>>
      tpu.wait_dma2 semaphore(%run_scoped3A : memref<!tpu.dma_semaphore, #tpu.memory_space<semaphore_mem>>) src(%dma_wait3A_104 : memref<64x128xf32, #tpu.memory_space<vmem>>) dst(%dma_wait3A_101 : memref<64x128xf32, #tpu.memory_space<vmem_shared>>)
      tpu.yield
    }) : () -> ()
    %add3A_31 = arith.constant 448 : i32
    %add3A_32 = arith.addi %mul3A_16, %add3A_31 : i32
    "tpu.region"() ({
      %run_scoped3A = tpu.sem_alloc : memref<!tpu.dma_semaphore, #tpu.memory_space<semaphore_mem>>
      %dma_start3A = arith.constant 0 : i32
      %dma_start3A_87 = arith.constant 0 : i32
      %dma_start3A_88 = tpu.memref_slice %arg8[%dma_start3A, %dma_start3A_87] : memref<64x128xf32, #tpu.memory_space<vmem>> -> memref<64x128xf32, #tpu.memory_space<vmem>>
      %dma_start3A_89 = arith.constant 0 : i32
      %dma_start3A_90 = tpu.memref_slice %arg11[%add3A_32, %dma_start3A_89] : memref<10112x128xf32, #tpu.memory_space<vmem_shared>> -> memref<64x128xf32, #tpu.memory_space<vmem_shared>>
      %dma_start3A_91 = arith.constant 0 : i32
      %dma_start3A_92 = tpu.memref_slice %arg11[%add3A_32, %dma_start3A_91] : memref<10112x128xf32, #tpu.memory_space<vmem_shared>> -> memref<64x128xf32, #tpu.memory_space<vmem_shared>>
      %dma_start3A_93 = arith.constant 0 : i32
      %dma_start3A_94 = arith.constant 0 : i32
      %dma_start3A_95 = tpu.memref_slice %arg8[%dma_start3A_93, %dma_start3A_94] : memref<64x128xf32, #tpu.memory_space<vmem>> -> memref<64x128xf32, #tpu.memory_space<vmem>>
      tpu.enqueue_dma source(%dma_start3A_95 : memref<64x128xf32, #tpu.memory_space<vmem>>) target(%dma_start3A_92 : memref<64x128xf32, #tpu.memory_space<vmem_shared>>) target_semaphore(%run_scoped3A : memref<!tpu.dma_semaphore, #tpu.memory_space<semaphore_mem>>)
      %dma_wait3A = arith.constant 0 : i32
      %dma_wait3A_96 = arith.constant 0 : i32
      %dma_wait3A_97 = tpu.memref_slice %arg8[%dma_wait3A, %dma_wait3A_96] : memref<64x128xf32, #tpu.memory_space<vmem>> -> memref<64x128xf32, #tpu.memory_space<vmem>>
      %dma_wait3A_98 = arith.constant 0 : i32
      %dma_wait3A_99 = tpu.memref_slice %arg11[%add3A_32, %dma_wait3A_98] : memref<10112x128xf32, #tpu.memory_space<vmem_shared>> -> memref<64x128xf32, #tpu.memory_space<vmem_shared>>
      %dma_wait3A_100 = arith.constant 0 : i32
      %dma_wait3A_101 = tpu.memref_slice %arg11[%add3A_32, %dma_wait3A_100] : memref<10112x128xf32, #tpu.memory_space<vmem_shared>> -> memref<64x128xf32, #tpu.memory_space<vmem_shared>>
      %dma_wait3A_102 = arith.constant 0 : i32
      %dma_wait3A_103 = arith.constant 0 : i32
      %dma_wait3A_104 = tpu.memref_slice %arg8[%dma_wait3A_102, %dma_wait3A_103] : memref<64x128xf32, #tpu.memory_space<vmem>> -> memref<64x128xf32, #tpu.memory_space<vmem>>
      tpu.wait_dma2 semaphore(%run_scoped3A : memref<!tpu.dma_semaphore, #tpu.memory_space<semaphore_mem>>) src(%dma_wait3A_104 : memref<64x128xf32, #tpu.memory_space<vmem>>) dst(%dma_wait3A_101 : memref<64x128xf32, #tpu.memory_space<vmem_shared>>)
      tpu.yield
    }) : () -> ()
    %add3A_33 = arith.constant 512 : i32
    %add3A_34 = arith.addi %mul3A_16, %add3A_33 : i32
    "tpu.region"() ({
      %run_scoped3A = tpu.sem_alloc : memref<!tpu.dma_semaphore, #tpu.memory_space<semaphore_mem>>
      %dma_start3A = arith.constant 0 : i32
      %dma_start3A_87 = arith.constant 0 : i32
      %dma_start3A_88 = tpu.memref_slice %arg8[%dma_start3A, %dma_start3A_87] : memref<64x128xf32, #tpu.memory_space<vmem>> -> memref<64x128xf32, #tpu.memory_space<vmem>>
      %dma_start3A_89 = arith.constant 0 : i32
      %dma_start3A_90 = tpu.memref_slice %arg11[%add3A_34, %dma_start3A_89] : memref<10112x128xf32, #tpu.memory_space<vmem_shared>> -> memref<64x128xf32, #tpu.memory_space<vmem_shared>>
      %dma_start3A_91 = arith.constant 0 : i32
      %dma_start3A_92 = tpu.memref_slice %arg11[%add3A_34, %dma_start3A_91] : memref<10112x128xf32, #tpu.memory_space<vmem_shared>> -> memref<64x128xf32, #tpu.memory_space<vmem_shared>>
      %dma_start3A_93 = arith.constant 0 : i32
      %dma_start3A_94 = arith.constant 0 : i32
      %dma_start3A_95 = tpu.memref_slice %arg8[%dma_start3A_93, %dma_start3A_94] : memref<64x128xf32, #tpu.memory_space<vmem>> -> memref<64x128xf32, #tpu.memory_space<vmem>>
      tpu.enqueue_dma source(%dma_start3A_95 : memref<64x128xf32, #tpu.memory_space<vmem>>) target(%dma_start3A_92 : memref<64x128xf32, #tpu.memory_space<vmem_shared>>) target_semaphore(%run_scoped3A : memref<!tpu.dma_semaphore, #tpu.memory_space<semaphore_mem>>)
      %dma_wait3A = arith.constant 0 : i32
      %dma_wait3A_96 = arith.constant 0 : i32
      %dma_wait3A_97 = tpu.memref_slice %arg8[%dma_wait3A, %dma_wait3A_96] : memref<64x128xf32, #tpu.memory_space<vmem>> -> memref<64x128xf32, #tpu.memory_space<vmem>>
      %dma_wait3A_98 = arith.constant 0 : i32
      %dma_wait3A_99 = tpu.memref_slice %arg11[%add3A_34, %dma_wait3A_98] : memref<10112x128xf32, #tpu.memory_space<vmem_shared>> -> memref<64x128xf32, #tpu.memory_space<vmem_shared>>
      %dma_wait3A_100 = arith.constant 0 : i32
      %dma_wait3A_101 = tpu.memref_slice %arg11[%add3A_34, %dma_wait3A_100] : memref<10112x128xf32, #tpu.memory_space<vmem_shared>> -> memref<64x128xf32, #tpu.memory_space<vmem_shared>>
      %dma_wait3A_102 = arith.constant 0 : i32
      %dma_wait3A_103 = arith.constant 0 : i32
      %dma_wait3A_104 = tpu.memref_slice %arg8[%dma_wait3A_102, %dma_wait3A_103] : memref<64x128xf32, #tpu.memory_space<vmem>> -> memref<64x128xf32, #tpu.memory_space<vmem>>
      tpu.wait_dma2 semaphore(%run_scoped3A : memref<!tpu.dma_semaphore, #tpu.memory_space<semaphore_mem>>) src(%dma_wait3A_104 : memref<64x128xf32, #tpu.memory_space<vmem>>) dst(%dma_wait3A_101 : memref<64x128xf32, #tpu.memory_space<vmem_shared>>)
      tpu.yield
    }) : () -> ()
    %add3A_35 = arith.constant 576 : i32
    %add3A_36 = arith.addi %mul3A_16, %add3A_35 : i32
    "tpu.region"() ({
      %run_scoped3A = tpu.sem_alloc : memref<!tpu.dma_semaphore, #tpu.memory_space<semaphore_mem>>
      %dma_start3A = arith.constant 0 : i32
      %dma_start3A_87 = arith.constant 0 : i32
      %dma_start3A_88 = tpu.memref_slice %arg8[%dma_start3A, %dma_start3A_87] : memref<64x128xf32, #tpu.memory_space<vmem>> -> memref<56x128xf32, #tpu.memory_space<vmem>>
      %dma_start3A_89 = arith.constant 0 : i32
      %dma_start3A_90 = tpu.memref_slice %arg11[%add3A_36, %dma_start3A_89] : memref<10112x128xf32, #tpu.memory_space<vmem_shared>> -> memref<56x128xf32, #tpu.memory_space<vmem_shared>>
      %dma_start3A_91 = arith.constant 0 : i32
      %dma_start3A_92 = tpu.memref_slice %arg11[%add3A_36, %dma_start3A_91] : memref<10112x128xf32, #tpu.memory_space<vmem_shared>> -> memref<56x128xf32, #tpu.memory_space<vmem_shared>>
      %dma_start3A_93 = arith.constant 0 : i32
      %dma_start3A_94 = arith.constant 0 : i32
      %dma_start3A_95 = tpu.memref_slice %arg8[%dma_start3A_93, %dma_start3A_94] : memref<64x128xf32, #tpu.memory_space<vmem>> -> memref<56x128xf32, #tpu.memory_space<vmem>>
      tpu.enqueue_dma source(%dma_start3A_95 : memref<56x128xf32, #tpu.memory_space<vmem>>) target(%dma_start3A_92 : memref<56x128xf32, #tpu.memory_space<vmem_shared>>) target_semaphore(%run_scoped3A : memref<!tpu.dma_semaphore, #tpu.memory_space<semaphore_mem>>)
      %dma_wait3A = arith.constant 0 : i32
      %dma_wait3A_96 = arith.constant 0 : i32
      %dma_wait3A_97 = tpu.memref_slice %arg8[%dma_wait3A, %dma_wait3A_96] : memref<64x128xf32, #tpu.memory_space<vmem>> -> memref<56x128xf32, #tpu.memory_space<vmem>>
      %dma_wait3A_98 = arith.constant 0 : i32
      %dma_wait3A_99 = tpu.memref_slice %arg11[%add3A_36, %dma_wait3A_98] : memref<10112x128xf32, #tpu.memory_space<vmem_shared>> -> memref<56x128xf32, #tpu.memory_space<vmem_shared>>
      %dma_wait3A_100 = arith.constant 0 : i32
      %dma_wait3A_101 = tpu.memref_slice %arg11[%add3A_36, %dma_wait3A_100] : memref<10112x128xf32, #tpu.memory_space<vmem_shared>> -> memref<56x128xf32, #tpu.memory_space<vmem_shared>>
      %dma_wait3A_102 = arith.constant 0 : i32
      %dma_wait3A_103 = arith.constant 0 : i32
      %dma_wait3A_104 = tpu.memref_slice %arg8[%dma_wait3A_102, %dma_wait3A_103] : memref<64x128xf32, #tpu.memory_space<vmem>> -> memref<56x128xf32, #tpu.memory_space<vmem>>
      tpu.wait_dma2 semaphore(%run_scoped3A : memref<!tpu.dma_semaphore, #tpu.memory_space<semaphore_mem>>) src(%dma_wait3A_104 : memref<56x128xf32, #tpu.memory_space<vmem>>) dst(%dma_wait3A_101 : memref<56x128xf32, #tpu.memory_space<vmem_shared>>)
      tpu.yield
    }) : () -> ()
    %barrier3A = arith.constant 0 : index
    tpu.barrier barrier_id(%barrier3A)
    %while3A = arith.constant 0 : i32
    %while3A_37 = arith.constant 0 : i32
    %while3A_38 = arith.subi %select_n3A_8, %while3A_37 : i32
    %while3A_39 = arith.addi %while3A_37, %while3A_38 : i32
    %while3A_40 = arith.constant 1 : i32
    %while3A_41 = arith.divsi %while3A_38, %while3A_40 : i32
    %while3A_42 = arith.muli %while3A_41, %while3A_40 : i32
    %while3A_43 = arith.addi %while3A_37, %while3A_42 : i32
    %while3A_44 = arith.constant 1 : i32
    scf.for %while3A_87 = %while3A_37 to %while3A_43 step %while3A_44  : i32 {
      %mul3A_88 = arith.constant 8 : i32
      %mul3A_89 = arith.muli %while3A_87, %mul3A_88 : i32
      %add3A_90 = arith.addi %select_n3A, %mul3A_89 : i32
      %multiple_of3A = tpu.assume_multiple %add3A_90, 8 : i32
      "tpu.region"() ({
        %run_scoped3A_208 = tpu.sem_alloc : memref<!tpu.dma_semaphore, #tpu.memory_space<semaphore_mem>>
        %dma_start3A_209 = arith.constant 0 : i32
        %dma_start3A_210 = tpu.memref_slice %arg3[%multiple_of3A, %dma_start3A_209] : memref<5120x64xi32, #tpu.memory_space<hbm>> -> memref<8x64xi32, #tpu.memory_space<hbm>>
        %dma_start3A_211 = arith.constant 0 : i32
        %dma_start3A_212 = tpu.memref_slice %arg3[%multiple_of3A, %dma_start3A_211] : memref<5120x64xi32, #tpu.memory_space<hbm>> -> memref<8x64xi32, #tpu.memory_space<hbm>>
        tpu.enqueue_dma source(%dma_start3A_212 : memref<8x64xi32, #tpu.memory_space<hbm>>) target(%arg6 : memref<8x64xi32, #tpu.memory_space<vmem>>) target_semaphore(%run_scoped3A_208 : memref<!tpu.dma_semaphore, #tpu.memory_space<semaphore_mem>>)
        %dma_wait3A_213 = arith.constant 0 : i32
        %dma_wait3A_214 = tpu.memref_slice %arg3[%multiple_of3A, %dma_wait3A_213] : memref<5120x64xi32, #tpu.memory_space<hbm>> -> memref<8x64xi32, #tpu.memory_space<hbm>>
        %dma_wait3A_215 = arith.constant 0 : i32
        %dma_wait3A_216 = tpu.memref_slice %arg3[%multiple_of3A, %dma_wait3A_215] : memref<5120x64xi32, #tpu.memory_space<hbm>> -> memref<8x64xi32, #tpu.memory_space<hbm>>
        tpu.wait_dma2 semaphore(%run_scoped3A_208 : memref<!tpu.dma_semaphore, #tpu.memory_space<semaphore_mem>>) src(%dma_wait3A_216 : memref<8x64xi32, #tpu.memory_space<hbm>>) dst(%arg6 : memref<8x64xi32, #tpu.memory_space<vmem>>)
        tpu.yield
      }) : () -> ()
      "tpu.region"() ({
        %run_scoped3A_208 = tpu.sem_alloc : memref<!tpu.dma_semaphore, #tpu.memory_space<semaphore_mem>>
        %dma_start3A_209 = arith.constant 0 : i32
        %dma_start3A_210 = tpu.memref_slice %arg4[%multiple_of3A, %dma_start3A_209] : memref<5120x64xi32, #tpu.memory_space<hbm>> -> memref<8x64xi32, #tpu.memory_space<hbm>>
        %dma_start3A_211 = arith.constant 0 : i32
        %dma_start3A_212 = tpu.memref_slice %arg4[%multiple_of3A, %dma_start3A_211] : memref<5120x64xi32, #tpu.memory_space<hbm>> -> memref<8x64xi32, #tpu.memory_space<hbm>>
        tpu.enqueue_dma source(%dma_start3A_212 : memref<8x64xi32, #tpu.memory_space<hbm>>) target(%arg7 : memref<8x64xi32, #tpu.memory_space<vmem>>) target_semaphore(%run_scoped3A_208 : memref<!tpu.dma_semaphore, #tpu.memory_space<semaphore_mem>>)
        %dma_wait3A_213 = arith.constant 0 : i32
        %dma_wait3A_214 = tpu.memref_slice %arg4[%multiple_of3A, %dma_wait3A_213] : memref<5120x64xi32, #tpu.memory_space<hbm>> -> memref<8x64xi32, #tpu.memory_space<hbm>>
        %dma_wait3A_215 = arith.constant 0 : i32
        %dma_wait3A_216 = tpu.memref_slice %arg4[%multiple_of3A, %dma_wait3A_215] : memref<5120x64xi32, #tpu.memory_space<hbm>> -> memref<8x64xi32, #tpu.memory_space<hbm>>
        tpu.wait_dma2 semaphore(%run_scoped3A_208 : memref<!tpu.dma_semaphore, #tpu.memory_space<semaphore_mem>>) src(%dma_wait3A_216 : memref<8x64xi32, #tpu.memory_space<hbm>>) dst(%arg7 : memref<8x64xi32, #tpu.memory_space<vmem>>)
        tpu.yield
      }) : () -> ()
      %dma_start3A = arith.constant 0 : i32
      %dma_start3A_91 = arith.constant 0 : i32
      %dma_start3A_92 = tpu.memref_slice %arg6[%dma_start3A, %dma_start3A_91] : memref<8x64xi32, #tpu.memory_space<vmem>> -> memref<1x64xi32, #tpu.memory_space<vmem>>
      %dma_start3A_93 = tpu.memref_squeeze %dma_start3A_92 : memref<1x64xi32, #tpu.memory_space<vmem>> -> memref<64xi32, #tpu.memory_space<vmem>>
      %dma_start3A_94 = arith.constant 0 : i32
      %dma_start3A_95 = arith.constant 0 : i32
      %dma_start3A_96 = tpu.memref_slice %arg2[%dma_start3A_94, %dma_start3A_95] : memref<10000x128xf32, #tpu.memory_space<hbm>> -> memref<10000x128xf32, #tpu.memory_space<hbm>>
      tpu.enqueue_indirect_dma source(%dma_start3A_96 : memref<10000x128xf32, #tpu.memory_space<hbm>>) target(%arg8 : memref<64x128xf32, #tpu.memory_space<vmem>>) offsets(%dma_start3A_93 : memref<64xi32, #tpu.memory_space<vmem>>) semaphore(%arg12 : memref<!tpu.dma_semaphore, #tpu.memory_space<semaphore_mem>>)
      %dma_start3A_97 = arith.constant 1 : i32
      %dma_start3A_98 = arith.constant 0 : i32
      %dma_start3A_99 = tpu.memref_slice %arg6[%dma_start3A_97, %dma_start3A_98] : memref<8x64xi32, #tpu.memory_space<vmem>> -> memref<1x64xi32, #tpu.memory_space<vmem>>
      %dma_start3A_100 = tpu.memref_squeeze %dma_start3A_99 : memref<1x64xi32, #tpu.memory_space<vmem>> -> memref<64xi32, #tpu.memory_space<vmem>>
      %dma_start3A_101 = arith.constant 0 : i32
      %dma_start3A_102 = arith.constant 0 : i32
      %dma_start3A_103 = tpu.memref_slice %arg2[%dma_start3A_101, %dma_start3A_102] : memref<10000x128xf32, #tpu.memory_space<hbm>> -> memref<10000x128xf32, #tpu.memory_space<hbm>>
      tpu.enqueue_indirect_dma source(%dma_start3A_103 : memref<10000x128xf32, #tpu.memory_space<hbm>>) target(%arg9 : memref<64x128xf32, #tpu.memory_space<vmem>>) offsets(%dma_start3A_100 : memref<64xi32, #tpu.memory_space<vmem>>) semaphore(%arg13 : memref<!tpu.dma_semaphore, #tpu.memory_space<semaphore_mem>>)
      %dma_start3A_104 = arith.constant 2 : i32
      %dma_start3A_105 = arith.constant 0 : i32
      %dma_start3A_106 = tpu.memref_slice %arg6[%dma_start3A_104, %dma_start3A_105] : memref<8x64xi32, #tpu.memory_space<vmem>> -> memref<1x64xi32, #tpu.memory_space<vmem>>
      %dma_start3A_107 = tpu.memref_squeeze %dma_start3A_106 : memref<1x64xi32, #tpu.memory_space<vmem>> -> memref<64xi32, #tpu.memory_space<vmem>>
      %dma_start3A_108 = arith.constant 0 : i32
      %dma_start3A_109 = arith.constant 0 : i32
      %dma_start3A_110 = tpu.memref_slice %arg2[%dma_start3A_108, %dma_start3A_109] : memref<10000x128xf32, #tpu.memory_space<hbm>> -> memref<10000x128xf32, #tpu.memory_space<hbm>>
      tpu.enqueue_indirect_dma source(%dma_start3A_110 : memref<10000x128xf32, #tpu.memory_space<hbm>>) target(%arg10 : memref<64x128xf32, #tpu.memory_space<vmem>>) offsets(%dma_start3A_107 : memref<64xi32, #tpu.memory_space<vmem>>) semaphore(%arg14 : memref<!tpu.dma_semaphore, #tpu.memory_space<semaphore_mem>>)
      %dma_wait3A = arith.constant 0 : i32
      %dma_wait3A_111 = arith.constant 0 : i32
      %dma_wait3A_112 = tpu.memref_slice %arg6[%dma_wait3A, %dma_wait3A_111] : memref<8x64xi32, #tpu.memory_space<vmem>> -> memref<1x64xi32, #tpu.memory_space<vmem>>
      %dma_wait3A_113 = tpu.memref_squeeze %dma_wait3A_112 : memref<1x64xi32, #tpu.memory_space<vmem>> -> memref<64xi32, #tpu.memory_space<vmem>>
      %dma_wait3A_114 = arith.constant 0 : i32
      %dma_wait3A_115 = arith.constant 0 : i32
      %dma_wait3A_116 = tpu.memref_slice %arg2[%dma_wait3A_114, %dma_wait3A_115] : memref<10000x128xf32, #tpu.memory_space<hbm>> -> memref<10000x128xf32, #tpu.memory_space<hbm>>
      tpu.wait_indirect_dma semaphore(%arg12 : memref<!tpu.dma_semaphore, #tpu.memory_space<semaphore_mem>>) src(%dma_wait3A_116 : memref<10000x128xf32, #tpu.memory_space<hbm>>) dst(%arg8 : memref<64x128xf32, #tpu.memory_space<vmem>>)
      %run_scoped3A = arith.constant 0 : i32
      "tpu.region"() ({
        %run_scoped3A_208 = tpu.sem_alloc : memref<!tpu.dma_semaphore, #tpu.memory_space<semaphore_mem>>
        %dma_start3A_209 = arith.constant 0 : i32
        %dma_start3A_210 = tpu.memref_slice %arg7[%run_scoped3A, %dma_start3A_209] : memref<8x64xi32, #tpu.memory_space<vmem>> -> memref<1x64xi32, #tpu.memory_space<vmem>>
        %dma_start3A_211 = tpu.memref_squeeze %dma_start3A_210 : memref<1x64xi32, #tpu.memory_space<vmem>> -> memref<64xi32, #tpu.memory_space<vmem>>
        %dma_start3A_212 = arith.constant 0 : i32
        %dma_start3A_213 = arith.constant 0 : i32
        %dma_start3A_214 = tpu.memref_slice %arg11[%dma_start3A_212, %dma_start3A_213] : memref<10112x128xf32, #tpu.memory_space<vmem_shared>> -> memref<10112x128xf32, #tpu.memory_space<vmem_shared>>
        tpu.enqueue_indirect_dma source(%arg8 : memref<64x128xf32, #tpu.memory_space<vmem>>) target(%dma_start3A_214 : memref<10112x128xf32, #tpu.memory_space<vmem_shared>>) offsets(%dma_start3A_211 : memref<64xi32, #tpu.memory_space<vmem>>) semaphore(%run_scoped3A_208 : memref<!tpu.dma_semaphore, #tpu.memory_space<semaphore_mem>>) {add = true}
        %dma_wait3A_215 = arith.constant 0 : i32
        %dma_wait3A_216 = tpu.memref_slice %arg7[%run_scoped3A, %dma_wait3A_215] : memref<8x64xi32, #tpu.memory_space<vmem>> -> memref<1x64xi32, #tpu.memory_space<vmem>>
        %dma_wait3A_217 = tpu.memref_squeeze %dma_wait3A_216 : memref<1x64xi32, #tpu.memory_space<vmem>> -> memref<64xi32, #tpu.memory_space<vmem>>
        %dma_wait3A_218 = arith.constant 0 : i32
        %dma_wait3A_219 = arith.constant 0 : i32
        %dma_wait3A_220 = tpu.memref_slice %arg11[%dma_wait3A_218, %dma_wait3A_219] : memref<10112x128xf32, #tpu.memory_space<vmem_shared>> -> memref<10112x128xf32, #tpu.memory_space<vmem_shared>>
        tpu.wait_indirect_dma semaphore(%run_scoped3A_208 : memref<!tpu.dma_semaphore, #tpu.memory_space<semaphore_mem>>) src(%arg8 : memref<64x128xf32, #tpu.memory_space<vmem>>) dst(%dma_wait3A_220 : memref<10112x128xf32, #tpu.memory_space<vmem_shared>>)
        tpu.yield
      }) : () -> ()
      %dma_start3A_117 = arith.constant 3 : i32
      %dma_start3A_118 = arith.constant 0 : i32
      %dma_start3A_119 = tpu.memref_slice %arg6[%dma_start3A_117, %dma_start3A_118] : memref<8x64xi32, #tpu.memory_space<vmem>> -> memref<1x64xi32, #tpu.memory_space<vmem>>
      %dma_start3A_120 = tpu.memref_squeeze %dma_start3A_119 : memref<1x64xi32, #tpu.memory_space<vmem>> -> memref<64xi32, #tpu.memory_space<vmem>>
      %dma_start3A_121 = arith.constant 0 : i32
      %dma_start3A_122 = arith.constant 0 : i32
      %dma_start3A_123 = tpu.memref_slice %arg2[%dma_start3A_121, %dma_start3A_122] : memref<10000x128xf32, #tpu.memory_space<hbm>> -> memref<10000x128xf32, #tpu.memory_space<hbm>>
      tpu.enqueue_indirect_dma source(%dma_start3A_123 : memref<10000x128xf32, #tpu.memory_space<hbm>>) target(%arg8 : memref<64x128xf32, #tpu.memory_space<vmem>>) offsets(%dma_start3A_120 : memref<64xi32, #tpu.memory_space<vmem>>) semaphore(%arg12 : memref<!tpu.dma_semaphore, #tpu.memory_space<semaphore_mem>>)
      %dma_wait3A_124 = arith.constant 1 : i32
      %dma_wait3A_125 = arith.constant 0 : i32
      %dma_wait3A_126 = tpu.memref_slice %arg6[%dma_wait3A_124, %dma_wait3A_125] : memref<8x64xi32, #tpu.memory_space<vmem>> -> memref<1x64xi32, #tpu.memory_space<vmem>>
      %dma_wait3A_127 = tpu.memref_squeeze %dma_wait3A_126 : memref<1x64xi32, #tpu.memory_space<vmem>> -> memref<64xi32, #tpu.memory_space<vmem>>
      %dma_wait3A_128 = arith.constant 0 : i32
      %dma_wait3A_129 = arith.constant 0 : i32
      %dma_wait3A_130 = tpu.memref_slice %arg2[%dma_wait3A_128, %dma_wait3A_129] : memref<10000x128xf32, #tpu.memory_space<hbm>> -> memref<10000x128xf32, #tpu.memory_space<hbm>>
      tpu.wait_indirect_dma semaphore(%arg13 : memref<!tpu.dma_semaphore, #tpu.memory_space<semaphore_mem>>) src(%dma_wait3A_130 : memref<10000x128xf32, #tpu.memory_space<hbm>>) dst(%arg9 : memref<64x128xf32, #tpu.memory_space<vmem>>)
      %run_scoped3A_131 = arith.constant 1 : i32
      "tpu.region"() ({
        %run_scoped3A_208 = tpu.sem_alloc : memref<!tpu.dma_semaphore, #tpu.memory_space<semaphore_mem>>
        %dma_start3A_209 = arith.constant 0 : i32
        %dma_start3A_210 = tpu.memref_slice %arg7[%run_scoped3A_131, %dma_start3A_209] : memref<8x64xi32, #tpu.memory_space<vmem>> -> memref<1x64xi32, #tpu.memory_space<vmem>>
        %dma_start3A_211 = tpu.memref_squeeze %dma_start3A_210 : memref<1x64xi32, #tpu.memory_space<vmem>> -> memref<64xi32, #tpu.memory_space<vmem>>
        %dma_start3A_212 = arith.constant 0 : i32
        %dma_start3A_213 = arith.constant 0 : i32
        %dma_start3A_214 = tpu.memref_slice %arg11[%dma_start3A_212, %dma_start3A_213] : memref<10112x128xf32, #tpu.memory_space<vmem_shared>> -> memref<10112x128xf32, #tpu.memory_space<vmem_shared>>
        tpu.enqueue_indirect_dma source(%arg9 : memref<64x128xf32, #tpu.memory_space<vmem>>) target(%dma_start3A_214 : memref<10112x128xf32, #tpu.memory_space<vmem_shared>>) offsets(%dma_start3A_211 : memref<64xi32, #tpu.memory_space<vmem>>) semaphore(%run_scoped3A_208 : memref<!tpu.dma_semaphore, #tpu.memory_space<semaphore_mem>>) {add = true}
        %dma_wait3A_215 = arith.constant 0 : i32
        %dma_wait3A_216 = tpu.memref_slice %arg7[%run_scoped3A_131, %dma_wait3A_215] : memref<8x64xi32, #tpu.memory_space<vmem>> -> memref<1x64xi32, #tpu.memory_space<vmem>>
        %dma_wait3A_217 = tpu.memref_squeeze %dma_wait3A_216 : memref<1x64xi32, #tpu.memory_space<vmem>> -> memref<64xi32, #tpu.memory_space<vmem>>
        %dma_wait3A_218 = arith.constant 0 : i32
        %dma_wait3A_219 = arith.constant 0 : i32
        %dma_wait3A_220 = tpu.memref_slice %arg11[%dma_wait3A_218, %dma_wait3A_219] : memref<10112x128xf32, #tpu.memory_space<vmem_shared>> -> memref<10112x128xf32, #tpu.memory_space<vmem_shared>>
        tpu.wait_indirect_dma semaphore(%run_scoped3A_208 : memref<!tpu.dma_semaphore, #tpu.memory_space<semaphore_mem>>) src(%arg9 : memref<64x128xf32, #tpu.memory_space<vmem>>) dst(%dma_wait3A_220 : memref<10112x128xf32, #tpu.memory_space<vmem_shared>>)
        tpu.yield
      }) : () -> ()
      %dma_start3A_132 = arith.constant 4 : i32
      %dma_start3A_133 = arith.constant 0 : i32
      %dma_start3A_134 = tpu.memref_slice %arg6[%dma_start3A_132, %dma_start3A_133] : memref<8x64xi32, #tpu.memory_space<vmem>> -> memref<1x64xi32, #tpu.memory_space<vmem>>
      %dma_start3A_135 = tpu.memref_squeeze %dma_start3A_134 : memref<1x64xi32, #tpu.memory_space<vmem>> -> memref<64xi32, #tpu.memory_space<vmem>>
      %dma_start3A_136 = arith.constant 0 : i32
      %dma_start3A_137 = arith.constant 0 : i32
      %dma_start3A_138 = tpu.memref_slice %arg2[%dma_start3A_136, %dma_start3A_137] : memref<10000x128xf32, #tpu.memory_space<hbm>> -> memref<10000x128xf32, #tpu.memory_space<hbm>>
      tpu.enqueue_indirect_dma source(%dma_start3A_138 : memref<10000x128xf32, #tpu.memory_space<hbm>>) target(%arg9 : memref<64x128xf32, #tpu.memory_space<vmem>>) offsets(%dma_start3A_135 : memref<64xi32, #tpu.memory_space<vmem>>) semaphore(%arg13 : memref<!tpu.dma_semaphore, #tpu.memory_space<semaphore_mem>>)
      %dma_wait3A_139 = arith.constant 2 : i32
      %dma_wait3A_140 = arith.constant 0 : i32
      %dma_wait3A_141 = tpu.memref_slice %arg6[%dma_wait3A_139, %dma_wait3A_140] : memref<8x64xi32, #tpu.memory_space<vmem>> -> memref<1x64xi32, #tpu.memory_space<vmem>>
      %dma_wait3A_142 = tpu.memref_squeeze %dma_wait3A_141 : memref<1x64xi32, #tpu.memory_space<vmem>> -> memref<64xi32, #tpu.memory_space<vmem>>
      %dma_wait3A_143 = arith.constant 0 : i32
      %dma_wait3A_144 = arith.constant 0 : i32
      %dma_wait3A_145 = tpu.memref_slice %arg2[%dma_wait3A_143, %dma_wait3A_144] : memref<10000x128xf32, #tpu.memory_space<hbm>> -> memref<10000x128xf32, #tpu.memory_space<hbm>>
      tpu.wait_indirect_dma semaphore(%arg14 : memref<!tpu.dma_semaphore, #tpu.memory_space<semaphore_mem>>) src(%dma_wait3A_145 : memref<10000x128xf32, #tpu.memory_space<hbm>>) dst(%arg10 : memref<64x128xf32, #tpu.memory_space<vmem>>)
      %run_scoped3A_146 = arith.constant 2 : i32
      "tpu.region"() ({
        %run_scoped3A_208 = tpu.sem_alloc : memref<!tpu.dma_semaphore, #tpu.memory_space<semaphore_mem>>
        %dma_start3A_209 = arith.constant 0 : i32
        %dma_start3A_210 = tpu.memref_slice %arg7[%run_scoped3A_146, %dma_start3A_209] : memref<8x64xi32, #tpu.memory_space<vmem>> -> memref<1x64xi32, #tpu.memory_space<vmem>>
        %dma_start3A_211 = tpu.memref_squeeze %dma_start3A_210 : memref<1x64xi32, #tpu.memory_space<vmem>> -> memref<64xi32, #tpu.memory_space<vmem>>
        %dma_start3A_212 = arith.constant 0 : i32
        %dma_start3A_213 = arith.constant 0 : i32
        %dma_start3A_214 = tpu.memref_slice %arg11[%dma_start3A_212, %dma_start3A_213] : memref<10112x128xf32, #tpu.memory_space<vmem_shared>> -> memref<10112x128xf32, #tpu.memory_space<vmem_shared>>
        tpu.enqueue_indirect_dma source(%arg10 : memref<64x128xf32, #tpu.memory_space<vmem>>) target(%dma_start3A_214 : memref<10112x128xf32, #tpu.memory_space<vmem_shared>>) offsets(%dma_start3A_211 : memref<64xi32, #tpu.memory_space<vmem>>) semaphore(%run_scoped3A_208 : memref<!tpu.dma_semaphore, #tpu.memory_space<semaphore_mem>>) {add = true}
        %dma_wait3A_215 = arith.constant 0 : i32
        %dma_wait3A_216 = tpu.memref_slice %arg7[%run_scoped3A_146, %dma_wait3A_215] : memref<8x64xi32, #tpu.memory_space<vmem>> -> memref<1x64xi32, #tpu.memory_space<vmem>>
        %dma_wait3A_217 = tpu.memref_squeeze %dma_wait3A_216 : memref<1x64xi32, #tpu.memory_space<vmem>> -> memref<64xi32, #tpu.memory_space<vmem>>
        %dma_wait3A_218 = arith.constant 0 : i32
        %dma_wait3A_219 = arith.constant 0 : i32
        %dma_wait3A_220 = tpu.memref_slice %arg11[%dma_wait3A_218, %dma_wait3A_219] : memref<10112x128xf32, #tpu.memory_space<vmem_shared>> -> memref<10112x128xf32, #tpu.memory_space<vmem_shared>>
        tpu.wait_indirect_dma semaphore(%run_scoped3A_208 : memref<!tpu.dma_semaphore, #tpu.memory_space<semaphore_mem>>) src(%arg10 : memref<64x128xf32, #tpu.memory_space<vmem>>) dst(%dma_wait3A_220 : memref<10112x128xf32, #tpu.memory_space<vmem_shared>>)
        tpu.yield
      }) : () -> ()
      %dma_start3A_147 = arith.constant 5 : i32
      %dma_start3A_148 = arith.constant 0 : i32
      %dma_start3A_149 = tpu.memref_slice %arg6[%dma_start3A_147, %dma_start3A_148] : memref<8x64xi32, #tpu.memory_space<vmem>> -> memref<1x64xi32, #tpu.memory_space<vmem>>
      %dma_start3A_150 = tpu.memref_squeeze %dma_start3A_149 : memref<1x64xi32, #tpu.memory_space<vmem>> -> memref<64xi32, #tpu.memory_space<vmem>>
      %dma_start3A_151 = arith.constant 0 : i32
      %dma_start3A_152 = arith.constant 0 : i32
      %dma_start3A_153 = tpu.memref_slice %arg2[%dma_start3A_151, %dma_start3A_152] : memref<10000x128xf32, #tpu.memory_space<hbm>> -> memref<10000x128xf32, #tpu.memory_space<hbm>>
      tpu.enqueue_indirect_dma source(%dma_start3A_153 : memref<10000x128xf32, #tpu.memory_space<hbm>>) target(%arg10 : memref<64x128xf32, #tpu.memory_space<vmem>>) offsets(%dma_start3A_150 : memref<64xi32, #tpu.memory_space<vmem>>) semaphore(%arg14 : memref<!tpu.dma_semaphore, #tpu.memory_space<semaphore_mem>>)
      %dma_wait3A_154 = arith.constant 3 : i32
      %dma_wait3A_155 = arith.constant 0 : i32
      %dma_wait3A_156 = tpu.memref_slice %arg6[%dma_wait3A_154, %dma_wait3A_155] : memref<8x64xi32, #tpu.memory_space<vmem>> -> memref<1x64xi32, #tpu.memory_space<vmem>>
      %dma_wait3A_157 = tpu.memref_squeeze %dma_wait3A_156 : memref<1x64xi32, #tpu.memory_space<vmem>> -> memref<64xi32, #tpu.memory_space<vmem>>
      %dma_wait3A_158 = arith.constant 0 : i32
      %dma_wait3A_159 = arith.constant 0 : i32
      %dma_wait3A_160 = tpu.memref_slice %arg2[%dma_wait3A_158, %dma_wait3A_159] : memref<10000x128xf32, #tpu.memory_space<hbm>> -> memref<10000x128xf32, #tpu.memory_space<hbm>>
      tpu.wait_indirect_dma semaphore(%arg12 : memref<!tpu.dma_semaphore, #tpu.memory_space<semaphore_mem>>) src(%dma_wait3A_160 : memref<10000x128xf32, #tpu.memory_space<hbm>>) dst(%arg8 : memref<64x128xf32, #tpu.memory_space<vmem>>)
      %run_scoped3A_161 = arith.constant 3 : i32
      "tpu.region"() ({
        %run_scoped3A_208 = tpu.sem_alloc : memref<!tpu.dma_semaphore, #tpu.memory_space<semaphore_mem>>
        %dma_start3A_209 = arith.constant 0 : i32
        %dma_start3A_210 = tpu.memref_slice %arg7[%run_scoped3A_161, %dma_start3A_209] : memref<8x64xi32, #tpu.memory_space<vmem>> -> memref<1x64xi32, #tpu.memory_space<vmem>>
        %dma_start3A_211 = tpu.memref_squeeze %dma_start3A_210 : memref<1x64xi32, #tpu.memory_space<vmem>> -> memref<64xi32, #tpu.memory_space<vmem>>
        %dma_start3A_212 = arith.constant 0 : i32
        %dma_start3A_213 = arith.constant 0 : i32
        %dma_start3A_214 = tpu.memref_slice %arg11[%dma_start3A_212, %dma_start3A_213] : memref<10112x128xf32, #tpu.memory_space<vmem_shared>> -> memref<10112x128xf32, #tpu.memory_space<vmem_shared>>
        tpu.enqueue_indirect_dma source(%arg8 : memref<64x128xf32, #tpu.memory_space<vmem>>) target(%dma_start3A_214 : memref<10112x128xf32, #tpu.memory_space<vmem_shared>>) offsets(%dma_start3A_211 : memref<64xi32, #tpu.memory_space<vmem>>) semaphore(%run_scoped3A_208 : memref<!tpu.dma_semaphore, #tpu.memory_space<semaphore_mem>>) {add = true}
        %dma_wait3A_215 = arith.constant 0 : i32
        %dma_wait3A_216 = tpu.memref_slice %arg7[%run_scoped3A_161, %dma_wait3A_215] : memref<8x64xi32, #tpu.memory_space<vmem>> -> memref<1x64xi32, #tpu.memory_space<vmem>>
        %dma_wait3A_217 = tpu.memref_squeeze %dma_wait3A_216 : memref<1x64xi32, #tpu.memory_space<vmem>> -> memref<64xi32, #tpu.memory_space<vmem>>
        %dma_wait3A_218 = arith.constant 0 : i32
        %dma_wait3A_219 = arith.constant 0 : i32
        %dma_wait3A_220 = tpu.memref_slice %arg11[%dma_wait3A_218, %dma_wait3A_219] : memref<10112x128xf32, #tpu.memory_space<vmem_shared>> -> memref<10112x128xf32, #tpu.memory_space<vmem_shared>>
        tpu.wait_indirect_dma semaphore(%run_scoped3A_208 : memref<!tpu.dma_semaphore, #tpu.memory_space<semaphore_mem>>) src(%arg8 : memref<64x128xf32, #tpu.memory_space<vmem>>) dst(%dma_wait3A_220 : memref<10112x128xf32, #tpu.memory_space<vmem_shared>>)
        tpu.yield
      }) : () -> ()
      %dma_start3A_162 = arith.constant 6 : i32
      %dma_start3A_163 = arith.constant 0 : i32
      %dma_start3A_164 = tpu.memref_slice %arg6[%dma_start3A_162, %dma_start3A_163] : memref<8x64xi32, #tpu.memory_space<vmem>> -> memref<1x64xi32, #tpu.memory_space<vmem>>
      %dma_start3A_165 = tpu.memref_squeeze %dma_start3A_164 : memref<1x64xi32, #tpu.memory_space<vmem>> -> memref<64xi32, #tpu.memory_space<vmem>>
      %dma_start3A_166 = arith.constant 0 : i32
      %dma_start3A_167 = arith.constant 0 : i32
      %dma_start3A_168 = tpu.memref_slice %arg2[%dma_start3A_166, %dma_start3A_167] : memref<10000x128xf32, #tpu.memory_space<hbm>> -> memref<10000x128xf32, #tpu.memory_space<hbm>>
      tpu.enqueue_indirect_dma source(%dma_start3A_168 : memref<10000x128xf32, #tpu.memory_space<hbm>>) target(%arg8 : memref<64x128xf32, #tpu.memory_space<vmem>>) offsets(%dma_start3A_165 : memref<64xi32, #tpu.memory_space<vmem>>) semaphore(%arg12 : memref<!tpu.dma_semaphore, #tpu.memory_space<semaphore_mem>>)
      %dma_wait3A_169 = arith.constant 4 : i32
      %dma_wait3A_170 = arith.constant 0 : i32
      %dma_wait3A_171 = tpu.memref_slice %arg6[%dma_wait3A_169, %dma_wait3A_170] : memref<8x64xi32, #tpu.memory_space<vmem>> -> memref<1x64xi32, #tpu.memory_space<vmem>>
      %dma_wait3A_172 = tpu.memref_squeeze %dma_wait3A_171 : memref<1x64xi32, #tpu.memory_space<vmem>> -> memref<64xi32, #tpu.memory_space<vmem>>
      %dma_wait3A_173 = arith.constant 0 : i32
      %dma_wait3A_174 = arith.constant 0 : i32
      %dma_wait3A_175 = tpu.memref_slice %arg2[%dma_wait3A_173, %dma_wait3A_174] : memref<10000x128xf32, #tpu.memory_space<hbm>> -> memref<10000x128xf32, #tpu.memory_space<hbm>>
      tpu.wait_indirect_dma semaphore(%arg13 : memref<!tpu.dma_semaphore, #tpu.memory_space<semaphore_mem>>) src(%dma_wait3A_175 : memref<10000x128xf32, #tpu.memory_space<hbm>>) dst(%arg9 : memref<64x128xf32, #tpu.memory_space<vmem>>)
      %run_scoped3A_176 = arith.constant 4 : i32
      "tpu.region"() ({
        %run_scoped3A_208 = tpu.sem_alloc : memref<!tpu.dma_semaphore, #tpu.memory_space<semaphore_mem>>
        %dma_start3A_209 = arith.constant 0 : i32
        %dma_start3A_210 = tpu.memref_slice %arg7[%run_scoped3A_176, %dma_start3A_209] : memref<8x64xi32, #tpu.memory_space<vmem>> -> memref<1x64xi32, #tpu.memory_space<vmem>>
        %dma_start3A_211 = tpu.memref_squeeze %dma_start3A_210 : memref<1x64xi32, #tpu.memory_space<vmem>> -> memref<64xi32, #tpu.memory_space<vmem>>
        %dma_start3A_212 = arith.constant 0 : i32
        %dma_start3A_213 = arith.constant 0 : i32
        %dma_start3A_214 = tpu.memref_slice %arg11[%dma_start3A_212, %dma_start3A_213] : memref<10112x128xf32, #tpu.memory_space<vmem_shared>> -> memref<10112x128xf32, #tpu.memory_space<vmem_shared>>
        tpu.enqueue_indirect_dma source(%arg9 : memref<64x128xf32, #tpu.memory_space<vmem>>) target(%dma_start3A_214 : memref<10112x128xf32, #tpu.memory_space<vmem_shared>>) offsets(%dma_start3A_211 : memref<64xi32, #tpu.memory_space<vmem>>) semaphore(%run_scoped3A_208 : memref<!tpu.dma_semaphore, #tpu.memory_space<semaphore_mem>>) {add = true}
        %dma_wait3A_215 = arith.constant 0 : i32
        %dma_wait3A_216 = tpu.memref_slice %arg7[%run_scoped3A_176, %dma_wait3A_215] : memref<8x64xi32, #tpu.memory_space<vmem>> -> memref<1x64xi32, #tpu.memory_space<vmem>>
        %dma_wait3A_217 = tpu.memref_squeeze %dma_wait3A_216 : memref<1x64xi32, #tpu.memory_space<vmem>> -> memref<64xi32, #tpu.memory_space<vmem>>
        %dma_wait3A_218 = arith.constant 0 : i32
        %dma_wait3A_219 = arith.constant 0 : i32
        %dma_wait3A_220 = tpu.memref_slice %arg11[%dma_wait3A_218, %dma_wait3A_219] : memref<10112x128xf32, #tpu.memory_space<vmem_shared>> -> memref<10112x128xf32, #tpu.memory_space<vmem_shared>>
        tpu.wait_indirect_dma semaphore(%run_scoped3A_208 : memref<!tpu.dma_semaphore, #tpu.memory_space<semaphore_mem>>) src(%arg9 : memref<64x128xf32, #tpu.memory_space<vmem>>) dst(%dma_wait3A_220 : memref<10112x128xf32, #tpu.memory_space<vmem_shared>>)
        tpu.yield
      }) : () -> ()
      %dma_start3A_177 = arith.constant 7 : i32
      %dma_start3A_178 = arith.constant 0 : i32
      %dma_start3A_179 = tpu.memref_slice %arg6[%dma_start3A_177, %dma_start3A_178] : memref<8x64xi32, #tpu.memory_space<vmem>> -> memref<1x64xi32, #tpu.memory_space<vmem>>
      %dma_start3A_180 = tpu.memref_squeeze %dma_start3A_179 : memref<1x64xi32, #tpu.memory_space<vmem>> -> memref<64xi32, #tpu.memory_space<vmem>>
      %dma_start3A_181 = arith.constant 0 : i32
      %dma_start3A_182 = arith.constant 0 : i32
      %dma_start3A_183 = tpu.memref_slice %arg2[%dma_start3A_181, %dma_start3A_182] : memref<10000x128xf32, #tpu.memory_space<hbm>> -> memref<10000x128xf32, #tpu.memory_space<hbm>>
      tpu.enqueue_indirect_dma source(%dma_start3A_183 : memref<10000x128xf32, #tpu.memory_space<hbm>>) target(%arg9 : memref<64x128xf32, #tpu.memory_space<vmem>>) offsets(%dma_start3A_180 : memref<64xi32, #tpu.memory_space<vmem>>) semaphore(%arg13 : memref<!tpu.dma_semaphore, #tpu.memory_space<semaphore_mem>>)
      %dma_wait3A_184 = arith.constant 5 : i32
      %dma_wait3A_185 = arith.constant 0 : i32
      %dma_wait3A_186 = tpu.memref_slice %arg6[%dma_wait3A_184, %dma_wait3A_185] : memref<8x64xi32, #tpu.memory_space<vmem>> -> memref<1x64xi32, #tpu.memory_space<vmem>>
      %dma_wait3A_187 = tpu.memref_squeeze %dma_wait3A_186 : memref<1x64xi32, #tpu.memory_space<vmem>> -> memref<64xi32, #tpu.memory_space<vmem>>
      %dma_wait3A_188 = arith.constant 0 : i32
      %dma_wait3A_189 = arith.constant 0 : i32
      %dma_wait3A_190 = tpu.memref_slice %arg2[%dma_wait3A_188, %dma_wait3A_189] : memref<10000x128xf32, #tpu.memory_space<hbm>> -> memref<10000x128xf32, #tpu.memory_space<hbm>>
      tpu.wait_indirect_dma semaphore(%arg14 : memref<!tpu.dma_semaphore, #tpu.memory_space<semaphore_mem>>) src(%dma_wait3A_190 : memref<10000x128xf32, #tpu.memory_space<hbm>>) dst(%arg10 : memref<64x128xf32, #tpu.memory_space<vmem>>)
      %run_scoped3A_191 = arith.constant 5 : i32
      "tpu.region"() ({
        %run_scoped3A_208 = tpu.sem_alloc : memref<!tpu.dma_semaphore, #tpu.memory_space<semaphore_mem>>
        %dma_start3A_209 = arith.constant 0 : i32
        %dma_start3A_210 = tpu.memref_slice %arg7[%run_scoped3A_191, %dma_start3A_209] : memref<8x64xi32, #tpu.memory_space<vmem>> -> memref<1x64xi32, #tpu.memory_space<vmem>>
        %dma_start3A_211 = tpu.memref_squeeze %dma_start3A_210 : memref<1x64xi32, #tpu.memory_space<vmem>> -> memref<64xi32, #tpu.memory_space<vmem>>
        %dma_start3A_212 = arith.constant 0 : i32
        %dma_start3A_213 = arith.constant 0 : i32
        %dma_start3A_214 = tpu.memref_slice %arg11[%dma_start3A_212, %dma_start3A_213] : memref<10112x128xf32, #tpu.memory_space<vmem_shared>> -> memref<10112x128xf32, #tpu.memory_space<vmem_shared>>
        tpu.enqueue_indirect_dma source(%arg10 : memref<64x128xf32, #tpu.memory_space<vmem>>) target(%dma_start3A_214 : memref<10112x128xf32, #tpu.memory_space<vmem_shared>>) offsets(%dma_start3A_211 : memref<64xi32, #tpu.memory_space<vmem>>) semaphore(%run_scoped3A_208 : memref<!tpu.dma_semaphore, #tpu.memory_space<semaphore_mem>>) {add = true}
        %dma_wait3A_215 = arith.constant 0 : i32
        %dma_wait3A_216 = tpu.memref_slice %arg7[%run_scoped3A_191, %dma_wait3A_215] : memref<8x64xi32, #tpu.memory_space<vmem>> -> memref<1x64xi32, #tpu.memory_space<vmem>>
        %dma_wait3A_217 = tpu.memref_squeeze %dma_wait3A_216 : memref<1x64xi32, #tpu.memory_space<vmem>> -> memref<64xi32, #tpu.memory_space<vmem>>
        %dma_wait3A_218 = arith.constant 0 : i32
        %dma_wait3A_219 = arith.constant 0 : i32
        %dma_wait3A_220 = tpu.memref_slice %arg11[%dma_wait3A_218, %dma_wait3A_219] : memref<10112x128xf32, #tpu.memory_space<vmem_shared>> -> memref<10112x128xf32, #tpu.memory_space<vmem_shared>>
        tpu.wait_indirect_dma semaphore(%run_scoped3A_208 : memref<!tpu.dma_semaphore, #tpu.memory_space<semaphore_mem>>) src(%arg10 : memref<64x128xf32, #tpu.memory_space<vmem>>) dst(%dma_wait3A_220 : memref<10112x128xf32, #tpu.memory_space<vmem_shared>>)
        tpu.yield
      }) : () -> ()
      %dma_wait3A_192 = arith.constant 6 : i32
      %dma_wait3A_193 = arith.constant 0 : i32
      %dma_wait3A_194 = tpu.memref_slice %arg6[%dma_wait3A_192, %dma_wait3A_193] : memref<8x64xi32, #tpu.memory_space<vmem>> -> memref<1x64xi32, #tpu.memory_space<vmem>>
      %dma_wait3A_195 = tpu.memref_squeeze %dma_wait3A_194 : memref<1x64xi32, #tpu.memory_space<vmem>> -> memref<64xi32, #tpu.memory_space<vmem>>
      %dma_wait3A_196 = arith.constant 0 : i32
      %dma_wait3A_197 = arith.constant 0 : i32
      %dma_wait3A_198 = tpu.memref_slice %arg2[%dma_wait3A_196, %dma_wait3A_197] : memref<10000x128xf32, #tpu.memory_space<hbm>> -> memref<10000x128xf32, #tpu.memory_space<hbm>>
      tpu.wait_indirect_dma semaphore(%arg12 : memref<!tpu.dma_semaphore, #tpu.memory_space<semaphore_mem>>) src(%dma_wait3A_198 : memref<10000x128xf32, #tpu.memory_space<hbm>>) dst(%arg8 : memref<64x128xf32, #tpu.memory_space<vmem>>)
      %run_scoped3A_199 = arith.constant 6 : i32
      "tpu.region"() ({
        %run_scoped3A_208 = tpu.sem_alloc : memref<!tpu.dma_semaphore, #tpu.memory_space<semaphore_mem>>
        %dma_start3A_209 = arith.constant 0 : i32
        %dma_start3A_210 = tpu.memref_slice %arg7[%run_scoped3A_199, %dma_start3A_209] : memref<8x64xi32, #tpu.memory_space<vmem>> -> memref<1x64xi32, #tpu.memory_space<vmem>>
        %dma_start3A_211 = tpu.memref_squeeze %dma_start3A_210 : memref<1x64xi32, #tpu.memory_space<vmem>> -> memref<64xi32, #tpu.memory_space<vmem>>
        %dma_start3A_212 = arith.constant 0 : i32
        %dma_start3A_213 = arith.constant 0 : i32
        %dma_start3A_214 = tpu.memref_slice %arg11[%dma_start3A_212, %dma_start3A_213] : memref<10112x128xf32, #tpu.memory_space<vmem_shared>> -> memref<10112x128xf32, #tpu.memory_space<vmem_shared>>
        tpu.enqueue_indirect_dma source(%arg8 : memref<64x128xf32, #tpu.memory_space<vmem>>) target(%dma_start3A_214 : memref<10112x128xf32, #tpu.memory_space<vmem_shared>>) offsets(%dma_start3A_211 : memref<64xi32, #tpu.memory_space<vmem>>) semaphore(%run_scoped3A_208 : memref<!tpu.dma_semaphore, #tpu.memory_space<semaphore_mem>>) {add = true}
        %dma_wait3A_215 = arith.constant 0 : i32
        %dma_wait3A_216 = tpu.memref_slice %arg7[%run_scoped3A_199, %dma_wait3A_215] : memref<8x64xi32, #tpu.memory_space<vmem>> -> memref<1x64xi32, #tpu.memory_space<vmem>>
        %dma_wait3A_217 = tpu.memref_squeeze %dma_wait3A_216 : memref<1x64xi32, #tpu.memory_space<vmem>> -> memref<64xi32, #tpu.memory_space<vmem>>
        %dma_wait3A_218 = arith.constant 0 : i32
        %dma_wait3A_219 = arith.constant 0 : i32
        %dma_wait3A_220 = tpu.memref_slice %arg11[%dma_wait3A_218, %dma_wait3A_219] : memref<10112x128xf32, #tpu.memory_space<vmem_shared>> -> memref<10112x128xf32, #tpu.memory_space<vmem_shared>>
        tpu.wait_indirect_dma semaphore(%run_scoped3A_208 : memref<!tpu.dma_semaphore, #tpu.memory_space<semaphore_mem>>) src(%arg8 : memref<64x128xf32, #tpu.memory_space<vmem>>) dst(%dma_wait3A_220 : memref<10112x128xf32, #tpu.memory_space<vmem_shared>>)
        tpu.yield
      }) : () -> ()
      %dma_wait3A_200 = arith.constant 7 : i32
      %dma_wait3A_201 = arith.constant 0 : i32
      %dma_wait3A_202 = tpu.memref_slice %arg6[%dma_wait3A_200, %dma_wait3A_201] : memref<8x64xi32, #tpu.memory_space<vmem>> -> memref<1x64xi32, #tpu.memory_space<vmem>>
      %dma_wait3A_203 = tpu.memref_squeeze %dma_wait3A_202 : memref<1x64xi32, #tpu.memory_space<vmem>> -> memref<64xi32, #tpu.memory_space<vmem>>
      %dma_wait3A_204 = arith.constant 0 : i32
      %dma_wait3A_205 = arith.constant 0 : i32
      %dma_wait3A_206 = tpu.memref_slice %arg2[%dma_wait3A_204, %dma_wait3A_205] : memref<10000x128xf32, #tpu.memory_space<hbm>> -> memref<10000x128xf32, #tpu.memory_space<hbm>>
      tpu.wait_indirect_dma semaphore(%arg13 : memref<!tpu.dma_semaphore, #tpu.memory_space<semaphore_mem>>) src(%dma_wait3A_206 : memref<10000x128xf32, #tpu.memory_space<hbm>>) dst(%arg9 : memref<64x128xf32, #tpu.memory_space<vmem>>)
      %run_scoped3A_207 = arith.constant 7 : i32
      "tpu.region"() ({
        %run_scoped3A_208 = tpu.sem_alloc : memref<!tpu.dma_semaphore, #tpu.memory_space<semaphore_mem>>
        %dma_start3A_209 = arith.constant 0 : i32
        %dma_start3A_210 = tpu.memref_slice %arg7[%run_scoped3A_207, %dma_start3A_209] : memref<8x64xi32, #tpu.memory_space<vmem>> -> memref<1x64xi32, #tpu.memory_space<vmem>>
        %dma_start3A_211 = tpu.memref_squeeze %dma_start3A_210 : memref<1x64xi32, #tpu.memory_space<vmem>> -> memref<64xi32, #tpu.memory_space<vmem>>
        %dma_start3A_212 = arith.constant 0 : i32
        %dma_start3A_213 = arith.constant 0 : i32
        %dma_start3A_214 = tpu.memref_slice %arg11[%dma_start3A_212, %dma_start3A_213] : memref<10112x128xf32, #tpu.memory_space<vmem_shared>> -> memref<10112x128xf32, #tpu.memory_space<vmem_shared>>
        tpu.enqueue_indirect_dma source(%arg9 : memref<64x128xf32, #tpu.memory_space<vmem>>) target(%dma_start3A_214 : memref<10112x128xf32, #tpu.memory_space<vmem_shared>>) offsets(%dma_start3A_211 : memref<64xi32, #tpu.memory_space<vmem>>) semaphore(%run_scoped3A_208 : memref<!tpu.dma_semaphore, #tpu.memory_space<semaphore_mem>>) {add = true}
        %dma_wait3A_215 = arith.constant 0 : i32
        %dma_wait3A_216 = tpu.memref_slice %arg7[%run_scoped3A_207, %dma_wait3A_215] : memref<8x64xi32, #tpu.memory_space<vmem>> -> memref<1x64xi32, #tpu.memory_space<vmem>>
        %dma_wait3A_217 = tpu.memref_squeeze %dma_wait3A_216 : memref<1x64xi32, #tpu.memory_space<vmem>> -> memref<64xi32, #tpu.memory_space<vmem>>
        %dma_wait3A_218 = arith.constant 0 : i32
        %dma_wait3A_219 = arith.constant 0 : i32
        %dma_wait3A_220 = tpu.memref_slice %arg11[%dma_wait3A_218, %dma_wait3A_219] : memref<10112x128xf32, #tpu.memory_space<vmem_shared>> -> memref<10112x128xf32, #tpu.memory_space<vmem_shared>>
        tpu.wait_indirect_dma semaphore(%run_scoped3A_208 : memref<!tpu.dma_semaphore, #tpu.memory_space<semaphore_mem>>) src(%arg9 : memref<64x128xf32, #tpu.memory_space<vmem>>) dst(%dma_wait3A_220 : memref<10112x128xf32, #tpu.memory_space<vmem_shared>>)
        tpu.yield
      }) : () -> ()
    }
    %while3A_45 = arith.constant 1 : i32
    scf.for %while3A_87 = %while3A_43 to %while3A_39 step %while3A_45  : i32 {
      %mul3A_88 = arith.constant 8 : i32
      %mul3A_89 = arith.muli %while3A_87, %mul3A_88 : i32
      %add3A_90 = arith.addi %select_n3A, %mul3A_89 : i32
      %multiple_of3A = tpu.assume_multiple %add3A_90, 8 : i32
      "tpu.region"() ({
        %run_scoped3A_208 = tpu.sem_alloc : memref<!tpu.dma_semaphore, #tpu.memory_space<semaphore_mem>>
        %dma_start3A_209 = arith.constant 0 : i32
        %dma_start3A_210 = tpu.memref_slice %arg3[%multiple_of3A, %dma_start3A_209] : memref<5120x64xi32, #tpu.memory_space<hbm>> -> memref<8x64xi32, #tpu.memory_space<hbm>>
        %dma_start3A_211 = arith.constant 0 : i32
        %dma_start3A_212 = tpu.memref_slice %arg3[%multiple_of3A, %dma_start3A_211] : memref<5120x64xi32, #tpu.memory_space<hbm>> -> memref<8x64xi32, #tpu.memory_space<hbm>>
        tpu.enqueue_dma source(%dma_start3A_212 : memref<8x64xi32, #tpu.memory_space<hbm>>) target(%arg6 : memref<8x64xi32, #tpu.memory_space<vmem>>) target_semaphore(%run_scoped3A_208 : memref<!tpu.dma_semaphore, #tpu.memory_space<semaphore_mem>>)
        %dma_wait3A_213 = arith.constant 0 : i32
        %dma_wait3A_214 = tpu.memref_slice %arg3[%multiple_of3A, %dma_wait3A_213] : memref<5120x64xi32, #tpu.memory_space<hbm>> -> memref<8x64xi32, #tpu.memory_space<hbm>>
        %dma_wait3A_215 = arith.constant 0 : i32
        %dma_wait3A_216 = tpu.memref_slice %arg3[%multiple_of3A, %dma_wait3A_215] : memref<5120x64xi32, #tpu.memory_space<hbm>> -> memref<8x64xi32, #tpu.memory_space<hbm>>
        tpu.wait_dma2 semaphore(%run_scoped3A_208 : memref<!tpu.dma_semaphore, #tpu.memory_space<semaphore_mem>>) src(%dma_wait3A_216 : memref<8x64xi32, #tpu.memory_space<hbm>>) dst(%arg6 : memref<8x64xi32, #tpu.memory_space<vmem>>)
        tpu.yield
      }) : () -> ()
      "tpu.region"() ({
        %run_scoped3A_208 = tpu.sem_alloc : memref<!tpu.dma_semaphore, #tpu.memory_space<semaphore_mem>>
        %dma_start3A_209 = arith.constant 0 : i32
        %dma_start3A_210 = tpu.memref_slice %arg4[%multiple_of3A, %dma_start3A_209] : memref<5120x64xi32, #tpu.memory_space<hbm>> -> memref<8x64xi32, #tpu.memory_space<hbm>>
        %dma_start3A_211 = arith.constant 0 : i32
        %dma_start3A_212 = tpu.memref_slice %arg4[%multiple_of3A, %dma_start3A_211] : memref<5120x64xi32, #tpu.memory_space<hbm>> -> memref<8x64xi32, #tpu.memory_space<hbm>>
        tpu.enqueue_dma source(%dma_start3A_212 : memref<8x64xi32, #tpu.memory_space<hbm>>) target(%arg7 : memref<8x64xi32, #tpu.memory_space<vmem>>) target_semaphore(%run_scoped3A_208 : memref<!tpu.dma_semaphore, #tpu.memory_space<semaphore_mem>>)
        %dma_wait3A_213 = arith.constant 0 : i32
        %dma_wait3A_214 = tpu.memref_slice %arg4[%multiple_of3A, %dma_wait3A_213] : memref<5120x64xi32, #tpu.memory_space<hbm>> -> memref<8x64xi32, #tpu.memory_space<hbm>>
        %dma_wait3A_215 = arith.constant 0 : i32
        %dma_wait3A_216 = tpu.memref_slice %arg4[%multiple_of3A, %dma_wait3A_215] : memref<5120x64xi32, #tpu.memory_space<hbm>> -> memref<8x64xi32, #tpu.memory_space<hbm>>
        tpu.wait_dma2 semaphore(%run_scoped3A_208 : memref<!tpu.dma_semaphore, #tpu.memory_space<semaphore_mem>>) src(%dma_wait3A_216 : memref<8x64xi32, #tpu.memory_space<hbm>>) dst(%arg7 : memref<8x64xi32, #tpu.memory_space<vmem>>)
        tpu.yield
      }) : () -> ()
      %dma_start3A = arith.constant 0 : i32
      %dma_start3A_91 = arith.constant 0 : i32
      %dma_start3A_92 = tpu.memref_slice %arg6[%dma_start3A, %dma_start3A_91] : memref<8x64xi32, #tpu.memory_space<vmem>> -> memref<1x64xi32, #tpu.memory_space<vmem>>
      %dma_start3A_93 = tpu.memref_squeeze %dma_start3A_92 : memref<1x64xi32, #tpu.memory_space<vmem>> -> memref<64xi32, #tpu.memory_space<vmem>>
      %dma_start3A_94 = arith.constant 0 : i32
      %dma_start3A_95 = arith.constant 0 : i32
      %dma_start3A_96 = tpu.memref_slice %arg2[%dma_start3A_94, %dma_start3A_95] : memref<10000x128xf32, #tpu.memory_space<hbm>> -> memref<10000x128xf32, #tpu.memory_space<hbm>>
      tpu.enqueue_indirect_dma source(%dma_start3A_96 : memref<10000x128xf32, #tpu.memory_space<hbm>>) target(%arg8 : memref<64x128xf32, #tpu.memory_space<vmem>>) offsets(%dma_start3A_93 : memref<64xi32, #tpu.memory_space<vmem>>) semaphore(%arg12 : memref<!tpu.dma_semaphore, #tpu.memory_space<semaphore_mem>>)
      %dma_start3A_97 = arith.constant 1 : i32
      %dma_start3A_98 = arith.constant 0 : i32
      %dma_start3A_99 = tpu.memref_slice %arg6[%dma_start3A_97, %dma_start3A_98] : memref<8x64xi32, #tpu.memory_space<vmem>> -> memref<1x64xi32, #tpu.memory_space<vmem>>
      %dma_start3A_100 = tpu.memref_squeeze %dma_start3A_99 : memref<1x64xi32, #tpu.memory_space<vmem>> -> memref<64xi32, #tpu.memory_space<vmem>>
      %dma_start3A_101 = arith.constant 0 : i32
      %dma_start3A_102 = arith.constant 0 : i32
      %dma_start3A_103 = tpu.memref_slice %arg2[%dma_start3A_101, %dma_start3A_102] : memref<10000x128xf32, #tpu.memory_space<hbm>> -> memref<10000x128xf32, #tpu.memory_space<hbm>>
      tpu.enqueue_indirect_dma source(%dma_start3A_103 : memref<10000x128xf32, #tpu.memory_space<hbm>>) target(%arg9 : memref<64x128xf32, #tpu.memory_space<vmem>>) offsets(%dma_start3A_100 : memref<64xi32, #tpu.memory_space<vmem>>) semaphore(%arg13 : memref<!tpu.dma_semaphore, #tpu.memory_space<semaphore_mem>>)
      %dma_start3A_104 = arith.constant 2 : i32
      %dma_start3A_105 = arith.constant 0 : i32
      %dma_start3A_106 = tpu.memref_slice %arg6[%dma_start3A_104, %dma_start3A_105] : memref<8x64xi32, #tpu.memory_space<vmem>> -> memref<1x64xi32, #tpu.memory_space<vmem>>
      %dma_start3A_107 = tpu.memref_squeeze %dma_start3A_106 : memref<1x64xi32, #tpu.memory_space<vmem>> -> memref<64xi32, #tpu.memory_space<vmem>>
      %dma_start3A_108 = arith.constant 0 : i32
      %dma_start3A_109 = arith.constant 0 : i32
      %dma_start3A_110 = tpu.memref_slice %arg2[%dma_start3A_108, %dma_start3A_109] : memref<10000x128xf32, #tpu.memory_space<hbm>> -> memref<10000x128xf32, #tpu.memory_space<hbm>>
      tpu.enqueue_indirect_dma source(%dma_start3A_110 : memref<10000x128xf32, #tpu.memory_space<hbm>>) target(%arg10 : memref<64x128xf32, #tpu.memory_space<vmem>>) offsets(%dma_start3A_107 : memref<64xi32, #tpu.memory_space<vmem>>) semaphore(%arg14 : memref<!tpu.dma_semaphore, #tpu.memory_space<semaphore_mem>>)
      %dma_wait3A = arith.constant 0 : i32
      %dma_wait3A_111 = arith.constant 0 : i32
      %dma_wait3A_112 = tpu.memref_slice %arg6[%dma_wait3A, %dma_wait3A_111] : memref<8x64xi32, #tpu.memory_space<vmem>> -> memref<1x64xi32, #tpu.memory_space<vmem>>
      %dma_wait3A_113 = tpu.memref_squeeze %dma_wait3A_112 : memref<1x64xi32, #tpu.memory_space<vmem>> -> memref<64xi32, #tpu.memory_space<vmem>>
      %dma_wait3A_114 = arith.constant 0 : i32
      %dma_wait3A_115 = arith.constant 0 : i32
      %dma_wait3A_116 = tpu.memref_slice %arg2[%dma_wait3A_114, %dma_wait3A_115] : memref<10000x128xf32, #tpu.memory_space<hbm>> -> memref<10000x128xf32, #tpu.memory_space<hbm>>
      tpu.wait_indirect_dma semaphore(%arg12 : memref<!tpu.dma_semaphore, #tpu.memory_space<semaphore_mem>>) src(%dma_wait3A_116 : memref<10000x128xf32, #tpu.memory_space<hbm>>) dst(%arg8 : memref<64x128xf32, #tpu.memory_space<vmem>>)
      %run_scoped3A = arith.constant 0 : i32
      "tpu.region"() ({
        %run_scoped3A_208 = tpu.sem_alloc : memref<!tpu.dma_semaphore, #tpu.memory_space<semaphore_mem>>
        %dma_start3A_209 = arith.constant 0 : i32
        %dma_start3A_210 = tpu.memref_slice %arg7[%run_scoped3A, %dma_start3A_209] : memref<8x64xi32, #tpu.memory_space<vmem>> -> memref<1x64xi32, #tpu.memory_space<vmem>>
        %dma_start3A_211 = tpu.memref_squeeze %dma_start3A_210 : memref<1x64xi32, #tpu.memory_space<vmem>> -> memref<64xi32, #tpu.memory_space<vmem>>
        %dma_start3A_212 = arith.constant 0 : i32
        %dma_start3A_213 = arith.constant 0 : i32
        %dma_start3A_214 = tpu.memref_slice %arg11[%dma_start3A_212, %dma_start3A_213] : memref<10112x128xf32, #tpu.memory_space<vmem_shared>> -> memref<10112x128xf32, #tpu.memory_space<vmem_shared>>
        tpu.enqueue_indirect_dma source(%arg8 : memref<64x128xf32, #tpu.memory_space<vmem>>) target(%dma_start3A_214 : memref<10112x128xf32, #tpu.memory_space<vmem_shared>>) offsets(%dma_start3A_211 : memref<64xi32, #tpu.memory_space<vmem>>) semaphore(%run_scoped3A_208 : memref<!tpu.dma_semaphore, #tpu.memory_space<semaphore_mem>>) {add = true}
        %dma_wait3A_215 = arith.constant 0 : i32
        %dma_wait3A_216 = tpu.memref_slice %arg7[%run_scoped3A, %dma_wait3A_215] : memref<8x64xi32, #tpu.memory_space<vmem>> -> memref<1x64xi32, #tpu.memory_space<vmem>>
        %dma_wait3A_217 = tpu.memref_squeeze %dma_wait3A_216 : memref<1x64xi32, #tpu.memory_space<vmem>> -> memref<64xi32, #tpu.memory_space<vmem>>
        %dma_wait3A_218 = arith.constant 0 : i32
        %dma_wait3A_219 = arith.constant 0 : i32
        %dma_wait3A_220 = tpu.memref_slice %arg11[%dma_wait3A_218, %dma_wait3A_219] : memref<10112x128xf32, #tpu.memory_space<vmem_shared>> -> memref<10112x128xf32, #tpu.memory_space<vmem_shared>>
        tpu.wait_indirect_dma semaphore(%run_scoped3A_208 : memref<!tpu.dma_semaphore, #tpu.memory_space<semaphore_mem>>) src(%arg8 : memref<64x128xf32, #tpu.memory_space<vmem>>) dst(%dma_wait3A_220 : memref<10112x128xf32, #tpu.memory_space<vmem_shared>>)
        tpu.yield
      }) : () -> ()
      %dma_start3A_117 = arith.constant 3 : i32
      %dma_start3A_118 = arith.constant 0 : i32
      %dma_start3A_119 = tpu.memref_slice %arg6[%dma_start3A_117, %dma_start3A_118] : memref<8x64xi32, #tpu.memory_space<vmem>> -> memref<1x64xi32, #tpu.memory_space<vmem>>
      %dma_start3A_120 = tpu.memref_squeeze %dma_start3A_119 : memref<1x64xi32, #tpu.memory_space<vmem>> -> memref<64xi32, #tpu.memory_space<vmem>>
      %dma_start3A_121 = arith.constant 0 : i32
      %dma_start3A_122 = arith.constant 0 : i32
      %dma_start3A_123 = tpu.memref_slice %arg2[%dma_start3A_121, %dma_start3A_122] : memref<10000x128xf32, #tpu.memory_space<hbm>> -> memref<10000x128xf32, #tpu.memory_space<hbm>>
      tpu.enqueue_indirect_dma source(%dma_start3A_123 : memref<10000x128xf32, #tpu.memory_space<hbm>>) target(%arg8 : memref<64x128xf32, #tpu.memory_space<vmem>>) offsets(%dma_start3A_120 : memref<64xi32, #tpu.memory_space<vmem>>) semaphore(%arg12 : memref<!tpu.dma_semaphore, #tpu.memory_space<semaphore_mem>>)
      %dma_wait3A_124 = arith.constant 1 : i32
      %dma_wait3A_125 = arith.constant 0 : i32
      %dma_wait3A_126 = tpu.memref_slice %arg6[%dma_wait3A_124, %dma_wait3A_125] : memref<8x64xi32, #tpu.memory_space<vmem>> -> memref<1x64xi32, #tpu.memory_space<vmem>>
      %dma_wait3A_127 = tpu.memref_squeeze %dma_wait3A_126 : memref<1x64xi32, #tpu.memory_space<vmem>> -> memref<64xi32, #tpu.memory_space<vmem>>
      %dma_wait3A_128 = arith.constant 0 : i32
      %dma_wait3A_129 = arith.constant 0 : i32
      %dma_wait3A_130 = tpu.memref_slice %arg2[%dma_wait3A_128, %dma_wait3A_129] : memref<10000x128xf32, #tpu.memory_space<hbm>> -> memref<10000x128xf32, #tpu.memory_space<hbm>>
      tpu.wait_indirect_dma semaphore(%arg13 : memref<!tpu.dma_semaphore, #tpu.memory_space<semaphore_mem>>) src(%dma_wait3A_130 : memref<10000x128xf32, #tpu.memory_space<hbm>>) dst(%arg9 : memref<64x128xf32, #tpu.memory_space<vmem>>)
      %run_scoped3A_131 = arith.constant 1 : i32
      "tpu.region"() ({
        %run_scoped3A_208 = tpu.sem_alloc : memref<!tpu.dma_semaphore, #tpu.memory_space<semaphore_mem>>
        %dma_start3A_209 = arith.constant 0 : i32
        %dma_start3A_210 = tpu.memref_slice %arg7[%run_scoped3A_131, %dma_start3A_209] : memref<8x64xi32, #tpu.memory_space<vmem>> -> memref<1x64xi32, #tpu.memory_space<vmem>>
        %dma_start3A_211 = tpu.memref_squeeze %dma_start3A_210 : memref<1x64xi32, #tpu.memory_space<vmem>> -> memref<64xi32, #tpu.memory_space<vmem>>
        %dma_start3A_212 = arith.constant 0 : i32
        %dma_start3A_213 = arith.constant 0 : i32
        %dma_start3A_214 = tpu.memref_slice %arg11[%dma_start3A_212, %dma_start3A_213] : memref<10112x128xf32, #tpu.memory_space<vmem_shared>> -> memref<10112x128xf32, #tpu.memory_space<vmem_shared>>
        tpu.enqueue_indirect_dma source(%arg9 : memref<64x128xf32, #tpu.memory_space<vmem>>) target(%dma_start3A_214 : memref<10112x128xf32, #tpu.memory_space<vmem_shared>>) offsets(%dma_start3A_211 : memref<64xi32, #tpu.memory_space<vmem>>) semaphore(%run_scoped3A_208 : memref<!tpu.dma_semaphore, #tpu.memory_space<semaphore_mem>>) {add = true}
        %dma_wait3A_215 = arith.constant 0 : i32
        %dma_wait3A_216 = tpu.memref_slice %arg7[%run_scoped3A_131, %dma_wait3A_215] : memref<8x64xi32, #tpu.memory_space<vmem>> -> memref<1x64xi32, #tpu.memory_space<vmem>>
        %dma_wait3A_217 = tpu.memref_squeeze %dma_wait3A_216 : memref<1x64xi32, #tpu.memory_space<vmem>> -> memref<64xi32, #tpu.memory_space<vmem>>
        %dma_wait3A_218 = arith.constant 0 : i32
        %dma_wait3A_219 = arith.constant 0 : i32
        %dma_wait3A_220 = tpu.memref_slice %arg11[%dma_wait3A_218, %dma_wait3A_219] : memref<10112x128xf32, #tpu.memory_space<vmem_shared>> -> memref<10112x128xf32, #tpu.memory_space<vmem_shared>>
        tpu.wait_indirect_dma semaphore(%run_scoped3A_208 : memref<!tpu.dma_semaphore, #tpu.memory_space<semaphore_mem>>) src(%arg9 : memref<64x128xf32, #tpu.memory_space<vmem>>) dst(%dma_wait3A_220 : memref<10112x128xf32, #tpu.memory_space<vmem_shared>>)
        tpu.yield
      }) : () -> ()
      %dma_start3A_132 = arith.constant 4 : i32
      %dma_start3A_133 = arith.constant 0 : i32
      %dma_start3A_134 = tpu.memref_slice %arg6[%dma_start3A_132, %dma_start3A_133] : memref<8x64xi32, #tpu.memory_space<vmem>> -> memref<1x64xi32, #tpu.memory_space<vmem>>
      %dma_start3A_135 = tpu.memref_squeeze %dma_start3A_134 : memref<1x64xi32, #tpu.memory_space<vmem>> -> memref<64xi32, #tpu.memory_space<vmem>>
      %dma_start3A_136 = arith.constant 0 : i32
      %dma_start3A_137 = arith.constant 0 : i32
      %dma_start3A_138 = tpu.memref_slice %arg2[%dma_start3A_136, %dma_start3A_137] : memref<10000x128xf32, #tpu.memory_space<hbm>> -> memref<10000x128xf32, #tpu.memory_space<hbm>>
      tpu.enqueue_indirect_dma source(%dma_start3A_138 : memref<10000x128xf32, #tpu.memory_space<hbm>>) target(%arg9 : memref<64x128xf32, #tpu.memory_space<vmem>>) offsets(%dma_start3A_135 : memref<64xi32, #tpu.memory_space<vmem>>) semaphore(%arg13 : memref<!tpu.dma_semaphore, #tpu.memory_space<semaphore_mem>>)
      %dma_wait3A_139 = arith.constant 2 : i32
      %dma_wait3A_140 = arith.constant 0 : i32
      %dma_wait3A_141 = tpu.memref_slice %arg6[%dma_wait3A_139, %dma_wait3A_140] : memref<8x64xi32, #tpu.memory_space<vmem>> -> memref<1x64xi32, #tpu.memory_space<vmem>>
      %dma_wait3A_142 = tpu.memref_squeeze %dma_wait3A_141 : memref<1x64xi32, #tpu.memory_space<vmem>> -> memref<64xi32, #tpu.memory_space<vmem>>
      %dma_wait3A_143 = arith.constant 0 : i32
      %dma_wait3A_144 = arith.constant 0 : i32
      %dma_wait3A_145 = tpu.memref_slice %arg2[%dma_wait3A_143, %dma_wait3A_144] : memref<10000x128xf32, #tpu.memory_space<hbm>> -> memref<10000x128xf32, #tpu.memory_space<hbm>>
      tpu.wait_indirect_dma semaphore(%arg14 : memref<!tpu.dma_semaphore, #tpu.memory_space<semaphore_mem>>) src(%dma_wait3A_145 : memref<10000x128xf32, #tpu.memory_space<hbm>>) dst(%arg10 : memref<64x128xf32, #tpu.memory_space<vmem>>)
      %run_scoped3A_146 = arith.constant 2 : i32
      "tpu.region"() ({
        %run_scoped3A_208 = tpu.sem_alloc : memref<!tpu.dma_semaphore, #tpu.memory_space<semaphore_mem>>
        %dma_start3A_209 = arith.constant 0 : i32
        %dma_start3A_210 = tpu.memref_slice %arg7[%run_scoped3A_146, %dma_start3A_209] : memref<8x64xi32, #tpu.memory_space<vmem>> -> memref<1x64xi32, #tpu.memory_space<vmem>>
        %dma_start3A_211 = tpu.memref_squeeze %dma_start3A_210 : memref<1x64xi32, #tpu.memory_space<vmem>> -> memref<64xi32, #tpu.memory_space<vmem>>
        %dma_start3A_212 = arith.constant 0 : i32
        %dma_start3A_213 = arith.constant 0 : i32
        %dma_start3A_214 = tpu.memref_slice %arg11[%dma_start3A_212, %dma_start3A_213] : memref<10112x128xf32, #tpu.memory_space<vmem_shared>> -> memref<10112x128xf32, #tpu.memory_space<vmem_shared>>
        tpu.enqueue_indirect_dma source(%arg10 : memref<64x128xf32, #tpu.memory_space<vmem>>) target(%dma_start3A_214 : memref<10112x128xf32, #tpu.memory_space<vmem_shared>>) offsets(%dma_start3A_211 : memref<64xi32, #tpu.memory_space<vmem>>) semaphore(%run_scoped3A_208 : memref<!tpu.dma_semaphore, #tpu.memory_space<semaphore_mem>>) {add = true}
        %dma_wait3A_215 = arith.constant 0 : i32
        %dma_wait3A_216 = tpu.memref_slice %arg7[%run_scoped3A_146, %dma_wait3A_215] : memref<8x64xi32, #tpu.memory_space<vmem>> -> memref<1x64xi32, #tpu.memory_space<vmem>>
        %dma_wait3A_217 = tpu.memref_squeeze %dma_wait3A_216 : memref<1x64xi32, #tpu.memory_space<vmem>> -> memref<64xi32, #tpu.memory_space<vmem>>
        %dma_wait3A_218 = arith.constant 0 : i32
        %dma_wait3A_219 = arith.constant 0 : i32
        %dma_wait3A_220 = tpu.memref_slice %arg11[%dma_wait3A_218, %dma_wait3A_219] : memref<10112x128xf32, #tpu.memory_space<vmem_shared>> -> memref<10112x128xf32, #tpu.memory_space<vmem_shared>>
        tpu.wait_indirect_dma semaphore(%run_scoped3A_208 : memref<!tpu.dma_semaphore, #tpu.memory_space<semaphore_mem>>) src(%arg10 : memref<64x128xf32, #tpu.memory_space<vmem>>) dst(%dma_wait3A_220 : memref<10112x128xf32, #tpu.memory_space<vmem_shared>>)
        tpu.yield
      }) : () -> ()
      %dma_start3A_147 = arith.constant 5 : i32
      %dma_start3A_148 = arith.constant 0 : i32
      %dma_start3A_149 = tpu.memref_slice %arg6[%dma_start3A_147, %dma_start3A_148] : memref<8x64xi32, #tpu.memory_space<vmem>> -> memref<1x64xi32, #tpu.memory_space<vmem>>
      %dma_start3A_150 = tpu.memref_squeeze %dma_start3A_149 : memref<1x64xi32, #tpu.memory_space<vmem>> -> memref<64xi32, #tpu.memory_space<vmem>>
      %dma_start3A_151 = arith.constant 0 : i32
      %dma_start3A_152 = arith.constant 0 : i32
      %dma_start3A_153 = tpu.memref_slice %arg2[%dma_start3A_151, %dma_start3A_152] : memref<10000x128xf32, #tpu.memory_space<hbm>> -> memref<10000x128xf32, #tpu.memory_space<hbm>>
      tpu.enqueue_indirect_dma source(%dma_start3A_153 : memref<10000x128xf32, #tpu.memory_space<hbm>>) target(%arg10 : memref<64x128xf32, #tpu.memory_space<vmem>>) offsets(%dma_start3A_150 : memref<64xi32, #tpu.memory_space<vmem>>) semaphore(%arg14 : memref<!tpu.dma_semaphore, #tpu.memory_space<semaphore_mem>>)
      %dma_wait3A_154 = arith.constant 3 : i32
      %dma_wait3A_155 = arith.constant 0 : i32
      %dma_wait3A_156 = tpu.memref_slice %arg6[%dma_wait3A_154, %dma_wait3A_155] : memref<8x64xi32, #tpu.memory_space<vmem>> -> memref<1x64xi32, #tpu.memory_space<vmem>>
      %dma_wait3A_157 = tpu.memref_squeeze %dma_wait3A_156 : memref<1x64xi32, #tpu.memory_space<vmem>> -> memref<64xi32, #tpu.memory_space<vmem>>
      %dma_wait3A_158 = arith.constant 0 : i32
      %dma_wait3A_159 = arith.constant 0 : i32
      %dma_wait3A_160 = tpu.memref_slice %arg2[%dma_wait3A_158, %dma_wait3A_159] : memref<10000x128xf32, #tpu.memory_space<hbm>> -> memref<10000x128xf32, #tpu.memory_space<hbm>>
      tpu.wait_indirect_dma semaphore(%arg12 : memref<!tpu.dma_semaphore, #tpu.memory_space<semaphore_mem>>) src(%dma_wait3A_160 : memref<10000x128xf32, #tpu.memory_space<hbm>>) dst(%arg8 : memref<64x128xf32, #tpu.memory_space<vmem>>)
      %run_scoped3A_161 = arith.constant 3 : i32
      "tpu.region"() ({
        %run_scoped3A_208 = tpu.sem_alloc : memref<!tpu.dma_semaphore, #tpu.memory_space<semaphore_mem>>
        %dma_start3A_209 = arith.constant 0 : i32
        %dma_start3A_210 = tpu.memref_slice %arg7[%run_scoped3A_161, %dma_start3A_209] : memref<8x64xi32, #tpu.memory_space<vmem>> -> memref<1x64xi32, #tpu.memory_space<vmem>>
        %dma_start3A_211 = tpu.memref_squeeze %dma_start3A_210 : memref<1x64xi32, #tpu.memory_space<vmem>> -> memref<64xi32, #tpu.memory_space<vmem>>
        %dma_start3A_212 = arith.constant 0 : i32
        %dma_start3A_213 = arith.constant 0 : i32
        %dma_start3A_214 = tpu.memref_slice %arg11[%dma_start3A_212, %dma_start3A_213] : memref<10112x128xf32, #tpu.memory_space<vmem_shared>> -> memref<10112x128xf32, #tpu.memory_space<vmem_shared>>
        tpu.enqueue_indirect_dma source(%arg8 : memref<64x128xf32, #tpu.memory_space<vmem>>) target(%dma_start3A_214 : memref<10112x128xf32, #tpu.memory_space<vmem_shared>>) offsets(%dma_start3A_211 : memref<64xi32, #tpu.memory_space<vmem>>) semaphore(%run_scoped3A_208 : memref<!tpu.dma_semaphore, #tpu.memory_space<semaphore_mem>>) {add = true}
        %dma_wait3A_215 = arith.constant 0 : i32
        %dma_wait3A_216 = tpu.memref_slice %arg7[%run_scoped3A_161, %dma_wait3A_215] : memref<8x64xi32, #tpu.memory_space<vmem>> -> memref<1x64xi32, #tpu.memory_space<vmem>>
        %dma_wait3A_217 = tpu.memref_squeeze %dma_wait3A_216 : memref<1x64xi32, #tpu.memory_space<vmem>> -> memref<64xi32, #tpu.memory_space<vmem>>
        %dma_wait3A_218 = arith.constant 0 : i32
        %dma_wait3A_219 = arith.constant 0 : i32
        %dma_wait3A_220 = tpu.memref_slice %arg11[%dma_wait3A_218, %dma_wait3A_219] : memref<10112x128xf32, #tpu.memory_space<vmem_shared>> -> memref<10112x128xf32, #tpu.memory_space<vmem_shared>>
        tpu.wait_indirect_dma semaphore(%run_scoped3A_208 : memref<!tpu.dma_semaphore, #tpu.memory_space<semaphore_mem>>) src(%arg8 : memref<64x128xf32, #tpu.memory_space<vmem>>) dst(%dma_wait3A_220 : memref<10112x128xf32, #tpu.memory_space<vmem_shared>>)
        tpu.yield
      }) : () -> ()
      %dma_start3A_162 = arith.constant 6 : i32
      %dma_start3A_163 = arith.constant 0 : i32
      %dma_start3A_164 = tpu.memref_slice %arg6[%dma_start3A_162, %dma_start3A_163] : memref<8x64xi32, #tpu.memory_space<vmem>> -> memref<1x64xi32, #tpu.memory_space<vmem>>
      %dma_start3A_165 = tpu.memref_squeeze %dma_start3A_164 : memref<1x64xi32, #tpu.memory_space<vmem>> -> memref<64xi32, #tpu.memory_space<vmem>>
      %dma_start3A_166 = arith.constant 0 : i32
      %dma_start3A_167 = arith.constant 0 : i32
      %dma_start3A_168 = tpu.memref_slice %arg2[%dma_start3A_166, %dma_start3A_167] : memref<10000x128xf32, #tpu.memory_space<hbm>> -> memref<10000x128xf32, #tpu.memory_space<hbm>>
      tpu.enqueue_indirect_dma source(%dma_start3A_168 : memref<10000x128xf32, #tpu.memory_space<hbm>>) target(%arg8 : memref<64x128xf32, #tpu.memory_space<vmem>>) offsets(%dma_start3A_165 : memref<64xi32, #tpu.memory_space<vmem>>) semaphore(%arg12 : memref<!tpu.dma_semaphore, #tpu.memory_space<semaphore_mem>>)
      %dma_wait3A_169 = arith.constant 4 : i32
      %dma_wait3A_170 = arith.constant 0 : i32
      %dma_wait3A_171 = tpu.memref_slice %arg6[%dma_wait3A_169, %dma_wait3A_170] : memref<8x64xi32, #tpu.memory_space<vmem>> -> memref<1x64xi32, #tpu.memory_space<vmem>>
      %dma_wait3A_172 = tpu.memref_squeeze %dma_wait3A_171 : memref<1x64xi32, #tpu.memory_space<vmem>> -> memref<64xi32, #tpu.memory_space<vmem>>
      %dma_wait3A_173 = arith.constant 0 : i32
      %dma_wait3A_174 = arith.constant 0 : i32
      %dma_wait3A_175 = tpu.memref_slice %arg2[%dma_wait3A_173, %dma_wait3A_174] : memref<10000x128xf32, #tpu.memory_space<hbm>> -> memref<10000x128xf32, #tpu.memory_space<hbm>>
      tpu.wait_indirect_dma semaphore(%arg13 : memref<!tpu.dma_semaphore, #tpu.memory_space<semaphore_mem>>) src(%dma_wait3A_175 : memref<10000x128xf32, #tpu.memory_space<hbm>>) dst(%arg9 : memref<64x128xf32, #tpu.memory_space<vmem>>)
      %run_scoped3A_176 = arith.constant 4 : i32
      "tpu.region"() ({
        %run_scoped3A_208 = tpu.sem_alloc : memref<!tpu.dma_semaphore, #tpu.memory_space<semaphore_mem>>
        %dma_start3A_209 = arith.constant 0 : i32
        %dma_start3A_210 = tpu.memref_slice %arg7[%run_scoped3A_176, %dma_start3A_209] : memref<8x64xi32, #tpu.memory_space<vmem>> -> memref<1x64xi32, #tpu.memory_space<vmem>>
        %dma_start3A_211 = tpu.memref_squeeze %dma_start3A_210 : memref<1x64xi32, #tpu.memory_space<vmem>> -> memref<64xi32, #tpu.memory_space<vmem>>
        %dma_start3A_212 = arith.constant 0 : i32
        %dma_start3A_213 = arith.constant 0 : i32
        %dma_start3A_214 = tpu.memref_slice %arg11[%dma_start3A_212, %dma_start3A_213] : memref<10112x128xf32, #tpu.memory_space<vmem_shared>> -> memref<10112x128xf32, #tpu.memory_space<vmem_shared>>
        tpu.enqueue_indirect_dma source(%arg9 : memref<64x128xf32, #tpu.memory_space<vmem>>) target(%dma_start3A_214 : memref<10112x128xf32, #tpu.memory_space<vmem_shared>>) offsets(%dma_start3A_211 : memref<64xi32, #tpu.memory_space<vmem>>) semaphore(%run_scoped3A_208 : memref<!tpu.dma_semaphore, #tpu.memory_space<semaphore_mem>>) {add = true}
        %dma_wait3A_215 = arith.constant 0 : i32
        %dma_wait3A_216 = tpu.memref_slice %arg7[%run_scoped3A_176, %dma_wait3A_215] : memref<8x64xi32, #tpu.memory_space<vmem>> -> memref<1x64xi32, #tpu.memory_space<vmem>>
        %dma_wait3A_217 = tpu.memref_squeeze %dma_wait3A_216 : memref<1x64xi32, #tpu.memory_space<vmem>> -> memref<64xi32, #tpu.memory_space<vmem>>
        %dma_wait3A_218 = arith.constant 0 : i32
        %dma_wait3A_219 = arith.constant 0 : i32
        %dma_wait3A_220 = tpu.memref_slice %arg11[%dma_wait3A_218, %dma_wait3A_219] : memref<10112x128xf32, #tpu.memory_space<vmem_shared>> -> memref<10112x128xf32, #tpu.memory_space<vmem_shared>>
        tpu.wait_indirect_dma semaphore(%run_scoped3A_208 : memref<!tpu.dma_semaphore, #tpu.memory_space<semaphore_mem>>) src(%arg9 : memref<64x128xf32, #tpu.memory_space<vmem>>) dst(%dma_wait3A_220 : memref<10112x128xf32, #tpu.memory_space<vmem_shared>>)
        tpu.yield
      }) : () -> ()
      %dma_start3A_177 = arith.constant 7 : i32
      %dma_start3A_178 = arith.constant 0 : i32
      %dma_start3A_179 = tpu.memref_slice %arg6[%dma_start3A_177, %dma_start3A_178] : memref<8x64xi32, #tpu.memory_space<vmem>> -> memref<1x64xi32, #tpu.memory_space<vmem>>
      %dma_start3A_180 = tpu.memref_squeeze %dma_start3A_179 : memref<1x64xi32, #tpu.memory_space<vmem>> -> memref<64xi32, #tpu.memory_space<vmem>>
      %dma_start3A_181 = arith.constant 0 : i32
      %dma_start3A_182 = arith.constant 0 : i32
      %dma_start3A_183 = tpu.memref_slice %arg2[%dma_start3A_181, %dma_start3A_182] : memref<10000x128xf32, #tpu.memory_space<hbm>> -> memref<10000x128xf32, #tpu.memory_space<hbm>>
      tpu.enqueue_indirect_dma source(%dma_start3A_183 : memref<10000x128xf32, #tpu.memory_space<hbm>>) target(%arg9 : memref<64x128xf32, #tpu.memory_space<vmem>>) offsets(%dma_start3A_180 : memref<64xi32, #tpu.memory_space<vmem>>) semaphore(%arg13 : memref<!tpu.dma_semaphore, #tpu.memory_space<semaphore_mem>>)
      %dma_wait3A_184 = arith.constant 5 : i32
      %dma_wait3A_185 = arith.constant 0 : i32
      %dma_wait3A_186 = tpu.memref_slice %arg6[%dma_wait3A_184, %dma_wait3A_185] : memref<8x64xi32, #tpu.memory_space<vmem>> -> memref<1x64xi32, #tpu.memory_space<vmem>>
      %dma_wait3A_187 = tpu.memref_squeeze %dma_wait3A_186 : memref<1x64xi32, #tpu.memory_space<vmem>> -> memref<64xi32, #tpu.memory_space<vmem>>
      %dma_wait3A_188 = arith.constant 0 : i32
      %dma_wait3A_189 = arith.constant 0 : i32
      %dma_wait3A_190 = tpu.memref_slice %arg2[%dma_wait3A_188, %dma_wait3A_189] : memref<10000x128xf32, #tpu.memory_space<hbm>> -> memref<10000x128xf32, #tpu.memory_space<hbm>>
      tpu.wait_indirect_dma semaphore(%arg14 : memref<!tpu.dma_semaphore, #tpu.memory_space<semaphore_mem>>) src(%dma_wait3A_190 : memref<10000x128xf32, #tpu.memory_space<hbm>>) dst(%arg10 : memref<64x128xf32, #tpu.memory_space<vmem>>)
      %run_scoped3A_191 = arith.constant 5 : i32
      "tpu.region"() ({
        %run_scoped3A_208 = tpu.sem_alloc : memref<!tpu.dma_semaphore, #tpu.memory_space<semaphore_mem>>
        %dma_start3A_209 = arith.constant 0 : i32
        %dma_start3A_210 = tpu.memref_slice %arg7[%run_scoped3A_191, %dma_start3A_209] : memref<8x64xi32, #tpu.memory_space<vmem>> -> memref<1x64xi32, #tpu.memory_space<vmem>>
        %dma_start3A_211 = tpu.memref_squeeze %dma_start3A_210 : memref<1x64xi32, #tpu.memory_space<vmem>> -> memref<64xi32, #tpu.memory_space<vmem>>
        %dma_start3A_212 = arith.constant 0 : i32
        %dma_start3A_213 = arith.constant 0 : i32
        %dma_start3A_214 = tpu.memref_slice %arg11[%dma_start3A_212, %dma_start3A_213] : memref<10112x128xf32, #tpu.memory_space<vmem_shared>> -> memref<10112x128xf32, #tpu.memory_space<vmem_shared>>
        tpu.enqueue_indirect_dma source(%arg10 : memref<64x128xf32, #tpu.memory_space<vmem>>) target(%dma_start3A_214 : memref<10112x128xf32, #tpu.memory_space<vmem_shared>>) offsets(%dma_start3A_211 : memref<64xi32, #tpu.memory_space<vmem>>) semaphore(%run_scoped3A_208 : memref<!tpu.dma_semaphore, #tpu.memory_space<semaphore_mem>>) {add = true}
        %dma_wait3A_215 = arith.constant 0 : i32
        %dma_wait3A_216 = tpu.memref_slice %arg7[%run_scoped3A_191, %dma_wait3A_215] : memref<8x64xi32, #tpu.memory_space<vmem>> -> memref<1x64xi32, #tpu.memory_space<vmem>>
        %dma_wait3A_217 = tpu.memref_squeeze %dma_wait3A_216 : memref<1x64xi32, #tpu.memory_space<vmem>> -> memref<64xi32, #tpu.memory_space<vmem>>
        %dma_wait3A_218 = arith.constant 0 : i32
        %dma_wait3A_219 = arith.constant 0 : i32
        %dma_wait3A_220 = tpu.memref_slice %arg11[%dma_wait3A_218, %dma_wait3A_219] : memref<10112x128xf32, #tpu.memory_space<vmem_shared>> -> memref<10112x128xf32, #tpu.memory_space<vmem_shared>>
        tpu.wait_indirect_dma semaphore(%run_scoped3A_208 : memref<!tpu.dma_semaphore, #tpu.memory_space<semaphore_mem>>) src(%arg10 : memref<64x128xf32, #tpu.memory_space<vmem>>) dst(%dma_wait3A_220 : memref<10112x128xf32, #tpu.memory_space<vmem_shared>>)
        tpu.yield
      }) : () -> ()
      %dma_wait3A_192 = arith.constant 6 : i32
      %dma_wait3A_193 = arith.constant 0 : i32
      %dma_wait3A_194 = tpu.memref_slice %arg6[%dma_wait3A_192, %dma_wait3A_193] : memref<8x64xi32, #tpu.memory_space<vmem>> -> memref<1x64xi32, #tpu.memory_space<vmem>>
      %dma_wait3A_195 = tpu.memref_squeeze %dma_wait3A_194 : memref<1x64xi32, #tpu.memory_space<vmem>> -> memref<64xi32, #tpu.memory_space<vmem>>
      %dma_wait3A_196 = arith.constant 0 : i32
      %dma_wait3A_197 = arith.constant 0 : i32
      %dma_wait3A_198 = tpu.memref_slice %arg2[%dma_wait3A_196, %dma_wait3A_197] : memref<10000x128xf32, #tpu.memory_space<hbm>> -> memref<10000x128xf32, #tpu.memory_space<hbm>>
      tpu.wait_indirect_dma semaphore(%arg12 : memref<!tpu.dma_semaphore, #tpu.memory_space<semaphore_mem>>) src(%dma_wait3A_198 : memref<10000x128xf32, #tpu.memory_space<hbm>>) dst(%arg8 : memref<64x128xf32, #tpu.memory_space<vmem>>)
      %run_scoped3A_199 = arith.constant 6 : i32
      "tpu.region"() ({
        %run_scoped3A_208 = tpu.sem_alloc : memref<!tpu.dma_semaphore, #tpu.memory_space<semaphore_mem>>
        %dma_start3A_209 = arith.constant 0 : i32
        %dma_start3A_210 = tpu.memref_slice %arg7[%run_scoped3A_199, %dma_start3A_209] : memref<8x64xi32, #tpu.memory_space<vmem>> -> memref<1x64xi32, #tpu.memory_space<vmem>>
        %dma_start3A_211 = tpu.memref_squeeze %dma_start3A_210 : memref<1x64xi32, #tpu.memory_space<vmem>> -> memref<64xi32, #tpu.memory_space<vmem>>
        %dma_start3A_212 = arith.constant 0 : i32
        %dma_start3A_213 = arith.constant 0 : i32
        %dma_start3A_214 = tpu.memref_slice %arg11[%dma_start3A_212, %dma_start3A_213] : memref<10112x128xf32, #tpu.memory_space<vmem_shared>> -> memref<10112x128xf32, #tpu.memory_space<vmem_shared>>
        tpu.enqueue_indirect_dma source(%arg8 : memref<64x128xf32, #tpu.memory_space<vmem>>) target(%dma_start3A_214 : memref<10112x128xf32, #tpu.memory_space<vmem_shared>>) offsets(%dma_start3A_211 : memref<64xi32, #tpu.memory_space<vmem>>) semaphore(%run_scoped3A_208 : memref<!tpu.dma_semaphore, #tpu.memory_space<semaphore_mem>>) {add = true}
        %dma_wait3A_215 = arith.constant 0 : i32
        %dma_wait3A_216 = tpu.memref_slice %arg7[%run_scoped3A_199, %dma_wait3A_215] : memref<8x64xi32, #tpu.memory_space<vmem>> -> memref<1x64xi32, #tpu.memory_space<vmem>>
        %dma_wait3A_217 = tpu.memref_squeeze %dma_wait3A_216 : memref<1x64xi32, #tpu.memory_space<vmem>> -> memref<64xi32, #tpu.memory_space<vmem>>
        %dma_wait3A_218 = arith.constant 0 : i32
        %dma_wait3A_219 = arith.constant 0 : i32
        %dma_wait3A_220 = tpu.memref_slice %arg11[%dma_wait3A_218, %dma_wait3A_219] : memref<10112x128xf32, #tpu.memory_space<vmem_shared>> -> memref<10112x128xf32, #tpu.memory_space<vmem_shared>>
        tpu.wait_indirect_dma semaphore(%run_scoped3A_208 : memref<!tpu.dma_semaphore, #tpu.memory_space<semaphore_mem>>) src(%arg8 : memref<64x128xf32, #tpu.memory_space<vmem>>) dst(%dma_wait3A_220 : memref<10112x128xf32, #tpu.memory_space<vmem_shared>>)
        tpu.yield
      }) : () -> ()
      %dma_wait3A_200 = arith.constant 7 : i32
      %dma_wait3A_201 = arith.constant 0 : i32
      %dma_wait3A_202 = tpu.memref_slice %arg6[%dma_wait3A_200, %dma_wait3A_201] : memref<8x64xi32, #tpu.memory_space<vmem>> -> memref<1x64xi32, #tpu.memory_space<vmem>>
      %dma_wait3A_203 = tpu.memref_squeeze %dma_wait3A_202 : memref<1x64xi32, #tpu.memory_space<vmem>> -> memref<64xi32, #tpu.memory_space<vmem>>
      %dma_wait3A_204 = arith.constant 0 : i32
      %dma_wait3A_205 = arith.constant 0 : i32
      %dma_wait3A_206 = tpu.memref_slice %arg2[%dma_wait3A_204, %dma_wait3A_205] : memref<10000x128xf32, #tpu.memory_space<hbm>> -> memref<10000x128xf32, #tpu.memory_space<hbm>>
      tpu.wait_indirect_dma semaphore(%arg13 : memref<!tpu.dma_semaphore, #tpu.memory_space<semaphore_mem>>) src(%dma_wait3A_206 : memref<10000x128xf32, #tpu.memory_space<hbm>>) dst(%arg9 : memref<64x128xf32, #tpu.memory_space<vmem>>)
      %run_scoped3A_207 = arith.constant 7 : i32
      "tpu.region"() ({
        %run_scoped3A_208 = tpu.sem_alloc : memref<!tpu.dma_semaphore, #tpu.memory_space<semaphore_mem>>
        %dma_start3A_209 = arith.constant 0 : i32
        %dma_start3A_210 = tpu.memref_slice %arg7[%run_scoped3A_207, %dma_start3A_209] : memref<8x64xi32, #tpu.memory_space<vmem>> -> memref<1x64xi32, #tpu.memory_space<vmem>>
        %dma_start3A_211 = tpu.memref_squeeze %dma_start3A_210 : memref<1x64xi32, #tpu.memory_space<vmem>> -> memref<64xi32, #tpu.memory_space<vmem>>
        %dma_start3A_212 = arith.constant 0 : i32
        %dma_start3A_213 = arith.constant 0 : i32
        %dma_start3A_214 = tpu.memref_slice %arg11[%dma_start3A_212, %dma_start3A_213] : memref<10112x128xf32, #tpu.memory_space<vmem_shared>> -> memref<10112x128xf32, #tpu.memory_space<vmem_shared>>
        tpu.enqueue_indirect_dma source(%arg9 : memref<64x128xf32, #tpu.memory_space<vmem>>) target(%dma_start3A_214 : memref<10112x128xf32, #tpu.memory_space<vmem_shared>>) offsets(%dma_start3A_211 : memref<64xi32, #tpu.memory_space<vmem>>) semaphore(%run_scoped3A_208 : memref<!tpu.dma_semaphore, #tpu.memory_space<semaphore_mem>>) {add = true}
        %dma_wait3A_215 = arith.constant 0 : i32
        %dma_wait3A_216 = tpu.memref_slice %arg7[%run_scoped3A_207, %dma_wait3A_215] : memref<8x64xi32, #tpu.memory_space<vmem>> -> memref<1x64xi32, #tpu.memory_space<vmem>>
        %dma_wait3A_217 = tpu.memref_squeeze %dma_wait3A_216 : memref<1x64xi32, #tpu.memory_space<vmem>> -> memref<64xi32, #tpu.memory_space<vmem>>
        %dma_wait3A_218 = arith.constant 0 : i32
        %dma_wait3A_219 = arith.constant 0 : i32
        %dma_wait3A_220 = tpu.memref_slice %arg11[%dma_wait3A_218, %dma_wait3A_219] : memref<10112x128xf32, #tpu.memory_space<vmem_shared>> -> memref<10112x128xf32, #tpu.memory_space<vmem_shared>>
        tpu.wait_indirect_dma semaphore(%run_scoped3A_208 : memref<!tpu.dma_semaphore, #tpu.memory_space<semaphore_mem>>) src(%arg9 : memref<64x128xf32, #tpu.memory_space<vmem>>) dst(%dma_wait3A_220 : memref<10112x128xf32, #tpu.memory_space<vmem_shared>>)
        tpu.yield
      }) : () -> ()
    }
    %barrier3A_46 = arith.constant 0 : index
    tpu.barrier barrier_id(%barrier3A_46)
    %add3A_47 = arith.constant 0 : i32
    %add3A_48 = arith.addi %mul3A_16, %add3A_47 : i32
    "tpu.region"() ({
      %run_scoped3A = tpu.sem_alloc : memref<!tpu.dma_semaphore, #tpu.memory_space<semaphore_mem>>
      %dma_start3A = arith.constant 0 : i32
      %dma_start3A_87 = arith.constant 0 : i32
      %dma_start3A_88 = tpu.memref_slice %arg9[%dma_start3A, %dma_start3A_87] : memref<64x128xf32, #tpu.memory_space<vmem>> -> memref<64x128xf32, #tpu.memory_space<vmem>>
      %dma_start3A_89 = arith.constant 0 : i32
      %dma_start3A_90 = tpu.memref_slice %arg11[%add3A_48, %dma_start3A_89] : memref<10112x128xf32, #tpu.memory_space<vmem_shared>> -> memref<64x128xf32, #tpu.memory_space<vmem_shared>>
      %dma_start3A_91 = arith.constant 0 : i32
      %dma_start3A_92 = arith.constant 0 : i32
      %dma_start3A_93 = tpu.memref_slice %arg9[%dma_start3A_91, %dma_start3A_92] : memref<64x128xf32, #tpu.memory_space<vmem>> -> memref<64x128xf32, #tpu.memory_space<vmem>>
      %dma_start3A_94 = arith.constant 0 : i32
      %dma_start3A_95 = tpu.memref_slice %arg11[%add3A_48, %dma_start3A_94] : memref<10112x128xf32, #tpu.memory_space<vmem_shared>> -> memref<64x128xf32, #tpu.memory_space<vmem_shared>>
      tpu.enqueue_dma source(%dma_start3A_95 : memref<64x128xf32, #tpu.memory_space<vmem_shared>>) target(%dma_start3A_93 : memref<64x128xf32, #tpu.memory_space<vmem>>) target_semaphore(%run_scoped3A : memref<!tpu.dma_semaphore, #tpu.memory_space<semaphore_mem>>)
      %dma_wait3A = arith.constant 0 : i32
      %dma_wait3A_96 = arith.constant 0 : i32
      %dma_wait3A_97 = tpu.memref_slice %arg9[%dma_wait3A, %dma_wait3A_96] : memref<64x128xf32, #tpu.memory_space<vmem>> -> memref<64x128xf32, #tpu.memory_space<vmem>>
      %dma_wait3A_98 = arith.constant 0 : i32
      %dma_wait3A_99 = tpu.memref_slice %arg11[%add3A_48, %dma_wait3A_98] : memref<10112x128xf32, #tpu.memory_space<vmem_shared>> -> memref<64x128xf32, #tpu.memory_space<vmem_shared>>
      %dma_wait3A_100 = arith.constant 0 : i32
      %dma_wait3A_101 = arith.constant 0 : i32
      %dma_wait3A_102 = tpu.memref_slice %arg9[%dma_wait3A_100, %dma_wait3A_101] : memref<64x128xf32, #tpu.memory_space<vmem>> -> memref<64x128xf32, #tpu.memory_space<vmem>>
      %dma_wait3A_103 = arith.constant 0 : i32
      %dma_wait3A_104 = tpu.memref_slice %arg11[%add3A_48, %dma_wait3A_103] : memref<10112x128xf32, #tpu.memory_space<vmem_shared>> -> memref<64x128xf32, #tpu.memory_space<vmem_shared>>
      tpu.wait_dma2 semaphore(%run_scoped3A : memref<!tpu.dma_semaphore, #tpu.memory_space<semaphore_mem>>) src(%dma_wait3A_104 : memref<64x128xf32, #tpu.memory_space<vmem_shared>>) dst(%dma_wait3A_102 : memref<64x128xf32, #tpu.memory_space<vmem>>)
      tpu.yield
    }) : () -> ()
    %add3A_49 = arith.constant 0 : i32
    %add3A_50 = arith.addi %mul3A_16, %add3A_49 : i32
    "tpu.region"() ({
      %run_scoped3A = tpu.sem_alloc : memref<!tpu.dma_semaphore, #tpu.memory_space<semaphore_mem>>
      %dma_start3A = arith.constant 0 : i32
      %dma_start3A_87 = arith.constant 0 : i32
      %dma_start3A_88 = tpu.memref_slice %arg9[%dma_start3A, %dma_start3A_87] : memref<64x128xf32, #tpu.memory_space<vmem>> -> memref<64x128xf32, #tpu.memory_space<vmem>>
      %dma_start3A_89 = arith.constant 0 : i32
      %dma_start3A_90 = tpu.memref_slice %arg5[%arg0, %add3A_50, %dma_start3A_89] : memref<2x10112x128xf32, #tpu.memory_space<hbm>> -> memref<1x64x128xf32, #tpu.memory_space<hbm>>
      %dma_start3A_91 = tpu.memref_squeeze %dma_start3A_90 : memref<1x64x128xf32, #tpu.memory_space<hbm>> -> memref<64x128xf32, #tpu.memory_space<hbm>>
      %dma_start3A_92 = arith.constant 0 : i32
      %dma_start3A_93 = tpu.memref_slice %arg5[%arg0, %add3A_50, %dma_start3A_92] : memref<2x10112x128xf32, #tpu.memory_space<hbm>> -> memref<1x64x128xf32, #tpu.memory_space<hbm>>
      %dma_start3A_94 = tpu.memref_squeeze %dma_start3A_93 : memref<1x64x128xf32, #tpu.memory_space<hbm>> -> memref<64x128xf32, #tpu.memory_space<hbm>>
      %dma_start3A_95 = arith.constant 0 : i32
      %dma_start3A_96 = arith.constant 0 : i32
      %dma_start3A_97 = tpu.memref_slice %arg9[%dma_start3A_95, %dma_start3A_96] : memref<64x128xf32, #tpu.memory_space<vmem>> -> memref<64x128xf32, #tpu.memory_space<vmem>>
      tpu.enqueue_dma source(%dma_start3A_97 : memref<64x128xf32, #tpu.memory_space<vmem>>) target(%dma_start3A_94 : memref<64x128xf32, #tpu.memory_space<hbm>>) target_semaphore(%run_scoped3A : memref<!tpu.dma_semaphore, #tpu.memory_space<semaphore_mem>>)
      %dma_wait3A = arith.constant 0 : i32
      %dma_wait3A_98 = arith.constant 0 : i32
      %dma_wait3A_99 = tpu.memref_slice %arg9[%dma_wait3A, %dma_wait3A_98] : memref<64x128xf32, #tpu.memory_space<vmem>> -> memref<64x128xf32, #tpu.memory_space<vmem>>
      %dma_wait3A_100 = arith.constant 0 : i32
      %dma_wait3A_101 = tpu.memref_slice %arg5[%arg0, %add3A_50, %dma_wait3A_100] : memref<2x10112x128xf32, #tpu.memory_space<hbm>> -> memref<1x64x128xf32, #tpu.memory_space<hbm>>
      %dma_wait3A_102 = tpu.memref_squeeze %dma_wait3A_101 : memref<1x64x128xf32, #tpu.memory_space<hbm>> -> memref<64x128xf32, #tpu.memory_space<hbm>>
      %dma_wait3A_103 = arith.constant 0 : i32
      %dma_wait3A_104 = tpu.memref_slice %arg5[%arg0, %add3A_50, %dma_wait3A_103] : memref<2x10112x128xf32, #tpu.memory_space<hbm>> -> memref<1x64x128xf32, #tpu.memory_space<hbm>>
      %dma_wait3A_105 = tpu.memref_squeeze %dma_wait3A_104 : memref<1x64x128xf32, #tpu.memory_space<hbm>> -> memref<64x128xf32, #tpu.memory_space<hbm>>
      %dma_wait3A_106 = arith.constant 0 : i32
      %dma_wait3A_107 = arith.constant 0 : i32
      %dma_wait3A_108 = tpu.memref_slice %arg9[%dma_wait3A_106, %dma_wait3A_107] : memref<64x128xf32, #tpu.memory_space<vmem>> -> memref<64x128xf32, #tpu.memory_space<vmem>>
      tpu.wait_dma2 semaphore(%run_scoped3A : memref<!tpu.dma_semaphore, #tpu.memory_space<semaphore_mem>>) src(%dma_wait3A_108 : memref<64x128xf32, #tpu.memory_space<vmem>>) dst(%dma_wait3A_105 : memref<64x128xf32, #tpu.memory_space<hbm>>)
      tpu.yield
    }) : () -> ()
    %add3A_51 = arith.constant 64 : i32
    %add3A_52 = arith.addi %mul3A_16, %add3A_51 : i32
    "tpu.region"() ({
      %run_scoped3A = tpu.sem_alloc : memref<!tpu.dma_semaphore, #tpu.memory_space<semaphore_mem>>
      %dma_start3A = arith.constant 0 : i32
      %dma_start3A_87 = arith.constant 0 : i32
      %dma_start3A_88 = tpu.memref_slice %arg9[%dma_start3A, %dma_start3A_87] : memref<64x128xf32, #tpu.memory_space<vmem>> -> memref<64x128xf32, #tpu.memory_space<vmem>>
      %dma_start3A_89 = arith.constant 0 : i32
      %dma_start3A_90 = tpu.memref_slice %arg11[%add3A_52, %dma_start3A_89] : memref<10112x128xf32, #tpu.memory_space<vmem_shared>> -> memref<64x128xf32, #tpu.memory_space<vmem_shared>>
      %dma_start3A_91 = arith.constant 0 : i32
      %dma_start3A_92 = arith.constant 0 : i32
      %dma_start3A_93 = tpu.memref_slice %arg9[%dma_start3A_91, %dma_start3A_92] : memref<64x128xf32, #tpu.memory_space<vmem>> -> memref<64x128xf32, #tpu.memory_space<vmem>>
      %dma_start3A_94 = arith.constant 0 : i32
      %dma_start3A_95 = tpu.memref_slice %arg11[%add3A_52, %dma_start3A_94] : memref<10112x128xf32, #tpu.memory_space<vmem_shared>> -> memref<64x128xf32, #tpu.memory_space<vmem_shared>>
      tpu.enqueue_dma source(%dma_start3A_95 : memref<64x128xf32, #tpu.memory_space<vmem_shared>>) target(%dma_start3A_93 : memref<64x128xf32, #tpu.memory_space<vmem>>) target_semaphore(%run_scoped3A : memref<!tpu.dma_semaphore, #tpu.memory_space<semaphore_mem>>)
      %dma_wait3A = arith.constant 0 : i32
      %dma_wait3A_96 = arith.constant 0 : i32
      %dma_wait3A_97 = tpu.memref_slice %arg9[%dma_wait3A, %dma_wait3A_96] : memref<64x128xf32, #tpu.memory_space<vmem>> -> memref<64x128xf32, #tpu.memory_space<vmem>>
      %dma_wait3A_98 = arith.constant 0 : i32
      %dma_wait3A_99 = tpu.memref_slice %arg11[%add3A_52, %dma_wait3A_98] : memref<10112x128xf32, #tpu.memory_space<vmem_shared>> -> memref<64x128xf32, #tpu.memory_space<vmem_shared>>
      %dma_wait3A_100 = arith.constant 0 : i32
      %dma_wait3A_101 = arith.constant 0 : i32
      %dma_wait3A_102 = tpu.memref_slice %arg9[%dma_wait3A_100, %dma_wait3A_101] : memref<64x128xf32, #tpu.memory_space<vmem>> -> memref<64x128xf32, #tpu.memory_space<vmem>>
      %dma_wait3A_103 = arith.constant 0 : i32
      %dma_wait3A_104 = tpu.memref_slice %arg11[%add3A_52, %dma_wait3A_103] : memref<10112x128xf32, #tpu.memory_space<vmem_shared>> -> memref<64x128xf32, #tpu.memory_space<vmem_shared>>
      tpu.wait_dma2 semaphore(%run_scoped3A : memref<!tpu.dma_semaphore, #tpu.memory_space<semaphore_mem>>) src(%dma_wait3A_104 : memref<64x128xf32, #tpu.memory_space<vmem_shared>>) dst(%dma_wait3A_102 : memref<64x128xf32, #tpu.memory_space<vmem>>)
      tpu.yield
    }) : () -> ()
    %add3A_53 = arith.constant 64 : i32
    %add3A_54 = arith.addi %mul3A_16, %add3A_53 : i32
    "tpu.region"() ({
      %run_scoped3A = tpu.sem_alloc : memref<!tpu.dma_semaphore, #tpu.memory_space<semaphore_mem>>
      %dma_start3A = arith.constant 0 : i32
      %dma_start3A_87 = arith.constant 0 : i32
      %dma_start3A_88 = tpu.memref_slice %arg9[%dma_start3A, %dma_start3A_87] : memref<64x128xf32, #tpu.memory_space<vmem>> -> memref<64x128xf32, #tpu.memory_space<vmem>>
      %dma_start3A_89 = arith.constant 0 : i32
      %dma_start3A_90 = tpu.memref_slice %arg5[%arg0, %add3A_54, %dma_start3A_89] : memref<2x10112x128xf32, #tpu.memory_space<hbm>> -> memref<1x64x128xf32, #tpu.memory_space<hbm>>
      %dma_start3A_91 = tpu.memref_squeeze %dma_start3A_90 : memref<1x64x128xf32, #tpu.memory_space<hbm>> -> memref<64x128xf32, #tpu.memory_space<hbm>>
      %dma_start3A_92 = arith.constant 0 : i32
      %dma_start3A_93 = tpu.memref_slice %arg5[%arg0, %add3A_54, %dma_start3A_92] : memref<2x10112x128xf32, #tpu.memory_space<hbm>> -> memref<1x64x128xf32, #tpu.memory_space<hbm>>
      %dma_start3A_94 = tpu.memref_squeeze %dma_start3A_93 : memref<1x64x128xf32, #tpu.memory_space<hbm>> -> memref<64x128xf32, #tpu.memory_space<hbm>>
      %dma_start3A_95 = arith.constant 0 : i32
      %dma_start3A_96 = arith.constant 0 : i32
      %dma_start3A_97 = tpu.memref_slice %arg9[%dma_start3A_95, %dma_start3A_96] : memref<64x128xf32, #tpu.memory_space<vmem>> -> memref<64x128xf32, #tpu.memory_space<vmem>>
      tpu.enqueue_dma source(%dma_start3A_97 : memref<64x128xf32, #tpu.memory_space<vmem>>) target(%dma_start3A_94 : memref<64x128xf32, #tpu.memory_space<hbm>>) target_semaphore(%run_scoped3A : memref<!tpu.dma_semaphore, #tpu.memory_space<semaphore_mem>>)
      %dma_wait3A = arith.constant 0 : i32
      %dma_wait3A_98 = arith.constant 0 : i32
      %dma_wait3A_99 = tpu.memref_slice %arg9[%dma_wait3A, %dma_wait3A_98] : memref<64x128xf32, #tpu.memory_space<vmem>> -> memref<64x128xf32, #tpu.memory_space<vmem>>
      %dma_wait3A_100 = arith.constant 0 : i32
      %dma_wait3A_101 = tpu.memref_slice %arg5[%arg0, %add3A_54, %dma_wait3A_100] : memref<2x10112x128xf32, #tpu.memory_space<hbm>> -> memref<1x64x128xf32, #tpu.memory_space<hbm>>
      %dma_wait3A_102 = tpu.memref_squeeze %dma_wait3A_101 : memref<1x64x128xf32, #tpu.memory_space<hbm>> -> memref<64x128xf32, #tpu.memory_space<hbm>>
      %dma_wait3A_103 = arith.constant 0 : i32
      %dma_wait3A_104 = tpu.memref_slice %arg5[%arg0, %add3A_54, %dma_wait3A_103] : memref<2x10112x128xf32, #tpu.memory_space<hbm>> -> memref<1x64x128xf32, #tpu.memory_space<hbm>>
      %dma_wait3A_105 = tpu.memref_squeeze %dma_wait3A_104 : memref<1x64x128xf32, #tpu.memory_space<hbm>> -> memref<64x128xf32, #tpu.memory_space<hbm>>
      %dma_wait3A_106 = arith.constant 0 : i32
      %dma_wait3A_107 = arith.constant 0 : i32
      %dma_wait3A_108 = tpu.memref_slice %arg9[%dma_wait3A_106, %dma_wait3A_107] : memref<64x128xf32, #tpu.memory_space<vmem>> -> memref<64x128xf32, #tpu.memory_space<vmem>>
      tpu.wait_dma2 semaphore(%run_scoped3A : memref<!tpu.dma_semaphore, #tpu.memory_space<semaphore_mem>>) src(%dma_wait3A_108 : memref<64x128xf32, #tpu.memory_space<vmem>>) dst(%dma_wait3A_105 : memref<64x128xf32, #tpu.memory_space<hbm>>)
      tpu.yield
    }) : () -> ()
    %add3A_55 = arith.constant 128 : i32
    %add3A_56 = arith.addi %mul3A_16, %add3A_55 : i32
    "tpu.region"() ({
      %run_scoped3A = tpu.sem_alloc : memref<!tpu.dma_semaphore, #tpu.memory_space<semaphore_mem>>
      %dma_start3A = arith.constant 0 : i32
      %dma_start3A_87 = arith.constant 0 : i32
      %dma_start3A_88 = tpu.memref_slice %arg9[%dma_start3A, %dma_start3A_87] : memref<64x128xf32, #tpu.memory_space<vmem>> -> memref<64x128xf32, #tpu.memory_space<vmem>>
      %dma_start3A_89 = arith.constant 0 : i32
      %dma_start3A_90 = tpu.memref_slice %arg11[%add3A_56, %dma_start3A_89] : memref<10112x128xf32, #tpu.memory_space<vmem_shared>> -> memref<64x128xf32, #tpu.memory_space<vmem_shared>>
      %dma_start3A_91 = arith.constant 0 : i32
      %dma_start3A_92 = arith.constant 0 : i32
      %dma_start3A_93 = tpu.memref_slice %arg9[%dma_start3A_91, %dma_start3A_92] : memref<64x128xf32, #tpu.memory_space<vmem>> -> memref<64x128xf32, #tpu.memory_space<vmem>>
      %dma_start3A_94 = arith.constant 0 : i32
      %dma_start3A_95 = tpu.memref_slice %arg11[%add3A_56, %dma_start3A_94] : memref<10112x128xf32, #tpu.memory_space<vmem_shared>> -> memref<64x128xf32, #tpu.memory_space<vmem_shared>>
      tpu.enqueue_dma source(%dma_start3A_95 : memref<64x128xf32, #tpu.memory_space<vmem_shared>>) target(%dma_start3A_93 : memref<64x128xf32, #tpu.memory_space<vmem>>) target_semaphore(%run_scoped3A : memref<!tpu.dma_semaphore, #tpu.memory_space<semaphore_mem>>)
      %dma_wait3A = arith.constant 0 : i32
      %dma_wait3A_96 = arith.constant 0 : i32
      %dma_wait3A_97 = tpu.memref_slice %arg9[%dma_wait3A, %dma_wait3A_96] : memref<64x128xf32, #tpu.memory_space<vmem>> -> memref<64x128xf32, #tpu.memory_space<vmem>>
      %dma_wait3A_98 = arith.constant 0 : i32
      %dma_wait3A_99 = tpu.memref_slice %arg11[%add3A_56, %dma_wait3A_98] : memref<10112x128xf32, #tpu.memory_space<vmem_shared>> -> memref<64x128xf32, #tpu.memory_space<vmem_shared>>
      %dma_wait3A_100 = arith.constant 0 : i32
      %dma_wait3A_101 = arith.constant 0 : i32
      %dma_wait3A_102 = tpu.memref_slice %arg9[%dma_wait3A_100, %dma_wait3A_101] : memref<64x128xf32, #tpu.memory_space<vmem>> -> memref<64x128xf32, #tpu.memory_space<vmem>>
      %dma_wait3A_103 = arith.constant 0 : i32
      %dma_wait3A_104 = tpu.memref_slice %arg11[%add3A_56, %dma_wait3A_103] : memref<10112x128xf32, #tpu.memory_space<vmem_shared>> -> memref<64x128xf32, #tpu.memory_space<vmem_shared>>
      tpu.wait_dma2 semaphore(%run_scoped3A : memref<!tpu.dma_semaphore, #tpu.memory_space<semaphore_mem>>) src(%dma_wait3A_104 : memref<64x128xf32, #tpu.memory_space<vmem_shared>>) dst(%dma_wait3A_102 : memref<64x128xf32, #tpu.memory_space<vmem>>)
      tpu.yield
    }) : () -> ()
    %add3A_57 = arith.constant 128 : i32
    %add3A_58 = arith.addi %mul3A_16, %add3A_57 : i32
    "tpu.region"() ({
      %run_scoped3A = tpu.sem_alloc : memref<!tpu.dma_semaphore, #tpu.memory_space<semaphore_mem>>
      %dma_start3A = arith.constant 0 : i32
      %dma_start3A_87 = arith.constant 0 : i32
      %dma_start3A_88 = tpu.memref_slice %arg9[%dma_start3A, %dma_start3A_87] : memref<64x128xf32, #tpu.memory_space<vmem>> -> memref<64x128xf32, #tpu.memory_space<vmem>>
      %dma_start3A_89 = arith.constant 0 : i32
      %dma_start3A_90 = tpu.memref_slice %arg5[%arg0, %add3A_58, %dma_start3A_89] : memref<2x10112x128xf32, #tpu.memory_space<hbm>> -> memref<1x64x128xf32, #tpu.memory_space<hbm>>
      %dma_start3A_91 = tpu.memref_squeeze %dma_start3A_90 : memref<1x64x128xf32, #tpu.memory_space<hbm>> -> memref<64x128xf32, #tpu.memory_space<hbm>>
      %dma_start3A_92 = arith.constant 0 : i32
      %dma_start3A_93 = tpu.memref_slice %arg5[%arg0, %add3A_58, %dma_start3A_92] : memref<2x10112x128xf32, #tpu.memory_space<hbm>> -> memref<1x64x128xf32, #tpu.memory_space<hbm>>
      %dma_start3A_94 = tpu.memref_squeeze %dma_start3A_93 : memref<1x64x128xf32, #tpu.memory_space<hbm>> -> memref<64x128xf32, #tpu.memory_space<hbm>>
      %dma_start3A_95 = arith.constant 0 : i32
      %dma_start3A_96 = arith.constant 0 : i32
      %dma_start3A_97 = tpu.memref_slice %arg9[%dma_start3A_95, %dma_start3A_96] : memref<64x128xf32, #tpu.memory_space<vmem>> -> memref<64x128xf32, #tpu.memory_space<vmem>>
      tpu.enqueue_dma source(%dma_start3A_97 : memref<64x128xf32, #tpu.memory_space<vmem>>) target(%dma_start3A_94 : memref<64x128xf32, #tpu.memory_space<hbm>>) target_semaphore(%run_scoped3A : memref<!tpu.dma_semaphore, #tpu.memory_space<semaphore_mem>>)
      %dma_wait3A = arith.constant 0 : i32
      %dma_wait3A_98 = arith.constant 0 : i32
      %dma_wait3A_99 = tpu.memref_slice %arg9[%dma_wait3A, %dma_wait3A_98] : memref<64x128xf32, #tpu.memory_space<vmem>> -> memref<64x128xf32, #tpu.memory_space<vmem>>
      %dma_wait3A_100 = arith.constant 0 : i32
      %dma_wait3A_101 = tpu.memref_slice %arg5[%arg0, %add3A_58, %dma_wait3A_100] : memref<2x10112x128xf32, #tpu.memory_space<hbm>> -> memref<1x64x128xf32, #tpu.memory_space<hbm>>
      %dma_wait3A_102 = tpu.memref_squeeze %dma_wait3A_101 : memref<1x64x128xf32, #tpu.memory_space<hbm>> -> memref<64x128xf32, #tpu.memory_space<hbm>>
      %dma_wait3A_103 = arith.constant 0 : i32
      %dma_wait3A_104 = tpu.memref_slice %arg5[%arg0, %add3A_58, %dma_wait3A_103] : memref<2x10112x128xf32, #tpu.memory_space<hbm>> -> memref<1x64x128xf32, #tpu.memory_space<hbm>>
      %dma_wait3A_105 = tpu.memref_squeeze %dma_wait3A_104 : memref<1x64x128xf32, #tpu.memory_space<hbm>> -> memref<64x128xf32, #tpu.memory_space<hbm>>
      %dma_wait3A_106 = arith.constant 0 : i32
      %dma_wait3A_107 = arith.constant 0 : i32
      %dma_wait3A_108 = tpu.memref_slice %arg9[%dma_wait3A_106, %dma_wait3A_107] : memref<64x128xf32, #tpu.memory_space<vmem>> -> memref<64x128xf32, #tpu.memory_space<vmem>>
      tpu.wait_dma2 semaphore(%run_scoped3A : memref<!tpu.dma_semaphore, #tpu.memory_space<semaphore_mem>>) src(%dma_wait3A_108 : memref<64x128xf32, #tpu.memory_space<vmem>>) dst(%dma_wait3A_105 : memref<64x128xf32, #tpu.memory_space<hbm>>)
      tpu.yield
    }) : () -> ()
    %add3A_59 = arith.constant 192 : i32
    %add3A_60 = arith.addi %mul3A_16, %add3A_59 : i32
    "tpu.region"() ({
      %run_scoped3A = tpu.sem_alloc : memref<!tpu.dma_semaphore, #tpu.memory_space<semaphore_mem>>
      %dma_start3A = arith.constant 0 : i32
      %dma_start3A_87 = arith.constant 0 : i32
      %dma_start3A_88 = tpu.memref_slice %arg9[%dma_start3A, %dma_start3A_87] : memref<64x128xf32, #tpu.memory_space<vmem>> -> memref<64x128xf32, #tpu.memory_space<vmem>>
      %dma_start3A_89 = arith.constant 0 : i32
      %dma_start3A_90 = tpu.memref_slice %arg11[%add3A_60, %dma_start3A_89] : memref<10112x128xf32, #tpu.memory_space<vmem_shared>> -> memref<64x128xf32, #tpu.memory_space<vmem_shared>>
      %dma_start3A_91 = arith.constant 0 : i32
      %dma_start3A_92 = arith.constant 0 : i32
      %dma_start3A_93 = tpu.memref_slice %arg9[%dma_start3A_91, %dma_start3A_92] : memref<64x128xf32, #tpu.memory_space<vmem>> -> memref<64x128xf32, #tpu.memory_space<vmem>>
      %dma_start3A_94 = arith.constant 0 : i32
      %dma_start3A_95 = tpu.memref_slice %arg11[%add3A_60, %dma_start3A_94] : memref<10112x128xf32, #tpu.memory_space<vmem_shared>> -> memref<64x128xf32, #tpu.memory_space<vmem_shared>>
      tpu.enqueue_dma source(%dma_start3A_95 : memref<64x128xf32, #tpu.memory_space<vmem_shared>>) target(%dma_start3A_93 : memref<64x128xf32, #tpu.memory_space<vmem>>) target_semaphore(%run_scoped3A : memref<!tpu.dma_semaphore, #tpu.memory_space<semaphore_mem>>)
      %dma_wait3A = arith.constant 0 : i32
      %dma_wait3A_96 = arith.constant 0 : i32
      %dma_wait3A_97 = tpu.memref_slice %arg9[%dma_wait3A, %dma_wait3A_96] : memref<64x128xf32, #tpu.memory_space<vmem>> -> memref<64x128xf32, #tpu.memory_space<vmem>>
      %dma_wait3A_98 = arith.constant 0 : i32
      %dma_wait3A_99 = tpu.memref_slice %arg11[%add3A_60, %dma_wait3A_98] : memref<10112x128xf32, #tpu.memory_space<vmem_shared>> -> memref<64x128xf32, #tpu.memory_space<vmem_shared>>
      %dma_wait3A_100 = arith.constant 0 : i32
      %dma_wait3A_101 = arith.constant 0 : i32
      %dma_wait3A_102 = tpu.memref_slice %arg9[%dma_wait3A_100, %dma_wait3A_101] : memref<64x128xf32, #tpu.memory_space<vmem>> -> memref<64x128xf32, #tpu.memory_space<vmem>>
      %dma_wait3A_103 = arith.constant 0 : i32
      %dma_wait3A_104 = tpu.memref_slice %arg11[%add3A_60, %dma_wait3A_103] : memref<10112x128xf32, #tpu.memory_space<vmem_shared>> -> memref<64x128xf32, #tpu.memory_space<vmem_shared>>
      tpu.wait_dma2 semaphore(%run_scoped3A : memref<!tpu.dma_semaphore, #tpu.memory_space<semaphore_mem>>) src(%dma_wait3A_104 : memref<64x128xf32, #tpu.memory_space<vmem_shared>>) dst(%dma_wait3A_102 : memref<64x128xf32, #tpu.memory_space<vmem>>)
      tpu.yield
    }) : () -> ()
    %add3A_61 = arith.constant 192 : i32
    %add3A_62 = arith.addi %mul3A_16, %add3A_61 : i32
    "tpu.region"() ({
      %run_scoped3A = tpu.sem_alloc : memref<!tpu.dma_semaphore, #tpu.memory_space<semaphore_mem>>
      %dma_start3A = arith.constant 0 : i32
      %dma_start3A_87 = arith.constant 0 : i32
      %dma_start3A_88 = tpu.memref_slice %arg9[%dma_start3A, %dma_start3A_87] : memref<64x128xf32, #tpu.memory_space<vmem>> -> memref<64x128xf32, #tpu.memory_space<vmem>>
      %dma_start3A_89 = arith.constant 0 : i32
      %dma_start3A_90 = tpu.memref_slice %arg5[%arg0, %add3A_62, %dma_start3A_89] : memref<2x10112x128xf32, #tpu.memory_space<hbm>> -> memref<1x64x128xf32, #tpu.memory_space<hbm>>
      %dma_start3A_91 = tpu.memref_squeeze %dma_start3A_90 : memref<1x64x128xf32, #tpu.memory_space<hbm>> -> memref<64x128xf32, #tpu.memory_space<hbm>>
      %dma_start3A_92 = arith.constant 0 : i32
      %dma_start3A_93 = tpu.memref_slice %arg5[%arg0, %add3A_62, %dma_start3A_92] : memref<2x10112x128xf32, #tpu.memory_space<hbm>> -> memref<1x64x128xf32, #tpu.memory_space<hbm>>
      %dma_start3A_94 = tpu.memref_squeeze %dma_start3A_93 : memref<1x64x128xf32, #tpu.memory_space<hbm>> -> memref<64x128xf32, #tpu.memory_space<hbm>>
      %dma_start3A_95 = arith.constant 0 : i32
      %dma_start3A_96 = arith.constant 0 : i32
      %dma_start3A_97 = tpu.memref_slice %arg9[%dma_start3A_95, %dma_start3A_96] : memref<64x128xf32, #tpu.memory_space<vmem>> -> memref<64x128xf32, #tpu.memory_space<vmem>>
      tpu.enqueue_dma source(%dma_start3A_97 : memref<64x128xf32, #tpu.memory_space<vmem>>) target(%dma_start3A_94 : memref<64x128xf32, #tpu.memory_space<hbm>>) target_semaphore(%run_scoped3A : memref<!tpu.dma_semaphore, #tpu.memory_space<semaphore_mem>>)
      %dma_wait3A = arith.constant 0 : i32
      %dma_wait3A_98 = arith.constant 0 : i32
      %dma_wait3A_99 = tpu.memref_slice %arg9[%dma_wait3A, %dma_wait3A_98] : memref<64x128xf32, #tpu.memory_space<vmem>> -> memref<64x128xf32, #tpu.memory_space<vmem>>
      %dma_wait3A_100 = arith.constant 0 : i32
      %dma_wait3A_101 = tpu.memref_slice %arg5[%arg0, %add3A_62, %dma_wait3A_100] : memref<2x10112x128xf32, #tpu.memory_space<hbm>> -> memref<1x64x128xf32, #tpu.memory_space<hbm>>
      %dma_wait3A_102 = tpu.memref_squeeze %dma_wait3A_101 : memref<1x64x128xf32, #tpu.memory_space<hbm>> -> memref<64x128xf32, #tpu.memory_space<hbm>>
      %dma_wait3A_103 = arith.constant 0 : i32
      %dma_wait3A_104 = tpu.memref_slice %arg5[%arg0, %add3A_62, %dma_wait3A_103] : memref<2x10112x128xf32, #tpu.memory_space<hbm>> -> memref<1x64x128xf32, #tpu.memory_space<hbm>>
      %dma_wait3A_105 = tpu.memref_squeeze %dma_wait3A_104 : memref<1x64x128xf32, #tpu.memory_space<hbm>> -> memref<64x128xf32, #tpu.memory_space<hbm>>
      %dma_wait3A_106 = arith.constant 0 : i32
      %dma_wait3A_107 = arith.constant 0 : i32
      %dma_wait3A_108 = tpu.memref_slice %arg9[%dma_wait3A_106, %dma_wait3A_107] : memref<64x128xf32, #tpu.memory_space<vmem>> -> memref<64x128xf32, #tpu.memory_space<vmem>>
      tpu.wait_dma2 semaphore(%run_scoped3A : memref<!tpu.dma_semaphore, #tpu.memory_space<semaphore_mem>>) src(%dma_wait3A_108 : memref<64x128xf32, #tpu.memory_space<vmem>>) dst(%dma_wait3A_105 : memref<64x128xf32, #tpu.memory_space<hbm>>)
      tpu.yield
    }) : () -> ()
    %add3A_63 = arith.constant 256 : i32
    %add3A_64 = arith.addi %mul3A_16, %add3A_63 : i32
    "tpu.region"() ({
      %run_scoped3A = tpu.sem_alloc : memref<!tpu.dma_semaphore, #tpu.memory_space<semaphore_mem>>
      %dma_start3A = arith.constant 0 : i32
      %dma_start3A_87 = arith.constant 0 : i32
      %dma_start3A_88 = tpu.memref_slice %arg9[%dma_start3A, %dma_start3A_87] : memref<64x128xf32, #tpu.memory_space<vmem>> -> memref<64x128xf32, #tpu.memory_space<vmem>>
      %dma_start3A_89 = arith.constant 0 : i32
      %dma_start3A_90 = tpu.memref_slice %arg11[%add3A_64, %dma_start3A_89] : memref<10112x128xf32, #tpu.memory_space<vmem_shared>> -> memref<64x128xf32, #tpu.memory_space<vmem_shared>>
      %dma_start3A_91 = arith.constant 0 : i32
      %dma_start3A_92 = arith.constant 0 : i32
      %dma_start3A_93 = tpu.memref_slice %arg9[%dma_start3A_91, %dma_start3A_92] : memref<64x128xf32, #tpu.memory_space<vmem>> -> memref<64x128xf32, #tpu.memory_space<vmem>>
      %dma_start3A_94 = arith.constant 0 : i32
      %dma_start3A_95 = tpu.memref_slice %arg11[%add3A_64, %dma_start3A_94] : memref<10112x128xf32, #tpu.memory_space<vmem_shared>> -> memref<64x128xf32, #tpu.memory_space<vmem_shared>>
      tpu.enqueue_dma source(%dma_start3A_95 : memref<64x128xf32, #tpu.memory_space<vmem_shared>>) target(%dma_start3A_93 : memref<64x128xf32, #tpu.memory_space<vmem>>) target_semaphore(%run_scoped3A : memref<!tpu.dma_semaphore, #tpu.memory_space<semaphore_mem>>)
      %dma_wait3A = arith.constant 0 : i32
      %dma_wait3A_96 = arith.constant 0 : i32
      %dma_wait3A_97 = tpu.memref_slice %arg9[%dma_wait3A, %dma_wait3A_96] : memref<64x128xf32, #tpu.memory_space<vmem>> -> memref<64x128xf32, #tpu.memory_space<vmem>>
      %dma_wait3A_98 = arith.constant 0 : i32
      %dma_wait3A_99 = tpu.memref_slice %arg11[%add3A_64, %dma_wait3A_98] : memref<10112x128xf32, #tpu.memory_space<vmem_shared>> -> memref<64x128xf32, #tpu.memory_space<vmem_shared>>
      %dma_wait3A_100 = arith.constant 0 : i32
      %dma_wait3A_101 = arith.constant 0 : i32
      %dma_wait3A_102 = tpu.memref_slice %arg9[%dma_wait3A_100, %dma_wait3A_101] : memref<64x128xf32, #tpu.memory_space<vmem>> -> memref<64x128xf32, #tpu.memory_space<vmem>>
      %dma_wait3A_103 = arith.constant 0 : i32
      %dma_wait3A_104 = tpu.memref_slice %arg11[%add3A_64, %dma_wait3A_103] : memref<10112x128xf32, #tpu.memory_space<vmem_shared>> -> memref<64x128xf32, #tpu.memory_space<vmem_shared>>
      tpu.wait_dma2 semaphore(%run_scoped3A : memref<!tpu.dma_semaphore, #tpu.memory_space<semaphore_mem>>) src(%dma_wait3A_104 : memref<64x128xf32, #tpu.memory_space<vmem_shared>>) dst(%dma_wait3A_102 : memref<64x128xf32, #tpu.memory_space<vmem>>)
      tpu.yield
    }) : () -> ()
    %add3A_65 = arith.constant 256 : i32
    %add3A_66 = arith.addi %mul3A_16, %add3A_65 : i32
    "tpu.region"() ({
      %run_scoped3A = tpu.sem_alloc : memref<!tpu.dma_semaphore, #tpu.memory_space<semaphore_mem>>
      %dma_start3A = arith.constant 0 : i32
      %dma_start3A_87 = arith.constant 0 : i32
      %dma_start3A_88 = tpu.memref_slice %arg9[%dma_start3A, %dma_start3A_87] : memref<64x128xf32, #tpu.memory_space<vmem>> -> memref<64x128xf32, #tpu.memory_space<vmem>>
      %dma_start3A_89 = arith.constant 0 : i32
      %dma_start3A_90 = tpu.memref_slice %arg5[%arg0, %add3A_66, %dma_start3A_89] : memref<2x10112x128xf32, #tpu.memory_space<hbm>> -> memref<1x64x128xf32, #tpu.memory_space<hbm>>
      %dma_start3A_91 = tpu.memref_squeeze %dma_start3A_90 : memref<1x64x128xf32, #tpu.memory_space<hbm>> -> memref<64x128xf32, #tpu.memory_space<hbm>>
      %dma_start3A_92 = arith.constant 0 : i32
      %dma_start3A_93 = tpu.memref_slice %arg5[%arg0, %add3A_66, %dma_start3A_92] : memref<2x10112x128xf32, #tpu.memory_space<hbm>> -> memref<1x64x128xf32, #tpu.memory_space<hbm>>
      %dma_start3A_94 = tpu.memref_squeeze %dma_start3A_93 : memref<1x64x128xf32, #tpu.memory_space<hbm>> -> memref<64x128xf32, #tpu.memory_space<hbm>>
      %dma_start3A_95 = arith.constant 0 : i32
      %dma_start3A_96 = arith.constant 0 : i32
      %dma_start3A_97 = tpu.memref_slice %arg9[%dma_start3A_95, %dma_start3A_96] : memref<64x128xf32, #tpu.memory_space<vmem>> -> memref<64x128xf32, #tpu.memory_space<vmem>>
      tpu.enqueue_dma source(%dma_start3A_97 : memref<64x128xf32, #tpu.memory_space<vmem>>) target(%dma_start3A_94 : memref<64x128xf32, #tpu.memory_space<hbm>>) target_semaphore(%run_scoped3A : memref<!tpu.dma_semaphore, #tpu.memory_space<semaphore_mem>>)
      %dma_wait3A = arith.constant 0 : i32
      %dma_wait3A_98 = arith.constant 0 : i32
      %dma_wait3A_99 = tpu.memref_slice %arg9[%dma_wait3A, %dma_wait3A_98] : memref<64x128xf32, #tpu.memory_space<vmem>> -> memref<64x128xf32, #tpu.memory_space<vmem>>
      %dma_wait3A_100 = arith.constant 0 : i32
      %dma_wait3A_101 = tpu.memref_slice %arg5[%arg0, %add3A_66, %dma_wait3A_100] : memref<2x10112x128xf32, #tpu.memory_space<hbm>> -> memref<1x64x128xf32, #tpu.memory_space<hbm>>
      %dma_wait3A_102 = tpu.memref_squeeze %dma_wait3A_101 : memref<1x64x128xf32, #tpu.memory_space<hbm>> -> memref<64x128xf32, #tpu.memory_space<hbm>>
      %dma_wait3A_103 = arith.constant 0 : i32
      %dma_wait3A_104 = tpu.memref_slice %arg5[%arg0, %add3A_66, %dma_wait3A_103] : memref<2x10112x128xf32, #tpu.memory_space<hbm>> -> memref<1x64x128xf32, #tpu.memory_space<hbm>>
      %dma_wait3A_105 = tpu.memref_squeeze %dma_wait3A_104 : memref<1x64x128xf32, #tpu.memory_space<hbm>> -> memref<64x128xf32, #tpu.memory_space<hbm>>
      %dma_wait3A_106 = arith.constant 0 : i32
      %dma_wait3A_107 = arith.constant 0 : i32
      %dma_wait3A_108 = tpu.memref_slice %arg9[%dma_wait3A_106, %dma_wait3A_107] : memref<64x128xf32, #tpu.memory_space<vmem>> -> memref<64x128xf32, #tpu.memory_space<vmem>>
      tpu.wait_dma2 semaphore(%run_scoped3A : memref<!tpu.dma_semaphore, #tpu.memory_space<semaphore_mem>>) src(%dma_wait3A_108 : memref<64x128xf32, #tpu.memory_space<vmem>>) dst(%dma_wait3A_105 : memref<64x128xf32, #tpu.memory_space<hbm>>)
      tpu.yield
    }) : () -> ()
    %add3A_67 = arith.constant 320 : i32
    %add3A_68 = arith.addi %mul3A_16, %add3A_67 : i32
    "tpu.region"() ({
      %run_scoped3A = tpu.sem_alloc : memref<!tpu.dma_semaphore, #tpu.memory_space<semaphore_mem>>
      %dma_start3A = arith.constant 0 : i32
      %dma_start3A_87 = arith.constant 0 : i32
      %dma_start3A_88 = tpu.memref_slice %arg9[%dma_start3A, %dma_start3A_87] : memref<64x128xf32, #tpu.memory_space<vmem>> -> memref<64x128xf32, #tpu.memory_space<vmem>>
      %dma_start3A_89 = arith.constant 0 : i32
      %dma_start3A_90 = tpu.memref_slice %arg11[%add3A_68, %dma_start3A_89] : memref<10112x128xf32, #tpu.memory_space<vmem_shared>> -> memref<64x128xf32, #tpu.memory_space<vmem_shared>>
      %dma_start3A_91 = arith.constant 0 : i32
      %dma_start3A_92 = arith.constant 0 : i32
      %dma_start3A_93 = tpu.memref_slice %arg9[%dma_start3A_91, %dma_start3A_92] : memref<64x128xf32, #tpu.memory_space<vmem>> -> memref<64x128xf32, #tpu.memory_space<vmem>>
      %dma_start3A_94 = arith.constant 0 : i32
      %dma_start3A_95 = tpu.memref_slice %arg11[%add3A_68, %dma_start3A_94] : memref<10112x128xf32, #tpu.memory_space<vmem_shared>> -> memref<64x128xf32, #tpu.memory_space<vmem_shared>>
      tpu.enqueue_dma source(%dma_start3A_95 : memref<64x128xf32, #tpu.memory_space<vmem_shared>>) target(%dma_start3A_93 : memref<64x128xf32, #tpu.memory_space<vmem>>) target_semaphore(%run_scoped3A : memref<!tpu.dma_semaphore, #tpu.memory_space<semaphore_mem>>)
      %dma_wait3A = arith.constant 0 : i32
      %dma_wait3A_96 = arith.constant 0 : i32
      %dma_wait3A_97 = tpu.memref_slice %arg9[%dma_wait3A, %dma_wait3A_96] : memref<64x128xf32, #tpu.memory_space<vmem>> -> memref<64x128xf32, #tpu.memory_space<vmem>>
      %dma_wait3A_98 = arith.constant 0 : i32
      %dma_wait3A_99 = tpu.memref_slice %arg11[%add3A_68, %dma_wait3A_98] : memref<10112x128xf32, #tpu.memory_space<vmem_shared>> -> memref<64x128xf32, #tpu.memory_space<vmem_shared>>
      %dma_wait3A_100 = arith.constant 0 : i32
      %dma_wait3A_101 = arith.constant 0 : i32
      %dma_wait3A_102 = tpu.memref_slice %arg9[%dma_wait3A_100, %dma_wait3A_101] : memref<64x128xf32, #tpu.memory_space<vmem>> -> memref<64x128xf32, #tpu.memory_space<vmem>>
      %dma_wait3A_103 = arith.constant 0 : i32
      %dma_wait3A_104 = tpu.memref_slice %arg11[%add3A_68, %dma_wait3A_103] : memref<10112x128xf32, #tpu.memory_space<vmem_shared>> -> memref<64x128xf32, #tpu.memory_space<vmem_shared>>
      tpu.wait_dma2 semaphore(%run_scoped3A : memref<!tpu.dma_semaphore, #tpu.memory_space<semaphore_mem>>) src(%dma_wait3A_104 : memref<64x128xf32, #tpu.memory_space<vmem_shared>>) dst(%dma_wait3A_102 : memref<64x128xf32, #tpu.memory_space<vmem>>)
      tpu.yield
    }) : () -> ()
    %add3A_69 = arith.constant 320 : i32
    %add3A_70 = arith.addi %mul3A_16, %add3A_69 : i32
    "tpu.region"() ({
      %run_scoped3A = tpu.sem_alloc : memref<!tpu.dma_semaphore, #tpu.memory_space<semaphore_mem>>
      %dma_start3A = arith.constant 0 : i32
      %dma_start3A_87 = arith.constant 0 : i32
      %dma_start3A_88 = tpu.memref_slice %arg9[%dma_start3A, %dma_start3A_87] : memref<64x128xf32, #tpu.memory_space<vmem>> -> memref<64x128xf32, #tpu.memory_space<vmem>>
      %dma_start3A_89 = arith.constant 0 : i32
      %dma_start3A_90 = tpu.memref_slice %arg5[%arg0, %add3A_70, %dma_start3A_89] : memref<2x10112x128xf32, #tpu.memory_space<hbm>> -> memref<1x64x128xf32, #tpu.memory_space<hbm>>
      %dma_start3A_91 = tpu.memref_squeeze %dma_start3A_90 : memref<1x64x128xf32, #tpu.memory_space<hbm>> -> memref<64x128xf32, #tpu.memory_space<hbm>>
      %dma_start3A_92 = arith.constant 0 : i32
      %dma_start3A_93 = tpu.memref_slice %arg5[%arg0, %add3A_70, %dma_start3A_92] : memref<2x10112x128xf32, #tpu.memory_space<hbm>> -> memref<1x64x128xf32, #tpu.memory_space<hbm>>
      %dma_start3A_94 = tpu.memref_squeeze %dma_start3A_93 : memref<1x64x128xf32, #tpu.memory_space<hbm>> -> memref<64x128xf32, #tpu.memory_space<hbm>>
      %dma_start3A_95 = arith.constant 0 : i32
      %dma_start3A_96 = arith.constant 0 : i32
      %dma_start3A_97 = tpu.memref_slice %arg9[%dma_start3A_95, %dma_start3A_96] : memref<64x128xf32, #tpu.memory_space<vmem>> -> memref<64x128xf32, #tpu.memory_space<vmem>>
      tpu.enqueue_dma source(%dma_start3A_97 : memref<64x128xf32, #tpu.memory_space<vmem>>) target(%dma_start3A_94 : memref<64x128xf32, #tpu.memory_space<hbm>>) target_semaphore(%run_scoped3A : memref<!tpu.dma_semaphore, #tpu.memory_space<semaphore_mem>>)
      %dma_wait3A = arith.constant 0 : i32
      %dma_wait3A_98 = arith.constant 0 : i32
      %dma_wait3A_99 = tpu.memref_slice %arg9[%dma_wait3A, %dma_wait3A_98] : memref<64x128xf32, #tpu.memory_space<vmem>> -> memref<64x128xf32, #tpu.memory_space<vmem>>
      %dma_wait3A_100 = arith.constant 0 : i32
      %dma_wait3A_101 = tpu.memref_slice %arg5[%arg0, %add3A_70, %dma_wait3A_100] : memref<2x10112x128xf32, #tpu.memory_space<hbm>> -> memref<1x64x128xf32, #tpu.memory_space<hbm>>
      %dma_wait3A_102 = tpu.memref_squeeze %dma_wait3A_101 : memref<1x64x128xf32, #tpu.memory_space<hbm>> -> memref<64x128xf32, #tpu.memory_space<hbm>>
      %dma_wait3A_103 = arith.constant 0 : i32
      %dma_wait3A_104 = tpu.memref_slice %arg5[%arg0, %add3A_70, %dma_wait3A_103] : memref<2x10112x128xf32, #tpu.memory_space<hbm>> -> memref<1x64x128xf32, #tpu.memory_space<hbm>>
      %dma_wait3A_105 = tpu.memref_squeeze %dma_wait3A_104 : memref<1x64x128xf32, #tpu.memory_space<hbm>> -> memref<64x128xf32, #tpu.memory_space<hbm>>
      %dma_wait3A_106 = arith.constant 0 : i32
      %dma_wait3A_107 = arith.constant 0 : i32
      %dma_wait3A_108 = tpu.memref_slice %arg9[%dma_wait3A_106, %dma_wait3A_107] : memref<64x128xf32, #tpu.memory_space<vmem>> -> memref<64x128xf32, #tpu.memory_space<vmem>>
      tpu.wait_dma2 semaphore(%run_scoped3A : memref<!tpu.dma_semaphore, #tpu.memory_space<semaphore_mem>>) src(%dma_wait3A_108 : memref<64x128xf32, #tpu.memory_space<vmem>>) dst(%dma_wait3A_105 : memref<64x128xf32, #tpu.memory_space<hbm>>)
      tpu.yield
    }) : () -> ()
    %add3A_71 = arith.constant 384 : i32
    %add3A_72 = arith.addi %mul3A_16, %add3A_71 : i32
    "tpu.region"() ({
      %run_scoped3A = tpu.sem_alloc : memref<!tpu.dma_semaphore, #tpu.memory_space<semaphore_mem>>
      %dma_start3A = arith.constant 0 : i32
      %dma_start3A_87 = arith.constant 0 : i32
      %dma_start3A_88 = tpu.memref_slice %arg9[%dma_start3A, %dma_start3A_87] : memref<64x128xf32, #tpu.memory_space<vmem>> -> memref<64x128xf32, #tpu.memory_space<vmem>>
      %dma_start3A_89 = arith.constant 0 : i32
      %dma_start3A_90 = tpu.memref_slice %arg11[%add3A_72, %dma_start3A_89] : memref<10112x128xf32, #tpu.memory_space<vmem_shared>> -> memref<64x128xf32, #tpu.memory_space<vmem_shared>>
      %dma_start3A_91 = arith.constant 0 : i32
      %dma_start3A_92 = arith.constant 0 : i32
      %dma_start3A_93 = tpu.memref_slice %arg9[%dma_start3A_91, %dma_start3A_92] : memref<64x128xf32, #tpu.memory_space<vmem>> -> memref<64x128xf32, #tpu.memory_space<vmem>>
      %dma_start3A_94 = arith.constant 0 : i32
      %dma_start3A_95 = tpu.memref_slice %arg11[%add3A_72, %dma_start3A_94] : memref<10112x128xf32, #tpu.memory_space<vmem_shared>> -> memref<64x128xf32, #tpu.memory_space<vmem_shared>>
      tpu.enqueue_dma source(%dma_start3A_95 : memref<64x128xf32, #tpu.memory_space<vmem_shared>>) target(%dma_start3A_93 : memref<64x128xf32, #tpu.memory_space<vmem>>) target_semaphore(%run_scoped3A : memref<!tpu.dma_semaphore, #tpu.memory_space<semaphore_mem>>)
      %dma_wait3A = arith.constant 0 : i32
      %dma_wait3A_96 = arith.constant 0 : i32
      %dma_wait3A_97 = tpu.memref_slice %arg9[%dma_wait3A, %dma_wait3A_96] : memref<64x128xf32, #tpu.memory_space<vmem>> -> memref<64x128xf32, #tpu.memory_space<vmem>>
      %dma_wait3A_98 = arith.constant 0 : i32
      %dma_wait3A_99 = tpu.memref_slice %arg11[%add3A_72, %dma_wait3A_98] : memref<10112x128xf32, #tpu.memory_space<vmem_shared>> -> memref<64x128xf32, #tpu.memory_space<vmem_shared>>
      %dma_wait3A_100 = arith.constant 0 : i32
      %dma_wait3A_101 = arith.constant 0 : i32
      %dma_wait3A_102 = tpu.memref_slice %arg9[%dma_wait3A_100, %dma_wait3A_101] : memref<64x128xf32, #tpu.memory_space<vmem>> -> memref<64x128xf32, #tpu.memory_space<vmem>>
      %dma_wait3A_103 = arith.constant 0 : i32
      %dma_wait3A_104 = tpu.memref_slice %arg11[%add3A_72, %dma_wait3A_103] : memref<10112x128xf32, #tpu.memory_space<vmem_shared>> -> memref<64x128xf32, #tpu.memory_space<vmem_shared>>
      tpu.wait_dma2 semaphore(%run_scoped3A : memref<!tpu.dma_semaphore, #tpu.memory_space<semaphore_mem>>) src(%dma_wait3A_104 : memref<64x128xf32, #tpu.memory_space<vmem_shared>>) dst(%dma_wait3A_102 : memref<64x128xf32, #tpu.memory_space<vmem>>)
      tpu.yield
    }) : () -> ()
    %add3A_73 = arith.constant 384 : i32
    %add3A_74 = arith.addi %mul3A_16, %add3A_73 : i32
    "tpu.region"() ({
      %run_scoped3A = tpu.sem_alloc : memref<!tpu.dma_semaphore, #tpu.memory_space<semaphore_mem>>
      %dma_start3A = arith.constant 0 : i32
      %dma_start3A_87 = arith.constant 0 : i32
      %dma_start3A_88 = tpu.memref_slice %arg9[%dma_start3A, %dma_start3A_87] : memref<64x128xf32, #tpu.memory_space<vmem>> -> memref<64x128xf32, #tpu.memory_space<vmem>>
      %dma_start3A_89 = arith.constant 0 : i32
      %dma_start3A_90 = tpu.memref_slice %arg5[%arg0, %add3A_74, %dma_start3A_89] : memref<2x10112x128xf32, #tpu.memory_space<hbm>> -> memref<1x64x128xf32, #tpu.memory_space<hbm>>
      %dma_start3A_91 = tpu.memref_squeeze %dma_start3A_90 : memref<1x64x128xf32, #tpu.memory_space<hbm>> -> memref<64x128xf32, #tpu.memory_space<hbm>>
      %dma_start3A_92 = arith.constant 0 : i32
      %dma_start3A_93 = tpu.memref_slice %arg5[%arg0, %add3A_74, %dma_start3A_92] : memref<2x10112x128xf32, #tpu.memory_space<hbm>> -> memref<1x64x128xf32, #tpu.memory_space<hbm>>
      %dma_start3A_94 = tpu.memref_squeeze %dma_start3A_93 : memref<1x64x128xf32, #tpu.memory_space<hbm>> -> memref<64x128xf32, #tpu.memory_space<hbm>>
      %dma_start3A_95 = arith.constant 0 : i32
      %dma_start3A_96 = arith.constant 0 : i32
      %dma_start3A_97 = tpu.memref_slice %arg9[%dma_start3A_95, %dma_start3A_96] : memref<64x128xf32, #tpu.memory_space<vmem>> -> memref<64x128xf32, #tpu.memory_space<vmem>>
      tpu.enqueue_dma source(%dma_start3A_97 : memref<64x128xf32, #tpu.memory_space<vmem>>) target(%dma_start3A_94 : memref<64x128xf32, #tpu.memory_space<hbm>>) target_semaphore(%run_scoped3A : memref<!tpu.dma_semaphore, #tpu.memory_space<semaphore_mem>>)
      %dma_wait3A = arith.constant 0 : i32
      %dma_wait3A_98 = arith.constant 0 : i32
      %dma_wait3A_99 = tpu.memref_slice %arg9[%dma_wait3A, %dma_wait3A_98] : memref<64x128xf32, #tpu.memory_space<vmem>> -> memref<64x128xf32, #tpu.memory_space<vmem>>
      %dma_wait3A_100 = arith.constant 0 : i32
      %dma_wait3A_101 = tpu.memref_slice %arg5[%arg0, %add3A_74, %dma_wait3A_100] : memref<2x10112x128xf32, #tpu.memory_space<hbm>> -> memref<1x64x128xf32, #tpu.memory_space<hbm>>
      %dma_wait3A_102 = tpu.memref_squeeze %dma_wait3A_101 : memref<1x64x128xf32, #tpu.memory_space<hbm>> -> memref<64x128xf32, #tpu.memory_space<hbm>>
      %dma_wait3A_103 = arith.constant 0 : i32
      %dma_wait3A_104 = tpu.memref_slice %arg5[%arg0, %add3A_74, %dma_wait3A_103] : memref<2x10112x128xf32, #tpu.memory_space<hbm>> -> memref<1x64x128xf32, #tpu.memory_space<hbm>>
      %dma_wait3A_105 = tpu.memref_squeeze %dma_wait3A_104 : memref<1x64x128xf32, #tpu.memory_space<hbm>> -> memref<64x128xf32, #tpu.memory_space<hbm>>
      %dma_wait3A_106 = arith.constant 0 : i32
      %dma_wait3A_107 = arith.constant 0 : i32
      %dma_wait3A_108 = tpu.memref_slice %arg9[%dma_wait3A_106, %dma_wait3A_107] : memref<64x128xf32, #tpu.memory_space<vmem>> -> memref<64x128xf32, #tpu.memory_space<vmem>>
      tpu.wait_dma2 semaphore(%run_scoped3A : memref<!tpu.dma_semaphore, #tpu.memory_space<semaphore_mem>>) src(%dma_wait3A_108 : memref<64x128xf32, #tpu.memory_space<vmem>>) dst(%dma_wait3A_105 : memref<64x128xf32, #tpu.memory_space<hbm>>)
      tpu.yield
    }) : () -> ()
    %add3A_75 = arith.constant 448 : i32
    %add3A_76 = arith.addi %mul3A_16, %add3A_75 : i32
    "tpu.region"() ({
      %run_scoped3A = tpu.sem_alloc : memref<!tpu.dma_semaphore, #tpu.memory_space<semaphore_mem>>
      %dma_start3A = arith.constant 0 : i32
      %dma_start3A_87 = arith.constant 0 : i32
      %dma_start3A_88 = tpu.memref_slice %arg9[%dma_start3A, %dma_start3A_87] : memref<64x128xf32, #tpu.memory_space<vmem>> -> memref<64x128xf32, #tpu.memory_space<vmem>>
      %dma_start3A_89 = arith.constant 0 : i32
      %dma_start3A_90 = tpu.memref_slice %arg11[%add3A_76, %dma_start3A_89] : memref<10112x128xf32, #tpu.memory_space<vmem_shared>> -> memref<64x128xf32, #tpu.memory_space<vmem_shared>>
      %dma_start3A_91 = arith.constant 0 : i32
      %dma_start3A_92 = arith.constant 0 : i32
      %dma_start3A_93 = tpu.memref_slice %arg9[%dma_start3A_91, %dma_start3A_92] : memref<64x128xf32, #tpu.memory_space<vmem>> -> memref<64x128xf32, #tpu.memory_space<vmem>>
      %dma_start3A_94 = arith.constant 0 : i32
      %dma_start3A_95 = tpu.memref_slice %arg11[%add3A_76, %dma_start3A_94] : memref<10112x128xf32, #tpu.memory_space<vmem_shared>> -> memref<64x128xf32, #tpu.memory_space<vmem_shared>>
      tpu.enqueue_dma source(%dma_start3A_95 : memref<64x128xf32, #tpu.memory_space<vmem_shared>>) target(%dma_start3A_93 : memref<64x128xf32, #tpu.memory_space<vmem>>) target_semaphore(%run_scoped3A : memref<!tpu.dma_semaphore, #tpu.memory_space<semaphore_mem>>)
      %dma_wait3A = arith.constant 0 : i32
      %dma_wait3A_96 = arith.constant 0 : i32
      %dma_wait3A_97 = tpu.memref_slice %arg9[%dma_wait3A, %dma_wait3A_96] : memref<64x128xf32, #tpu.memory_space<vmem>> -> memref<64x128xf32, #tpu.memory_space<vmem>>
      %dma_wait3A_98 = arith.constant 0 : i32
      %dma_wait3A_99 = tpu.memref_slice %arg11[%add3A_76, %dma_wait3A_98] : memref<10112x128xf32, #tpu.memory_space<vmem_shared>> -> memref<64x128xf32, #tpu.memory_space<vmem_shared>>
      %dma_wait3A_100 = arith.constant 0 : i32
      %dma_wait3A_101 = arith.constant 0 : i32
      %dma_wait3A_102 = tpu.memref_slice %arg9[%dma_wait3A_100, %dma_wait3A_101] : memref<64x128xf32, #tpu.memory_space<vmem>> -> memref<64x128xf32, #tpu.memory_space<vmem>>
      %dma_wait3A_103 = arith.constant 0 : i32
      %dma_wait3A_104 = tpu.memref_slice %arg11[%add3A_76, %dma_wait3A_103] : memref<10112x128xf32, #tpu.memory_space<vmem_shared>> -> memref<64x128xf32, #tpu.memory_space<vmem_shared>>
      tpu.wait_dma2 semaphore(%run_scoped3A : memref<!tpu.dma_semaphore, #tpu.memory_space<semaphore_mem>>) src(%dma_wait3A_104 : memref<64x128xf32, #tpu.memory_space<vmem_shared>>) dst(%dma_wait3A_102 : memref<64x128xf32, #tpu.memory_space<vmem>>)
      tpu.yield
    }) : () -> ()
    %add3A_77 = arith.constant 448 : i32
    %add3A_78 = arith.addi %mul3A_16, %add3A_77 : i32
    "tpu.region"() ({
      %run_scoped3A = tpu.sem_alloc : memref<!tpu.dma_semaphore, #tpu.memory_space<semaphore_mem>>
      %dma_start3A = arith.constant 0 : i32
      %dma_start3A_87 = arith.constant 0 : i32
      %dma_start3A_88 = tpu.memref_slice %arg9[%dma_start3A, %dma_start3A_87] : memref<64x128xf32, #tpu.memory_space<vmem>> -> memref<64x128xf32, #tpu.memory_space<vmem>>
      %dma_start3A_89 = arith.constant 0 : i32
      %dma_start3A_90 = tpu.memref_slice %arg5[%arg0, %add3A_78, %dma_start3A_89] : memref<2x10112x128xf32, #tpu.memory_space<hbm>> -> memref<1x64x128xf32, #tpu.memory_space<hbm>>
      %dma_start3A_91 = tpu.memref_squeeze %dma_start3A_90 : memref<1x64x128xf32, #tpu.memory_space<hbm>> -> memref<64x128xf32, #tpu.memory_space<hbm>>
      %dma_start3A_92 = arith.constant 0 : i32
      %dma_start3A_93 = tpu.memref_slice %arg5[%arg0, %add3A_78, %dma_start3A_92] : memref<2x10112x128xf32, #tpu.memory_space<hbm>> -> memref<1x64x128xf32, #tpu.memory_space<hbm>>
      %dma_start3A_94 = tpu.memref_squeeze %dma_start3A_93 : memref<1x64x128xf32, #tpu.memory_space<hbm>> -> memref<64x128xf32, #tpu.memory_space<hbm>>
      %dma_start3A_95 = arith.constant 0 : i32
      %dma_start3A_96 = arith.constant 0 : i32
      %dma_start3A_97 = tpu.memref_slice %arg9[%dma_start3A_95, %dma_start3A_96] : memref<64x128xf32, #tpu.memory_space<vmem>> -> memref<64x128xf32, #tpu.memory_space<vmem>>
      tpu.enqueue_dma source(%dma_start3A_97 : memref<64x128xf32, #tpu.memory_space<vmem>>) target(%dma_start3A_94 : memref<64x128xf32, #tpu.memory_space<hbm>>) target_semaphore(%run_scoped3A : memref<!tpu.dma_semaphore, #tpu.memory_space<semaphore_mem>>)
      %dma_wait3A = arith.constant 0 : i32
      %dma_wait3A_98 = arith.constant 0 : i32
      %dma_wait3A_99 = tpu.memref_slice %arg9[%dma_wait3A, %dma_wait3A_98] : memref<64x128xf32, #tpu.memory_space<vmem>> -> memref<64x128xf32, #tpu.memory_space<vmem>>
      %dma_wait3A_100 = arith.constant 0 : i32
      %dma_wait3A_101 = tpu.memref_slice %arg5[%arg0, %add3A_78, %dma_wait3A_100] : memref<2x10112x128xf32, #tpu.memory_space<hbm>> -> memref<1x64x128xf32, #tpu.memory_space<hbm>>
      %dma_wait3A_102 = tpu.memref_squeeze %dma_wait3A_101 : memref<1x64x128xf32, #tpu.memory_space<hbm>> -> memref<64x128xf32, #tpu.memory_space<hbm>>
      %dma_wait3A_103 = arith.constant 0 : i32
      %dma_wait3A_104 = tpu.memref_slice %arg5[%arg0, %add3A_78, %dma_wait3A_103] : memref<2x10112x128xf32, #tpu.memory_space<hbm>> -> memref<1x64x128xf32, #tpu.memory_space<hbm>>
      %dma_wait3A_105 = tpu.memref_squeeze %dma_wait3A_104 : memref<1x64x128xf32, #tpu.memory_space<hbm>> -> memref<64x128xf32, #tpu.memory_space<hbm>>
      %dma_wait3A_106 = arith.constant 0 : i32
      %dma_wait3A_107 = arith.constant 0 : i32
      %dma_wait3A_108 = tpu.memref_slice %arg9[%dma_wait3A_106, %dma_wait3A_107] : memref<64x128xf32, #tpu.memory_space<vmem>> -> memref<64x128xf32, #tpu.memory_space<vmem>>
      tpu.wait_dma2 semaphore(%run_scoped3A : memref<!tpu.dma_semaphore, #tpu.memory_space<semaphore_mem>>) src(%dma_wait3A_108 : memref<64x128xf32, #tpu.memory_space<vmem>>) dst(%dma_wait3A_105 : memref<64x128xf32, #tpu.memory_space<hbm>>)
      tpu.yield
    }) : () -> ()
    %add3A_79 = arith.constant 512 : i32
    %add3A_80 = arith.addi %mul3A_16, %add3A_79 : i32
    "tpu.region"() ({
      %run_scoped3A = tpu.sem_alloc : memref<!tpu.dma_semaphore, #tpu.memory_space<semaphore_mem>>
      %dma_start3A = arith.constant 0 : i32
      %dma_start3A_87 = arith.constant 0 : i32
      %dma_start3A_88 = tpu.memref_slice %arg9[%dma_start3A, %dma_start3A_87] : memref<64x128xf32, #tpu.memory_space<vmem>> -> memref<64x128xf32, #tpu.memory_space<vmem>>
      %dma_start3A_89 = arith.constant 0 : i32
      %dma_start3A_90 = tpu.memref_slice %arg11[%add3A_80, %dma_start3A_89] : memref<10112x128xf32, #tpu.memory_space<vmem_shared>> -> memref<64x128xf32, #tpu.memory_space<vmem_shared>>
      %dma_start3A_91 = arith.constant 0 : i32
      %dma_start3A_92 = arith.constant 0 : i32
      %dma_start3A_93 = tpu.memref_slice %arg9[%dma_start3A_91, %dma_start3A_92] : memref<64x128xf32, #tpu.memory_space<vmem>> -> memref<64x128xf32, #tpu.memory_space<vmem>>
      %dma_start3A_94 = arith.constant 0 : i32
      %dma_start3A_95 = tpu.memref_slice %arg11[%add3A_80, %dma_start3A_94] : memref<10112x128xf32, #tpu.memory_space<vmem_shared>> -> memref<64x128xf32, #tpu.memory_space<vmem_shared>>
      tpu.enqueue_dma source(%dma_start3A_95 : memref<64x128xf32, #tpu.memory_space<vmem_shared>>) target(%dma_start3A_93 : memref<64x128xf32, #tpu.memory_space<vmem>>) target_semaphore(%run_scoped3A : memref<!tpu.dma_semaphore, #tpu.memory_space<semaphore_mem>>)
      %dma_wait3A = arith.constant 0 : i32
      %dma_wait3A_96 = arith.constant 0 : i32
      %dma_wait3A_97 = tpu.memref_slice %arg9[%dma_wait3A, %dma_wait3A_96] : memref<64x128xf32, #tpu.memory_space<vmem>> -> memref<64x128xf32, #tpu.memory_space<vmem>>
      %dma_wait3A_98 = arith.constant 0 : i32
      %dma_wait3A_99 = tpu.memref_slice %arg11[%add3A_80, %dma_wait3A_98] : memref<10112x128xf32, #tpu.memory_space<vmem_shared>> -> memref<64x128xf32, #tpu.memory_space<vmem_shared>>
      %dma_wait3A_100 = arith.constant 0 : i32
      %dma_wait3A_101 = arith.constant 0 : i32
      %dma_wait3A_102 = tpu.memref_slice %arg9[%dma_wait3A_100, %dma_wait3A_101] : memref<64x128xf32, #tpu.memory_space<vmem>> -> memref<64x128xf32, #tpu.memory_space<vmem>>
      %dma_wait3A_103 = arith.constant 0 : i32
      %dma_wait3A_104 = tpu.memref_slice %arg11[%add3A_80, %dma_wait3A_103] : memref<10112x128xf32, #tpu.memory_space<vmem_shared>> -> memref<64x128xf32, #tpu.memory_space<vmem_shared>>
      tpu.wait_dma2 semaphore(%run_scoped3A : memref<!tpu.dma_semaphore, #tpu.memory_space<semaphore_mem>>) src(%dma_wait3A_104 : memref<64x128xf32, #tpu.memory_space<vmem_shared>>) dst(%dma_wait3A_102 : memref<64x128xf32, #tpu.memory_space<vmem>>)
      tpu.yield
    }) : () -> ()
    %add3A_81 = arith.constant 512 : i32
    %add3A_82 = arith.addi %mul3A_16, %add3A_81 : i32
    "tpu.region"() ({
      %run_scoped3A = tpu.sem_alloc : memref<!tpu.dma_semaphore, #tpu.memory_space<semaphore_mem>>
      %dma_start3A = arith.constant 0 : i32
      %dma_start3A_87 = arith.constant 0 : i32
      %dma_start3A_88 = tpu.memref_slice %arg9[%dma_start3A, %dma_start3A_87] : memref<64x128xf32, #tpu.memory_space<vmem>> -> memref<64x128xf32, #tpu.memory_space<vmem>>
      %dma_start3A_89 = arith.constant 0 : i32
      %dma_start3A_90 = tpu.memref_slice %arg5[%arg0, %add3A_82, %dma_start3A_89] : memref<2x10112x128xf32, #tpu.memory_space<hbm>> -> memref<1x64x128xf32, #tpu.memory_space<hbm>>
      %dma_start3A_91 = tpu.memref_squeeze %dma_start3A_90 : memref<1x64x128xf32, #tpu.memory_space<hbm>> -> memref<64x128xf32, #tpu.memory_space<hbm>>
      %dma_start3A_92 = arith.constant 0 : i32
      %dma_start3A_93 = tpu.memref_slice %arg5[%arg0, %add3A_82, %dma_start3A_92] : memref<2x10112x128xf32, #tpu.memory_space<hbm>> -> memref<1x64x128xf32, #tpu.memory_space<hbm>>
      %dma_start3A_94 = tpu.memref_squeeze %dma_start3A_93 : memref<1x64x128xf32, #tpu.memory_space<hbm>> -> memref<64x128xf32, #tpu.memory_space<hbm>>
      %dma_start3A_95 = arith.constant 0 : i32
      %dma_start3A_96 = arith.constant 0 : i32
      %dma_start3A_97 = tpu.memref_slice %arg9[%dma_start3A_95, %dma_start3A_96] : memref<64x128xf32, #tpu.memory_space<vmem>> -> memref<64x128xf32, #tpu.memory_space<vmem>>
      tpu.enqueue_dma source(%dma_start3A_97 : memref<64x128xf32, #tpu.memory_space<vmem>>) target(%dma_start3A_94 : memref<64x128xf32, #tpu.memory_space<hbm>>) target_semaphore(%run_scoped3A : memref<!tpu.dma_semaphore, #tpu.memory_space<semaphore_mem>>)
      %dma_wait3A = arith.constant 0 : i32
      %dma_wait3A_98 = arith.constant 0 : i32
      %dma_wait3A_99 = tpu.memref_slice %arg9[%dma_wait3A, %dma_wait3A_98] : memref<64x128xf32, #tpu.memory_space<vmem>> -> memref<64x128xf32, #tpu.memory_space<vmem>>
      %dma_wait3A_100 = arith.constant 0 : i32
      %dma_wait3A_101 = tpu.memref_slice %arg5[%arg0, %add3A_82, %dma_wait3A_100] : memref<2x10112x128xf32, #tpu.memory_space<hbm>> -> memref<1x64x128xf32, #tpu.memory_space<hbm>>
      %dma_wait3A_102 = tpu.memref_squeeze %dma_wait3A_101 : memref<1x64x128xf32, #tpu.memory_space<hbm>> -> memref<64x128xf32, #tpu.memory_space<hbm>>
      %dma_wait3A_103 = arith.constant 0 : i32
      %dma_wait3A_104 = tpu.memref_slice %arg5[%arg0, %add3A_82, %dma_wait3A_103] : memref<2x10112x128xf32, #tpu.memory_space<hbm>> -> memref<1x64x128xf32, #tpu.memory_space<hbm>>
      %dma_wait3A_105 = tpu.memref_squeeze %dma_wait3A_104 : memref<1x64x128xf32, #tpu.memory_space<hbm>> -> memref<64x128xf32, #tpu.memory_space<hbm>>
      %dma_wait3A_106 = arith.constant 0 : i32
      %dma_wait3A_107 = arith.constant 0 : i32
      %dma_wait3A_108 = tpu.memref_slice %arg9[%dma_wait3A_106, %dma_wait3A_107] : memref<64x128xf32, #tpu.memory_space<vmem>> -> memref<64x128xf32, #tpu.memory_space<vmem>>
      tpu.wait_dma2 semaphore(%run_scoped3A : memref<!tpu.dma_semaphore, #tpu.memory_space<semaphore_mem>>) src(%dma_wait3A_108 : memref<64x128xf32, #tpu.memory_space<vmem>>) dst(%dma_wait3A_105 : memref<64x128xf32, #tpu.memory_space<hbm>>)
      tpu.yield
    }) : () -> ()
    %add3A_83 = arith.constant 576 : i32
    %add3A_84 = arith.addi %mul3A_16, %add3A_83 : i32
    "tpu.region"() ({
      %run_scoped3A = tpu.sem_alloc : memref<!tpu.dma_semaphore, #tpu.memory_space<semaphore_mem>>
      %dma_start3A = arith.constant 0 : i32
      %dma_start3A_87 = arith.constant 0 : i32
      %dma_start3A_88 = tpu.memref_slice %arg9[%dma_start3A, %dma_start3A_87] : memref<64x128xf32, #tpu.memory_space<vmem>> -> memref<56x128xf32, #tpu.memory_space<vmem>>
      %dma_start3A_89 = arith.constant 0 : i32
      %dma_start3A_90 = tpu.memref_slice %arg11[%add3A_84, %dma_start3A_89] : memref<10112x128xf32, #tpu.memory_space<vmem_shared>> -> memref<56x128xf32, #tpu.memory_space<vmem_shared>>
      %dma_start3A_91 = arith.constant 0 : i32
      %dma_start3A_92 = arith.constant 0 : i32
      %dma_start3A_93 = tpu.memref_slice %arg9[%dma_start3A_91, %dma_start3A_92] : memref<64x128xf32, #tpu.memory_space<vmem>> -> memref<56x128xf32, #tpu.memory_space<vmem>>
      %dma_start3A_94 = arith.constant 0 : i32
      %dma_start3A_95 = tpu.memref_slice %arg11[%add3A_84, %dma_start3A_94] : memref<10112x128xf32, #tpu.memory_space<vmem_shared>> -> memref<56x128xf32, #tpu.memory_space<vmem_shared>>
      tpu.enqueue_dma source(%dma_start3A_95 : memref<56x128xf32, #tpu.memory_space<vmem_shared>>) target(%dma_start3A_93 : memref<56x128xf32, #tpu.memory_space<vmem>>) target_semaphore(%run_scoped3A : memref<!tpu.dma_semaphore, #tpu.memory_space<semaphore_mem>>)
      %dma_wait3A = arith.constant 0 : i32
      %dma_wait3A_96 = arith.constant 0 : i32
      %dma_wait3A_97 = tpu.memref_slice %arg9[%dma_wait3A, %dma_wait3A_96] : memref<64x128xf32, #tpu.memory_space<vmem>> -> memref<56x128xf32, #tpu.memory_space<vmem>>
      %dma_wait3A_98 = arith.constant 0 : i32
      %dma_wait3A_99 = tpu.memref_slice %arg11[%add3A_84, %dma_wait3A_98] : memref<10112x128xf32, #tpu.memory_space<vmem_shared>> -> memref<56x128xf32, #tpu.memory_space<vmem_shared>>
      %dma_wait3A_100 = arith.constant 0 : i32
      %dma_wait3A_101 = arith.constant 0 : i32
      %dma_wait3A_102 = tpu.memref_slice %arg9[%dma_wait3A_100, %dma_wait3A_101] : memref<64x128xf32, #tpu.memory_space<vmem>> -> memref<56x128xf32, #tpu.memory_space<vmem>>
      %dma_wait3A_103 = arith.constant 0 : i32
      %dma_wait3A_104 = tpu.memref_slice %arg11[%add3A_84, %dma_wait3A_103] : memref<10112x128xf32, #tpu.memory_space<vmem_shared>> -> memref<56x128xf32, #tpu.memory_space<vmem_shared>>
      tpu.wait_dma2 semaphore(%run_scoped3A : memref<!tpu.dma_semaphore, #tpu.memory_space<semaphore_mem>>) src(%dma_wait3A_104 : memref<56x128xf32, #tpu.memory_space<vmem_shared>>) dst(%dma_wait3A_102 : memref<56x128xf32, #tpu.memory_space<vmem>>)
      tpu.yield
    }) : () -> ()
    %add3A_85 = arith.constant 576 : i32
    %add3A_86 = arith.addi %mul3A_16, %add3A_85 : i32
    "tpu.region"() ({
      %run_scoped3A = tpu.sem_alloc : memref<!tpu.dma_semaphore, #tpu.memory_space<semaphore_mem>>
      %dma_start3A = arith.constant 0 : i32
      %dma_start3A_87 = arith.constant 0 : i32
      %dma_start3A_88 = tpu.memref_slice %arg9[%dma_start3A, %dma_start3A_87] : memref<64x128xf32, #tpu.memory_space<vmem>> -> memref<56x128xf32, #tpu.memory_space<vmem>>
      %dma_start3A_89 = arith.constant 0 : i32
      %dma_start3A_90 = tpu.memref_slice %arg5[%arg0, %add3A_86, %dma_start3A_89] : memref<2x10112x128xf32, #tpu.memory_space<hbm>> -> memref<1x56x128xf32, #tpu.memory_space<hbm>>
      %dma_start3A_91 = tpu.memref_squeeze %dma_start3A_90 : memref<1x56x128xf32, #tpu.memory_space<hbm>> -> memref<56x128xf32, #tpu.memory_space<hbm>>
      %dma_start3A_92 = arith.constant 0 : i32
      %dma_start3A_93 = tpu.memref_slice %arg5[%arg0, %add3A_86, %dma_start3A_92] : memref<2x10112x128xf32, #tpu.memory_space<hbm>> -> memref<1x56x128xf32, #tpu.memory_space<hbm>>
      %dma_start3A_94 = tpu.memref_squeeze %dma_start3A_93 : memref<1x56x128xf32, #tpu.memory_space<hbm>> -> memref<56x128xf32, #tpu.memory_space<hbm>>
      %dma_start3A_95 = arith.constant 0 : i32
      %dma_start3A_96 = arith.constant 0 : i32
      %dma_start3A_97 = tpu.memref_slice %arg9[%dma_start3A_95, %dma_start3A_96] : memref<64x128xf32, #tpu.memory_space<vmem>> -> memref<56x128xf32, #tpu.memory_space<vmem>>
      tpu.enqueue_dma source(%dma_start3A_97 : memref<56x128xf32, #tpu.memory_space<vmem>>) target(%dma_start3A_94 : memref<56x128xf32, #tpu.memory_space<hbm>>) target_semaphore(%run_scoped3A : memref<!tpu.dma_semaphore, #tpu.memory_space<semaphore_mem>>)
      %dma_wait3A = arith.constant 0 : i32
      %dma_wait3A_98 = arith.constant 0 : i32
      %dma_wait3A_99 = tpu.memref_slice %arg9[%dma_wait3A, %dma_wait3A_98] : memref<64x128xf32, #tpu.memory_space<vmem>> -> memref<56x128xf32, #tpu.memory_space<vmem>>
      %dma_wait3A_100 = arith.constant 0 : i32
      %dma_wait3A_101 = tpu.memref_slice %arg5[%arg0, %add3A_86, %dma_wait3A_100] : memref<2x10112x128xf32, #tpu.memory_space<hbm>> -> memref<1x56x128xf32, #tpu.memory_space<hbm>>
      %dma_wait3A_102 = tpu.memref_squeeze %dma_wait3A_101 : memref<1x56x128xf32, #tpu.memory_space<hbm>> -> memref<56x128xf32, #tpu.memory_space<hbm>>
      %dma_wait3A_103 = arith.constant 0 : i32
      %dma_wait3A_104 = tpu.memref_slice %arg5[%arg0, %add3A_86, %dma_wait3A_103] : memref<2x10112x128xf32, #tpu.memory_space<hbm>> -> memref<1x56x128xf32, #tpu.memory_space<hbm>>
      %dma_wait3A_105 = tpu.memref_squeeze %dma_wait3A_104 : memref<1x56x128xf32, #tpu.memory_space<hbm>> -> memref<56x128xf32, #tpu.memory_space<hbm>>
      %dma_wait3A_106 = arith.constant 0 : i32
      %dma_wait3A_107 = arith.constant 0 : i32
      %dma_wait3A_108 = tpu.memref_slice %arg9[%dma_wait3A_106, %dma_wait3A_107] : memref<64x128xf32, #tpu.memory_space<vmem>> -> memref<56x128xf32, #tpu.memory_space<vmem>>
      tpu.wait_dma2 semaphore(%run_scoped3A : memref<!tpu.dma_semaphore, #tpu.memory_space<semaphore_mem>>) src(%dma_wait3A_108 : memref<56x128xf32, #tpu.memory_space<vmem>>) dst(%dma_wait3A_105 : memref<56x128xf32, #tpu.memory_space<hbm>>)
      tpu.yield
    }) : () -> ()
    return
  }
}

#map = affine_map<(d0, d1) -> (0, 0)>
#map1 = affine_map<(d0, d1) -> (0, 0, 0)>
module attributes {stable_mosaic.version = 14 : i64} {
  func.func @sc_pass(%arg0: i32, %arg1: i32, %arg2: memref<10000x128xf32, #tpu.memory_space<hbm>>, %arg3: memref<5120x64xi32, #tpu.memory_space<hbm>>, %arg4: memref<5120x64xi32, #tpu.memory_space<hbm>>, %arg5: memref<2x10112x128xf32, #tpu.memory_space<hbm>>, %arg6: memref<8x64xi32, #tpu.memory_space<vmem>>, %arg7: memref<8x64xi32, #tpu.memory_space<vmem>>, %arg8: memref<64x128xf32, #tpu.memory_space<vmem>>, %arg9: memref<64x128xf32, #tpu.memory_space<vmem>>, %arg10: memref<64x128xf32, #tpu.memory_space<vmem>>, %arg11: memref<10112x128xf32, #tpu.memory_space<vmem_shared>>, %arg12: memref<!tpu.dma_semaphore, #tpu.memory_space<semaphore_mem>>, %arg13: memref<!tpu.dma_semaphore, #tpu.memory_space<semaphore_mem>>, %arg14: memref<!tpu.dma_semaphore, #tpu.memory_space<semaphore_mem>>) attributes {dimension_semantics = [#tpu.dimension_semantics<core_parallel>, #tpu.dimension_semantics<subcore_parallel>], iteration_bounds = array<i64: 2, 16>, scalar_prefetch = 0 : i64, scratch_operands = 9 : i64, tpu.core_type = #tpu.core_type<sc_vector_subcore>, window_params = [{transform_indices = #map}, {transform_indices = #map}, {transform_indices = #map}, {transform_indices = #map1}]} {
    %eq3A = arith.constant 0 : i32
    %eq3A_0 = arith.cmpi eq, %arg0, %eq3A : i32
    %mul3A = arith.constant 288 : i32
    %mul3A_1 = arith.muli %arg1, %mul3A : i32
    %mul3A_2 = arith.constant 32 : i32
    %mul3A_3 = arith.muli %arg1, %mul3A_2 : i32
    %add3A = arith.constant 4608 : i32
    %add3A_4 = arith.addi %add3A, %mul3A_3 : i32
    %select_n3A = arith.select %eq3A_0, %mul3A_1, %add3A_4 : i32
    %eq3A_5 = arith.constant 0 : i32
    %eq3A_6 = arith.cmpi eq, %arg0, %eq3A_5 : i32
    %jit3A = arith.constant 36 : i32
    %jit3A_7 = arith.constant 4 : i32
    %select_n3A_8 = arith.select %eq3A_6, %jit3A, %jit3A_7 : i32
    %broadcast_in_dim3A = arith.constant 0.000000e+00 : f32
    %broadcast_in_dim3A_9 = vector.broadcast %broadcast_in_dim3A : f32 to vector<16xf32>
    %scan3A = arith.constant 0 : i32
    %scan3A_10 = arith.constant 0 : i32
    %scan3A_11 = arith.constant 64 : i32
    %scan3A_12 = arith.addi %scan3A_10, %scan3A_11 : i32
    %scan3A_13 = arith.constant 1 : i32
    scf.for %scan3A_87 = %scan3A_10 to %scan3A_12 step %scan3A_13  : i32 {
      %swap3A = arith.index_cast %scan3A_87 : i32 to index
      %swap3A_88 = arith.constant 0 : index
      %swap3A_89 = tpu.vector_load %arg8[%swap3A, %swap3A_88] {strides = array<i32>} : memref<64x128xf32, #tpu.memory_space<vmem>>, vector<1x16xf32>,
      %swap3A_90 = vector.shape_cast %swap3A_89 : vector<1x16xf32> to vector<16xf32>
      %swap3A_91 = vector.shape_cast %broadcast_in_dim3A_9 : vector<16xf32> to vector<1x16xf32>
      tpu.vector_store %arg8[%swap3A, %swap3A_88], %swap3A_91 {strides = array<i32>} : memref<64x128xf32, #tpu.memory_space<vmem>>, vector<1x16xf32>,
      %swap3A_92 = arith.index_cast %scan3A_87 : i32 to index
      %swap3A_93 = arith.constant 16 : index
      %swap3A_94 = tpu.vector_load %arg8[%swap3A_92, %swap3A_93] {strides = array<i32>} : memref<64x128xf32, #tpu.memory_space<vmem>>, vector<1x16xf32>,
      %swap3A_95 = vector.shape_cast %swap3A_94 : vector<1x16xf32> to vector<16xf32>
      %swap3A_96 = vector.shape_cast %broadcast_in_dim3A_9 : vector<16xf32> to vector<1x16xf32>
      tpu.vector_store %arg8[%swap3A_92, %swap3A_93], %swap3A_96 {strides = array<i32>} : memref<64x128xf32, #tpu.memory_space<vmem>>, vector<1x16xf32>,
      %swap3A_97 = arith.index_cast %scan3A_87 : i32 to index
      %swap3A_98 = arith.constant 32 : index
      %swap3A_99 = tpu.vector_load %arg8[%swap3A_97, %swap3A_98] {strides = array<i32>} : memref<64x128xf32, #tpu.memory_space<vmem>>, vector<1x16xf32>,
      %swap3A_100 = vector.shape_cast %swap3A_99 : vector<1x16xf32> to vector<16xf32>
      %swap3A_101 = vector.shape_cast %broadcast_in_dim3A_9 : vector<16xf32> to vector<1x16xf32>
      tpu.vector_store %arg8[%swap3A_97, %swap3A_98], %swap3A_101 {strides = array<i32>} : memref<64x128xf32, #tpu.memory_space<vmem>>, vector<1x16xf32>,
      %swap3A_102 = arith.index_cast %scan3A_87 : i32 to index
      %swap3A_103 = arith.constant 48 : index
      %swap3A_104 = tpu.vector_load %arg8[%swap3A_102, %swap3A_103] {strides = array<i32>} : memref<64x128xf32, #tpu.memory_space<vmem>>, vector<1x16xf32>,
      %swap3A_105 = vector.shape_cast %swap3A_104 : vector<1x16xf32> to vector<16xf32>
      %swap3A_106 = vector.shape_cast %broadcast_in_dim3A_9 : vector<16xf32> to vector<1x16xf32>
      tpu.vector_store %arg8[%swap3A_102, %swap3A_103], %swap3A_106 {strides = array<i32>} : memref<64x128xf32, #tpu.memory_space<vmem>>, vector<1x16xf32>,
      %swap3A_107 = arith.index_cast %scan3A_87 : i32 to index
      %swap3A_108 = arith.constant 64 : index
      %swap3A_109 = tpu.vector_load %arg8[%swap3A_107, %swap3A_108] {strides = array<i32>} : memref<64x128xf32, #tpu.memory_space<vmem>>, vector<1x16xf32>,
      %swap3A_110 = vector.shape_cast %swap3A_109 : vector<1x16xf32> to vector<16xf32>
      %swap3A_111 = vector.shape_cast %broadcast_in_dim3A_9 : vector<16xf32> to vector<1x16xf32>
      tpu.vector_store %arg8[%swap3A_107, %swap3A_108], %swap3A_111 {strides = array<i32>} : memref<64x128xf32, #tpu.memory_space<vmem>>, vector<1x16xf32>,
      %swap3A_112 = arith.index_cast %scan3A_87 : i32 to index
      %swap3A_113 = arith.constant 80 : index
      %swap3A_114 = tpu.vector_load %arg8[%swap3A_112, %swap3A_113] {strides = array<i32>} : memref<64x128xf32, #tpu.memory_space<vmem>>, vector<1x16xf32>,
      %swap3A_115 = vector.shape_cast %swap3A_114 : vector<1x16xf32> to vector<16xf32>
      %swap3A_116 = vector.shape_cast %broadcast_in_dim3A_9 : vector<16xf32> to vector<1x16xf32>
      tpu.vector_store %arg8[%swap3A_112, %swap3A_113], %swap3A_116 {strides = array<i32>} : memref<64x128xf32, #tpu.memory_space<vmem>>, vector<1x16xf32>,
      %swap3A_117 = arith.index_cast %scan3A_87 : i32 to index
      %swap3A_118 = arith.constant 96 : index
      %swap3A_119 = tpu.vector_load %arg8[%swap3A_117, %swap3A_118] {strides = array<i32>} : memref<64x128xf32, #tpu.memory_space<vmem>>, vector<1x16xf32>,
      %swap3A_120 = vector.shape_cast %swap3A_119 : vector<1x16xf32> to vector<16xf32>
      %swap3A_121 = vector.shape_cast %broadcast_in_dim3A_9 : vector<16xf32> to vector<1x16xf32>
      tpu.vector_store %arg8[%swap3A_117, %swap3A_118], %swap3A_121 {strides = array<i32>} : memref<64x128xf32, #tpu.memory_space<vmem>>, vector<1x16xf32>,
      %swap3A_122 = arith.index_cast %scan3A_87 : i32 to index
      %swap3A_123 = arith.constant 112 : index
      %swap3A_124 = tpu.vector_load %arg8[%swap3A_122, %swap3A_123] {strides = array<i32>} : memref<64x128xf32, #tpu.memory_space<vmem>>, vector<1x16xf32>,
      %swap3A_125 = vector.shape_cast %swap3A_124 : vector<1x16xf32> to vector<16xf32>
      %swap3A_126 = vector.shape_cast %broadcast_in_dim3A_9 : vector<16xf32> to vector<1x16xf32>
      tpu.vector_store %arg8[%swap3A_122, %swap3A_123], %swap3A_126 {strides = array<i32>} : memref<64x128xf32, #tpu.memory_space<vmem>>, vector<1x16xf32>,
    }
    %scan3A_14 = arith.constant 64 : i32
    %mul3A_15 = arith.constant 632 : i32
    %mul3A_16 = arith.muli %arg1, %mul3A_15 : i32
    %add3A_17 = arith.constant 0 : i32
    %add3A_18 = arith.addi %mul3A_16, %add3A_17 : i32
    "tpu.region"() ({
      %run_scoped3A = tpu.sem_alloc : memref<!tpu.dma_semaphore, #tpu.memory_space<semaphore_mem>>
      %dma_start3A = arith.constant 0 : i32
      %dma_start3A_87 = arith.constant 0 : i32
      %dma_start3A_88 = tpu.memref_slice %arg8[%dma_start3A, %dma_start3A_87] : memref<64x128xf32, #tpu.memory_space<vmem>> -> memref<64x128xf32, #tpu.memory_space<vmem>>
      %dma_start3A_89 = arith.constant 0 : i32
      %dma_start3A_90 = tpu.memref_slice %arg11[%add3A_18, %dma_start3A_89] : memref<10112x128xf32, #tpu.memory_space<vmem_shared>> -> memref<64x128xf32, #tpu.memory_space<vmem_shared>>
      %dma_start3A_91 = arith.constant 0 : i32
      %dma_start3A_92 = tpu.memref_slice %arg11[%add3A_18, %dma_start3A_91] : memref<10112x128xf32, #tpu.memory_space<vmem_shared>> -> memref<64x128xf32, #tpu.memory_space<vmem_shared>>
      %dma_start3A_93 = arith.constant 0 : i32
      %dma_start3A_94 = arith.constant 0 : i32
      %dma_start3A_95 = tpu.memref_slice %arg8[%dma_start3A_93, %dma_start3A_94] : memref<64x128xf32, #tpu.memory_space<vmem>> -> memref<64x128xf32, #tpu.memory_space<vmem>>
      tpu.enqueue_dma source(%dma_start3A_95 : memref<64x128xf32, #tpu.memory_space<vmem>>) target(%dma_start3A_92 : memref<64x128xf32, #tpu.memory_space<vmem_shared>>) target_semaphore(%run_scoped3A : memref<!tpu.dma_semaphore, #tpu.memory_space<semaphore_mem>>)
      %dma_wait3A = arith.constant 0 : i32
      %dma_wait3A_96 = arith.constant 0 : i32
      %dma_wait3A_97 = tpu.memref_slice %arg8[%dma_wait3A, %dma_wait3A_96] : memref<64x128xf32, #tpu.memory_space<vmem>> -> memref<64x128xf32, #tpu.memory_space<vmem>>
      %dma_wait3A_98 = arith.constant 0 : i32
      %dma_wait3A_99 = tpu.memref_slice %arg11[%add3A_18, %dma_wait3A_98] : memref<10112x128xf32, #tpu.memory_space<vmem_shared>> -> memref<64x128xf32, #tpu.memory_space<vmem_shared>>
      %dma_wait3A_100 = arith.constant 0 : i32
      %dma_wait3A_101 = tpu.memref_slice %arg11[%add3A_18, %dma_wait3A_100] : memref<10112x128xf32, #tpu.memory_space<vmem_shared>> -> memref<64x128xf32, #tpu.memory_space<vmem_shared>>
      %dma_wait3A_102 = arith.constant 0 : i32
      %dma_wait3A_103 = arith.constant 0 : i32
      %dma_wait3A_104 = tpu.memref_slice %arg8[%dma_wait3A_102, %dma_wait3A_103] : memref<64x128xf32, #tpu.memory_space<vmem>> -> memref<64x128xf32, #tpu.memory_space<vmem>>
      tpu.wait_dma2 semaphore(%run_scoped3A : memref<!tpu.dma_semaphore, #tpu.memory_space<semaphore_mem>>) src(%dma_wait3A_104 : memref<64x128xf32, #tpu.memory_space<vmem>>) dst(%dma_wait3A_101 : memref<64x128xf32, #tpu.memory_space<vmem_shared>>)
      tpu.yield
    }) : () -> ()
    %add3A_19 = arith.constant 64 : i32
    %add3A_20 = arith.addi %mul3A_16, %add3A_19 : i32
    "tpu.region"() ({
      %run_scoped3A = tpu.sem_alloc : memref<!tpu.dma_semaphore, #tpu.memory_space<semaphore_mem>>
      %dma_start3A = arith.constant 0 : i32
      %dma_start3A_87 = arith.constant 0 : i32
      %dma_start3A_88 = tpu.memref_slice %arg8[%dma_start3A, %dma_start3A_87] : memref<64x128xf32, #tpu.memory_space<vmem>> -> memref<64x128xf32, #tpu.memory_space<vmem>>
      %dma_start3A_89 = arith.constant 0 : i32
      %dma_start3A_90 = tpu.memref_slice %arg11[%add3A_20, %dma_start3A_89] : memref<10112x128xf32, #tpu.memory_space<vmem_shared>> -> memref<64x128xf32, #tpu.memory_space<vmem_shared>>
      %dma_start3A_91 = arith.constant 0 : i32
      %dma_start3A_92 = tpu.memref_slice %arg11[%add3A_20, %dma_start3A_91] : memref<10112x128xf32, #tpu.memory_space<vmem_shared>> -> memref<64x128xf32, #tpu.memory_space<vmem_shared>>
      %dma_start3A_93 = arith.constant 0 : i32
      %dma_start3A_94 = arith.constant 0 : i32
      %dma_start3A_95 = tpu.memref_slice %arg8[%dma_start3A_93, %dma_start3A_94] : memref<64x128xf32, #tpu.memory_space<vmem>> -> memref<64x128xf32, #tpu.memory_space<vmem>>
      tpu.enqueue_dma source(%dma_start3A_95 : memref<64x128xf32, #tpu.memory_space<vmem>>) target(%dma_start3A_92 : memref<64x128xf32, #tpu.memory_space<vmem_shared>>) target_semaphore(%run_scoped3A : memref<!tpu.dma_semaphore, #tpu.memory_space<semaphore_mem>>)
      %dma_wait3A = arith.constant 0 : i32
      %dma_wait3A_96 = arith.constant 0 : i32
      %dma_wait3A_97 = tpu.memref_slice %arg8[%dma_wait3A, %dma_wait3A_96] : memref<64x128xf32, #tpu.memory_space<vmem>> -> memref<64x128xf32, #tpu.memory_space<vmem>>
      %dma_wait3A_98 = arith.constant 0 : i32
      %dma_wait3A_99 = tpu.memref_slice %arg11[%add3A_20, %dma_wait3A_98] : memref<10112x128xf32, #tpu.memory_space<vmem_shared>> -> memref<64x128xf32, #tpu.memory_space<vmem_shared>>
      %dma_wait3A_100 = arith.constant 0 : i32
      %dma_wait3A_101 = tpu.memref_slice %arg11[%add3A_20, %dma_wait3A_100] : memref<10112x128xf32, #tpu.memory_space<vmem_shared>> -> memref<64x128xf32, #tpu.memory_space<vmem_shared>>
      %dma_wait3A_102 = arith.constant 0 : i32
      %dma_wait3A_103 = arith.constant 0 : i32
      %dma_wait3A_104 = tpu.memref_slice %arg8[%dma_wait3A_102, %dma_wait3A_103] : memref<64x128xf32, #tpu.memory_space<vmem>> -> memref<64x128xf32, #tpu.memory_space<vmem>>
      tpu.wait_dma2 semaphore(%run_scoped3A : memref<!tpu.dma_semaphore, #tpu.memory_space<semaphore_mem>>) src(%dma_wait3A_104 : memref<64x128xf32, #tpu.memory_space<vmem>>) dst(%dma_wait3A_101 : memref<64x128xf32, #tpu.memory_space<vmem_shared>>)
      tpu.yield
    }) : () -> ()
    %add3A_21 = arith.constant 128 : i32
    %add3A_22 = arith.addi %mul3A_16, %add3A_21 : i32
    "tpu.region"() ({
      %run_scoped3A = tpu.sem_alloc : memref<!tpu.dma_semaphore, #tpu.memory_space<semaphore_mem>>
      %dma_start3A = arith.constant 0 : i32
      %dma_start3A_87 = arith.constant 0 : i32
      %dma_start3A_88 = tpu.memref_slice %arg8[%dma_start3A, %dma_start3A_87] : memref<64x128xf32, #tpu.memory_space<vmem>> -> memref<64x128xf32, #tpu.memory_space<vmem>>
      %dma_start3A_89 = arith.constant 0 : i32
      %dma_start3A_90 = tpu.memref_slice %arg11[%add3A_22, %dma_start3A_89] : memref<10112x128xf32, #tpu.memory_space<vmem_shared>> -> memref<64x128xf32, #tpu.memory_space<vmem_shared>>
      %dma_start3A_91 = arith.constant 0 : i32
      %dma_start3A_92 = tpu.memref_slice %arg11[%add3A_22, %dma_start3A_91] : memref<10112x128xf32, #tpu.memory_space<vmem_shared>> -> memref<64x128xf32, #tpu.memory_space<vmem_shared>>
      %dma_start3A_93 = arith.constant 0 : i32
      %dma_start3A_94 = arith.constant 0 : i32
      %dma_start3A_95 = tpu.memref_slice %arg8[%dma_start3A_93, %dma_start3A_94] : memref<64x128xf32, #tpu.memory_space<vmem>> -> memref<64x128xf32, #tpu.memory_space<vmem>>
      tpu.enqueue_dma source(%dma_start3A_95 : memref<64x128xf32, #tpu.memory_space<vmem>>) target(%dma_start3A_92 : memref<64x128xf32, #tpu.memory_space<vmem_shared>>) target_semaphore(%run_scoped3A : memref<!tpu.dma_semaphore, #tpu.memory_space<semaphore_mem>>)
      %dma_wait3A = arith.constant 0 : i32
      %dma_wait3A_96 = arith.constant 0 : i32
      %dma_wait3A_97 = tpu.memref_slice %arg8[%dma_wait3A, %dma_wait3A_96] : memref<64x128xf32, #tpu.memory_space<vmem>> -> memref<64x128xf32, #tpu.memory_space<vmem>>
      %dma_wait3A_98 = arith.constant 0 : i32
      %dma_wait3A_99 = tpu.memref_slice %arg11[%add3A_22, %dma_wait3A_98] : memref<10112x128xf32, #tpu.memory_space<vmem_shared>> -> memref<64x128xf32, #tpu.memory_space<vmem_shared>>
      %dma_wait3A_100 = arith.constant 0 : i32
      %dma_wait3A_101 = tpu.memref_slice %arg11[%add3A_22, %dma_wait3A_100] : memref<10112x128xf32, #tpu.memory_space<vmem_shared>> -> memref<64x128xf32, #tpu.memory_space<vmem_shared>>
      %dma_wait3A_102 = arith.constant 0 : i32
      %dma_wait3A_103 = arith.constant 0 : i32
      %dma_wait3A_104 = tpu.memref_slice %arg8[%dma_wait3A_102, %dma_wait3A_103] : memref<64x128xf32, #tpu.memory_space<vmem>> -> memref<64x128xf32, #tpu.memory_space<vmem>>
      tpu.wait_dma2 semaphore(%run_scoped3A : memref<!tpu.dma_semaphore, #tpu.memory_space<semaphore_mem>>) src(%dma_wait3A_104 : memref<64x128xf32, #tpu.memory_space<vmem>>) dst(%dma_wait3A_101 : memref<64x128xf32, #tpu.memory_space<vmem_shared>>)
      tpu.yield
    }) : () -> ()
    %add3A_23 = arith.constant 192 : i32
    %add3A_24 = arith.addi %mul3A_16, %add3A_23 : i32
    "tpu.region"() ({
      %run_scoped3A = tpu.sem_alloc : memref<!tpu.dma_semaphore, #tpu.memory_space<semaphore_mem>>
      %dma_start3A = arith.constant 0 : i32
      %dma_start3A_87 = arith.constant 0 : i32
      %dma_start3A_88 = tpu.memref_slice %arg8[%dma_start3A, %dma_start3A_87] : memref<64x128xf32, #tpu.memory_space<vmem>> -> memref<64x128xf32, #tpu.memory_space<vmem>>
      %dma_start3A_89 = arith.constant 0 : i32
      %dma_start3A_90 = tpu.memref_slice %arg11[%add3A_24, %dma_start3A_89] : memref<10112x128xf32, #tpu.memory_space<vmem_shared>> -> memref<64x128xf32, #tpu.memory_space<vmem_shared>>
      %dma_start3A_91 = arith.constant 0 : i32
      %dma_start3A_92 = tpu.memref_slice %arg11[%add3A_24, %dma_start3A_91] : memref<10112x128xf32, #tpu.memory_space<vmem_shared>> -> memref<64x128xf32, #tpu.memory_space<vmem_shared>>
      %dma_start3A_93 = arith.constant 0 : i32
      %dma_start3A_94 = arith.constant 0 : i32
      %dma_start3A_95 = tpu.memref_slice %arg8[%dma_start3A_93, %dma_start3A_94] : memref<64x128xf32, #tpu.memory_space<vmem>> -> memref<64x128xf32, #tpu.memory_space<vmem>>
      tpu.enqueue_dma source(%dma_start3A_95 : memref<64x128xf32, #tpu.memory_space<vmem>>) target(%dma_start3A_92 : memref<64x128xf32, #tpu.memory_space<vmem_shared>>) target_semaphore(%run_scoped3A : memref<!tpu.dma_semaphore, #tpu.memory_space<semaphore_mem>>)
      %dma_wait3A = arith.constant 0 : i32
      %dma_wait3A_96 = arith.constant 0 : i32
      %dma_wait3A_97 = tpu.memref_slice %arg8[%dma_wait3A, %dma_wait3A_96] : memref<64x128xf32, #tpu.memory_space<vmem>> -> memref<64x128xf32, #tpu.memory_space<vmem>>
      %dma_wait3A_98 = arith.constant 0 : i32
      %dma_wait3A_99 = tpu.memref_slice %arg11[%add3A_24, %dma_wait3A_98] : memref<10112x128xf32, #tpu.memory_space<vmem_shared>> -> memref<64x128xf32, #tpu.memory_space<vmem_shared>>
      %dma_wait3A_100 = arith.constant 0 : i32
      %dma_wait3A_101 = tpu.memref_slice %arg11[%add3A_24, %dma_wait3A_100] : memref<10112x128xf32, #tpu.memory_space<vmem_shared>> -> memref<64x128xf32, #tpu.memory_space<vmem_shared>>
      %dma_wait3A_102 = arith.constant 0 : i32
      %dma_wait3A_103 = arith.constant 0 : i32
      %dma_wait3A_104 = tpu.memref_slice %arg8[%dma_wait3A_102, %dma_wait3A_103] : memref<64x128xf32, #tpu.memory_space<vmem>> -> memref<64x128xf32, #tpu.memory_space<vmem>>
      tpu.wait_dma2 semaphore(%run_scoped3A : memref<!tpu.dma_semaphore, #tpu.memory_space<semaphore_mem>>) src(%dma_wait3A_104 : memref<64x128xf32, #tpu.memory_space<vmem>>) dst(%dma_wait3A_101 : memref<64x128xf32, #tpu.memory_space<vmem_shared>>)
      tpu.yield
    }) : () -> ()
    %add3A_25 = arith.constant 256 : i32
    %add3A_26 = arith.addi %mul3A_16, %add3A_25 : i32
    "tpu.region"() ({
      %run_scoped3A = tpu.sem_alloc : memref<!tpu.dma_semaphore, #tpu.memory_space<semaphore_mem>>
      %dma_start3A = arith.constant 0 : i32
      %dma_start3A_87 = arith.constant 0 : i32
      %dma_start3A_88 = tpu.memref_slice %arg8[%dma_start3A, %dma_start3A_87] : memref<64x128xf32, #tpu.memory_space<vmem>> -> memref<64x128xf32, #tpu.memory_space<vmem>>
      %dma_start3A_89 = arith.constant 0 : i32
      %dma_start3A_90 = tpu.memref_slice %arg11[%add3A_26, %dma_start3A_89] : memref<10112x128xf32, #tpu.memory_space<vmem_shared>> -> memref<64x128xf32, #tpu.memory_space<vmem_shared>>
      %dma_start3A_91 = arith.constant 0 : i32
      %dma_start3A_92 = tpu.memref_slice %arg11[%add3A_26, %dma_start3A_91] : memref<10112x128xf32, #tpu.memory_space<vmem_shared>> -> memref<64x128xf32, #tpu.memory_space<vmem_shared>>
      %dma_start3A_93 = arith.constant 0 : i32
      %dma_start3A_94 = arith.constant 0 : i32
      %dma_start3A_95 = tpu.memref_slice %arg8[%dma_start3A_93, %dma_start3A_94] : memref<64x128xf32, #tpu.memory_space<vmem>> -> memref<64x128xf32, #tpu.memory_space<vmem>>
      tpu.enqueue_dma source(%dma_start3A_95 : memref<64x128xf32, #tpu.memory_space<vmem>>) target(%dma_start3A_92 : memref<64x128xf32, #tpu.memory_space<vmem_shared>>) target_semaphore(%run_scoped3A : memref<!tpu.dma_semaphore, #tpu.memory_space<semaphore_mem>>)
      %dma_wait3A = arith.constant 0 : i32
      %dma_wait3A_96 = arith.constant 0 : i32
      %dma_wait3A_97 = tpu.memref_slice %arg8[%dma_wait3A, %dma_wait3A_96] : memref<64x128xf32, #tpu.memory_space<vmem>> -> memref<64x128xf32, #tpu.memory_space<vmem>>
      %dma_wait3A_98 = arith.constant 0 : i32
      %dma_wait3A_99 = tpu.memref_slice %arg11[%add3A_26, %dma_wait3A_98] : memref<10112x128xf32, #tpu.memory_space<vmem_shared>> -> memref<64x128xf32, #tpu.memory_space<vmem_shared>>
      %dma_wait3A_100 = arith.constant 0 : i32
      %dma_wait3A_101 = tpu.memref_slice %arg11[%add3A_26, %dma_wait3A_100] : memref<10112x128xf32, #tpu.memory_space<vmem_shared>> -> memref<64x128xf32, #tpu.memory_space<vmem_shared>>
      %dma_wait3A_102 = arith.constant 0 : i32
      %dma_wait3A_103 = arith.constant 0 : i32
      %dma_wait3A_104 = tpu.memref_slice %arg8[%dma_wait3A_102, %dma_wait3A_103] : memref<64x128xf32, #tpu.memory_space<vmem>> -> memref<64x128xf32, #tpu.memory_space<vmem>>
      tpu.wait_dma2 semaphore(%run_scoped3A : memref<!tpu.dma_semaphore, #tpu.memory_space<semaphore_mem>>) src(%dma_wait3A_104 : memref<64x128xf32, #tpu.memory_space<vmem>>) dst(%dma_wait3A_101 : memref<64x128xf32, #tpu.memory_space<vmem_shared>>)
      tpu.yield
    }) : () -> ()
    %add3A_27 = arith.constant 320 : i32
    %add3A_28 = arith.addi %mul3A_16, %add3A_27 : i32
    "tpu.region"() ({
      %run_scoped3A = tpu.sem_alloc : memref<!tpu.dma_semaphore, #tpu.memory_space<semaphore_mem>>
      %dma_start3A = arith.constant 0 : i32
      %dma_start3A_87 = arith.constant 0 : i32
      %dma_start3A_88 = tpu.memref_slice %arg8[%dma_start3A, %dma_start3A_87] : memref<64x128xf32, #tpu.memory_space<vmem>> -> memref<64x128xf32, #tpu.memory_space<vmem>>
      %dma_start3A_89 = arith.constant 0 : i32
      %dma_start3A_90 = tpu.memref_slice %arg11[%add3A_28, %dma_start3A_89] : memref<10112x128xf32, #tpu.memory_space<vmem_shared>> -> memref<64x128xf32, #tpu.memory_space<vmem_shared>>
      %dma_start3A_91 = arith.constant 0 : i32
      %dma_start3A_92 = tpu.memref_slice %arg11[%add3A_28, %dma_start3A_91] : memref<10112x128xf32, #tpu.memory_space<vmem_shared>> -> memref<64x128xf32, #tpu.memory_space<vmem_shared>>
      %dma_start3A_93 = arith.constant 0 : i32
      %dma_start3A_94 = arith.constant 0 : i32
      %dma_start3A_95 = tpu.memref_slice %arg8[%dma_start3A_93, %dma_start3A_94] : memref<64x128xf32, #tpu.memory_space<vmem>> -> memref<64x128xf32, #tpu.memory_space<vmem>>
      tpu.enqueue_dma source(%dma_start3A_95 : memref<64x128xf32, #tpu.memory_space<vmem>>) target(%dma_start3A_92 : memref<64x128xf32, #tpu.memory_space<vmem_shared>>) target_semaphore(%run_scoped3A : memref<!tpu.dma_semaphore, #tpu.memory_space<semaphore_mem>>)
      %dma_wait3A = arith.constant 0 : i32
      %dma_wait3A_96 = arith.constant 0 : i32
      %dma_wait3A_97 = tpu.memref_slice %arg8[%dma_wait3A, %dma_wait3A_96] : memref<64x128xf32, #tpu.memory_space<vmem>> -> memref<64x128xf32, #tpu.memory_space<vmem>>
      %dma_wait3A_98 = arith.constant 0 : i32
      %dma_wait3A_99 = tpu.memref_slice %arg11[%add3A_28, %dma_wait3A_98] : memref<10112x128xf32, #tpu.memory_space<vmem_shared>> -> memref<64x128xf32, #tpu.memory_space<vmem_shared>>
      %dma_wait3A_100 = arith.constant 0 : i32
      %dma_wait3A_101 = tpu.memref_slice %arg11[%add3A_28, %dma_wait3A_100] : memref<10112x128xf32, #tpu.memory_space<vmem_shared>> -> memref<64x128xf32, #tpu.memory_space<vmem_shared>>
      %dma_wait3A_102 = arith.constant 0 : i32
      %dma_wait3A_103 = arith.constant 0 : i32
      %dma_wait3A_104 = tpu.memref_slice %arg8[%dma_wait3A_102, %dma_wait3A_103] : memref<64x128xf32, #tpu.memory_space<vmem>> -> memref<64x128xf32, #tpu.memory_space<vmem>>
      tpu.wait_dma2 semaphore(%run_scoped3A : memref<!tpu.dma_semaphore, #tpu.memory_space<semaphore_mem>>) src(%dma_wait3A_104 : memref<64x128xf32, #tpu.memory_space<vmem>>) dst(%dma_wait3A_101 : memref<64x128xf32, #tpu.memory_space<vmem_shared>>)
      tpu.yield
    }) : () -> ()
    %add3A_29 = arith.constant 384 : i32
    %add3A_30 = arith.addi %mul3A_16, %add3A_29 : i32
    "tpu.region"() ({
      %run_scoped3A = tpu.sem_alloc : memref<!tpu.dma_semaphore, #tpu.memory_space<semaphore_mem>>
      %dma_start3A = arith.constant 0 : i32
      %dma_start3A_87 = arith.constant 0 : i32
      %dma_start3A_88 = tpu.memref_slice %arg8[%dma_start3A, %dma_start3A_87] : memref<64x128xf32, #tpu.memory_space<vmem>> -> memref<64x128xf32, #tpu.memory_space<vmem>>
      %dma_start3A_89 = arith.constant 0 : i32
      %dma_start3A_90 = tpu.memref_slice %arg11[%add3A_30, %dma_start3A_89] : memref<10112x128xf32, #tpu.memory_space<vmem_shared>> -> memref<64x128xf32, #tpu.memory_space<vmem_shared>>
      %dma_start3A_91 = arith.constant 0 : i32
      %dma_start3A_92 = tpu.memref_slice %arg11[%add3A_30, %dma_start3A_91] : memref<10112x128xf32, #tpu.memory_space<vmem_shared>> -> memref<64x128xf32, #tpu.memory_space<vmem_shared>>
      %dma_start3A_93 = arith.constant 0 : i32
      %dma_start3A_94 = arith.constant 0 : i32
      %dma_start3A_95 = tpu.memref_slice %arg8[%dma_start3A_93, %dma_start3A_94] : memref<64x128xf32, #tpu.memory_space<vmem>> -> memref<64x128xf32, #tpu.memory_space<vmem>>
      tpu.enqueue_dma source(%dma_start3A_95 : memref<64x128xf32, #tpu.memory_space<vmem>>) target(%dma_start3A_92 : memref<64x128xf32, #tpu.memory_space<vmem_shared>>) target_semaphore(%run_scoped3A : memref<!tpu.dma_semaphore, #tpu.memory_space<semaphore_mem>>)
      %dma_wait3A = arith.constant 0 : i32
      %dma_wait3A_96 = arith.constant 0 : i32
      %dma_wait3A_97 = tpu.memref_slice %arg8[%dma_wait3A, %dma_wait3A_96] : memref<64x128xf32, #tpu.memory_space<vmem>> -> memref<64x128xf32, #tpu.memory_space<vmem>>
      %dma_wait3A_98 = arith.constant 0 : i32
      %dma_wait3A_99 = tpu.memref_slice %arg11[%add3A_30, %dma_wait3A_98] : memref<10112x128xf32, #tpu.memory_space<vmem_shared>> -> memref<64x128xf32, #tpu.memory_space<vmem_shared>>
      %dma_wait3A_100 = arith.constant 0 : i32
      %dma_wait3A_101 = tpu.memref_slice %arg11[%add3A_30, %dma_wait3A_100] : memref<10112x128xf32, #tpu.memory_space<vmem_shared>> -> memref<64x128xf32, #tpu.memory_space<vmem_shared>>
      %dma_wait3A_102 = arith.constant 0 : i32
      %dma_wait3A_103 = arith.constant 0 : i32
      %dma_wait3A_104 = tpu.memref_slice %arg8[%dma_wait3A_102, %dma_wait3A_103] : memref<64x128xf32, #tpu.memory_space<vmem>> -> memref<64x128xf32, #tpu.memory_space<vmem>>
      tpu.wait_dma2 semaphore(%run_scoped3A : memref<!tpu.dma_semaphore, #tpu.memory_space<semaphore_mem>>) src(%dma_wait3A_104 : memref<64x128xf32, #tpu.memory_space<vmem>>) dst(%dma_wait3A_101 : memref<64x128xf32, #tpu.memory_space<vmem_shared>>)
      tpu.yield
    }) : () -> ()
    %add3A_31 = arith.constant 448 : i32
    %add3A_32 = arith.addi %mul3A_16, %add3A_31 : i32
    "tpu.region"() ({
      %run_scoped3A = tpu.sem_alloc : memref<!tpu.dma_semaphore, #tpu.memory_space<semaphore_mem>>
      %dma_start3A = arith.constant 0 : i32
      %dma_start3A_87 = arith.constant 0 : i32
      %dma_start3A_88 = tpu.memref_slice %arg8[%dma_start3A, %dma_start3A_87] : memref<64x128xf32, #tpu.memory_space<vmem>> -> memref<64x128xf32, #tpu.memory_space<vmem>>
      %dma_start3A_89 = arith.constant 0 : i32
      %dma_start3A_90 = tpu.memref_slice %arg11[%add3A_32, %dma_start3A_89] : memref<10112x128xf32, #tpu.memory_space<vmem_shared>> -> memref<64x128xf32, #tpu.memory_space<vmem_shared>>
      %dma_start3A_91 = arith.constant 0 : i32
      %dma_start3A_92 = tpu.memref_slice %arg11[%add3A_32, %dma_start3A_91] : memref<10112x128xf32, #tpu.memory_space<vmem_shared>> -> memref<64x128xf32, #tpu.memory_space<vmem_shared>>
      %dma_start3A_93 = arith.constant 0 : i32
      %dma_start3A_94 = arith.constant 0 : i32
      %dma_start3A_95 = tpu.memref_slice %arg8[%dma_start3A_93, %dma_start3A_94] : memref<64x128xf32, #tpu.memory_space<vmem>> -> memref<64x128xf32, #tpu.memory_space<vmem>>
      tpu.enqueue_dma source(%dma_start3A_95 : memref<64x128xf32, #tpu.memory_space<vmem>>) target(%dma_start3A_92 : memref<64x128xf32, #tpu.memory_space<vmem_shared>>) target_semaphore(%run_scoped3A : memref<!tpu.dma_semaphore, #tpu.memory_space<semaphore_mem>>)
      %dma_wait3A = arith.constant 0 : i32
      %dma_wait3A_96 = arith.constant 0 : i32
      %dma_wait3A_97 = tpu.memref_slice %arg8[%dma_wait3A, %dma_wait3A_96] : memref<64x128xf32, #tpu.memory_space<vmem>> -> memref<64x128xf32, #tpu.memory_space<vmem>>
      %dma_wait3A_98 = arith.constant 0 : i32
      %dma_wait3A_99 = tpu.memref_slice %arg11[%add3A_32, %dma_wait3A_98] : memref<10112x128xf32, #tpu.memory_space<vmem_shared>> -> memref<64x128xf32, #tpu.memory_space<vmem_shared>>
      %dma_wait3A_100 = arith.constant 0 : i32
      %dma_wait3A_101 = tpu.memref_slice %arg11[%add3A_32, %dma_wait3A_100] : memref<10112x128xf32, #tpu.memory_space<vmem_shared>> -> memref<64x128xf32, #tpu.memory_space<vmem_shared>>
      %dma_wait3A_102 = arith.constant 0 : i32
      %dma_wait3A_103 = arith.constant 0 : i32
      %dma_wait3A_104 = tpu.memref_slice %arg8[%dma_wait3A_102, %dma_wait3A_103] : memref<64x128xf32, #tpu.memory_space<vmem>> -> memref<64x128xf32, #tpu.memory_space<vmem>>
      tpu.wait_dma2 semaphore(%run_scoped3A : memref<!tpu.dma_semaphore, #tpu.memory_space<semaphore_mem>>) src(%dma_wait3A_104 : memref<64x128xf32, #tpu.memory_space<vmem>>) dst(%dma_wait3A_101 : memref<64x128xf32, #tpu.memory_space<vmem_shared>>)
      tpu.yield
    }) : () -> ()
    %add3A_33 = arith.constant 512 : i32
    %add3A_34 = arith.addi %mul3A_16, %add3A_33 : i32
    "tpu.region"() ({
      %run_scoped3A = tpu.sem_alloc : memref<!tpu.dma_semaphore, #tpu.memory_space<semaphore_mem>>
      %dma_start3A = arith.constant 0 : i32
      %dma_start3A_87 = arith.constant 0 : i32
      %dma_start3A_88 = tpu.memref_slice %arg8[%dma_start3A, %dma_start3A_87] : memref<64x128xf32, #tpu.memory_space<vmem>> -> memref<64x128xf32, #tpu.memory_space<vmem>>
      %dma_start3A_89 = arith.constant 0 : i32
      %dma_start3A_90 = tpu.memref_slice %arg11[%add3A_34, %dma_start3A_89] : memref<10112x128xf32, #tpu.memory_space<vmem_shared>> -> memref<64x128xf32, #tpu.memory_space<vmem_shared>>
      %dma_start3A_91 = arith.constant 0 : i32
      %dma_start3A_92 = tpu.memref_slice %arg11[%add3A_34, %dma_start3A_91] : memref<10112x128xf32, #tpu.memory_space<vmem_shared>> -> memref<64x128xf32, #tpu.memory_space<vmem_shared>>
      %dma_start3A_93 = arith.constant 0 : i32
      %dma_start3A_94 = arith.constant 0 : i32
      %dma_start3A_95 = tpu.memref_slice %arg8[%dma_start3A_93, %dma_start3A_94] : memref<64x128xf32, #tpu.memory_space<vmem>> -> memref<64x128xf32, #tpu.memory_space<vmem>>
      tpu.enqueue_dma source(%dma_start3A_95 : memref<64x128xf32, #tpu.memory_space<vmem>>) target(%dma_start3A_92 : memref<64x128xf32, #tpu.memory_space<vmem_shared>>) target_semaphore(%run_scoped3A : memref<!tpu.dma_semaphore, #tpu.memory_space<semaphore_mem>>)
      %dma_wait3A = arith.constant 0 : i32
      %dma_wait3A_96 = arith.constant 0 : i32
      %dma_wait3A_97 = tpu.memref_slice %arg8[%dma_wait3A, %dma_wait3A_96] : memref<64x128xf32, #tpu.memory_space<vmem>> -> memref<64x128xf32, #tpu.memory_space<vmem>>
      %dma_wait3A_98 = arith.constant 0 : i32
      %dma_wait3A_99 = tpu.memref_slice %arg11[%add3A_34, %dma_wait3A_98] : memref<10112x128xf32, #tpu.memory_space<vmem_shared>> -> memref<64x128xf32, #tpu.memory_space<vmem_shared>>
      %dma_wait3A_100 = arith.constant 0 : i32
      %dma_wait3A_101 = tpu.memref_slice %arg11[%add3A_34, %dma_wait3A_100] : memref<10112x128xf32, #tpu.memory_space<vmem_shared>> -> memref<64x128xf32, #tpu.memory_space<vmem_shared>>
      %dma_wait3A_102 = arith.constant 0 : i32
      %dma_wait3A_103 = arith.constant 0 : i32
      %dma_wait3A_104 = tpu.memref_slice %arg8[%dma_wait3A_102, %dma_wait3A_103] : memref<64x128xf32, #tpu.memory_space<vmem>> -> memref<64x128xf32, #tpu.memory_space<vmem>>
      tpu.wait_dma2 semaphore(%run_scoped3A : memref<!tpu.dma_semaphore, #tpu.memory_space<semaphore_mem>>) src(%dma_wait3A_104 : memref<64x128xf32, #tpu.memory_space<vmem>>) dst(%dma_wait3A_101 : memref<64x128xf32, #tpu.memory_space<vmem_shared>>)
      tpu.yield
    }) : () -> ()
    %add3A_35 = arith.constant 576 : i32
    %add3A_36 = arith.addi %mul3A_16, %add3A_35 : i32
    "tpu.region"() ({
      %run_scoped3A = tpu.sem_alloc : memref<!tpu.dma_semaphore, #tpu.memory_space<semaphore_mem>>
      %dma_start3A = arith.constant 0 : i32
      %dma_start3A_87 = arith.constant 0 : i32
      %dma_start3A_88 = tpu.memref_slice %arg8[%dma_start3A, %dma_start3A_87] : memref<64x128xf32, #tpu.memory_space<vmem>> -> memref<56x128xf32, #tpu.memory_space<vmem>>
      %dma_start3A_89 = arith.constant 0 : i32
      %dma_start3A_90 = tpu.memref_slice %arg11[%add3A_36, %dma_start3A_89] : memref<10112x128xf32, #tpu.memory_space<vmem_shared>> -> memref<56x128xf32, #tpu.memory_space<vmem_shared>>
      %dma_start3A_91 = arith.constant 0 : i32
      %dma_start3A_92 = tpu.memref_slice %arg11[%add3A_36, %dma_start3A_91] : memref<10112x128xf32, #tpu.memory_space<vmem_shared>> -> memref<56x128xf32, #tpu.memory_space<vmem_shared>>
      %dma_start3A_93 = arith.constant 0 : i32
      %dma_start3A_94 = arith.constant 0 : i32
      %dma_start3A_95 = tpu.memref_slice %arg8[%dma_start3A_93, %dma_start3A_94] : memref<64x128xf32, #tpu.memory_space<vmem>> -> memref<56x128xf32, #tpu.memory_space<vmem>>
      tpu.enqueue_dma source(%dma_start3A_95 : memref<56x128xf32, #tpu.memory_space<vmem>>) target(%dma_start3A_92 : memref<56x128xf32, #tpu.memory_space<vmem_shared>>) target_semaphore(%run_scoped3A : memref<!tpu.dma_semaphore, #tpu.memory_space<semaphore_mem>>)
      %dma_wait3A = arith.constant 0 : i32
      %dma_wait3A_96 = arith.constant 0 : i32
      %dma_wait3A_97 = tpu.memref_slice %arg8[%dma_wait3A, %dma_wait3A_96] : memref<64x128xf32, #tpu.memory_space<vmem>> -> memref<56x128xf32, #tpu.memory_space<vmem>>
      %dma_wait3A_98 = arith.constant 0 : i32
      %dma_wait3A_99 = tpu.memref_slice %arg11[%add3A_36, %dma_wait3A_98] : memref<10112x128xf32, #tpu.memory_space<vmem_shared>> -> memref<56x128xf32, #tpu.memory_space<vmem_shared>>
      %dma_wait3A_100 = arith.constant 0 : i32
      %dma_wait3A_101 = tpu.memref_slice %arg11[%add3A_36, %dma_wait3A_100] : memref<10112x128xf32, #tpu.memory_space<vmem_shared>> -> memref<56x128xf32, #tpu.memory_space<vmem_shared>>
      %dma_wait3A_102 = arith.constant 0 : i32
      %dma_wait3A_103 = arith.constant 0 : i32
      %dma_wait3A_104 = tpu.memref_slice %arg8[%dma_wait3A_102, %dma_wait3A_103] : memref<64x128xf32, #tpu.memory_space<vmem>> -> memref<56x128xf32, #tpu.memory_space<vmem>>
      tpu.wait_dma2 semaphore(%run_scoped3A : memref<!tpu.dma_semaphore, #tpu.memory_space<semaphore_mem>>) src(%dma_wait3A_104 : memref<56x128xf32, #tpu.memory_space<vmem>>) dst(%dma_wait3A_101 : memref<56x128xf32, #tpu.memory_space<vmem_shared>>)
      tpu.yield
    }) : () -> ()
    %barrier3A = arith.constant 0 : index
    tpu.barrier barrier_id(%barrier3A)
    %while3A = arith.constant 0 : i32
    %while3A_37 = arith.constant 0 : i32
    %while3A_38 = arith.subi %select_n3A_8, %while3A_37 : i32
    %while3A_39 = arith.addi %while3A_37, %while3A_38 : i32
    %while3A_40 = arith.constant 1 : i32
    %while3A_41 = arith.divsi %while3A_38, %while3A_40 : i32
    %while3A_42 = arith.muli %while3A_41, %while3A_40 : i32
    %while3A_43 = arith.addi %while3A_37, %while3A_42 : i32
    %while3A_44 = arith.constant 1 : i32
    scf.for %while3A_87 = %while3A_37 to %while3A_43 step %while3A_44  : i32 {
      %mul3A_88 = arith.constant 8 : i32
      %mul3A_89 = arith.muli %while3A_87, %mul3A_88 : i32
      %add3A_90 = arith.addi %select_n3A, %mul3A_89 : i32
      %multiple_of3A = tpu.assume_multiple %add3A_90, 8 : i32
      "tpu.region"() ({
        %run_scoped3A_208 = tpu.sem_alloc : memref<!tpu.dma_semaphore, #tpu.memory_space<semaphore_mem>>
        %dma_start3A_209 = arith.constant 0 : i32
        %dma_start3A_210 = tpu.memref_slice %arg3[%multiple_of3A, %dma_start3A_209] : memref<5120x64xi32, #tpu.memory_space<hbm>> -> memref<8x64xi32, #tpu.memory_space<hbm>>
        %dma_start3A_211 = arith.constant 0 : i32
        %dma_start3A_212 = tpu.memref_slice %arg3[%multiple_of3A, %dma_start3A_211] : memref<5120x64xi32, #tpu.memory_space<hbm>> -> memref<8x64xi32, #tpu.memory_space<hbm>>
        tpu.enqueue_dma source(%dma_start3A_212 : memref<8x64xi32, #tpu.memory_space<hbm>>) target(%arg6 : memref<8x64xi32, #tpu.memory_space<vmem>>) target_semaphore(%run_scoped3A_208 : memref<!tpu.dma_semaphore, #tpu.memory_space<semaphore_mem>>)
        %dma_wait3A_213 = arith.constant 0 : i32
        %dma_wait3A_214 = tpu.memref_slice %arg3[%multiple_of3A, %dma_wait3A_213] : memref<5120x64xi32, #tpu.memory_space<hbm>> -> memref<8x64xi32, #tpu.memory_space<hbm>>
        %dma_wait3A_215 = arith.constant 0 : i32
        %dma_wait3A_216 = tpu.memref_slice %arg3[%multiple_of3A, %dma_wait3A_215] : memref<5120x64xi32, #tpu.memory_space<hbm>> -> memref<8x64xi32, #tpu.memory_space<hbm>>
        tpu.wait_dma2 semaphore(%run_scoped3A_208 : memref<!tpu.dma_semaphore, #tpu.memory_space<semaphore_mem>>) src(%dma_wait3A_216 : memref<8x64xi32, #tpu.memory_space<hbm>>) dst(%arg6 : memref<8x64xi32, #tpu.memory_space<vmem>>)
        tpu.yield
      }) : () -> ()
      "tpu.region"() ({
        %run_scoped3A_208 = tpu.sem_alloc : memref<!tpu.dma_semaphore, #tpu.memory_space<semaphore_mem>>
        %dma_start3A_209 = arith.constant 0 : i32
        %dma_start3A_210 = tpu.memref_slice %arg4[%multiple_of3A, %dma_start3A_209] : memref<5120x64xi32, #tpu.memory_space<hbm>> -> memref<8x64xi32, #tpu.memory_space<hbm>>
        %dma_start3A_211 = arith.constant 0 : i32
        %dma_start3A_212 = tpu.memref_slice %arg4[%multiple_of3A, %dma_start3A_211] : memref<5120x64xi32, #tpu.memory_space<hbm>> -> memref<8x64xi32, #tpu.memory_space<hbm>>
        tpu.enqueue_dma source(%dma_start3A_212 : memref<8x64xi32, #tpu.memory_space<hbm>>) target(%arg7 : memref<8x64xi32, #tpu.memory_space<vmem>>) target_semaphore(%run_scoped3A_208 : memref<!tpu.dma_semaphore, #tpu.memory_space<semaphore_mem>>)
        %dma_wait3A_213 = arith.constant 0 : i32
        %dma_wait3A_214 = tpu.memref_slice %arg4[%multiple_of3A, %dma_wait3A_213] : memref<5120x64xi32, #tpu.memory_space<hbm>> -> memref<8x64xi32, #tpu.memory_space<hbm>>
        %dma_wait3A_215 = arith.constant 0 : i32
        %dma_wait3A_216 = tpu.memref_slice %arg4[%multiple_of3A, %dma_wait3A_215] : memref<5120x64xi32, #tpu.memory_space<hbm>> -> memref<8x64xi32, #tpu.memory_space<hbm>>
        tpu.wait_dma2 semaphore(%run_scoped3A_208 : memref<!tpu.dma_semaphore, #tpu.memory_space<semaphore_mem>>) src(%dma_wait3A_216 : memref<8x64xi32, #tpu.memory_space<hbm>>) dst(%arg7 : memref<8x64xi32, #tpu.memory_space<vmem>>)
        tpu.yield
      }) : () -> ()
      %dma_start3A = arith.constant 0 : i32
      %dma_start3A_91 = arith.constant 0 : i32
      %dma_start3A_92 = tpu.memref_slice %arg6[%dma_start3A, %dma_start3A_91] : memref<8x64xi32, #tpu.memory_space<vmem>> -> memref<1x64xi32, #tpu.memory_space<vmem>>
      %dma_start3A_93 = tpu.memref_squeeze %dma_start3A_92 : memref<1x64xi32, #tpu.memory_space<vmem>> -> memref<64xi32, #tpu.memory_space<vmem>>
      %dma_start3A_94 = arith.constant 0 : i32
      %dma_start3A_95 = arith.constant 0 : i32
      %dma_start3A_96 = tpu.memref_slice %arg2[%dma_start3A_94, %dma_start3A_95] : memref<10000x128xf32, #tpu.memory_space<hbm>> -> memref<10000x128xf32, #tpu.memory_space<hbm>>
      tpu.enqueue_indirect_dma source(%dma_start3A_96 : memref<10000x128xf32, #tpu.memory_space<hbm>>) target(%arg8 : memref<64x128xf32, #tpu.memory_space<vmem>>) offsets(%dma_start3A_93 : memref<64xi32, #tpu.memory_space<vmem>>) semaphore(%arg12 : memref<!tpu.dma_semaphore, #tpu.memory_space<semaphore_mem>>)
      %dma_start3A_97 = arith.constant 1 : i32
      %dma_start3A_98 = arith.constant 0 : i32
      %dma_start3A_99 = tpu.memref_slice %arg6[%dma_start3A_97, %dma_start3A_98] : memref<8x64xi32, #tpu.memory_space<vmem>> -> memref<1x64xi32, #tpu.memory_space<vmem>>
      %dma_start3A_100 = tpu.memref_squeeze %dma_start3A_99 : memref<1x64xi32, #tpu.memory_space<vmem>> -> memref<64xi32, #tpu.memory_space<vmem>>
      %dma_start3A_101 = arith.constant 0 : i32
      %dma_start3A_102 = arith.constant 0 : i32
      %dma_start3A_103 = tpu.memref_slice %arg2[%dma_start3A_101, %dma_start3A_102] : memref<10000x128xf32, #tpu.memory_space<hbm>> -> memref<10000x128xf32, #tpu.memory_space<hbm>>
      tpu.enqueue_indirect_dma source(%dma_start3A_103 : memref<10000x128xf32, #tpu.memory_space<hbm>>) target(%arg9 : memref<64x128xf32, #tpu.memory_space<vmem>>) offsets(%dma_start3A_100 : memref<64xi32, #tpu.memory_space<vmem>>) semaphore(%arg13 : memref<!tpu.dma_semaphore, #tpu.memory_space<semaphore_mem>>)
      %dma_start3A_104 = arith.constant 2 : i32
      %dma_start3A_105 = arith.constant 0 : i32
      %dma_start3A_106 = tpu.memref_slice %arg6[%dma_start3A_104, %dma_start3A_105] : memref<8x64xi32, #tpu.memory_space<vmem>> -> memref<1x64xi32, #tpu.memory_space<vmem>>
      %dma_start3A_107 = tpu.memref_squeeze %dma_start3A_106 : memref<1x64xi32, #tpu.memory_space<vmem>> -> memref<64xi32, #tpu.memory_space<vmem>>
      %dma_start3A_108 = arith.constant 0 : i32
      %dma_start3A_109 = arith.constant 0 : i32
      %dma_start3A_110 = tpu.memref_slice %arg2[%dma_start3A_108, %dma_start3A_109] : memref<10000x128xf32, #tpu.memory_space<hbm>> -> memref<10000x128xf32, #tpu.memory_space<hbm>>
      tpu.enqueue_indirect_dma source(%dma_start3A_110 : memref<10000x128xf32, #tpu.memory_space<hbm>>) target(%arg10 : memref<64x128xf32, #tpu.memory_space<vmem>>) offsets(%dma_start3A_107 : memref<64xi32, #tpu.memory_space<vmem>>) semaphore(%arg14 : memref<!tpu.dma_semaphore, #tpu.memory_space<semaphore_mem>>)
      %dma_wait3A = arith.constant 0 : i32
      %dma_wait3A_111 = arith.constant 0 : i32
      %dma_wait3A_112 = tpu.memref_slice %arg6[%dma_wait3A, %dma_wait3A_111] : memref<8x64xi32, #tpu.memory_space<vmem>> -> memref<1x64xi32, #tpu.memory_space<vmem>>
      %dma_wait3A_113 = tpu.memref_squeeze %dma_wait3A_112 : memref<1x64xi32, #tpu.memory_space<vmem>> -> memref<64xi32, #tpu.memory_space<vmem>>
      %dma_wait3A_114 = arith.constant 0 : i32
      %dma_wait3A_115 = arith.constant 0 : i32
      %dma_wait3A_116 = tpu.memref_slice %arg2[%dma_wait3A_114, %dma_wait3A_115] : memref<10000x128xf32, #tpu.memory_space<hbm>> -> memref<10000x128xf32, #tpu.memory_space<hbm>>
      tpu.wait_indirect_dma semaphore(%arg12 : memref<!tpu.dma_semaphore, #tpu.memory_space<semaphore_mem>>) src(%dma_wait3A_116 : memref<10000x128xf32, #tpu.memory_space<hbm>>) dst(%arg8 : memref<64x128xf32, #tpu.memory_space<vmem>>)
      %run_scoped3A = arith.constant 0 : i32
      "tpu.region"() ({
        %run_scoped3A_208 = tpu.sem_alloc : memref<!tpu.dma_semaphore, #tpu.memory_space<semaphore_mem>>
        %dma_start3A_209 = arith.constant 0 : i32
        %dma_start3A_210 = tpu.memref_slice %arg7[%run_scoped3A, %dma_start3A_209] : memref<8x64xi32, #tpu.memory_space<vmem>> -> memref<1x64xi32, #tpu.memory_space<vmem>>
        %dma_start3A_211 = tpu.memref_squeeze %dma_start3A_210 : memref<1x64xi32, #tpu.memory_space<vmem>> -> memref<64xi32, #tpu.memory_space<vmem>>
        %dma_start3A_212 = arith.constant 0 : i32
        %dma_start3A_213 = arith.constant 0 : i32
        %dma_start3A_214 = tpu.memref_slice %arg11[%dma_start3A_212, %dma_start3A_213] : memref<10112x128xf32, #tpu.memory_space<vmem_shared>> -> memref<10112x128xf32, #tpu.memory_space<vmem_shared>>
        tpu.enqueue_indirect_dma source(%arg8 : memref<64x128xf32, #tpu.memory_space<vmem>>) target(%dma_start3A_214 : memref<10112x128xf32, #tpu.memory_space<vmem_shared>>) offsets(%dma_start3A_211 : memref<64xi32, #tpu.memory_space<vmem>>) semaphore(%run_scoped3A_208 : memref<!tpu.dma_semaphore, #tpu.memory_space<semaphore_mem>>) {add = true}
        %dma_wait3A_215 = arith.constant 0 : i32
        %dma_wait3A_216 = tpu.memref_slice %arg7[%run_scoped3A, %dma_wait3A_215] : memref<8x64xi32, #tpu.memory_space<vmem>> -> memref<1x64xi32, #tpu.memory_space<vmem>>
        %dma_wait3A_217 = tpu.memref_squeeze %dma_wait3A_216 : memref<1x64xi32, #tpu.memory_space<vmem>> -> memref<64xi32, #tpu.memory_space<vmem>>
        %dma_wait3A_218 = arith.constant 0 : i32
        %dma_wait3A_219 = arith.constant 0 : i32
        %dma_wait3A_220 = tpu.memref_slice %arg11[%dma_wait3A_218, %dma_wait3A_219] : memref<10112x128xf32, #tpu.memory_space<vmem_shared>> -> memref<10112x128xf32, #tpu.memory_space<vmem_shared>>
        tpu.wait_indirect_dma semaphore(%run_scoped3A_208 : memref<!tpu.dma_semaphore, #tpu.memory_space<semaphore_mem>>) src(%arg8 : memref<64x128xf32, #tpu.memory_space<vmem>>) dst(%dma_wait3A_220 : memref<10112x128xf32, #tpu.memory_space<vmem_shared>>)
        tpu.yield
      }) : () -> ()
      %dma_start3A_117 = arith.constant 3 : i32
      %dma_start3A_118 = arith.constant 0 : i32
      %dma_start3A_119 = tpu.memref_slice %arg6[%dma_start3A_117, %dma_start3A_118] : memref<8x64xi32, #tpu.memory_space<vmem>> -> memref<1x64xi32, #tpu.memory_space<vmem>>
      %dma_start3A_120 = tpu.memref_squeeze %dma_start3A_119 : memref<1x64xi32, #tpu.memory_space<vmem>> -> memref<64xi32, #tpu.memory_space<vmem>>
      %dma_start3A_121 = arith.constant 0 : i32
      %dma_start3A_122 = arith.constant 0 : i32
      %dma_start3A_123 = tpu.memref_slice %arg2[%dma_start3A_121, %dma_start3A_122] : memref<10000x128xf32, #tpu.memory_space<hbm>> -> memref<10000x128xf32, #tpu.memory_space<hbm>>
      tpu.enqueue_indirect_dma source(%dma_start3A_123 : memref<10000x128xf32, #tpu.memory_space<hbm>>) target(%arg8 : memref<64x128xf32, #tpu.memory_space<vmem>>) offsets(%dma_start3A_120 : memref<64xi32, #tpu.memory_space<vmem>>) semaphore(%arg12 : memref<!tpu.dma_semaphore, #tpu.memory_space<semaphore_mem>>)
      %dma_wait3A_124 = arith.constant 1 : i32
      %dma_wait3A_125 = arith.constant 0 : i32
      %dma_wait3A_126 = tpu.memref_slice %arg6[%dma_wait3A_124, %dma_wait3A_125] : memref<8x64xi32, #tpu.memory_space<vmem>> -> memref<1x64xi32, #tpu.memory_space<vmem>>
      %dma_wait3A_127 = tpu.memref_squeeze %dma_wait3A_126 : memref<1x64xi32, #tpu.memory_space<vmem>> -> memref<64xi32, #tpu.memory_space<vmem>>
      %dma_wait3A_128 = arith.constant 0 : i32
      %dma_wait3A_129 = arith.constant 0 : i32
      %dma_wait3A_130 = tpu.memref_slice %arg2[%dma_wait3A_128, %dma_wait3A_129] : memref<10000x128xf32, #tpu.memory_space<hbm>> -> memref<10000x128xf32, #tpu.memory_space<hbm>>
      tpu.wait_indirect_dma semaphore(%arg13 : memref<!tpu.dma_semaphore, #tpu.memory_space<semaphore_mem>>) src(%dma_wait3A_130 : memref<10000x128xf32, #tpu.memory_space<hbm>>) dst(%arg9 : memref<64x128xf32, #tpu.memory_space<vmem>>)
      %run_scoped3A_131 = arith.constant 1 : i32
      "tpu.region"() ({
        %run_scoped3A_208 = tpu.sem_alloc : memref<!tpu.dma_semaphore, #tpu.memory_space<semaphore_mem>>
        %dma_start3A_209 = arith.constant 0 : i32
        %dma_start3A_210 = tpu.memref_slice %arg7[%run_scoped3A_131, %dma_start3A_209] : memref<8x64xi32, #tpu.memory_space<vmem>> -> memref<1x64xi32, #tpu.memory_space<vmem>>
        %dma_start3A_211 = tpu.memref_squeeze %dma_start3A_210 : memref<1x64xi32, #tpu.memory_space<vmem>> -> memref<64xi32, #tpu.memory_space<vmem>>
        %dma_start3A_212 = arith.constant 0 : i32
        %dma_start3A_213 = arith.constant 0 : i32
        %dma_start3A_214 = tpu.memref_slice %arg11[%dma_start3A_212, %dma_start3A_213] : memref<10112x128xf32, #tpu.memory_space<vmem_shared>> -> memref<10112x128xf32, #tpu.memory_space<vmem_shared>>
        tpu.enqueue_indirect_dma source(%arg9 : memref<64x128xf32, #tpu.memory_space<vmem>>) target(%dma_start3A_214 : memref<10112x128xf32, #tpu.memory_space<vmem_shared>>) offsets(%dma_start3A_211 : memref<64xi32, #tpu.memory_space<vmem>>) semaphore(%run_scoped3A_208 : memref<!tpu.dma_semaphore, #tpu.memory_space<semaphore_mem>>) {add = true}
        %dma_wait3A_215 = arith.constant 0 : i32
        %dma_wait3A_216 = tpu.memref_slice %arg7[%run_scoped3A_131, %dma_wait3A_215] : memref<8x64xi32, #tpu.memory_space<vmem>> -> memref<1x64xi32, #tpu.memory_space<vmem>>
        %dma_wait3A_217 = tpu.memref_squeeze %dma_wait3A_216 : memref<1x64xi32, #tpu.memory_space<vmem>> -> memref<64xi32, #tpu.memory_space<vmem>>
        %dma_wait3A_218 = arith.constant 0 : i32
        %dma_wait3A_219 = arith.constant 0 : i32
        %dma_wait3A_220 = tpu.memref_slice %arg11[%dma_wait3A_218, %dma_wait3A_219] : memref<10112x128xf32, #tpu.memory_space<vmem_shared>> -> memref<10112x128xf32, #tpu.memory_space<vmem_shared>>
        tpu.wait_indirect_dma semaphore(%run_scoped3A_208 : memref<!tpu.dma_semaphore, #tpu.memory_space<semaphore_mem>>) src(%arg9 : memref<64x128xf32, #tpu.memory_space<vmem>>) dst(%dma_wait3A_220 : memref<10112x128xf32, #tpu.memory_space<vmem_shared>>)
        tpu.yield
      }) : () -> ()
      %dma_start3A_132 = arith.constant 4 : i32
      %dma_start3A_133 = arith.constant 0 : i32
      %dma_start3A_134 = tpu.memref_slice %arg6[%dma_start3A_132, %dma_start3A_133] : memref<8x64xi32, #tpu.memory_space<vmem>> -> memref<1x64xi32, #tpu.memory_space<vmem>>
      %dma_start3A_135 = tpu.memref_squeeze %dma_start3A_134 : memref<1x64xi32, #tpu.memory_space<vmem>> -> memref<64xi32, #tpu.memory_space<vmem>>
      %dma_start3A_136 = arith.constant 0 : i32
      %dma_start3A_137 = arith.constant 0 : i32
      %dma_start3A_138 = tpu.memref_slice %arg2[%dma_start3A_136, %dma_start3A_137] : memref<10000x128xf32, #tpu.memory_space<hbm>> -> memref<10000x128xf32, #tpu.memory_space<hbm>>
      tpu.enqueue_indirect_dma source(%dma_start3A_138 : memref<10000x128xf32, #tpu.memory_space<hbm>>) target(%arg9 : memref<64x128xf32, #tpu.memory_space<vmem>>) offsets(%dma_start3A_135 : memref<64xi32, #tpu.memory_space<vmem>>) semaphore(%arg13 : memref<!tpu.dma_semaphore, #tpu.memory_space<semaphore_mem>>)
      %dma_wait3A_139 = arith.constant 2 : i32
      %dma_wait3A_140 = arith.constant 0 : i32
      %dma_wait3A_141 = tpu.memref_slice %arg6[%dma_wait3A_139, %dma_wait3A_140] : memref<8x64xi32, #tpu.memory_space<vmem>> -> memref<1x64xi32, #tpu.memory_space<vmem>>
      %dma_wait3A_142 = tpu.memref_squeeze %dma_wait3A_141 : memref<1x64xi32, #tpu.memory_space<vmem>> -> memref<64xi32, #tpu.memory_space<vmem>>
      %dma_wait3A_143 = arith.constant 0 : i32
      %dma_wait3A_144 = arith.constant 0 : i32
      %dma_wait3A_145 = tpu.memref_slice %arg2[%dma_wait3A_143, %dma_wait3A_144] : memref<10000x128xf32, #tpu.memory_space<hbm>> -> memref<10000x128xf32, #tpu.memory_space<hbm>>
      tpu.wait_indirect_dma semaphore(%arg14 : memref<!tpu.dma_semaphore, #tpu.memory_space<semaphore_mem>>) src(%dma_wait3A_145 : memref<10000x128xf32, #tpu.memory_space<hbm>>) dst(%arg10 : memref<64x128xf32, #tpu.memory_space<vmem>>)
      %run_scoped3A_146 = arith.constant 2 : i32
      "tpu.region"() ({
        %run_scoped3A_208 = tpu.sem_alloc : memref<!tpu.dma_semaphore, #tpu.memory_space<semaphore_mem>>
        %dma_start3A_209 = arith.constant 0 : i32
        %dma_start3A_210 = tpu.memref_slice %arg7[%run_scoped3A_146, %dma_start3A_209] : memref<8x64xi32, #tpu.memory_space<vmem>> -> memref<1x64xi32, #tpu.memory_space<vmem>>
        %dma_start3A_211 = tpu.memref_squeeze %dma_start3A_210 : memref<1x64xi32, #tpu.memory_space<vmem>> -> memref<64xi32, #tpu.memory_space<vmem>>
        %dma_start3A_212 = arith.constant 0 : i32
        %dma_start3A_213 = arith.constant 0 : i32
        %dma_start3A_214 = tpu.memref_slice %arg11[%dma_start3A_212, %dma_start3A_213] : memref<10112x128xf32, #tpu.memory_space<vmem_shared>> -> memref<10112x128xf32, #tpu.memory_space<vmem_shared>>
        tpu.enqueue_indirect_dma source(%arg10 : memref<64x128xf32, #tpu.memory_space<vmem>>) target(%dma_start3A_214 : memref<10112x128xf32, #tpu.memory_space<vmem_shared>>) offsets(%dma_start3A_211 : memref<64xi32, #tpu.memory_space<vmem>>) semaphore(%run_scoped3A_208 : memref<!tpu.dma_semaphore, #tpu.memory_space<semaphore_mem>>) {add = true}
        %dma_wait3A_215 = arith.constant 0 : i32
        %dma_wait3A_216 = tpu.memref_slice %arg7[%run_scoped3A_146, %dma_wait3A_215] : memref<8x64xi32, #tpu.memory_space<vmem>> -> memref<1x64xi32, #tpu.memory_space<vmem>>
        %dma_wait3A_217 = tpu.memref_squeeze %dma_wait3A_216 : memref<1x64xi32, #tpu.memory_space<vmem>> -> memref<64xi32, #tpu.memory_space<vmem>>
        %dma_wait3A_218 = arith.constant 0 : i32
        %dma_wait3A_219 = arith.constant 0 : i32
        %dma_wait3A_220 = tpu.memref_slice %arg11[%dma_wait3A_218, %dma_wait3A_219] : memref<10112x128xf32, #tpu.memory_space<vmem_shared>> -> memref<10112x128xf32, #tpu.memory_space<vmem_shared>>
        tpu.wait_indirect_dma semaphore(%run_scoped3A_208 : memref<!tpu.dma_semaphore, #tpu.memory_space<semaphore_mem>>) src(%arg10 : memref<64x128xf32, #tpu.memory_space<vmem>>) dst(%dma_wait3A_220 : memref<10112x128xf32, #tpu.memory_space<vmem_shared>>)
        tpu.yield
      }) : () -> ()
      %dma_start3A_147 = arith.constant 5 : i32
      %dma_start3A_148 = arith.constant 0 : i32
      %dma_start3A_149 = tpu.memref_slice %arg6[%dma_start3A_147, %dma_start3A_148] : memref<8x64xi32, #tpu.memory_space<vmem>> -> memref<1x64xi32, #tpu.memory_space<vmem>>
      %dma_start3A_150 = tpu.memref_squeeze %dma_start3A_149 : memref<1x64xi32, #tpu.memory_space<vmem>> -> memref<64xi32, #tpu.memory_space<vmem>>
      %dma_start3A_151 = arith.constant 0 : i32
      %dma_start3A_152 = arith.constant 0 : i32
      %dma_start3A_153 = tpu.memref_slice %arg2[%dma_start3A_151, %dma_start3A_152] : memref<10000x128xf32, #tpu.memory_space<hbm>> -> memref<10000x128xf32, #tpu.memory_space<hbm>>
      tpu.enqueue_indirect_dma source(%dma_start3A_153 : memref<10000x128xf32, #tpu.memory_space<hbm>>) target(%arg10 : memref<64x128xf32, #tpu.memory_space<vmem>>) offsets(%dma_start3A_150 : memref<64xi32, #tpu.memory_space<vmem>>) semaphore(%arg14 : memref<!tpu.dma_semaphore, #tpu.memory_space<semaphore_mem>>)
      %dma_wait3A_154 = arith.constant 3 : i32
      %dma_wait3A_155 = arith.constant 0 : i32
      %dma_wait3A_156 = tpu.memref_slice %arg6[%dma_wait3A_154, %dma_wait3A_155] : memref<8x64xi32, #tpu.memory_space<vmem>> -> memref<1x64xi32, #tpu.memory_space<vmem>>
      %dma_wait3A_157 = tpu.memref_squeeze %dma_wait3A_156 : memref<1x64xi32, #tpu.memory_space<vmem>> -> memref<64xi32, #tpu.memory_space<vmem>>
      %dma_wait3A_158 = arith.constant 0 : i32
      %dma_wait3A_159 = arith.constant 0 : i32
      %dma_wait3A_160 = tpu.memref_slice %arg2[%dma_wait3A_158, %dma_wait3A_159] : memref<10000x128xf32, #tpu.memory_space<hbm>> -> memref<10000x128xf32, #tpu.memory_space<hbm>>
      tpu.wait_indirect_dma semaphore(%arg12 : memref<!tpu.dma_semaphore, #tpu.memory_space<semaphore_mem>>) src(%dma_wait3A_160 : memref<10000x128xf32, #tpu.memory_space<hbm>>) dst(%arg8 : memref<64x128xf32, #tpu.memory_space<vmem>>)
      %run_scoped3A_161 = arith.constant 3 : i32
      "tpu.region"() ({
        %run_scoped3A_208 = tpu.sem_alloc : memref<!tpu.dma_semaphore, #tpu.memory_space<semaphore_mem>>
        %dma_start3A_209 = arith.constant 0 : i32
        %dma_start3A_210 = tpu.memref_slice %arg7[%run_scoped3A_161, %dma_start3A_209] : memref<8x64xi32, #tpu.memory_space<vmem>> -> memref<1x64xi32, #tpu.memory_space<vmem>>
        %dma_start3A_211 = tpu.memref_squeeze %dma_start3A_210 : memref<1x64xi32, #tpu.memory_space<vmem>> -> memref<64xi32, #tpu.memory_space<vmem>>
        %dma_start3A_212 = arith.constant 0 : i32
        %dma_start3A_213 = arith.constant 0 : i32
        %dma_start3A_214 = tpu.memref_slice %arg11[%dma_start3A_212, %dma_start3A_213] : memref<10112x128xf32, #tpu.memory_space<vmem_shared>> -> memref<10112x128xf32, #tpu.memory_space<vmem_shared>>
        tpu.enqueue_indirect_dma source(%arg8 : memref<64x128xf32, #tpu.memory_space<vmem>>) target(%dma_start3A_214 : memref<10112x128xf32, #tpu.memory_space<vmem_shared>>) offsets(%dma_start3A_211 : memref<64xi32, #tpu.memory_space<vmem>>) semaphore(%run_scoped3A_208 : memref<!tpu.dma_semaphore, #tpu.memory_space<semaphore_mem>>) {add = true}
        %dma_wait3A_215 = arith.constant 0 : i32
        %dma_wait3A_216 = tpu.memref_slice %arg7[%run_scoped3A_161, %dma_wait3A_215] : memref<8x64xi32, #tpu.memory_space<vmem>> -> memref<1x64xi32, #tpu.memory_space<vmem>>
        %dma_wait3A_217 = tpu.memref_squeeze %dma_wait3A_216 : memref<1x64xi32, #tpu.memory_space<vmem>> -> memref<64xi32, #tpu.memory_space<vmem>>
        %dma_wait3A_218 = arith.constant 0 : i32
        %dma_wait3A_219 = arith.constant 0 : i32
        %dma_wait3A_220 = tpu.memref_slice %arg11[%dma_wait3A_218, %dma_wait3A_219] : memref<10112x128xf32, #tpu.memory_space<vmem_shared>> -> memref<10112x128xf32, #tpu.memory_space<vmem_shared>>
        tpu.wait_indirect_dma semaphore(%run_scoped3A_208 : memref<!tpu.dma_semaphore, #tpu.memory_space<semaphore_mem>>) src(%arg8 : memref<64x128xf32, #tpu.memory_space<vmem>>) dst(%dma_wait3A_220 : memref<10112x128xf32, #tpu.memory_space<vmem_shared>>)
        tpu.yield
      }) : () -> ()
      %dma_start3A_162 = arith.constant 6 : i32
      %dma_start3A_163 = arith.constant 0 : i32
      %dma_start3A_164 = tpu.memref_slice %arg6[%dma_start3A_162, %dma_start3A_163] : memref<8x64xi32, #tpu.memory_space<vmem>> -> memref<1x64xi32, #tpu.memory_space<vmem>>
      %dma_start3A_165 = tpu.memref_squeeze %dma_start3A_164 : memref<1x64xi32, #tpu.memory_space<vmem>> -> memref<64xi32, #tpu.memory_space<vmem>>
      %dma_start3A_166 = arith.constant 0 : i32
      %dma_start3A_167 = arith.constant 0 : i32
      %dma_start3A_168 = tpu.memref_slice %arg2[%dma_start3A_166, %dma_start3A_167] : memref<10000x128xf32, #tpu.memory_space<hbm>> -> memref<10000x128xf32, #tpu.memory_space<hbm>>
      tpu.enqueue_indirect_dma source(%dma_start3A_168 : memref<10000x128xf32, #tpu.memory_space<hbm>>) target(%arg8 : memref<64x128xf32, #tpu.memory_space<vmem>>) offsets(%dma_start3A_165 : memref<64xi32, #tpu.memory_space<vmem>>) semaphore(%arg12 : memref<!tpu.dma_semaphore, #tpu.memory_space<semaphore_mem>>)
      %dma_wait3A_169 = arith.constant 4 : i32
      %dma_wait3A_170 = arith.constant 0 : i32
      %dma_wait3A_171 = tpu.memref_slice %arg6[%dma_wait3A_169, %dma_wait3A_170] : memref<8x64xi32, #tpu.memory_space<vmem>> -> memref<1x64xi32, #tpu.memory_space<vmem>>
      %dma_wait3A_172 = tpu.memref_squeeze %dma_wait3A_171 : memref<1x64xi32, #tpu.memory_space<vmem>> -> memref<64xi32, #tpu.memory_space<vmem>>
      %dma_wait3A_173 = arith.constant 0 : i32
      %dma_wait3A_174 = arith.constant 0 : i32
      %dma_wait3A_175 = tpu.memref_slice %arg2[%dma_wait3A_173, %dma_wait3A_174] : memref<10000x128xf32, #tpu.memory_space<hbm>> -> memref<10000x128xf32, #tpu.memory_space<hbm>>
      tpu.wait_indirect_dma semaphore(%arg13 : memref<!tpu.dma_semaphore, #tpu.memory_space<semaphore_mem>>) src(%dma_wait3A_175 : memref<10000x128xf32, #tpu.memory_space<hbm>>) dst(%arg9 : memref<64x128xf32, #tpu.memory_space<vmem>>)
      %run_scoped3A_176 = arith.constant 4 : i32
      "tpu.region"() ({
        %run_scoped3A_208 = tpu.sem_alloc : memref<!tpu.dma_semaphore, #tpu.memory_space<semaphore_mem>>
        %dma_start3A_209 = arith.constant 0 : i32
        %dma_start3A_210 = tpu.memref_slice %arg7[%run_scoped3A_176, %dma_start3A_209] : memref<8x64xi32, #tpu.memory_space<vmem>> -> memref<1x64xi32, #tpu.memory_space<vmem>>
        %dma_start3A_211 = tpu.memref_squeeze %dma_start3A_210 : memref<1x64xi32, #tpu.memory_space<vmem>> -> memref<64xi32, #tpu.memory_space<vmem>>
        %dma_start3A_212 = arith.constant 0 : i32
        %dma_start3A_213 = arith.constant 0 : i32
        %dma_start3A_214 = tpu.memref_slice %arg11[%dma_start3A_212, %dma_start3A_213] : memref<10112x128xf32, #tpu.memory_space<vmem_shared>> -> memref<10112x128xf32, #tpu.memory_space<vmem_shared>>
        tpu.enqueue_indirect_dma source(%arg9 : memref<64x128xf32, #tpu.memory_space<vmem>>) target(%dma_start3A_214 : memref<10112x128xf32, #tpu.memory_space<vmem_shared>>) offsets(%dma_start3A_211 : memref<64xi32, #tpu.memory_space<vmem>>) semaphore(%run_scoped3A_208 : memref<!tpu.dma_semaphore, #tpu.memory_space<semaphore_mem>>) {add = true}
        %dma_wait3A_215 = arith.constant 0 : i32
        %dma_wait3A_216 = tpu.memref_slice %arg7[%run_scoped3A_176, %dma_wait3A_215] : memref<8x64xi32, #tpu.memory_space<vmem>> -> memref<1x64xi32, #tpu.memory_space<vmem>>
        %dma_wait3A_217 = tpu.memref_squeeze %dma_wait3A_216 : memref<1x64xi32, #tpu.memory_space<vmem>> -> memref<64xi32, #tpu.memory_space<vmem>>
        %dma_wait3A_218 = arith.constant 0 : i32
        %dma_wait3A_219 = arith.constant 0 : i32
        %dma_wait3A_220 = tpu.memref_slice %arg11[%dma_wait3A_218, %dma_wait3A_219] : memref<10112x128xf32, #tpu.memory_space<vmem_shared>> -> memref<10112x128xf32, #tpu.memory_space<vmem_shared>>
        tpu.wait_indirect_dma semaphore(%run_scoped3A_208 : memref<!tpu.dma_semaphore, #tpu.memory_space<semaphore_mem>>) src(%arg9 : memref<64x128xf32, #tpu.memory_space<vmem>>) dst(%dma_wait3A_220 : memref<10112x128xf32, #tpu.memory_space<vmem_shared>>)
        tpu.yield
      }) : () -> ()
      %dma_start3A_177 = arith.constant 7 : i32
      %dma_start3A_178 = arith.constant 0 : i32
      %dma_start3A_179 = tpu.memref_slice %arg6[%dma_start3A_177, %dma_start3A_178] : memref<8x64xi32, #tpu.memory_space<vmem>> -> memref<1x64xi32, #tpu.memory_space<vmem>>
      %dma_start3A_180 = tpu.memref_squeeze %dma_start3A_179 : memref<1x64xi32, #tpu.memory_space<vmem>> -> memref<64xi32, #tpu.memory_space<vmem>>
      %dma_start3A_181 = arith.constant 0 : i32
      %dma_start3A_182 = arith.constant 0 : i32
      %dma_start3A_183 = tpu.memref_slice %arg2[%dma_start3A_181, %dma_start3A_182] : memref<10000x128xf32, #tpu.memory_space<hbm>> -> memref<10000x128xf32, #tpu.memory_space<hbm>>
      tpu.enqueue_indirect_dma source(%dma_start3A_183 : memref<10000x128xf32, #tpu.memory_space<hbm>>) target(%arg9 : memref<64x128xf32, #tpu.memory_space<vmem>>) offsets(%dma_start3A_180 : memref<64xi32, #tpu.memory_space<vmem>>) semaphore(%arg13 : memref<!tpu.dma_semaphore, #tpu.memory_space<semaphore_mem>>)
      %dma_wait3A_184 = arith.constant 5 : i32
      %dma_wait3A_185 = arith.constant 0 : i32
      %dma_wait3A_186 = tpu.memref_slice %arg6[%dma_wait3A_184, %dma_wait3A_185] : memref<8x64xi32, #tpu.memory_space<vmem>> -> memref<1x64xi32, #tpu.memory_space<vmem>>
      %dma_wait3A_187 = tpu.memref_squeeze %dma_wait3A_186 : memref<1x64xi32, #tpu.memory_space<vmem>> -> memref<64xi32, #tpu.memory_space<vmem>>
      %dma_wait3A_188 = arith.constant 0 : i32
      %dma_wait3A_189 = arith.constant 0 : i32
      %dma_wait3A_190 = tpu.memref_slice %arg2[%dma_wait3A_188, %dma_wait3A_189] : memref<10000x128xf32, #tpu.memory_space<hbm>> -> memref<10000x128xf32, #tpu.memory_space<hbm>>
      tpu.wait_indirect_dma semaphore(%arg14 : memref<!tpu.dma_semaphore, #tpu.memory_space<semaphore_mem>>) src(%dma_wait3A_190 : memref<10000x128xf32, #tpu.memory_space<hbm>>) dst(%arg10 : memref<64x128xf32, #tpu.memory_space<vmem>>)
      %run_scoped3A_191 = arith.constant 5 : i32
      "tpu.region"() ({
        %run_scoped3A_208 = tpu.sem_alloc : memref<!tpu.dma_semaphore, #tpu.memory_space<semaphore_mem>>
        %dma_start3A_209 = arith.constant 0 : i32
        %dma_start3A_210 = tpu.memref_slice %arg7[%run_scoped3A_191, %dma_start3A_209] : memref<8x64xi32, #tpu.memory_space<vmem>> -> memref<1x64xi32, #tpu.memory_space<vmem>>
        %dma_start3A_211 = tpu.memref_squeeze %dma_start3A_210 : memref<1x64xi32, #tpu.memory_space<vmem>> -> memref<64xi32, #tpu.memory_space<vmem>>
        %dma_start3A_212 = arith.constant 0 : i32
        %dma_start3A_213 = arith.constant 0 : i32
        %dma_start3A_214 = tpu.memref_slice %arg11[%dma_start3A_212, %dma_start3A_213] : memref<10112x128xf32, #tpu.memory_space<vmem_shared>> -> memref<10112x128xf32, #tpu.memory_space<vmem_shared>>
        tpu.enqueue_indirect_dma source(%arg10 : memref<64x128xf32, #tpu.memory_space<vmem>>) target(%dma_start3A_214 : memref<10112x128xf32, #tpu.memory_space<vmem_shared>>) offsets(%dma_start3A_211 : memref<64xi32, #tpu.memory_space<vmem>>) semaphore(%run_scoped3A_208 : memref<!tpu.dma_semaphore, #tpu.memory_space<semaphore_mem>>) {add = true}
        %dma_wait3A_215 = arith.constant 0 : i32
        %dma_wait3A_216 = tpu.memref_slice %arg7[%run_scoped3A_191, %dma_wait3A_215] : memref<8x64xi32, #tpu.memory_space<vmem>> -> memref<1x64xi32, #tpu.memory_space<vmem>>
        %dma_wait3A_217 = tpu.memref_squeeze %dma_wait3A_216 : memref<1x64xi32, #tpu.memory_space<vmem>> -> memref<64xi32, #tpu.memory_space<vmem>>
        %dma_wait3A_218 = arith.constant 0 : i32
        %dma_wait3A_219 = arith.constant 0 : i32
        %dma_wait3A_220 = tpu.memref_slice %arg11[%dma_wait3A_218, %dma_wait3A_219] : memref<10112x128xf32, #tpu.memory_space<vmem_shared>> -> memref<10112x128xf32, #tpu.memory_space<vmem_shared>>
        tpu.wait_indirect_dma semaphore(%run_scoped3A_208 : memref<!tpu.dma_semaphore, #tpu.memory_space<semaphore_mem>>) src(%arg10 : memref<64x128xf32, #tpu.memory_space<vmem>>) dst(%dma_wait3A_220 : memref<10112x128xf32, #tpu.memory_space<vmem_shared>>)
        tpu.yield
      }) : () -> ()
      %dma_wait3A_192 = arith.constant 6 : i32
      %dma_wait3A_193 = arith.constant 0 : i32
      %dma_wait3A_194 = tpu.memref_slice %arg6[%dma_wait3A_192, %dma_wait3A_193] : memref<8x64xi32, #tpu.memory_space<vmem>> -> memref<1x64xi32, #tpu.memory_space<vmem>>
      %dma_wait3A_195 = tpu.memref_squeeze %dma_wait3A_194 : memref<1x64xi32, #tpu.memory_space<vmem>> -> memref<64xi32, #tpu.memory_space<vmem>>
      %dma_wait3A_196 = arith.constant 0 : i32
      %dma_wait3A_197 = arith.constant 0 : i32
      %dma_wait3A_198 = tpu.memref_slice %arg2[%dma_wait3A_196, %dma_wait3A_197] : memref<10000x128xf32, #tpu.memory_space<hbm>> -> memref<10000x128xf32, #tpu.memory_space<hbm>>
      tpu.wait_indirect_dma semaphore(%arg12 : memref<!tpu.dma_semaphore, #tpu.memory_space<semaphore_mem>>) src(%dma_wait3A_198 : memref<10000x128xf32, #tpu.memory_space<hbm>>) dst(%arg8 : memref<64x128xf32, #tpu.memory_space<vmem>>)
      %run_scoped3A_199 = arith.constant 6 : i32
      "tpu.region"() ({
        %run_scoped3A_208 = tpu.sem_alloc : memref<!tpu.dma_semaphore, #tpu.memory_space<semaphore_mem>>
        %dma_start3A_209 = arith.constant 0 : i32
        %dma_start3A_210 = tpu.memref_slice %arg7[%run_scoped3A_199, %dma_start3A_209] : memref<8x64xi32, #tpu.memory_space<vmem>> -> memref<1x64xi32, #tpu.memory_space<vmem>>
        %dma_start3A_211 = tpu.memref_squeeze %dma_start3A_210 : memref<1x64xi32, #tpu.memory_space<vmem>> -> memref<64xi32, #tpu.memory_space<vmem>>
        %dma_start3A_212 = arith.constant 0 : i32
        %dma_start3A_213 = arith.constant 0 : i32
        %dma_start3A_214 = tpu.memref_slice %arg11[%dma_start3A_212, %dma_start3A_213] : memref<10112x128xf32, #tpu.memory_space<vmem_shared>> -> memref<10112x128xf32, #tpu.memory_space<vmem_shared>>
        tpu.enqueue_indirect_dma source(%arg8 : memref<64x128xf32, #tpu.memory_space<vmem>>) target(%dma_start3A_214 : memref<10112x128xf32, #tpu.memory_space<vmem_shared>>) offsets(%dma_start3A_211 : memref<64xi32, #tpu.memory_space<vmem>>) semaphore(%run_scoped3A_208 : memref<!tpu.dma_semaphore, #tpu.memory_space<semaphore_mem>>) {add = true}
        %dma_wait3A_215 = arith.constant 0 : i32
        %dma_wait3A_216 = tpu.memref_slice %arg7[%run_scoped3A_199, %dma_wait3A_215] : memref<8x64xi32, #tpu.memory_space<vmem>> -> memref<1x64xi32, #tpu.memory_space<vmem>>
        %dma_wait3A_217 = tpu.memref_squeeze %dma_wait3A_216 : memref<1x64xi32, #tpu.memory_space<vmem>> -> memref<64xi32, #tpu.memory_space<vmem>>
        %dma_wait3A_218 = arith.constant 0 : i32
        %dma_wait3A_219 = arith.constant 0 : i32
        %dma_wait3A_220 = tpu.memref_slice %arg11[%dma_wait3A_218, %dma_wait3A_219] : memref<10112x128xf32, #tpu.memory_space<vmem_shared>> -> memref<10112x128xf32, #tpu.memory_space<vmem_shared>>
        tpu.wait_indirect_dma semaphore(%run_scoped3A_208 : memref<!tpu.dma_semaphore, #tpu.memory_space<semaphore_mem>>) src(%arg8 : memref<64x128xf32, #tpu.memory_space<vmem>>) dst(%dma_wait3A_220 : memref<10112x128xf32, #tpu.memory_space<vmem_shared>>)
        tpu.yield
      }) : () -> ()
      %dma_wait3A_200 = arith.constant 7 : i32
      %dma_wait3A_201 = arith.constant 0 : i32
      %dma_wait3A_202 = tpu.memref_slice %arg6[%dma_wait3A_200, %dma_wait3A_201] : memref<8x64xi32, #tpu.memory_space<vmem>> -> memref<1x64xi32, #tpu.memory_space<vmem>>
      %dma_wait3A_203 = tpu.memref_squeeze %dma_wait3A_202 : memref<1x64xi32, #tpu.memory_space<vmem>> -> memref<64xi32, #tpu.memory_space<vmem>>
      %dma_wait3A_204 = arith.constant 0 : i32
      %dma_wait3A_205 = arith.constant 0 : i32
      %dma_wait3A_206 = tpu.memref_slice %arg2[%dma_wait3A_204, %dma_wait3A_205] : memref<10000x128xf32, #tpu.memory_space<hbm>> -> memref<10000x128xf32, #tpu.memory_space<hbm>>
      tpu.wait_indirect_dma semaphore(%arg13 : memref<!tpu.dma_semaphore, #tpu.memory_space<semaphore_mem>>) src(%dma_wait3A_206 : memref<10000x128xf32, #tpu.memory_space<hbm>>) dst(%arg9 : memref<64x128xf32, #tpu.memory_space<vmem>>)
      %run_scoped3A_207 = arith.constant 7 : i32
      "tpu.region"() ({
        %run_scoped3A_208 = tpu.sem_alloc : memref<!tpu.dma_semaphore, #tpu.memory_space<semaphore_mem>>
        %dma_start3A_209 = arith.constant 0 : i32
        %dma_start3A_210 = tpu.memref_slice %arg7[%run_scoped3A_207, %dma_start3A_209] : memref<8x64xi32, #tpu.memory_space<vmem>> -> memref<1x64xi32, #tpu.memory_space<vmem>>
        %dma_start3A_211 = tpu.memref_squeeze %dma_start3A_210 : memref<1x64xi32, #tpu.memory_space<vmem>> -> memref<64xi32, #tpu.memory_space<vmem>>
        %dma_start3A_212 = arith.constant 0 : i32
        %dma_start3A_213 = arith.constant 0 : i32
        %dma_start3A_214 = tpu.memref_slice %arg11[%dma_start3A_212, %dma_start3A_213] : memref<10112x128xf32, #tpu.memory_space<vmem_shared>> -> memref<10112x128xf32, #tpu.memory_space<vmem_shared>>
        tpu.enqueue_indirect_dma source(%arg9 : memref<64x128xf32, #tpu.memory_space<vmem>>) target(%dma_start3A_214 : memref<10112x128xf32, #tpu.memory_space<vmem_shared>>) offsets(%dma_start3A_211 : memref<64xi32, #tpu.memory_space<vmem>>) semaphore(%run_scoped3A_208 : memref<!tpu.dma_semaphore, #tpu.memory_space<semaphore_mem>>) {add = true}
        %dma_wait3A_215 = arith.constant 0 : i32
        %dma_wait3A_216 = tpu.memref_slice %arg7[%run_scoped3A_207, %dma_wait3A_215] : memref<8x64xi32, #tpu.memory_space<vmem>> -> memref<1x64xi32, #tpu.memory_space<vmem>>
        %dma_wait3A_217 = tpu.memref_squeeze %dma_wait3A_216 : memref<1x64xi32, #tpu.memory_space<vmem>> -> memref<64xi32, #tpu.memory_space<vmem>>
        %dma_wait3A_218 = arith.constant 0 : i32
        %dma_wait3A_219 = arith.constant 0 : i32
        %dma_wait3A_220 = tpu.memref_slice %arg11[%dma_wait3A_218, %dma_wait3A_219] : memref<10112x128xf32, #tpu.memory_space<vmem_shared>> -> memref<10112x128xf32, #tpu.memory_space<vmem_shared>>
        tpu.wait_indirect_dma semaphore(%run_scoped3A_208 : memref<!tpu.dma_semaphore, #tpu.memory_space<semaphore_mem>>) src(%arg9 : memref<64x128xf32, #tpu.memory_space<vmem>>) dst(%dma_wait3A_220 : memref<10112x128xf32, #tpu.memory_space<vmem_shared>>)
        tpu.yield
      }) : () -> ()
    }
    %while3A_45 = arith.constant 1 : i32
    scf.for %while3A_87 = %while3A_43 to %while3A_39 step %while3A_45  : i32 {
      %mul3A_88 = arith.constant 8 : i32
      %mul3A_89 = arith.muli %while3A_87, %mul3A_88 : i32
      %add3A_90 = arith.addi %select_n3A, %mul3A_89 : i32
      %multiple_of3A = tpu.assume_multiple %add3A_90, 8 : i32
      "tpu.region"() ({
        %run_scoped3A_208 = tpu.sem_alloc : memref<!tpu.dma_semaphore, #tpu.memory_space<semaphore_mem>>
        %dma_start3A_209 = arith.constant 0 : i32
        %dma_start3A_210 = tpu.memref_slice %arg3[%multiple_of3A, %dma_start3A_209] : memref<5120x64xi32, #tpu.memory_space<hbm>> -> memref<8x64xi32, #tpu.memory_space<hbm>>
        %dma_start3A_211 = arith.constant 0 : i32
        %dma_start3A_212 = tpu.memref_slice %arg3[%multiple_of3A, %dma_start3A_211] : memref<5120x64xi32, #tpu.memory_space<hbm>> -> memref<8x64xi32, #tpu.memory_space<hbm>>
        tpu.enqueue_dma source(%dma_start3A_212 : memref<8x64xi32, #tpu.memory_space<hbm>>) target(%arg6 : memref<8x64xi32, #tpu.memory_space<vmem>>) target_semaphore(%run_scoped3A_208 : memref<!tpu.dma_semaphore, #tpu.memory_space<semaphore_mem>>)
        %dma_wait3A_213 = arith.constant 0 : i32
        %dma_wait3A_214 = tpu.memref_slice %arg3[%multiple_of3A, %dma_wait3A_213] : memref<5120x64xi32, #tpu.memory_space<hbm>> -> memref<8x64xi32, #tpu.memory_space<hbm>>
        %dma_wait3A_215 = arith.constant 0 : i32
        %dma_wait3A_216 = tpu.memref_slice %arg3[%multiple_of3A, %dma_wait3A_215] : memref<5120x64xi32, #tpu.memory_space<hbm>> -> memref<8x64xi32, #tpu.memory_space<hbm>>
        tpu.wait_dma2 semaphore(%run_scoped3A_208 : memref<!tpu.dma_semaphore, #tpu.memory_space<semaphore_mem>>) src(%dma_wait3A_216 : memref<8x64xi32, #tpu.memory_space<hbm>>) dst(%arg6 : memref<8x64xi32, #tpu.memory_space<vmem>>)
        tpu.yield
      }) : () -> ()
      "tpu.region"() ({
        %run_scoped3A_208 = tpu.sem_alloc : memref<!tpu.dma_semaphore, #tpu.memory_space<semaphore_mem>>
        %dma_start3A_209 = arith.constant 0 : i32
        %dma_start3A_210 = tpu.memref_slice %arg4[%multiple_of3A, %dma_start3A_209] : memref<5120x64xi32, #tpu.memory_space<hbm>> -> memref<8x64xi32, #tpu.memory_space<hbm>>
        %dma_start3A_211 = arith.constant 0 : i32
        %dma_start3A_212 = tpu.memref_slice %arg4[%multiple_of3A, %dma_start3A_211] : memref<5120x64xi32, #tpu.memory_space<hbm>> -> memref<8x64xi32, #tpu.memory_space<hbm>>
        tpu.enqueue_dma source(%dma_start3A_212 : memref<8x64xi32, #tpu.memory_space<hbm>>) target(%arg7 : memref<8x64xi32, #tpu.memory_space<vmem>>) target_semaphore(%run_scoped3A_208 : memref<!tpu.dma_semaphore, #tpu.memory_space<semaphore_mem>>)
        %dma_wait3A_213 = arith.constant 0 : i32
        %dma_wait3A_214 = tpu.memref_slice %arg4[%multiple_of3A, %dma_wait3A_213] : memref<5120x64xi32, #tpu.memory_space<hbm>> -> memref<8x64xi32, #tpu.memory_space<hbm>>
        %dma_wait3A_215 = arith.constant 0 : i32
        %dma_wait3A_216 = tpu.memref_slice %arg4[%multiple_of3A, %dma_wait3A_215] : memref<5120x64xi32, #tpu.memory_space<hbm>> -> memref<8x64xi32, #tpu.memory_space<hbm>>
        tpu.wait_dma2 semaphore(%run_scoped3A_208 : memref<!tpu.dma_semaphore, #tpu.memory_space<semaphore_mem>>) src(%dma_wait3A_216 : memref<8x64xi32, #tpu.memory_space<hbm>>) dst(%arg7 : memref<8x64xi32, #tpu.memory_space<vmem>>)
        tpu.yield
      }) : () -> ()
      %dma_start3A = arith.constant 0 : i32
      %dma_start3A_91 = arith.constant 0 : i32
      %dma_start3A_92 = tpu.memref_slice %arg6[%dma_start3A, %dma_start3A_91] : memref<8x64xi32, #tpu.memory_space<vmem>> -> memref<1x64xi32, #tpu.memory_space<vmem>>
      %dma_start3A_93 = tpu.memref_squeeze %dma_start3A_92 : memref<1x64xi32, #tpu.memory_space<vmem>> -> memref<64xi32, #tpu.memory_space<vmem>>
      %dma_start3A_94 = arith.constant 0 : i32
      %dma_start3A_95 = arith.constant 0 : i32
      %dma_start3A_96 = tpu.memref_slice %arg2[%dma_start3A_94, %dma_start3A_95] : memref<10000x128xf32, #tpu.memory_space<hbm>> -> memref<10000x128xf32, #tpu.memory_space<hbm>>
      tpu.enqueue_indirect_dma source(%dma_start3A_96 : memref<10000x128xf32, #tpu.memory_space<hbm>>) target(%arg8 : memref<64x128xf32, #tpu.memory_space<vmem>>) offsets(%dma_start3A_93 : memref<64xi32, #tpu.memory_space<vmem>>) semaphore(%arg12 : memref<!tpu.dma_semaphore, #tpu.memory_space<semaphore_mem>>)
      %dma_start3A_97 = arith.constant 1 : i32
      %dma_start3A_98 = arith.constant 0 : i32
      %dma_start3A_99 = tpu.memref_slice %arg6[%dma_start3A_97, %dma_start3A_98] : memref<8x64xi32, #tpu.memory_space<vmem>> -> memref<1x64xi32, #tpu.memory_space<vmem>>
      %dma_start3A_100 = tpu.memref_squeeze %dma_start3A_99 : memref<1x64xi32, #tpu.memory_space<vmem>> -> memref<64xi32, #tpu.memory_space<vmem>>
      %dma_start3A_101 = arith.constant 0 : i32
      %dma_start3A_102 = arith.constant 0 : i32
      %dma_start3A_103 = tpu.memref_slice %arg2[%dma_start3A_101, %dma_start3A_102] : memref<10000x128xf32, #tpu.memory_space<hbm>> -> memref<10000x128xf32, #tpu.memory_space<hbm>>
      tpu.enqueue_indirect_dma source(%dma_start3A_103 : memref<10000x128xf32, #tpu.memory_space<hbm>>) target(%arg9 : memref<64x128xf32, #tpu.memory_space<vmem>>) offsets(%dma_start3A_100 : memref<64xi32, #tpu.memory_space<vmem>>) semaphore(%arg13 : memref<!tpu.dma_semaphore, #tpu.memory_space<semaphore_mem>>)
      %dma_start3A_104 = arith.constant 2 : i32
      %dma_start3A_105 = arith.constant 0 : i32
      %dma_start3A_106 = tpu.memref_slice %arg6[%dma_start3A_104, %dma_start3A_105] : memref<8x64xi32, #tpu.memory_space<vmem>> -> memref<1x64xi32, #tpu.memory_space<vmem>>
      %dma_start3A_107 = tpu.memref_squeeze %dma_start3A_106 : memref<1x64xi32, #tpu.memory_space<vmem>> -> memref<64xi32, #tpu.memory_space<vmem>>
      %dma_start3A_108 = arith.constant 0 : i32
      %dma_start3A_109 = arith.constant 0 : i32
      %dma_start3A_110 = tpu.memref_slice %arg2[%dma_start3A_108, %dma_start3A_109] : memref<10000x128xf32, #tpu.memory_space<hbm>> -> memref<10000x128xf32, #tpu.memory_space<hbm>>
      tpu.enqueue_indirect_dma source(%dma_start3A_110 : memref<10000x128xf32, #tpu.memory_space<hbm>>) target(%arg10 : memref<64x128xf32, #tpu.memory_space<vmem>>) offsets(%dma_start3A_107 : memref<64xi32, #tpu.memory_space<vmem>>) semaphore(%arg14 : memref<!tpu.dma_semaphore, #tpu.memory_space<semaphore_mem>>)
      %dma_wait3A = arith.constant 0 : i32
      %dma_wait3A_111 = arith.constant 0 : i32
      %dma_wait3A_112 = tpu.memref_slice %arg6[%dma_wait3A, %dma_wait3A_111] : memref<8x64xi32, #tpu.memory_space<vmem>> -> memref<1x64xi32, #tpu.memory_space<vmem>>
      %dma_wait3A_113 = tpu.memref_squeeze %dma_wait3A_112 : memref<1x64xi32, #tpu.memory_space<vmem>> -> memref<64xi32, #tpu.memory_space<vmem>>
      %dma_wait3A_114 = arith.constant 0 : i32
      %dma_wait3A_115 = arith.constant 0 : i32
      %dma_wait3A_116 = tpu.memref_slice %arg2[%dma_wait3A_114, %dma_wait3A_115] : memref<10000x128xf32, #tpu.memory_space<hbm>> -> memref<10000x128xf32, #tpu.memory_space<hbm>>
      tpu.wait_indirect_dma semaphore(%arg12 : memref<!tpu.dma_semaphore, #tpu.memory_space<semaphore_mem>>) src(%dma_wait3A_116 : memref<10000x128xf32, #tpu.memory_space<hbm>>) dst(%arg8 : memref<64x128xf32, #tpu.memory_space<vmem>>)
      %run_scoped3A = arith.constant 0 : i32
      "tpu.region"() ({
        %run_scoped3A_208 = tpu.sem_alloc : memref<!tpu.dma_semaphore, #tpu.memory_space<semaphore_mem>>
        %dma_start3A_209 = arith.constant 0 : i32
        %dma_start3A_210 = tpu.memref_slice %arg7[%run_scoped3A, %dma_start3A_209] : memref<8x64xi32, #tpu.memory_space<vmem>> -> memref<1x64xi32, #tpu.memory_space<vmem>>
        %dma_start3A_211 = tpu.memref_squeeze %dma_start3A_210 : memref<1x64xi32, #tpu.memory_space<vmem>> -> memref<64xi32, #tpu.memory_space<vmem>>
        %dma_start3A_212 = arith.constant 0 : i32
        %dma_start3A_213 = arith.constant 0 : i32
        %dma_start3A_214 = tpu.memref_slice %arg11[%dma_start3A_212, %dma_start3A_213] : memref<10112x128xf32, #tpu.memory_space<vmem_shared>> -> memref<10112x128xf32, #tpu.memory_space<vmem_shared>>
        tpu.enqueue_indirect_dma source(%arg8 : memref<64x128xf32, #tpu.memory_space<vmem>>) target(%dma_start3A_214 : memref<10112x128xf32, #tpu.memory_space<vmem_shared>>) offsets(%dma_start3A_211 : memref<64xi32, #tpu.memory_space<vmem>>) semaphore(%run_scoped3A_208 : memref<!tpu.dma_semaphore, #tpu.memory_space<semaphore_mem>>) {add = true}
        %dma_wait3A_215 = arith.constant 0 : i32
        %dma_wait3A_216 = tpu.memref_slice %arg7[%run_scoped3A, %dma_wait3A_215] : memref<8x64xi32, #tpu.memory_space<vmem>> -> memref<1x64xi32, #tpu.memory_space<vmem>>
        %dma_wait3A_217 = tpu.memref_squeeze %dma_wait3A_216 : memref<1x64xi32, #tpu.memory_space<vmem>> -> memref<64xi32, #tpu.memory_space<vmem>>
        %dma_wait3A_218 = arith.constant 0 : i32
        %dma_wait3A_219 = arith.constant 0 : i32
        %dma_wait3A_220 = tpu.memref_slice %arg11[%dma_wait3A_218, %dma_wait3A_219] : memref<10112x128xf32, #tpu.memory_space<vmem_shared>> -> memref<10112x128xf32, #tpu.memory_space<vmem_shared>>
        tpu.wait_indirect_dma semaphore(%run_scoped3A_208 : memref<!tpu.dma_semaphore, #tpu.memory_space<semaphore_mem>>) src(%arg8 : memref<64x128xf32, #tpu.memory_space<vmem>>) dst(%dma_wait3A_220 : memref<10112x128xf32, #tpu.memory_space<vmem_shared>>)
        tpu.yield
      }) : () -> ()
      %dma_start3A_117 = arith.constant 3 : i32
      %dma_start3A_118 = arith.constant 0 : i32
      %dma_start3A_119 = tpu.memref_slice %arg6[%dma_start3A_117, %dma_start3A_118] : memref<8x64xi32, #tpu.memory_space<vmem>> -> memref<1x64xi32, #tpu.memory_space<vmem>>
      %dma_start3A_120 = tpu.memref_squeeze %dma_start3A_119 : memref<1x64xi32, #tpu.memory_space<vmem>> -> memref<64xi32, #tpu.memory_space<vmem>>
      %dma_start3A_121 = arith.constant 0 : i32
      %dma_start3A_122 = arith.constant 0 : i32
      %dma_start3A_123 = tpu.memref_slice %arg2[%dma_start3A_121, %dma_start3A_122] : memref<10000x128xf32, #tpu.memory_space<hbm>> -> memref<10000x128xf32, #tpu.memory_space<hbm>>
      tpu.enqueue_indirect_dma source(%dma_start3A_123 : memref<10000x128xf32, #tpu.memory_space<hbm>>) target(%arg8 : memref<64x128xf32, #tpu.memory_space<vmem>>) offsets(%dma_start3A_120 : memref<64xi32, #tpu.memory_space<vmem>>) semaphore(%arg12 : memref<!tpu.dma_semaphore, #tpu.memory_space<semaphore_mem>>)
      %dma_wait3A_124 = arith.constant 1 : i32
      %dma_wait3A_125 = arith.constant 0 : i32
      %dma_wait3A_126 = tpu.memref_slice %arg6[%dma_wait3A_124, %dma_wait3A_125] : memref<8x64xi32, #tpu.memory_space<vmem>> -> memref<1x64xi32, #tpu.memory_space<vmem>>
      %dma_wait3A_127 = tpu.memref_squeeze %dma_wait3A_126 : memref<1x64xi32, #tpu.memory_space<vmem>> -> memref<64xi32, #tpu.memory_space<vmem>>
      %dma_wait3A_128 = arith.constant 0 : i32
      %dma_wait3A_129 = arith.constant 0 : i32
      %dma_wait3A_130 = tpu.memref_slice %arg2[%dma_wait3A_128, %dma_wait3A_129] : memref<10000x128xf32, #tpu.memory_space<hbm>> -> memref<10000x128xf32, #tpu.memory_space<hbm>>
      tpu.wait_indirect_dma semaphore(%arg13 : memref<!tpu.dma_semaphore, #tpu.memory_space<semaphore_mem>>) src(%dma_wait3A_130 : memref<10000x128xf32, #tpu.memory_space<hbm>>) dst(%arg9 : memref<64x128xf32, #tpu.memory_space<vmem>>)
      %run_scoped3A_131 = arith.constant 1 : i32
      "tpu.region"() ({
        %run_scoped3A_208 = tpu.sem_alloc : memref<!tpu.dma_semaphore, #tpu.memory_space<semaphore_mem>>
        %dma_start3A_209 = arith.constant 0 : i32
        %dma_start3A_210 = tpu.memref_slice %arg7[%run_scoped3A_131, %dma_start3A_209] : memref<8x64xi32, #tpu.memory_space<vmem>> -> memref<1x64xi32, #tpu.memory_space<vmem>>
        %dma_start3A_211 = tpu.memref_squeeze %dma_start3A_210 : memref<1x64xi32, #tpu.memory_space<vmem>> -> memref<64xi32, #tpu.memory_space<vmem>>
        %dma_start3A_212 = arith.constant 0 : i32
        %dma_start3A_213 = arith.constant 0 : i32
        %dma_start3A_214 = tpu.memref_slice %arg11[%dma_start3A_212, %dma_start3A_213] : memref<10112x128xf32, #tpu.memory_space<vmem_shared>> -> memref<10112x128xf32, #tpu.memory_space<vmem_shared>>
        tpu.enqueue_indirect_dma source(%arg9 : memref<64x128xf32, #tpu.memory_space<vmem>>) target(%dma_start3A_214 : memref<10112x128xf32, #tpu.memory_space<vmem_shared>>) offsets(%dma_start3A_211 : memref<64xi32, #tpu.memory_space<vmem>>) semaphore(%run_scoped3A_208 : memref<!tpu.dma_semaphore, #tpu.memory_space<semaphore_mem>>) {add = true}
        %dma_wait3A_215 = arith.constant 0 : i32
        %dma_wait3A_216 = tpu.memref_slice %arg7[%run_scoped3A_131, %dma_wait3A_215] : memref<8x64xi32, #tpu.memory_space<vmem>> -> memref<1x64xi32, #tpu.memory_space<vmem>>
        %dma_wait3A_217 = tpu.memref_squeeze %dma_wait3A_216 : memref<1x64xi32, #tpu.memory_space<vmem>> -> memref<64xi32, #tpu.memory_space<vmem>>
        %dma_wait3A_218 = arith.constant 0 : i32
        %dma_wait3A_219 = arith.constant 0 : i32
        %dma_wait3A_220 = tpu.memref_slice %arg11[%dma_wait3A_218, %dma_wait3A_219] : memref<10112x128xf32, #tpu.memory_space<vmem_shared>> -> memref<10112x128xf32, #tpu.memory_space<vmem_shared>>
        tpu.wait_indirect_dma semaphore(%run_scoped3A_208 : memref<!tpu.dma_semaphore, #tpu.memory_space<semaphore_mem>>) src(%arg9 : memref<64x128xf32, #tpu.memory_space<vmem>>) dst(%dma_wait3A_220 : memref<10112x128xf32, #tpu.memory_space<vmem_shared>>)
        tpu.yield
      }) : () -> ()
      %dma_start3A_132 = arith.constant 4 : i32
      %dma_start3A_133 = arith.constant 0 : i32
      %dma_start3A_134 = tpu.memref_slice %arg6[%dma_start3A_132, %dma_start3A_133] : memref<8x64xi32, #tpu.memory_space<vmem>> -> memref<1x64xi32, #tpu.memory_space<vmem>>
      %dma_start3A_135 = tpu.memref_squeeze %dma_start3A_134 : memref<1x64xi32, #tpu.memory_space<vmem>> -> memref<64xi32, #tpu.memory_space<vmem>>
      %dma_start3A_136 = arith.constant 0 : i32
      %dma_start3A_137 = arith.constant 0 : i32
      %dma_start3A_138 = tpu.memref_slice %arg2[%dma_start3A_136, %dma_start3A_137] : memref<10000x128xf32, #tpu.memory_space<hbm>> -> memref<10000x128xf32, #tpu.memory_space<hbm>>
      tpu.enqueue_indirect_dma source(%dma_start3A_138 : memref<10000x128xf32, #tpu.memory_space<hbm>>) target(%arg9 : memref<64x128xf32, #tpu.memory_space<vmem>>) offsets(%dma_start3A_135 : memref<64xi32, #tpu.memory_space<vmem>>) semaphore(%arg13 : memref<!tpu.dma_semaphore, #tpu.memory_space<semaphore_mem>>)
      %dma_wait3A_139 = arith.constant 2 : i32
      %dma_wait3A_140 = arith.constant 0 : i32
      %dma_wait3A_141 = tpu.memref_slice %arg6[%dma_wait3A_139, %dma_wait3A_140] : memref<8x64xi32, #tpu.memory_space<vmem>> -> memref<1x64xi32, #tpu.memory_space<vmem>>
      %dma_wait3A_142 = tpu.memref_squeeze %dma_wait3A_141 : memref<1x64xi32, #tpu.memory_space<vmem>> -> memref<64xi32, #tpu.memory_space<vmem>>
      %dma_wait3A_143 = arith.constant 0 : i32
      %dma_wait3A_144 = arith.constant 0 : i32
      %dma_wait3A_145 = tpu.memref_slice %arg2[%dma_wait3A_143, %dma_wait3A_144] : memref<10000x128xf32, #tpu.memory_space<hbm>> -> memref<10000x128xf32, #tpu.memory_space<hbm>>
      tpu.wait_indirect_dma semaphore(%arg14 : memref<!tpu.dma_semaphore, #tpu.memory_space<semaphore_mem>>) src(%dma_wait3A_145 : memref<10000x128xf32, #tpu.memory_space<hbm>>) dst(%arg10 : memref<64x128xf32, #tpu.memory_space<vmem>>)
      %run_scoped3A_146 = arith.constant 2 : i32
      "tpu.region"() ({
        %run_scoped3A_208 = tpu.sem_alloc : memref<!tpu.dma_semaphore, #tpu.memory_space<semaphore_mem>>
        %dma_start3A_209 = arith.constant 0 : i32
        %dma_start3A_210 = tpu.memref_slice %arg7[%run_scoped3A_146, %dma_start3A_209] : memref<8x64xi32, #tpu.memory_space<vmem>> -> memref<1x64xi32, #tpu.memory_space<vmem>>
        %dma_start3A_211 = tpu.memref_squeeze %dma_start3A_210 : memref<1x64xi32, #tpu.memory_space<vmem>> -> memref<64xi32, #tpu.memory_space<vmem>>
        %dma_start3A_212 = arith.constant 0 : i32
        %dma_start3A_213 = arith.constant 0 : i32
        %dma_start3A_214 = tpu.memref_slice %arg11[%dma_start3A_212, %dma_start3A_213] : memref<10112x128xf32, #tpu.memory_space<vmem_shared>> -> memref<10112x128xf32, #tpu.memory_space<vmem_shared>>
        tpu.enqueue_indirect_dma source(%arg10 : memref<64x128xf32, #tpu.memory_space<vmem>>) target(%dma_start3A_214 : memref<10112x128xf32, #tpu.memory_space<vmem_shared>>) offsets(%dma_start3A_211 : memref<64xi32, #tpu.memory_space<vmem>>) semaphore(%run_scoped3A_208 : memref<!tpu.dma_semaphore, #tpu.memory_space<semaphore_mem>>) {add = true}
        %dma_wait3A_215 = arith.constant 0 : i32
        %dma_wait3A_216 = tpu.memref_slice %arg7[%run_scoped3A_146, %dma_wait3A_215] : memref<8x64xi32, #tpu.memory_space<vmem>> -> memref<1x64xi32, #tpu.memory_space<vmem>>
        %dma_wait3A_217 = tpu.memref_squeeze %dma_wait3A_216 : memref<1x64xi32, #tpu.memory_space<vmem>> -> memref<64xi32, #tpu.memory_space<vmem>>
        %dma_wait3A_218 = arith.constant 0 : i32
        %dma_wait3A_219 = arith.constant 0 : i32
        %dma_wait3A_220 = tpu.memref_slice %arg11[%dma_wait3A_218, %dma_wait3A_219] : memref<10112x128xf32, #tpu.memory_space<vmem_shared>> -> memref<10112x128xf32, #tpu.memory_space<vmem_shared>>
        tpu.wait_indirect_dma semaphore(%run_scoped3A_208 : memref<!tpu.dma_semaphore, #tpu.memory_space<semaphore_mem>>) src(%arg10 : memref<64x128xf32, #tpu.memory_space<vmem>>) dst(%dma_wait3A_220 : memref<10112x128xf32, #tpu.memory_space<vmem_shared>>)
        tpu.yield
      }) : () -> ()
      %dma_start3A_147 = arith.constant 5 : i32
      %dma_start3A_148 = arith.constant 0 : i32
      %dma_start3A_149 = tpu.memref_slice %arg6[%dma_start3A_147, %dma_start3A_148] : memref<8x64xi32, #tpu.memory_space<vmem>> -> memref<1x64xi32, #tpu.memory_space<vmem>>
      %dma_start3A_150 = tpu.memref_squeeze %dma_start3A_149 : memref<1x64xi32, #tpu.memory_space<vmem>> -> memref<64xi32, #tpu.memory_space<vmem>>
      %dma_start3A_151 = arith.constant 0 : i32
      %dma_start3A_152 = arith.constant 0 : i32
      %dma_start3A_153 = tpu.memref_slice %arg2[%dma_start3A_151, %dma_start3A_152] : memref<10000x128xf32, #tpu.memory_space<hbm>> -> memref<10000x128xf32, #tpu.memory_space<hbm>>
      tpu.enqueue_indirect_dma source(%dma_start3A_153 : memref<10000x128xf32, #tpu.memory_space<hbm>>) target(%arg10 : memref<64x128xf32, #tpu.memory_space<vmem>>) offsets(%dma_start3A_150 : memref<64xi32, #tpu.memory_space<vmem>>) semaphore(%arg14 : memref<!tpu.dma_semaphore, #tpu.memory_space<semaphore_mem>>)
      %dma_wait3A_154 = arith.constant 3 : i32
      %dma_wait3A_155 = arith.constant 0 : i32
      %dma_wait3A_156 = tpu.memref_slice %arg6[%dma_wait3A_154, %dma_wait3A_155] : memref<8x64xi32, #tpu.memory_space<vmem>> -> memref<1x64xi32, #tpu.memory_space<vmem>>
      %dma_wait3A_157 = tpu.memref_squeeze %dma_wait3A_156 : memref<1x64xi32, #tpu.memory_space<vmem>> -> memref<64xi32, #tpu.memory_space<vmem>>
      %dma_wait3A_158 = arith.constant 0 : i32
      %dma_wait3A_159 = arith.constant 0 : i32
      %dma_wait3A_160 = tpu.memref_slice %arg2[%dma_wait3A_158, %dma_wait3A_159] : memref<10000x128xf32, #tpu.memory_space<hbm>> -> memref<10000x128xf32, #tpu.memory_space<hbm>>
      tpu.wait_indirect_dma semaphore(%arg12 : memref<!tpu.dma_semaphore, #tpu.memory_space<semaphore_mem>>) src(%dma_wait3A_160 : memref<10000x128xf32, #tpu.memory_space<hbm>>) dst(%arg8 : memref<64x128xf32, #tpu.memory_space<vmem>>)
      %run_scoped3A_161 = arith.constant 3 : i32
      "tpu.region"() ({
        %run_scoped3A_208 = tpu.sem_alloc : memref<!tpu.dma_semaphore, #tpu.memory_space<semaphore_mem>>
        %dma_start3A_209 = arith.constant 0 : i32
        %dma_start3A_210 = tpu.memref_slice %arg7[%run_scoped3A_161, %dma_start3A_209] : memref<8x64xi32, #tpu.memory_space<vmem>> -> memref<1x64xi32, #tpu.memory_space<vmem>>
        %dma_start3A_211 = tpu.memref_squeeze %dma_start3A_210 : memref<1x64xi32, #tpu.memory_space<vmem>> -> memref<64xi32, #tpu.memory_space<vmem>>
        %dma_start3A_212 = arith.constant 0 : i32
        %dma_start3A_213 = arith.constant 0 : i32
        %dma_start3A_214 = tpu.memref_slice %arg11[%dma_start3A_212, %dma_start3A_213] : memref<10112x128xf32, #tpu.memory_space<vmem_shared>> -> memref<10112x128xf32, #tpu.memory_space<vmem_shared>>
        tpu.enqueue_indirect_dma source(%arg8 : memref<64x128xf32, #tpu.memory_space<vmem>>) target(%dma_start3A_214 : memref<10112x128xf32, #tpu.memory_space<vmem_shared>>) offsets(%dma_start3A_211 : memref<64xi32, #tpu.memory_space<vmem>>) semaphore(%run_scoped3A_208 : memref<!tpu.dma_semaphore, #tpu.memory_space<semaphore_mem>>) {add = true}
        %dma_wait3A_215 = arith.constant 0 : i32
        %dma_wait3A_216 = tpu.memref_slice %arg7[%run_scoped3A_161, %dma_wait3A_215] : memref<8x64xi32, #tpu.memory_space<vmem>> -> memref<1x64xi32, #tpu.memory_space<vmem>>
        %dma_wait3A_217 = tpu.memref_squeeze %dma_wait3A_216 : memref<1x64xi32, #tpu.memory_space<vmem>> -> memref<64xi32, #tpu.memory_space<vmem>>
        %dma_wait3A_218 = arith.constant 0 : i32
        %dma_wait3A_219 = arith.constant 0 : i32
        %dma_wait3A_220 = tpu.memref_slice %arg11[%dma_wait3A_218, %dma_wait3A_219] : memref<10112x128xf32, #tpu.memory_space<vmem_shared>> -> memref<10112x128xf32, #tpu.memory_space<vmem_shared>>
        tpu.wait_indirect_dma semaphore(%run_scoped3A_208 : memref<!tpu.dma_semaphore, #tpu.memory_space<semaphore_mem>>) src(%arg8 : memref<64x128xf32, #tpu.memory_space<vmem>>) dst(%dma_wait3A_220 : memref<10112x128xf32, #tpu.memory_space<vmem_shared>>)
        tpu.yield
      }) : () -> ()
      %dma_start3A_162 = arith.constant 6 : i32
      %dma_start3A_163 = arith.constant 0 : i32
      %dma_start3A_164 = tpu.memref_slice %arg6[%dma_start3A_162, %dma_start3A_163] : memref<8x64xi32, #tpu.memory_space<vmem>> -> memref<1x64xi32, #tpu.memory_space<vmem>>
      %dma_start3A_165 = tpu.memref_squeeze %dma_start3A_164 : memref<1x64xi32, #tpu.memory_space<vmem>> -> memref<64xi32, #tpu.memory_space<vmem>>
      %dma_start3A_166 = arith.constant 0 : i32
      %dma_start3A_167 = arith.constant 0 : i32
      %dma_start3A_168 = tpu.memref_slice %arg2[%dma_start3A_166, %dma_start3A_167] : memref<10000x128xf32, #tpu.memory_space<hbm>> -> memref<10000x128xf32, #tpu.memory_space<hbm>>
      tpu.enqueue_indirect_dma source(%dma_start3A_168 : memref<10000x128xf32, #tpu.memory_space<hbm>>) target(%arg8 : memref<64x128xf32, #tpu.memory_space<vmem>>) offsets(%dma_start3A_165 : memref<64xi32, #tpu.memory_space<vmem>>) semaphore(%arg12 : memref<!tpu.dma_semaphore, #tpu.memory_space<semaphore_mem>>)
      %dma_wait3A_169 = arith.constant 4 : i32
      %dma_wait3A_170 = arith.constant 0 : i32
      %dma_wait3A_171 = tpu.memref_slice %arg6[%dma_wait3A_169, %dma_wait3A_170] : memref<8x64xi32, #tpu.memory_space<vmem>> -> memref<1x64xi32, #tpu.memory_space<vmem>>
      %dma_wait3A_172 = tpu.memref_squeeze %dma_wait3A_171 : memref<1x64xi32, #tpu.memory_space<vmem>> -> memref<64xi32, #tpu.memory_space<vmem>>
      %dma_wait3A_173 = arith.constant 0 : i32
      %dma_wait3A_174 = arith.constant 0 : i32
      %dma_wait3A_175 = tpu.memref_slice %arg2[%dma_wait3A_173, %dma_wait3A_174] : memref<10000x128xf32, #tpu.memory_space<hbm>> -> memref<10000x128xf32, #tpu.memory_space<hbm>>
      tpu.wait_indirect_dma semaphore(%arg13 : memref<!tpu.dma_semaphore, #tpu.memory_space<semaphore_mem>>) src(%dma_wait3A_175 : memref<10000x128xf32, #tpu.memory_space<hbm>>) dst(%arg9 : memref<64x128xf32, #tpu.memory_space<vmem>>)
      %run_scoped3A_176 = arith.constant 4 : i32
      "tpu.region"() ({
        %run_scoped3A_208 = tpu.sem_alloc : memref<!tpu.dma_semaphore, #tpu.memory_space<semaphore_mem>>
        %dma_start3A_209 = arith.constant 0 : i32
        %dma_start3A_210 = tpu.memref_slice %arg7[%run_scoped3A_176, %dma_start3A_209] : memref<8x64xi32, #tpu.memory_space<vmem>> -> memref<1x64xi32, #tpu.memory_space<vmem>>
        %dma_start3A_211 = tpu.memref_squeeze %dma_start3A_210 : memref<1x64xi32, #tpu.memory_space<vmem>> -> memref<64xi32, #tpu.memory_space<vmem>>
        %dma_start3A_212 = arith.constant 0 : i32
        %dma_start3A_213 = arith.constant 0 : i32
        %dma_start3A_214 = tpu.memref_slice %arg11[%dma_start3A_212, %dma_start3A_213] : memref<10112x128xf32, #tpu.memory_space<vmem_shared>> -> memref<10112x128xf32, #tpu.memory_space<vmem_shared>>
        tpu.enqueue_indirect_dma source(%arg9 : memref<64x128xf32, #tpu.memory_space<vmem>>) target(%dma_start3A_214 : memref<10112x128xf32, #tpu.memory_space<vmem_shared>>) offsets(%dma_start3A_211 : memref<64xi32, #tpu.memory_space<vmem>>) semaphore(%run_scoped3A_208 : memref<!tpu.dma_semaphore, #tpu.memory_space<semaphore_mem>>) {add = true}
        %dma_wait3A_215 = arith.constant 0 : i32
        %dma_wait3A_216 = tpu.memref_slice %arg7[%run_scoped3A_176, %dma_wait3A_215] : memref<8x64xi32, #tpu.memory_space<vmem>> -> memref<1x64xi32, #tpu.memory_space<vmem>>
        %dma_wait3A_217 = tpu.memref_squeeze %dma_wait3A_216 : memref<1x64xi32, #tpu.memory_space<vmem>> -> memref<64xi32, #tpu.memory_space<vmem>>
        %dma_wait3A_218 = arith.constant 0 : i32
        %dma_wait3A_219 = arith.constant 0 : i32
        %dma_wait3A_220 = tpu.memref_slice %arg11[%dma_wait3A_218, %dma_wait3A_219] : memref<10112x128xf32, #tpu.memory_space<vmem_shared>> -> memref<10112x128xf32, #tpu.memory_space<vmem_shared>>
        tpu.wait_indirect_dma semaphore(%run_scoped3A_208 : memref<!tpu.dma_semaphore, #tpu.memory_space<semaphore_mem>>) src(%arg9 : memref<64x128xf32, #tpu.memory_space<vmem>>) dst(%dma_wait3A_220 : memref<10112x128xf32, #tpu.memory_space<vmem_shared>>)
        tpu.yield
      }) : () -> ()
      %dma_start3A_177 = arith.constant 7 : i32
      %dma_start3A_178 = arith.constant 0 : i32
      %dma_start3A_179 = tpu.memref_slice %arg6[%dma_start3A_177, %dma_start3A_178] : memref<8x64xi32, #tpu.memory_space<vmem>> -> memref<1x64xi32, #tpu.memory_space<vmem>>
      %dma_start3A_180 = tpu.memref_squeeze %dma_start3A_179 : memref<1x64xi32, #tpu.memory_space<vmem>> -> memref<64xi32, #tpu.memory_space<vmem>>
      %dma_start3A_181 = arith.constant 0 : i32
      %dma_start3A_182 = arith.constant 0 : i32
      %dma_start3A_183 = tpu.memref_slice %arg2[%dma_start3A_181, %dma_start3A_182] : memref<10000x128xf32, #tpu.memory_space<hbm>> -> memref<10000x128xf32, #tpu.memory_space<hbm>>
      tpu.enqueue_indirect_dma source(%dma_start3A_183 : memref<10000x128xf32, #tpu.memory_space<hbm>>) target(%arg9 : memref<64x128xf32, #tpu.memory_space<vmem>>) offsets(%dma_start3A_180 : memref<64xi32, #tpu.memory_space<vmem>>) semaphore(%arg13 : memref<!tpu.dma_semaphore, #tpu.memory_space<semaphore_mem>>)
      %dma_wait3A_184 = arith.constant 5 : i32
      %dma_wait3A_185 = arith.constant 0 : i32
      %dma_wait3A_186 = tpu.memref_slice %arg6[%dma_wait3A_184, %dma_wait3A_185] : memref<8x64xi32, #tpu.memory_space<vmem>> -> memref<1x64xi32, #tpu.memory_space<vmem>>
      %dma_wait3A_187 = tpu.memref_squeeze %dma_wait3A_186 : memref<1x64xi32, #tpu.memory_space<vmem>> -> memref<64xi32, #tpu.memory_space<vmem>>
      %dma_wait3A_188 = arith.constant 0 : i32
      %dma_wait3A_189 = arith.constant 0 : i32
      %dma_wait3A_190 = tpu.memref_slice %arg2[%dma_wait3A_188, %dma_wait3A_189] : memref<10000x128xf32, #tpu.memory_space<hbm>> -> memref<10000x128xf32, #tpu.memory_space<hbm>>
      tpu.wait_indirect_dma semaphore(%arg14 : memref<!tpu.dma_semaphore, #tpu.memory_space<semaphore_mem>>) src(%dma_wait3A_190 : memref<10000x128xf32, #tpu.memory_space<hbm>>) dst(%arg10 : memref<64x128xf32, #tpu.memory_space<vmem>>)
      %run_scoped3A_191 = arith.constant 5 : i32
      "tpu.region"() ({
        %run_scoped3A_208 = tpu.sem_alloc : memref<!tpu.dma_semaphore, #tpu.memory_space<semaphore_mem>>
        %dma_start3A_209 = arith.constant 0 : i32
        %dma_start3A_210 = tpu.memref_slice %arg7[%run_scoped3A_191, %dma_start3A_209] : memref<8x64xi32, #tpu.memory_space<vmem>> -> memref<1x64xi32, #tpu.memory_space<vmem>>
        %dma_start3A_211 = tpu.memref_squeeze %dma_start3A_210 : memref<1x64xi32, #tpu.memory_space<vmem>> -> memref<64xi32, #tpu.memory_space<vmem>>
        %dma_start3A_212 = arith.constant 0 : i32
        %dma_start3A_213 = arith.constant 0 : i32
        %dma_start3A_214 = tpu.memref_slice %arg11[%dma_start3A_212, %dma_start3A_213] : memref<10112x128xf32, #tpu.memory_space<vmem_shared>> -> memref<10112x128xf32, #tpu.memory_space<vmem_shared>>
        tpu.enqueue_indirect_dma source(%arg10 : memref<64x128xf32, #tpu.memory_space<vmem>>) target(%dma_start3A_214 : memref<10112x128xf32, #tpu.memory_space<vmem_shared>>) offsets(%dma_start3A_211 : memref<64xi32, #tpu.memory_space<vmem>>) semaphore(%run_scoped3A_208 : memref<!tpu.dma_semaphore, #tpu.memory_space<semaphore_mem>>) {add = true}
        %dma_wait3A_215 = arith.constant 0 : i32
        %dma_wait3A_216 = tpu.memref_slice %arg7[%run_scoped3A_191, %dma_wait3A_215] : memref<8x64xi32, #tpu.memory_space<vmem>> -> memref<1x64xi32, #tpu.memory_space<vmem>>
        %dma_wait3A_217 = tpu.memref_squeeze %dma_wait3A_216 : memref<1x64xi32, #tpu.memory_space<vmem>> -> memref<64xi32, #tpu.memory_space<vmem>>
        %dma_wait3A_218 = arith.constant 0 : i32
        %dma_wait3A_219 = arith.constant 0 : i32
        %dma_wait3A_220 = tpu.memref_slice %arg11[%dma_wait3A_218, %dma_wait3A_219] : memref<10112x128xf32, #tpu.memory_space<vmem_shared>> -> memref<10112x128xf32, #tpu.memory_space<vmem_shared>>
        tpu.wait_indirect_dma semaphore(%run_scoped3A_208 : memref<!tpu.dma_semaphore, #tpu.memory_space<semaphore_mem>>) src(%arg10 : memref<64x128xf32, #tpu.memory_space<vmem>>) dst(%dma_wait3A_220 : memref<10112x128xf32, #tpu.memory_space<vmem_shared>>)
        tpu.yield
      }) : () -> ()
      %dma_wait3A_192 = arith.constant 6 : i32
      %dma_wait3A_193 = arith.constant 0 : i32
      %dma_wait3A_194 = tpu.memref_slice %arg6[%dma_wait3A_192, %dma_wait3A_193] : memref<8x64xi32, #tpu.memory_space<vmem>> -> memref<1x64xi32, #tpu.memory_space<vmem>>
      %dma_wait3A_195 = tpu.memref_squeeze %dma_wait3A_194 : memref<1x64xi32, #tpu.memory_space<vmem>> -> memref<64xi32, #tpu.memory_space<vmem>>
      %dma_wait3A_196 = arith.constant 0 : i32
      %dma_wait3A_197 = arith.constant 0 : i32
      %dma_wait3A_198 = tpu.memref_slice %arg2[%dma_wait3A_196, %dma_wait3A_197] : memref<10000x128xf32, #tpu.memory_space<hbm>> -> memref<10000x128xf32, #tpu.memory_space<hbm>>
      tpu.wait_indirect_dma semaphore(%arg12 : memref<!tpu.dma_semaphore, #tpu.memory_space<semaphore_mem>>) src(%dma_wait3A_198 : memref<10000x128xf32, #tpu.memory_space<hbm>>) dst(%arg8 : memref<64x128xf32, #tpu.memory_space<vmem>>)
      %run_scoped3A_199 = arith.constant 6 : i32
      "tpu.region"() ({
        %run_scoped3A_208 = tpu.sem_alloc : memref<!tpu.dma_semaphore, #tpu.memory_space<semaphore_mem>>
        %dma_start3A_209 = arith.constant 0 : i32
        %dma_start3A_210 = tpu.memref_slice %arg7[%run_scoped3A_199, %dma_start3A_209] : memref<8x64xi32, #tpu.memory_space<vmem>> -> memref<1x64xi32, #tpu.memory_space<vmem>>
        %dma_start3A_211 = tpu.memref_squeeze %dma_start3A_210 : memref<1x64xi32, #tpu.memory_space<vmem>> -> memref<64xi32, #tpu.memory_space<vmem>>
        %dma_start3A_212 = arith.constant 0 : i32
        %dma_start3A_213 = arith.constant 0 : i32
        %dma_start3A_214 = tpu.memref_slice %arg11[%dma_start3A_212, %dma_start3A_213] : memref<10112x128xf32, #tpu.memory_space<vmem_shared>> -> memref<10112x128xf32, #tpu.memory_space<vmem_shared>>
        tpu.enqueue_indirect_dma source(%arg8 : memref<64x128xf32, #tpu.memory_space<vmem>>) target(%dma_start3A_214 : memref<10112x128xf32, #tpu.memory_space<vmem_shared>>) offsets(%dma_start3A_211 : memref<64xi32, #tpu.memory_space<vmem>>) semaphore(%run_scoped3A_208 : memref<!tpu.dma_semaphore, #tpu.memory_space<semaphore_mem>>) {add = true}
        %dma_wait3A_215 = arith.constant 0 : i32
        %dma_wait3A_216 = tpu.memref_slice %arg7[%run_scoped3A_199, %dma_wait3A_215] : memref<8x64xi32, #tpu.memory_space<vmem>> -> memref<1x64xi32, #tpu.memory_space<vmem>>
        %dma_wait3A_217 = tpu.memref_squeeze %dma_wait3A_216 : memref<1x64xi32, #tpu.memory_space<vmem>> -> memref<64xi32, #tpu.memory_space<vmem>>
        %dma_wait3A_218 = arith.constant 0 : i32
        %dma_wait3A_219 = arith.constant 0 : i32
        %dma_wait3A_220 = tpu.memref_slice %arg11[%dma_wait3A_218, %dma_wait3A_219] : memref<10112x128xf32, #tpu.memory_space<vmem_shared>> -> memref<10112x128xf32, #tpu.memory_space<vmem_shared>>
        tpu.wait_indirect_dma semaphore(%run_scoped3A_208 : memref<!tpu.dma_semaphore, #tpu.memory_space<semaphore_mem>>) src(%arg8 : memref<64x128xf32, #tpu.memory_space<vmem>>) dst(%dma_wait3A_220 : memref<10112x128xf32, #tpu.memory_space<vmem_shared>>)
        tpu.yield
      }) : () -> ()
      %dma_wait3A_200 = arith.constant 7 : i32
      %dma_wait3A_201 = arith.constant 0 : i32
      %dma_wait3A_202 = tpu.memref_slice %arg6[%dma_wait3A_200, %dma_wait3A_201] : memref<8x64xi32, #tpu.memory_space<vmem>> -> memref<1x64xi32, #tpu.memory_space<vmem>>
      %dma_wait3A_203 = tpu.memref_squeeze %dma_wait3A_202 : memref<1x64xi32, #tpu.memory_space<vmem>> -> memref<64xi32, #tpu.memory_space<vmem>>
      %dma_wait3A_204 = arith.constant 0 : i32
      %dma_wait3A_205 = arith.constant 0 : i32
      %dma_wait3A_206 = tpu.memref_slice %arg2[%dma_wait3A_204, %dma_wait3A_205] : memref<10000x128xf32, #tpu.memory_space<hbm>> -> memref<10000x128xf32, #tpu.memory_space<hbm>>
      tpu.wait_indirect_dma semaphore(%arg13 : memref<!tpu.dma_semaphore, #tpu.memory_space<semaphore_mem>>) src(%dma_wait3A_206 : memref<10000x128xf32, #tpu.memory_space<hbm>>) dst(%arg9 : memref<64x128xf32, #tpu.memory_space<vmem>>)
      %run_scoped3A_207 = arith.constant 7 : i32
      "tpu.region"() ({
        %run_scoped3A_208 = tpu.sem_alloc : memref<!tpu.dma_semaphore, #tpu.memory_space<semaphore_mem>>
        %dma_start3A_209 = arith.constant 0 : i32
        %dma_start3A_210 = tpu.memref_slice %arg7[%run_scoped3A_207, %dma_start3A_209] : memref<8x64xi32, #tpu.memory_space<vmem>> -> memref<1x64xi32, #tpu.memory_space<vmem>>
        %dma_start3A_211 = tpu.memref_squeeze %dma_start3A_210 : memref<1x64xi32, #tpu.memory_space<vmem>> -> memref<64xi32, #tpu.memory_space<vmem>>
        %dma_start3A_212 = arith.constant 0 : i32
        %dma_start3A_213 = arith.constant 0 : i32
        %dma_start3A_214 = tpu.memref_slice %arg11[%dma_start3A_212, %dma_start3A_213] : memref<10112x128xf32, #tpu.memory_space<vmem_shared>> -> memref<10112x128xf32, #tpu.memory_space<vmem_shared>>
        tpu.enqueue_indirect_dma source(%arg9 : memref<64x128xf32, #tpu.memory_space<vmem>>) target(%dma_start3A_214 : memref<10112x128xf32, #tpu.memory_space<vmem_shared>>) offsets(%dma_start3A_211 : memref<64xi32, #tpu.memory_space<vmem>>) semaphore(%run_scoped3A_208 : memref<!tpu.dma_semaphore, #tpu.memory_space<semaphore_mem>>) {add = true}
        %dma_wait3A_215 = arith.constant 0 : i32
        %dma_wait3A_216 = tpu.memref_slice %arg7[%run_scoped3A_207, %dma_wait3A_215] : memref<8x64xi32, #tpu.memory_space<vmem>> -> memref<1x64xi32, #tpu.memory_space<vmem>>
        %dma_wait3A_217 = tpu.memref_squeeze %dma_wait3A_216 : memref<1x64xi32, #tpu.memory_space<vmem>> -> memref<64xi32, #tpu.memory_space<vmem>>
        %dma_wait3A_218 = arith.constant 0 : i32
        %dma_wait3A_219 = arith.constant 0 : i32
        %dma_wait3A_220 = tpu.memref_slice %arg11[%dma_wait3A_218, %dma_wait3A_219] : memref<10112x128xf32, #tpu.memory_space<vmem_shared>> -> memref<10112x128xf32, #tpu.memory_space<vmem_shared>>
        tpu.wait_indirect_dma semaphore(%run_scoped3A_208 : memref<!tpu.dma_semaphore, #tpu.memory_space<semaphore_mem>>) src(%arg9 : memref<64x128xf32, #tpu.memory_space<vmem>>) dst(%dma_wait3A_220 : memref<10112x128xf32, #tpu.memory_space<vmem_shared>>)
        tpu.yield
      }) : () -> ()
    }
    %barrier3A_46 = arith.constant 0 : index
    tpu.barrier barrier_id(%barrier3A_46)
    %add3A_47 = arith.constant 0 : i32
    %add3A_48 = arith.addi %mul3A_16, %add3A_47 : i32
    "tpu.region"() ({
      %run_scoped3A = tpu.sem_alloc : memref<!tpu.dma_semaphore, #tpu.memory_space<semaphore_mem>>
      %dma_start3A = arith.constant 0 : i32
      %dma_start3A_87 = arith.constant 0 : i32
      %dma_start3A_88 = tpu.memref_slice %arg9[%dma_start3A, %dma_start3A_87] : memref<64x128xf32, #tpu.memory_space<vmem>> -> memref<64x128xf32, #tpu.memory_space<vmem>>
      %dma_start3A_89 = arith.constant 0 : i32
      %dma_start3A_90 = tpu.memref_slice %arg11[%add3A_48, %dma_start3A_89] : memref<10112x128xf32, #tpu.memory_space<vmem_shared>> -> memref<64x128xf32, #tpu.memory_space<vmem_shared>>
      %dma_start3A_91 = arith.constant 0 : i32
      %dma_start3A_92 = arith.constant 0 : i32
      %dma_start3A_93 = tpu.memref_slice %arg9[%dma_start3A_91, %dma_start3A_92] : memref<64x128xf32, #tpu.memory_space<vmem>> -> memref<64x128xf32, #tpu.memory_space<vmem>>
      %dma_start3A_94 = arith.constant 0 : i32
      %dma_start3A_95 = tpu.memref_slice %arg11[%add3A_48, %dma_start3A_94] : memref<10112x128xf32, #tpu.memory_space<vmem_shared>> -> memref<64x128xf32, #tpu.memory_space<vmem_shared>>
      tpu.enqueue_dma source(%dma_start3A_95 : memref<64x128xf32, #tpu.memory_space<vmem_shared>>) target(%dma_start3A_93 : memref<64x128xf32, #tpu.memory_space<vmem>>) target_semaphore(%run_scoped3A : memref<!tpu.dma_semaphore, #tpu.memory_space<semaphore_mem>>)
      %dma_wait3A = arith.constant 0 : i32
      %dma_wait3A_96 = arith.constant 0 : i32
      %dma_wait3A_97 = tpu.memref_slice %arg9[%dma_wait3A, %dma_wait3A_96] : memref<64x128xf32, #tpu.memory_space<vmem>> -> memref<64x128xf32, #tpu.memory_space<vmem>>
      %dma_wait3A_98 = arith.constant 0 : i32
      %dma_wait3A_99 = tpu.memref_slice %arg11[%add3A_48, %dma_wait3A_98] : memref<10112x128xf32, #tpu.memory_space<vmem_shared>> -> memref<64x128xf32, #tpu.memory_space<vmem_shared>>
      %dma_wait3A_100 = arith.constant 0 : i32
      %dma_wait3A_101 = arith.constant 0 : i32
      %dma_wait3A_102 = tpu.memref_slice %arg9[%dma_wait3A_100, %dma_wait3A_101] : memref<64x128xf32, #tpu.memory_space<vmem>> -> memref<64x128xf32, #tpu.memory_space<vmem>>
      %dma_wait3A_103 = arith.constant 0 : i32
      %dma_wait3A_104 = tpu.memref_slice %arg11[%add3A_48, %dma_wait3A_103] : memref<10112x128xf32, #tpu.memory_space<vmem_shared>> -> memref<64x128xf32, #tpu.memory_space<vmem_shared>>
      tpu.wait_dma2 semaphore(%run_scoped3A : memref<!tpu.dma_semaphore, #tpu.memory_space<semaphore_mem>>) src(%dma_wait3A_104 : memref<64x128xf32, #tpu.memory_space<vmem_shared>>) dst(%dma_wait3A_102 : memref<64x128xf32, #tpu.memory_space<vmem>>)
      tpu.yield
    }) : () -> ()
    %add3A_49 = arith.constant 0 : i32
    %add3A_50 = arith.addi %mul3A_16, %add3A_49 : i32
    "tpu.region"() ({
      %run_scoped3A = tpu.sem_alloc : memref<!tpu.dma_semaphore, #tpu.memory_space<semaphore_mem>>
      %dma_start3A = arith.constant 0 : i32
      %dma_start3A_87 = arith.constant 0 : i32
      %dma_start3A_88 = tpu.memref_slice %arg9[%dma_start3A, %dma_start3A_87] : memref<64x128xf32, #tpu.memory_space<vmem>> -> memref<64x128xf32, #tpu.memory_space<vmem>>
      %dma_start3A_89 = arith.constant 0 : i32
      %dma_start3A_90 = tpu.memref_slice %arg5[%arg0, %add3A_50, %dma_start3A_89] : memref<2x10112x128xf32, #tpu.memory_space<hbm>> -> memref<1x64x128xf32, #tpu.memory_space<hbm>>
      %dma_start3A_91 = tpu.memref_squeeze %dma_start3A_90 : memref<1x64x128xf32, #tpu.memory_space<hbm>> -> memref<64x128xf32, #tpu.memory_space<hbm>>
      %dma_start3A_92 = arith.constant 0 : i32
      %dma_start3A_93 = tpu.memref_slice %arg5[%arg0, %add3A_50, %dma_start3A_92] : memref<2x10112x128xf32, #tpu.memory_space<hbm>> -> memref<1x64x128xf32, #tpu.memory_space<hbm>>
      %dma_start3A_94 = tpu.memref_squeeze %dma_start3A_93 : memref<1x64x128xf32, #tpu.memory_space<hbm>> -> memref<64x128xf32, #tpu.memory_space<hbm>>
      %dma_start3A_95 = arith.constant 0 : i32
      %dma_start3A_96 = arith.constant 0 : i32
      %dma_start3A_97 = tpu.memref_slice %arg9[%dma_start3A_95, %dma_start3A_96] : memref<64x128xf32, #tpu.memory_space<vmem>> -> memref<64x128xf32, #tpu.memory_space<vmem>>
      tpu.enqueue_dma source(%dma_start3A_97 : memref<64x128xf32, #tpu.memory_space<vmem>>) target(%dma_start3A_94 : memref<64x128xf32, #tpu.memory_space<hbm>>) target_semaphore(%run_scoped3A : memref<!tpu.dma_semaphore, #tpu.memory_space<semaphore_mem>>)
      %dma_wait3A = arith.constant 0 : i32
      %dma_wait3A_98 = arith.constant 0 : i32
      %dma_wait3A_99 = tpu.memref_slice %arg9[%dma_wait3A, %dma_wait3A_98] : memref<64x128xf32, #tpu.memory_space<vmem>> -> memref<64x128xf32, #tpu.memory_space<vmem>>
      %dma_wait3A_100 = arith.constant 0 : i32
      %dma_wait3A_101 = tpu.memref_slice %arg5[%arg0, %add3A_50, %dma_wait3A_100] : memref<2x10112x128xf32, #tpu.memory_space<hbm>> -> memref<1x64x128xf32, #tpu.memory_space<hbm>>
      %dma_wait3A_102 = tpu.memref_squeeze %dma_wait3A_101 : memref<1x64x128xf32, #tpu.memory_space<hbm>> -> memref<64x128xf32, #tpu.memory_space<hbm>>
      %dma_wait3A_103 = arith.constant 0 : i32
      %dma_wait3A_104 = tpu.memref_slice %arg5[%arg0, %add3A_50, %dma_wait3A_103] : memref<2x10112x128xf32, #tpu.memory_space<hbm>> -> memref<1x64x128xf32, #tpu.memory_space<hbm>>
      %dma_wait3A_105 = tpu.memref_squeeze %dma_wait3A_104 : memref<1x64x128xf32, #tpu.memory_space<hbm>> -> memref<64x128xf32, #tpu.memory_space<hbm>>
      %dma_wait3A_106 = arith.constant 0 : i32
      %dma_wait3A_107 = arith.constant 0 : i32
      %dma_wait3A_108 = tpu.memref_slice %arg9[%dma_wait3A_106, %dma_wait3A_107] : memref<64x128xf32, #tpu.memory_space<vmem>> -> memref<64x128xf32, #tpu.memory_space<vmem>>
      tpu.wait_dma2 semaphore(%run_scoped3A : memref<!tpu.dma_semaphore, #tpu.memory_space<semaphore_mem>>) src(%dma_wait3A_108 : memref<64x128xf32, #tpu.memory_space<vmem>>) dst(%dma_wait3A_105 : memref<64x128xf32, #tpu.memory_space<hbm>>)
      tpu.yield
    }) : () -> ()
    %add3A_51 = arith.constant 64 : i32
    %add3A_52 = arith.addi %mul3A_16, %add3A_51 : i32
    "tpu.region"() ({
      %run_scoped3A = tpu.sem_alloc : memref<!tpu.dma_semaphore, #tpu.memory_space<semaphore_mem>>
      %dma_start3A = arith.constant 0 : i32
      %dma_start3A_87 = arith.constant 0 : i32
      %dma_start3A_88 = tpu.memref_slice %arg9[%dma_start3A, %dma_start3A_87] : memref<64x128xf32, #tpu.memory_space<vmem>> -> memref<64x128xf32, #tpu.memory_space<vmem>>
      %dma_start3A_89 = arith.constant 0 : i32
      %dma_start3A_90 = tpu.memref_slice %arg11[%add3A_52, %dma_start3A_89] : memref<10112x128xf32, #tpu.memory_space<vmem_shared>> -> memref<64x128xf32, #tpu.memory_space<vmem_shared>>
      %dma_start3A_91 = arith.constant 0 : i32
      %dma_start3A_92 = arith.constant 0 : i32
      %dma_start3A_93 = tpu.memref_slice %arg9[%dma_start3A_91, %dma_start3A_92] : memref<64x128xf32, #tpu.memory_space<vmem>> -> memref<64x128xf32, #tpu.memory_space<vmem>>
      %dma_start3A_94 = arith.constant 0 : i32
      %dma_start3A_95 = tpu.memref_slice %arg11[%add3A_52, %dma_start3A_94] : memref<10112x128xf32, #tpu.memory_space<vmem_shared>> -> memref<64x128xf32, #tpu.memory_space<vmem_shared>>
      tpu.enqueue_dma source(%dma_start3A_95 : memref<64x128xf32, #tpu.memory_space<vmem_shared>>) target(%dma_start3A_93 : memref<64x128xf32, #tpu.memory_space<vmem>>) target_semaphore(%run_scoped3A : memref<!tpu.dma_semaphore, #tpu.memory_space<semaphore_mem>>)
      %dma_wait3A = arith.constant 0 : i32
      %dma_wait3A_96 = arith.constant 0 : i32
      %dma_wait3A_97 = tpu.memref_slice %arg9[%dma_wait3A, %dma_wait3A_96] : memref<64x128xf32, #tpu.memory_space<vmem>> -> memref<64x128xf32, #tpu.memory_space<vmem>>
      %dma_wait3A_98 = arith.constant 0 : i32
      %dma_wait3A_99 = tpu.memref_slice %arg11[%add3A_52, %dma_wait3A_98] : memref<10112x128xf32, #tpu.memory_space<vmem_shared>> -> memref<64x128xf32, #tpu.memory_space<vmem_shared>>
      %dma_wait3A_100 = arith.constant 0 : i32
      %dma_wait3A_101 = arith.constant 0 : i32
      %dma_wait3A_102 = tpu.memref_slice %arg9[%dma_wait3A_100, %dma_wait3A_101] : memref<64x128xf32, #tpu.memory_space<vmem>> -> memref<64x128xf32, #tpu.memory_space<vmem>>
      %dma_wait3A_103 = arith.constant 0 : i32
      %dma_wait3A_104 = tpu.memref_slice %arg11[%add3A_52, %dma_wait3A_103] : memref<10112x128xf32, #tpu.memory_space<vmem_shared>> -> memref<64x128xf32, #tpu.memory_space<vmem_shared>>
      tpu.wait_dma2 semaphore(%run_scoped3A : memref<!tpu.dma_semaphore, #tpu.memory_space<semaphore_mem>>) src(%dma_wait3A_104 : memref<64x128xf32, #tpu.memory_space<vmem_shared>>) dst(%dma_wait3A_102 : memref<64x128xf32, #tpu.memory_space<vmem>>)
      tpu.yield
    }) : () -> ()
    %add3A_53 = arith.constant 64 : i32
    %add3A_54 = arith.addi %mul3A_16, %add3A_53 : i32
    "tpu.region"() ({
      %run_scoped3A = tpu.sem_alloc : memref<!tpu.dma_semaphore, #tpu.memory_space<semaphore_mem>>
      %dma_start3A = arith.constant 0 : i32
      %dma_start3A_87 = arith.constant 0 : i32
      %dma_start3A_88 = tpu.memref_slice %arg9[%dma_start3A, %dma_start3A_87] : memref<64x128xf32, #tpu.memory_space<vmem>> -> memref<64x128xf32, #tpu.memory_space<vmem>>
      %dma_start3A_89 = arith.constant 0 : i32
      %dma_start3A_90 = tpu.memref_slice %arg5[%arg0, %add3A_54, %dma_start3A_89] : memref<2x10112x128xf32, #tpu.memory_space<hbm>> -> memref<1x64x128xf32, #tpu.memory_space<hbm>>
      %dma_start3A_91 = tpu.memref_squeeze %dma_start3A_90 : memref<1x64x128xf32, #tpu.memory_space<hbm>> -> memref<64x128xf32, #tpu.memory_space<hbm>>
      %dma_start3A_92 = arith.constant 0 : i32
      %dma_start3A_93 = tpu.memref_slice %arg5[%arg0, %add3A_54, %dma_start3A_92] : memref<2x10112x128xf32, #tpu.memory_space<hbm>> -> memref<1x64x128xf32, #tpu.memory_space<hbm>>
      %dma_start3A_94 = tpu.memref_squeeze %dma_start3A_93 : memref<1x64x128xf32, #tpu.memory_space<hbm>> -> memref<64x128xf32, #tpu.memory_space<hbm>>
      %dma_start3A_95 = arith.constant 0 : i32
      %dma_start3A_96 = arith.constant 0 : i32
      %dma_start3A_97 = tpu.memref_slice %arg9[%dma_start3A_95, %dma_start3A_96] : memref<64x128xf32, #tpu.memory_space<vmem>> -> memref<64x128xf32, #tpu.memory_space<vmem>>
      tpu.enqueue_dma source(%dma_start3A_97 : memref<64x128xf32, #tpu.memory_space<vmem>>) target(%dma_start3A_94 : memref<64x128xf32, #tpu.memory_space<hbm>>) target_semaphore(%run_scoped3A : memref<!tpu.dma_semaphore, #tpu.memory_space<semaphore_mem>>)
      %dma_wait3A = arith.constant 0 : i32
      %dma_wait3A_98 = arith.constant 0 : i32
      %dma_wait3A_99 = tpu.memref_slice %arg9[%dma_wait3A, %dma_wait3A_98] : memref<64x128xf32, #tpu.memory_space<vmem>> -> memref<64x128xf32, #tpu.memory_space<vmem>>
      %dma_wait3A_100 = arith.constant 0 : i32
      %dma_wait3A_101 = tpu.memref_slice %arg5[%arg0, %add3A_54, %dma_wait3A_100] : memref<2x10112x128xf32, #tpu.memory_space<hbm>> -> memref<1x64x128xf32, #tpu.memory_space<hbm>>
      %dma_wait3A_102 = tpu.memref_squeeze %dma_wait3A_101 : memref<1x64x128xf32, #tpu.memory_space<hbm>> -> memref<64x128xf32, #tpu.memory_space<hbm>>
      %dma_wait3A_103 = arith.constant 0 : i32
      %dma_wait3A_104 = tpu.memref_slice %arg5[%arg0, %add3A_54, %dma_wait3A_103] : memref<2x10112x128xf32, #tpu.memory_space<hbm>> -> memref<1x64x128xf32, #tpu.memory_space<hbm>>
      %dma_wait3A_105 = tpu.memref_squeeze %dma_wait3A_104 : memref<1x64x128xf32, #tpu.memory_space<hbm>> -> memref<64x128xf32, #tpu.memory_space<hbm>>
      %dma_wait3A_106 = arith.constant 0 : i32
      %dma_wait3A_107 = arith.constant 0 : i32
      %dma_wait3A_108 = tpu.memref_slice %arg9[%dma_wait3A_106, %dma_wait3A_107] : memref<64x128xf32, #tpu.memory_space<vmem>> -> memref<64x128xf32, #tpu.memory_space<vmem>>
      tpu.wait_dma2 semaphore(%run_scoped3A : memref<!tpu.dma_semaphore, #tpu.memory_space<semaphore_mem>>) src(%dma_wait3A_108 : memref<64x128xf32, #tpu.memory_space<vmem>>) dst(%dma_wait3A_105 : memref<64x128xf32, #tpu.memory_space<hbm>>)
      tpu.yield
    }) : () -> ()
    %add3A_55 = arith.constant 128 : i32
    %add3A_56 = arith.addi %mul3A_16, %add3A_55 : i32
    "tpu.region"() ({
      %run_scoped3A = tpu.sem_alloc : memref<!tpu.dma_semaphore, #tpu.memory_space<semaphore_mem>>
      %dma_start3A = arith.constant 0 : i32
      %dma_start3A_87 = arith.constant 0 : i32
      %dma_start3A_88 = tpu.memref_slice %arg9[%dma_start3A, %dma_start3A_87] : memref<64x128xf32, #tpu.memory_space<vmem>> -> memref<64x128xf32, #tpu.memory_space<vmem>>
      %dma_start3A_89 = arith.constant 0 : i32
      %dma_start3A_90 = tpu.memref_slice %arg11[%add3A_56, %dma_start3A_89] : memref<10112x128xf32, #tpu.memory_space<vmem_shared>> -> memref<64x128xf32, #tpu.memory_space<vmem_shared>>
      %dma_start3A_91 = arith.constant 0 : i32
      %dma_start3A_92 = arith.constant 0 : i32
      %dma_start3A_93 = tpu.memref_slice %arg9[%dma_start3A_91, %dma_start3A_92] : memref<64x128xf32, #tpu.memory_space<vmem>> -> memref<64x128xf32, #tpu.memory_space<vmem>>
      %dma_start3A_94 = arith.constant 0 : i32
      %dma_start3A_95 = tpu.memref_slice %arg11[%add3A_56, %dma_start3A_94] : memref<10112x128xf32, #tpu.memory_space<vmem_shared>> -> memref<64x128xf32, #tpu.memory_space<vmem_shared>>
      tpu.enqueue_dma source(%dma_start3A_95 : memref<64x128xf32, #tpu.memory_space<vmem_shared>>) target(%dma_start3A_93 : memref<64x128xf32, #tpu.memory_space<vmem>>) target_semaphore(%run_scoped3A : memref<!tpu.dma_semaphore, #tpu.memory_space<semaphore_mem>>)
      %dma_wait3A = arith.constant 0 : i32
      %dma_wait3A_96 = arith.constant 0 : i32
      %dma_wait3A_97 = tpu.memref_slice %arg9[%dma_wait3A, %dma_wait3A_96] : memref<64x128xf32, #tpu.memory_space<vmem>> -> memref<64x128xf32, #tpu.memory_space<vmem>>
      %dma_wait3A_98 = arith.constant 0 : i32
      %dma_wait3A_99 = tpu.memref_slice %arg11[%add3A_56, %dma_wait3A_98] : memref<10112x128xf32, #tpu.memory_space<vmem_shared>> -> memref<64x128xf32, #tpu.memory_space<vmem_shared>>
      %dma_wait3A_100 = arith.constant 0 : i32
      %dma_wait3A_101 = arith.constant 0 : i32
      %dma_wait3A_102 = tpu.memref_slice %arg9[%dma_wait3A_100, %dma_wait3A_101] : memref<64x128xf32, #tpu.memory_space<vmem>> -> memref<64x128xf32, #tpu.memory_space<vmem>>
      %dma_wait3A_103 = arith.constant 0 : i32
      %dma_wait3A_104 = tpu.memref_slice %arg11[%add3A_56, %dma_wait3A_103] : memref<10112x128xf32, #tpu.memory_space<vmem_shared>> -> memref<64x128xf32, #tpu.memory_space<vmem_shared>>
      tpu.wait_dma2 semaphore(%run_scoped3A : memref<!tpu.dma_semaphore, #tpu.memory_space<semaphore_mem>>) src(%dma_wait3A_104 : memref<64x128xf32, #tpu.memory_space<vmem_shared>>) dst(%dma_wait3A_102 : memref<64x128xf32, #tpu.memory_space<vmem>>)
      tpu.yield
    }) : () -> ()
    %add3A_57 = arith.constant 128 : i32
    %add3A_58 = arith.addi %mul3A_16, %add3A_57 : i32
    "tpu.region"() ({
      %run_scoped3A = tpu.sem_alloc : memref<!tpu.dma_semaphore, #tpu.memory_space<semaphore_mem>>
      %dma_start3A = arith.constant 0 : i32
      %dma_start3A_87 = arith.constant 0 : i32
      %dma_start3A_88 = tpu.memref_slice %arg9[%dma_start3A, %dma_start3A_87] : memref<64x128xf32, #tpu.memory_space<vmem>> -> memref<64x128xf32, #tpu.memory_space<vmem>>
      %dma_start3A_89 = arith.constant 0 : i32
      %dma_start3A_90 = tpu.memref_slice %arg5[%arg0, %add3A_58, %dma_start3A_89] : memref<2x10112x128xf32, #tpu.memory_space<hbm>> -> memref<1x64x128xf32, #tpu.memory_space<hbm>>
      %dma_start3A_91 = tpu.memref_squeeze %dma_start3A_90 : memref<1x64x128xf32, #tpu.memory_space<hbm>> -> memref<64x128xf32, #tpu.memory_space<hbm>>
      %dma_start3A_92 = arith.constant 0 : i32
      %dma_start3A_93 = tpu.memref_slice %arg5[%arg0, %add3A_58, %dma_start3A_92] : memref<2x10112x128xf32, #tpu.memory_space<hbm>> -> memref<1x64x128xf32, #tpu.memory_space<hbm>>
      %dma_start3A_94 = tpu.memref_squeeze %dma_start3A_93 : memref<1x64x128xf32, #tpu.memory_space<hbm>> -> memref<64x128xf32, #tpu.memory_space<hbm>>
      %dma_start3A_95 = arith.constant 0 : i32
      %dma_start3A_96 = arith.constant 0 : i32
      %dma_start3A_97 = tpu.memref_slice %arg9[%dma_start3A_95, %dma_start3A_96] : memref<64x128xf32, #tpu.memory_space<vmem>> -> memref<64x128xf32, #tpu.memory_space<vmem>>
      tpu.enqueue_dma source(%dma_start3A_97 : memref<64x128xf32, #tpu.memory_space<vmem>>) target(%dma_start3A_94 : memref<64x128xf32, #tpu.memory_space<hbm>>) target_semaphore(%run_scoped3A : memref<!tpu.dma_semaphore, #tpu.memory_space<semaphore_mem>>)
      %dma_wait3A = arith.constant 0 : i32
      %dma_wait3A_98 = arith.constant 0 : i32
      %dma_wait3A_99 = tpu.memref_slice %arg9[%dma_wait3A, %dma_wait3A_98] : memref<64x128xf32, #tpu.memory_space<vmem>> -> memref<64x128xf32, #tpu.memory_space<vmem>>
      %dma_wait3A_100 = arith.constant 0 : i32
      %dma_wait3A_101 = tpu.memref_slice %arg5[%arg0, %add3A_58, %dma_wait3A_100] : memref<2x10112x128xf32, #tpu.memory_space<hbm>> -> memref<1x64x128xf32, #tpu.memory_space<hbm>>
      %dma_wait3A_102 = tpu.memref_squeeze %dma_wait3A_101 : memref<1x64x128xf32, #tpu.memory_space<hbm>> -> memref<64x128xf32, #tpu.memory_space<hbm>>
      %dma_wait3A_103 = arith.constant 0 : i32
      %dma_wait3A_104 = tpu.memref_slice %arg5[%arg0, %add3A_58, %dma_wait3A_103] : memref<2x10112x128xf32, #tpu.memory_space<hbm>> -> memref<1x64x128xf32, #tpu.memory_space<hbm>>
      %dma_wait3A_105 = tpu.memref_squeeze %dma_wait3A_104 : memref<1x64x128xf32, #tpu.memory_space<hbm>> -> memref<64x128xf32, #tpu.memory_space<hbm>>
      %dma_wait3A_106 = arith.constant 0 : i32
      %dma_wait3A_107 = arith.constant 0 : i32
      %dma_wait3A_108 = tpu.memref_slice %arg9[%dma_wait3A_106, %dma_wait3A_107] : memref<64x128xf32, #tpu.memory_space<vmem>> -> memref<64x128xf32, #tpu.memory_space<vmem>>
      tpu.wait_dma2 semaphore(%run_scoped3A : memref<!tpu.dma_semaphore, #tpu.memory_space<semaphore_mem>>) src(%dma_wait3A_108 : memref<64x128xf32, #tpu.memory_space<vmem>>) dst(%dma_wait3A_105 : memref<64x128xf32, #tpu.memory_space<hbm>>)
      tpu.yield
    }) : () -> ()
    %add3A_59 = arith.constant 192 : i32
    %add3A_60 = arith.addi %mul3A_16, %add3A_59 : i32
    "tpu.region"() ({
      %run_scoped3A = tpu.sem_alloc : memref<!tpu.dma_semaphore, #tpu.memory_space<semaphore_mem>>
      %dma_start3A = arith.constant 0 : i32
      %dma_start3A_87 = arith.constant 0 : i32
      %dma_start3A_88 = tpu.memref_slice %arg9[%dma_start3A, %dma_start3A_87] : memref<64x128xf32, #tpu.memory_space<vmem>> -> memref<64x128xf32, #tpu.memory_space<vmem>>
      %dma_start3A_89 = arith.constant 0 : i32
      %dma_start3A_90 = tpu.memref_slice %arg11[%add3A_60, %dma_start3A_89] : memref<10112x128xf32, #tpu.memory_space<vmem_shared>> -> memref<64x128xf32, #tpu.memory_space<vmem_shared>>
      %dma_start3A_91 = arith.constant 0 : i32
      %dma_start3A_92 = arith.constant 0 : i32
      %dma_start3A_93 = tpu.memref_slice %arg9[%dma_start3A_91, %dma_start3A_92] : memref<64x128xf32, #tpu.memory_space<vmem>> -> memref<64x128xf32, #tpu.memory_space<vmem>>
      %dma_start3A_94 = arith.constant 0 : i32
      %dma_start3A_95 = tpu.memref_slice %arg11[%add3A_60, %dma_start3A_94] : memref<10112x128xf32, #tpu.memory_space<vmem_shared>> -> memref<64x128xf32, #tpu.memory_space<vmem_shared>>
      tpu.enqueue_dma source(%dma_start3A_95 : memref<64x128xf32, #tpu.memory_space<vmem_shared>>) target(%dma_start3A_93 : memref<64x128xf32, #tpu.memory_space<vmem>>) target_semaphore(%run_scoped3A : memref<!tpu.dma_semaphore, #tpu.memory_space<semaphore_mem>>)
      %dma_wait3A = arith.constant 0 : i32
      %dma_wait3A_96 = arith.constant 0 : i32
      %dma_wait3A_97 = tpu.memref_slice %arg9[%dma_wait3A, %dma_wait3A_96] : memref<64x128xf32, #tpu.memory_space<vmem>> -> memref<64x128xf32, #tpu.memory_space<vmem>>
      %dma_wait3A_98 = arith.constant 0 : i32
      %dma_wait3A_99 = tpu.memref_slice %arg11[%add3A_60, %dma_wait3A_98] : memref<10112x128xf32, #tpu.memory_space<vmem_shared>> -> memref<64x128xf32, #tpu.memory_space<vmem_shared>>
      %dma_wait3A_100 = arith.constant 0 : i32
      %dma_wait3A_101 = arith.constant 0 : i32
      %dma_wait3A_102 = tpu.memref_slice %arg9[%dma_wait3A_100, %dma_wait3A_101] : memref<64x128xf32, #tpu.memory_space<vmem>> -> memref<64x128xf32, #tpu.memory_space<vmem>>
      %dma_wait3A_103 = arith.constant 0 : i32
      %dma_wait3A_104 = tpu.memref_slice %arg11[%add3A_60, %dma_wait3A_103] : memref<10112x128xf32, #tpu.memory_space<vmem_shared>> -> memref<64x128xf32, #tpu.memory_space<vmem_shared>>
      tpu.wait_dma2 semaphore(%run_scoped3A : memref<!tpu.dma_semaphore, #tpu.memory_space<semaphore_mem>>) src(%dma_wait3A_104 : memref<64x128xf32, #tpu.memory_space<vmem_shared>>) dst(%dma_wait3A_102 : memref<64x128xf32, #tpu.memory_space<vmem>>)
      tpu.yield
    }) : () -> ()
    %add3A_61 = arith.constant 192 : i32
    %add3A_62 = arith.addi %mul3A_16, %add3A_61 : i32
    "tpu.region"() ({
      %run_scoped3A = tpu.sem_alloc : memref<!tpu.dma_semaphore, #tpu.memory_space<semaphore_mem>>
      %dma_start3A = arith.constant 0 : i32
      %dma_start3A_87 = arith.constant 0 : i32
      %dma_start3A_88 = tpu.memref_slice %arg9[%dma_start3A, %dma_start3A_87] : memref<64x128xf32, #tpu.memory_space<vmem>> -> memref<64x128xf32, #tpu.memory_space<vmem>>
      %dma_start3A_89 = arith.constant 0 : i32
      %dma_start3A_90 = tpu.memref_slice %arg5[%arg0, %add3A_62, %dma_start3A_89] : memref<2x10112x128xf32, #tpu.memory_space<hbm>> -> memref<1x64x128xf32, #tpu.memory_space<hbm>>
      %dma_start3A_91 = tpu.memref_squeeze %dma_start3A_90 : memref<1x64x128xf32, #tpu.memory_space<hbm>> -> memref<64x128xf32, #tpu.memory_space<hbm>>
      %dma_start3A_92 = arith.constant 0 : i32
      %dma_start3A_93 = tpu.memref_slice %arg5[%arg0, %add3A_62, %dma_start3A_92] : memref<2x10112x128xf32, #tpu.memory_space<hbm>> -> memref<1x64x128xf32, #tpu.memory_space<hbm>>
      %dma_start3A_94 = tpu.memref_squeeze %dma_start3A_93 : memref<1x64x128xf32, #tpu.memory_space<hbm>> -> memref<64x128xf32, #tpu.memory_space<hbm>>
      %dma_start3A_95 = arith.constant 0 : i32
      %dma_start3A_96 = arith.constant 0 : i32
      %dma_start3A_97 = tpu.memref_slice %arg9[%dma_start3A_95, %dma_start3A_96] : memref<64x128xf32, #tpu.memory_space<vmem>> -> memref<64x128xf32, #tpu.memory_space<vmem>>
      tpu.enqueue_dma source(%dma_start3A_97 : memref<64x128xf32, #tpu.memory_space<vmem>>) target(%dma_start3A_94 : memref<64x128xf32, #tpu.memory_space<hbm>>) target_semaphore(%run_scoped3A : memref<!tpu.dma_semaphore, #tpu.memory_space<semaphore_mem>>)
      %dma_wait3A = arith.constant 0 : i32
      %dma_wait3A_98 = arith.constant 0 : i32
      %dma_wait3A_99 = tpu.memref_slice %arg9[%dma_wait3A, %dma_wait3A_98] : memref<64x128xf32, #tpu.memory_space<vmem>> -> memref<64x128xf32, #tpu.memory_space<vmem>>
      %dma_wait3A_100 = arith.constant 0 : i32
      %dma_wait3A_101 = tpu.memref_slice %arg5[%arg0, %add3A_62, %dma_wait3A_100] : memref<2x10112x128xf32, #tpu.memory_space<hbm>> -> memref<1x64x128xf32, #tpu.memory_space<hbm>>
      %dma_wait3A_102 = tpu.memref_squeeze %dma_wait3A_101 : memref<1x64x128xf32, #tpu.memory_space<hbm>> -> memref<64x128xf32, #tpu.memory_space<hbm>>
      %dma_wait3A_103 = arith.constant 0 : i32
      %dma_wait3A_104 = tpu.memref_slice %arg5[%arg0, %add3A_62, %dma_wait3A_103] : memref<2x10112x128xf32, #tpu.memory_space<hbm>> -> memref<1x64x128xf32, #tpu.memory_space<hbm>>
      %dma_wait3A_105 = tpu.memref_squeeze %dma_wait3A_104 : memref<1x64x128xf32, #tpu.memory_space<hbm>> -> memref<64x128xf32, #tpu.memory_space<hbm>>
      %dma_wait3A_106 = arith.constant 0 : i32
      %dma_wait3A_107 = arith.constant 0 : i32
      %dma_wait3A_108 = tpu.memref_slice %arg9[%dma_wait3A_106, %dma_wait3A_107] : memref<64x128xf32, #tpu.memory_space<vmem>> -> memref<64x128xf32, #tpu.memory_space<vmem>>
      tpu.wait_dma2 semaphore(%run_scoped3A : memref<!tpu.dma_semaphore, #tpu.memory_space<semaphore_mem>>) src(%dma_wait3A_108 : memref<64x128xf32, #tpu.memory_space<vmem>>) dst(%dma_wait3A_105 : memref<64x128xf32, #tpu.memory_space<hbm>>)
      tpu.yield
    }) : () -> ()
    %add3A_63 = arith.constant 256 : i32
    %add3A_64 = arith.addi %mul3A_16, %add3A_63 : i32
    "tpu.region"() ({
      %run_scoped3A = tpu.sem_alloc : memref<!tpu.dma_semaphore, #tpu.memory_space<semaphore_mem>>
      %dma_start3A = arith.constant 0 : i32
      %dma_start3A_87 = arith.constant 0 : i32
      %dma_start3A_88 = tpu.memref_slice %arg9[%dma_start3A, %dma_start3A_87] : memref<64x128xf32, #tpu.memory_space<vmem>> -> memref<64x128xf32, #tpu.memory_space<vmem>>
      %dma_start3A_89 = arith.constant 0 : i32
      %dma_start3A_90 = tpu.memref_slice %arg11[%add3A_64, %dma_start3A_89] : memref<10112x128xf32, #tpu.memory_space<vmem_shared>> -> memref<64x128xf32, #tpu.memory_space<vmem_shared>>
      %dma_start3A_91 = arith.constant 0 : i32
      %dma_start3A_92 = arith.constant 0 : i32
      %dma_start3A_93 = tpu.memref_slice %arg9[%dma_start3A_91, %dma_start3A_92] : memref<64x128xf32, #tpu.memory_space<vmem>> -> memref<64x128xf32, #tpu.memory_space<vmem>>
      %dma_start3A_94 = arith.constant 0 : i32
      %dma_start3A_95 = tpu.memref_slice %arg11[%add3A_64, %dma_start3A_94] : memref<10112x128xf32, #tpu.memory_space<vmem_shared>> -> memref<64x128xf32, #tpu.memory_space<vmem_shared>>
      tpu.enqueue_dma source(%dma_start3A_95 : memref<64x128xf32, #tpu.memory_space<vmem_shared>>) target(%dma_start3A_93 : memref<64x128xf32, #tpu.memory_space<vmem>>) target_semaphore(%run_scoped3A : memref<!tpu.dma_semaphore, #tpu.memory_space<semaphore_mem>>)
      %dma_wait3A = arith.constant 0 : i32
      %dma_wait3A_96 = arith.constant 0 : i32
      %dma_wait3A_97 = tpu.memref_slice %arg9[%dma_wait3A, %dma_wait3A_96] : memref<64x128xf32, #tpu.memory_space<vmem>> -> memref<64x128xf32, #tpu.memory_space<vmem>>
      %dma_wait3A_98 = arith.constant 0 : i32
      %dma_wait3A_99 = tpu.memref_slice %arg11[%add3A_64, %dma_wait3A_98] : memref<10112x128xf32, #tpu.memory_space<vmem_shared>> -> memref<64x128xf32, #tpu.memory_space<vmem_shared>>
      %dma_wait3A_100 = arith.constant 0 : i32
      %dma_wait3A_101 = arith.constant 0 : i32
      %dma_wait3A_102 = tpu.memref_slice %arg9[%dma_wait3A_100, %dma_wait3A_101] : memref<64x128xf32, #tpu.memory_space<vmem>> -> memref<64x128xf32, #tpu.memory_space<vmem>>
      %dma_wait3A_103 = arith.constant 0 : i32
      %dma_wait3A_104 = tpu.memref_slice %arg11[%add3A_64, %dma_wait3A_103] : memref<10112x128xf32, #tpu.memory_space<vmem_shared>> -> memref<64x128xf32, #tpu.memory_space<vmem_shared>>
      tpu.wait_dma2 semaphore(%run_scoped3A : memref<!tpu.dma_semaphore, #tpu.memory_space<semaphore_mem>>) src(%dma_wait3A_104 : memref<64x128xf32, #tpu.memory_space<vmem_shared>>) dst(%dma_wait3A_102 : memref<64x128xf32, #tpu.memory_space<vmem>>)
      tpu.yield
    }) : () -> ()
    %add3A_65 = arith.constant 256 : i32
    %add3A_66 = arith.addi %mul3A_16, %add3A_65 : i32
    "tpu.region"() ({
      %run_scoped3A = tpu.sem_alloc : memref<!tpu.dma_semaphore, #tpu.memory_space<semaphore_mem>>
      %dma_start3A = arith.constant 0 : i32
      %dma_start3A_87 = arith.constant 0 : i32
      %dma_start3A_88 = tpu.memref_slice %arg9[%dma_start3A, %dma_start3A_87] : memref<64x128xf32, #tpu.memory_space<vmem>> -> memref<64x128xf32, #tpu.memory_space<vmem>>
      %dma_start3A_89 = arith.constant 0 : i32
      %dma_start3A_90 = tpu.memref_slice %arg5[%arg0, %add3A_66, %dma_start3A_89] : memref<2x10112x128xf32, #tpu.memory_space<hbm>> -> memref<1x64x128xf32, #tpu.memory_space<hbm>>
      %dma_start3A_91 = tpu.memref_squeeze %dma_start3A_90 : memref<1x64x128xf32, #tpu.memory_space<hbm>> -> memref<64x128xf32, #tpu.memory_space<hbm>>
      %dma_start3A_92 = arith.constant 0 : i32
      %dma_start3A_93 = tpu.memref_slice %arg5[%arg0, %add3A_66, %dma_start3A_92] : memref<2x10112x128xf32, #tpu.memory_space<hbm>> -> memref<1x64x128xf32, #tpu.memory_space<hbm>>
      %dma_start3A_94 = tpu.memref_squeeze %dma_start3A_93 : memref<1x64x128xf32, #tpu.memory_space<hbm>> -> memref<64x128xf32, #tpu.memory_space<hbm>>
      %dma_start3A_95 = arith.constant 0 : i32
      %dma_start3A_96 = arith.constant 0 : i32
      %dma_start3A_97 = tpu.memref_slice %arg9[%dma_start3A_95, %dma_start3A_96] : memref<64x128xf32, #tpu.memory_space<vmem>> -> memref<64x128xf32, #tpu.memory_space<vmem>>
      tpu.enqueue_dma source(%dma_start3A_97 : memref<64x128xf32, #tpu.memory_space<vmem>>) target(%dma_start3A_94 : memref<64x128xf32, #tpu.memory_space<hbm>>) target_semaphore(%run_scoped3A : memref<!tpu.dma_semaphore, #tpu.memory_space<semaphore_mem>>)
      %dma_wait3A = arith.constant 0 : i32
      %dma_wait3A_98 = arith.constant 0 : i32
      %dma_wait3A_99 = tpu.memref_slice %arg9[%dma_wait3A, %dma_wait3A_98] : memref<64x128xf32, #tpu.memory_space<vmem>> -> memref<64x128xf32, #tpu.memory_space<vmem>>
      %dma_wait3A_100 = arith.constant 0 : i32
      %dma_wait3A_101 = tpu.memref_slice %arg5[%arg0, %add3A_66, %dma_wait3A_100] : memref<2x10112x128xf32, #tpu.memory_space<hbm>> -> memref<1x64x128xf32, #tpu.memory_space<hbm>>
      %dma_wait3A_102 = tpu.memref_squeeze %dma_wait3A_101 : memref<1x64x128xf32, #tpu.memory_space<hbm>> -> memref<64x128xf32, #tpu.memory_space<hbm>>
      %dma_wait3A_103 = arith.constant 0 : i32
      %dma_wait3A_104 = tpu.memref_slice %arg5[%arg0, %add3A_66, %dma_wait3A_103] : memref<2x10112x128xf32, #tpu.memory_space<hbm>> -> memref<1x64x128xf32, #tpu.memory_space<hbm>>
      %dma_wait3A_105 = tpu.memref_squeeze %dma_wait3A_104 : memref<1x64x128xf32, #tpu.memory_space<hbm>> -> memref<64x128xf32, #tpu.memory_space<hbm>>
      %dma_wait3A_106 = arith.constant 0 : i32
      %dma_wait3A_107 = arith.constant 0 : i32
      %dma_wait3A_108 = tpu.memref_slice %arg9[%dma_wait3A_106, %dma_wait3A_107] : memref<64x128xf32, #tpu.memory_space<vmem>> -> memref<64x128xf32, #tpu.memory_space<vmem>>
      tpu.wait_dma2 semaphore(%run_scoped3A : memref<!tpu.dma_semaphore, #tpu.memory_space<semaphore_mem>>) src(%dma_wait3A_108 : memref<64x128xf32, #tpu.memory_space<vmem>>) dst(%dma_wait3A_105 : memref<64x128xf32, #tpu.memory_space<hbm>>)
      tpu.yield
    }) : () -> ()
    %add3A_67 = arith.constant 320 : i32
    %add3A_68 = arith.addi %mul3A_16, %add3A_67 : i32
    "tpu.region"() ({
      %run_scoped3A = tpu.sem_alloc : memref<!tpu.dma_semaphore, #tpu.memory_space<semaphore_mem>>
      %dma_start3A = arith.constant 0 : i32
      %dma_start3A_87 = arith.constant 0 : i32
      %dma_start3A_88 = tpu.memref_slice %arg9[%dma_start3A, %dma_start3A_87] : memref<64x128xf32, #tpu.memory_space<vmem>> -> memref<64x128xf32, #tpu.memory_space<vmem>>
      %dma_start3A_89 = arith.constant 0 : i32
      %dma_start3A_90 = tpu.memref_slice %arg11[%add3A_68, %dma_start3A_89] : memref<10112x128xf32, #tpu.memory_space<vmem_shared>> -> memref<64x128xf32, #tpu.memory_space<vmem_shared>>
      %dma_start3A_91 = arith.constant 0 : i32
      %dma_start3A_92 = arith.constant 0 : i32
      %dma_start3A_93 = tpu.memref_slice %arg9[%dma_start3A_91, %dma_start3A_92] : memref<64x128xf32, #tpu.memory_space<vmem>> -> memref<64x128xf32, #tpu.memory_space<vmem>>
      %dma_start3A_94 = arith.constant 0 : i32
      %dma_start3A_95 = tpu.memref_slice %arg11[%add3A_68, %dma_start3A_94] : memref<10112x128xf32, #tpu.memory_space<vmem_shared>> -> memref<64x128xf32, #tpu.memory_space<vmem_shared>>
      tpu.enqueue_dma source(%dma_start3A_95 : memref<64x128xf32, #tpu.memory_space<vmem_shared>>) target(%dma_start3A_93 : memref<64x128xf32, #tpu.memory_space<vmem>>) target_semaphore(%run_scoped3A : memref<!tpu.dma_semaphore, #tpu.memory_space<semaphore_mem>>)
      %dma_wait3A = arith.constant 0 : i32
      %dma_wait3A_96 = arith.constant 0 : i32
      %dma_wait3A_97 = tpu.memref_slice %arg9[%dma_wait3A, %dma_wait3A_96] : memref<64x128xf32, #tpu.memory_space<vmem>> -> memref<64x128xf32, #tpu.memory_space<vmem>>
      %dma_wait3A_98 = arith.constant 0 : i32
      %dma_wait3A_99 = tpu.memref_slice %arg11[%add3A_68, %dma_wait3A_98] : memref<10112x128xf32, #tpu.memory_space<vmem_shared>> -> memref<64x128xf32, #tpu.memory_space<vmem_shared>>
      %dma_wait3A_100 = arith.constant 0 : i32
      %dma_wait3A_101 = arith.constant 0 : i32
      %dma_wait3A_102 = tpu.memref_slice %arg9[%dma_wait3A_100, %dma_wait3A_101] : memref<64x128xf32, #tpu.memory_space<vmem>> -> memref<64x128xf32, #tpu.memory_space<vmem>>
      %dma_wait3A_103 = arith.constant 0 : i32
      %dma_wait3A_104 = tpu.memref_slice %arg11[%add3A_68, %dma_wait3A_103] : memref<10112x128xf32, #tpu.memory_space<vmem_shared>> -> memref<64x128xf32, #tpu.memory_space<vmem_shared>>
      tpu.wait_dma2 semaphore(%run_scoped3A : memref<!tpu.dma_semaphore, #tpu.memory_space<semaphore_mem>>) src(%dma_wait3A_104 : memref<64x128xf32, #tpu.memory_space<vmem_shared>>) dst(%dma_wait3A_102 : memref<64x128xf32, #tpu.memory_space<vmem>>)
      tpu.yield
    }) : () -> ()
    %add3A_69 = arith.constant 320 : i32
    %add3A_70 = arith.addi %mul3A_16, %add3A_69 : i32
    "tpu.region"() ({
      %run_scoped3A = tpu.sem_alloc : memref<!tpu.dma_semaphore, #tpu.memory_space<semaphore_mem>>
      %dma_start3A = arith.constant 0 : i32
      %dma_start3A_87 = arith.constant 0 : i32
      %dma_start3A_88 = tpu.memref_slice %arg9[%dma_start3A, %dma_start3A_87] : memref<64x128xf32, #tpu.memory_space<vmem>> -> memref<64x128xf32, #tpu.memory_space<vmem>>
      %dma_start3A_89 = arith.constant 0 : i32
      %dma_start3A_90 = tpu.memref_slice %arg5[%arg0, %add3A_70, %dma_start3A_89] : memref<2x10112x128xf32, #tpu.memory_space<hbm>> -> memref<1x64x128xf32, #tpu.memory_space<hbm>>
      %dma_start3A_91 = tpu.memref_squeeze %dma_start3A_90 : memref<1x64x128xf32, #tpu.memory_space<hbm>> -> memref<64x128xf32, #tpu.memory_space<hbm>>
      %dma_start3A_92 = arith.constant 0 : i32
      %dma_start3A_93 = tpu.memref_slice %arg5[%arg0, %add3A_70, %dma_start3A_92] : memref<2x10112x128xf32, #tpu.memory_space<hbm>> -> memref<1x64x128xf32, #tpu.memory_space<hbm>>
      %dma_start3A_94 = tpu.memref_squeeze %dma_start3A_93 : memref<1x64x128xf32, #tpu.memory_space<hbm>> -> memref<64x128xf32, #tpu.memory_space<hbm>>
      %dma_start3A_95 = arith.constant 0 : i32
      %dma_start3A_96 = arith.constant 0 : i32
      %dma_start3A_97 = tpu.memref_slice %arg9[%dma_start3A_95, %dma_start3A_96] : memref<64x128xf32, #tpu.memory_space<vmem>> -> memref<64x128xf32, #tpu.memory_space<vmem>>
      tpu.enqueue_dma source(%dma_start3A_97 : memref<64x128xf32, #tpu.memory_space<vmem>>) target(%dma_start3A_94 : memref<64x128xf32, #tpu.memory_space<hbm>>) target_semaphore(%run_scoped3A : memref<!tpu.dma_semaphore, #tpu.memory_space<semaphore_mem>>)
      %dma_wait3A = arith.constant 0 : i32
      %dma_wait3A_98 = arith.constant 0 : i32
      %dma_wait3A_99 = tpu.memref_slice %arg9[%dma_wait3A, %dma_wait3A_98] : memref<64x128xf32, #tpu.memory_space<vmem>> -> memref<64x128xf32, #tpu.memory_space<vmem>>
      %dma_wait3A_100 = arith.constant 0 : i32
      %dma_wait3A_101 = tpu.memref_slice %arg5[%arg0, %add3A_70, %dma_wait3A_100] : memref<2x10112x128xf32, #tpu.memory_space<hbm>> -> memref<1x64x128xf32, #tpu.memory_space<hbm>>
      %dma_wait3A_102 = tpu.memref_squeeze %dma_wait3A_101 : memref<1x64x128xf32, #tpu.memory_space<hbm>> -> memref<64x128xf32, #tpu.memory_space<hbm>>
      %dma_wait3A_103 = arith.constant 0 : i32
      %dma_wait3A_104 = tpu.memref_slice %arg5[%arg0, %add3A_70, %dma_wait3A_103] : memref<2x10112x128xf32, #tpu.memory_space<hbm>> -> memref<1x64x128xf32, #tpu.memory_space<hbm>>
      %dma_wait3A_105 = tpu.memref_squeeze %dma_wait3A_104 : memref<1x64x128xf32, #tpu.memory_space<hbm>> -> memref<64x128xf32, #tpu.memory_space<hbm>>
      %dma_wait3A_106 = arith.constant 0 : i32
      %dma_wait3A_107 = arith.constant 0 : i32
      %dma_wait3A_108 = tpu.memref_slice %arg9[%dma_wait3A_106, %dma_wait3A_107] : memref<64x128xf32, #tpu.memory_space<vmem>> -> memref<64x128xf32, #tpu.memory_space<vmem>>
      tpu.wait_dma2 semaphore(%run_scoped3A : memref<!tpu.dma_semaphore, #tpu.memory_space<semaphore_mem>>) src(%dma_wait3A_108 : memref<64x128xf32, #tpu.memory_space<vmem>>) dst(%dma_wait3A_105 : memref<64x128xf32, #tpu.memory_space<hbm>>)
      tpu.yield
    }) : () -> ()
    %add3A_71 = arith.constant 384 : i32
    %add3A_72 = arith.addi %mul3A_16, %add3A_71 : i32
    "tpu.region"() ({
      %run_scoped3A = tpu.sem_alloc : memref<!tpu.dma_semaphore, #tpu.memory_space<semaphore_mem>>
      %dma_start3A = arith.constant 0 : i32
      %dma_start3A_87 = arith.constant 0 : i32
      %dma_start3A_88 = tpu.memref_slice %arg9[%dma_start3A, %dma_start3A_87] : memref<64x128xf32, #tpu.memory_space<vmem>> -> memref<64x128xf32, #tpu.memory_space<vmem>>
      %dma_start3A_89 = arith.constant 0 : i32
      %dma_start3A_90 = tpu.memref_slice %arg11[%add3A_72, %dma_start3A_89] : memref<10112x128xf32, #tpu.memory_space<vmem_shared>> -> memref<64x128xf32, #tpu.memory_space<vmem_shared>>
      %dma_start3A_91 = arith.constant 0 : i32
      %dma_start3A_92 = arith.constant 0 : i32
      %dma_start3A_93 = tpu.memref_slice %arg9[%dma_start3A_91, %dma_start3A_92] : memref<64x128xf32, #tpu.memory_space<vmem>> -> memref<64x128xf32, #tpu.memory_space<vmem>>
      %dma_start3A_94 = arith.constant 0 : i32
      %dma_start3A_95 = tpu.memref_slice %arg11[%add3A_72, %dma_start3A_94] : memref<10112x128xf32, #tpu.memory_space<vmem_shared>> -> memref<64x128xf32, #tpu.memory_space<vmem_shared>>
      tpu.enqueue_dma source(%dma_start3A_95 : memref<64x128xf32, #tpu.memory_space<vmem_shared>>) target(%dma_start3A_93 : memref<64x128xf32, #tpu.memory_space<vmem>>) target_semaphore(%run_scoped3A : memref<!tpu.dma_semaphore, #tpu.memory_space<semaphore_mem>>)
      %dma_wait3A = arith.constant 0 : i32
      %dma_wait3A_96 = arith.constant 0 : i32
      %dma_wait3A_97 = tpu.memref_slice %arg9[%dma_wait3A, %dma_wait3A_96] : memref<64x128xf32, #tpu.memory_space<vmem>> -> memref<64x128xf32, #tpu.memory_space<vmem>>
      %dma_wait3A_98 = arith.constant 0 : i32
      %dma_wait3A_99 = tpu.memref_slice %arg11[%add3A_72, %dma_wait3A_98] : memref<10112x128xf32, #tpu.memory_space<vmem_shared>> -> memref<64x128xf32, #tpu.memory_space<vmem_shared>>
      %dma_wait3A_100 = arith.constant 0 : i32
      %dma_wait3A_101 = arith.constant 0 : i32
      %dma_wait3A_102 = tpu.memref_slice %arg9[%dma_wait3A_100, %dma_wait3A_101] : memref<64x128xf32, #tpu.memory_space<vmem>> -> memref<64x128xf32, #tpu.memory_space<vmem>>
      %dma_wait3A_103 = arith.constant 0 : i32
      %dma_wait3A_104 = tpu.memref_slice %arg11[%add3A_72, %dma_wait3A_103] : memref<10112x128xf32, #tpu.memory_space<vmem_shared>> -> memref<64x128xf32, #tpu.memory_space<vmem_shared>>
      tpu.wait_dma2 semaphore(%run_scoped3A : memref<!tpu.dma_semaphore, #tpu.memory_space<semaphore_mem>>) src(%dma_wait3A_104 : memref<64x128xf32, #tpu.memory_space<vmem_shared>>) dst(%dma_wait3A_102 : memref<64x128xf32, #tpu.memory_space<vmem>>)
      tpu.yield
    }) : () -> ()
    %add3A_73 = arith.constant 384 : i32
    %add3A_74 = arith.addi %mul3A_16, %add3A_73 : i32
    "tpu.region"() ({
      %run_scoped3A = tpu.sem_alloc : memref<!tpu.dma_semaphore, #tpu.memory_space<semaphore_mem>>
      %dma_start3A = arith.constant 0 : i32
      %dma_start3A_87 = arith.constant 0 : i32
      %dma_start3A_88 = tpu.memref_slice %arg9[%dma_start3A, %dma_start3A_87] : memref<64x128xf32, #tpu.memory_space<vmem>> -> memref<64x128xf32, #tpu.memory_space<vmem>>
      %dma_start3A_89 = arith.constant 0 : i32
      %dma_start3A_90 = tpu.memref_slice %arg5[%arg0, %add3A_74, %dma_start3A_89] : memref<2x10112x128xf32, #tpu.memory_space<hbm>> -> memref<1x64x128xf32, #tpu.memory_space<hbm>>
      %dma_start3A_91 = tpu.memref_squeeze %dma_start3A_90 : memref<1x64x128xf32, #tpu.memory_space<hbm>> -> memref<64x128xf32, #tpu.memory_space<hbm>>
      %dma_start3A_92 = arith.constant 0 : i32
      %dma_start3A_93 = tpu.memref_slice %arg5[%arg0, %add3A_74, %dma_start3A_92] : memref<2x10112x128xf32, #tpu.memory_space<hbm>> -> memref<1x64x128xf32, #tpu.memory_space<hbm>>
      %dma_start3A_94 = tpu.memref_squeeze %dma_start3A_93 : memref<1x64x128xf32, #tpu.memory_space<hbm>> -> memref<64x128xf32, #tpu.memory_space<hbm>>
      %dma_start3A_95 = arith.constant 0 : i32
      %dma_start3A_96 = arith.constant 0 : i32
      %dma_start3A_97 = tpu.memref_slice %arg9[%dma_start3A_95, %dma_start3A_96] : memref<64x128xf32, #tpu.memory_space<vmem>> -> memref<64x128xf32, #tpu.memory_space<vmem>>
      tpu.enqueue_dma source(%dma_start3A_97 : memref<64x128xf32, #tpu.memory_space<vmem>>) target(%dma_start3A_94 : memref<64x128xf32, #tpu.memory_space<hbm>>) target_semaphore(%run_scoped3A : memref<!tpu.dma_semaphore, #tpu.memory_space<semaphore_mem>>)
      %dma_wait3A = arith.constant 0 : i32
      %dma_wait3A_98 = arith.constant 0 : i32
      %dma_wait3A_99 = tpu.memref_slice %arg9[%dma_wait3A, %dma_wait3A_98] : memref<64x128xf32, #tpu.memory_space<vmem>> -> memref<64x128xf32, #tpu.memory_space<vmem>>
      %dma_wait3A_100 = arith.constant 0 : i32
      %dma_wait3A_101 = tpu.memref_slice %arg5[%arg0, %add3A_74, %dma_wait3A_100] : memref<2x10112x128xf32, #tpu.memory_space<hbm>> -> memref<1x64x128xf32, #tpu.memory_space<hbm>>
      %dma_wait3A_102 = tpu.memref_squeeze %dma_wait3A_101 : memref<1x64x128xf32, #tpu.memory_space<hbm>> -> memref<64x128xf32, #tpu.memory_space<hbm>>
      %dma_wait3A_103 = arith.constant 0 : i32
      %dma_wait3A_104 = tpu.memref_slice %arg5[%arg0, %add3A_74, %dma_wait3A_103] : memref<2x10112x128xf32, #tpu.memory_space<hbm>> -> memref<1x64x128xf32, #tpu.memory_space<hbm>>
      %dma_wait3A_105 = tpu.memref_squeeze %dma_wait3A_104 : memref<1x64x128xf32, #tpu.memory_space<hbm>> -> memref<64x128xf32, #tpu.memory_space<hbm>>
      %dma_wait3A_106 = arith.constant 0 : i32
      %dma_wait3A_107 = arith.constant 0 : i32
      %dma_wait3A_108 = tpu.memref_slice %arg9[%dma_wait3A_106, %dma_wait3A_107] : memref<64x128xf32, #tpu.memory_space<vmem>> -> memref<64x128xf32, #tpu.memory_space<vmem>>
      tpu.wait_dma2 semaphore(%run_scoped3A : memref<!tpu.dma_semaphore, #tpu.memory_space<semaphore_mem>>) src(%dma_wait3A_108 : memref<64x128xf32, #tpu.memory_space<vmem>>) dst(%dma_wait3A_105 : memref<64x128xf32, #tpu.memory_space<hbm>>)
      tpu.yield
    }) : () -> ()
    %add3A_75 = arith.constant 448 : i32
    %add3A_76 = arith.addi %mul3A_16, %add3A_75 : i32
    "tpu.region"() ({
      %run_scoped3A = tpu.sem_alloc : memref<!tpu.dma_semaphore, #tpu.memory_space<semaphore_mem>>
      %dma_start3A = arith.constant 0 : i32
      %dma_start3A_87 = arith.constant 0 : i32
      %dma_start3A_88 = tpu.memref_slice %arg9[%dma_start3A, %dma_start3A_87] : memref<64x128xf32, #tpu.memory_space<vmem>> -> memref<64x128xf32, #tpu.memory_space<vmem>>
      %dma_start3A_89 = arith.constant 0 : i32
      %dma_start3A_90 = tpu.memref_slice %arg11[%add3A_76, %dma_start3A_89] : memref<10112x128xf32, #tpu.memory_space<vmem_shared>> -> memref<64x128xf32, #tpu.memory_space<vmem_shared>>
      %dma_start3A_91 = arith.constant 0 : i32
      %dma_start3A_92 = arith.constant 0 : i32
      %dma_start3A_93 = tpu.memref_slice %arg9[%dma_start3A_91, %dma_start3A_92] : memref<64x128xf32, #tpu.memory_space<vmem>> -> memref<64x128xf32, #tpu.memory_space<vmem>>
      %dma_start3A_94 = arith.constant 0 : i32
      %dma_start3A_95 = tpu.memref_slice %arg11[%add3A_76, %dma_start3A_94] : memref<10112x128xf32, #tpu.memory_space<vmem_shared>> -> memref<64x128xf32, #tpu.memory_space<vmem_shared>>
      tpu.enqueue_dma source(%dma_start3A_95 : memref<64x128xf32, #tpu.memory_space<vmem_shared>>) target(%dma_start3A_93 : memref<64x128xf32, #tpu.memory_space<vmem>>) target_semaphore(%run_scoped3A : memref<!tpu.dma_semaphore, #tpu.memory_space<semaphore_mem>>)
      %dma_wait3A = arith.constant 0 : i32
      %dma_wait3A_96 = arith.constant 0 : i32
      %dma_wait3A_97 = tpu.memref_slice %arg9[%dma_wait3A, %dma_wait3A_96] : memref<64x128xf32, #tpu.memory_space<vmem>> -> memref<64x128xf32, #tpu.memory_space<vmem>>
      %dma_wait3A_98 = arith.constant 0 : i32
      %dma_wait3A_99 = tpu.memref_slice %arg11[%add3A_76, %dma_wait3A_98] : memref<10112x128xf32, #tpu.memory_space<vmem_shared>> -> memref<64x128xf32, #tpu.memory_space<vmem_shared>>
      %dma_wait3A_100 = arith.constant 0 : i32
      %dma_wait3A_101 = arith.constant 0 : i32
      %dma_wait3A_102 = tpu.memref_slice %arg9[%dma_wait3A_100, %dma_wait3A_101] : memref<64x128xf32, #tpu.memory_space<vmem>> -> memref<64x128xf32, #tpu.memory_space<vmem>>
      %dma_wait3A_103 = arith.constant 0 : i32
      %dma_wait3A_104 = tpu.memref_slice %arg11[%add3A_76, %dma_wait3A_103] : memref<10112x128xf32, #tpu.memory_space<vmem_shared>> -> memref<64x128xf32, #tpu.memory_space<vmem_shared>>
      tpu.wait_dma2 semaphore(%run_scoped3A : memref<!tpu.dma_semaphore, #tpu.memory_space<semaphore_mem>>) src(%dma_wait3A_104 : memref<64x128xf32, #tpu.memory_space<vmem_shared>>) dst(%dma_wait3A_102 : memref<64x128xf32, #tpu.memory_space<vmem>>)
      tpu.yield
    }) : () -> ()
    %add3A_77 = arith.constant 448 : i32
    %add3A_78 = arith.addi %mul3A_16, %add3A_77 : i32
    "tpu.region"() ({
      %run_scoped3A = tpu.sem_alloc : memref<!tpu.dma_semaphore, #tpu.memory_space<semaphore_mem>>
      %dma_start3A = arith.constant 0 : i32
      %dma_start3A_87 = arith.constant 0 : i32
      %dma_start3A_88 = tpu.memref_slice %arg9[%dma_start3A, %dma_start3A_87] : memref<64x128xf32, #tpu.memory_space<vmem>> -> memref<64x128xf32, #tpu.memory_space<vmem>>
      %dma_start3A_89 = arith.constant 0 : i32
      %dma_start3A_90 = tpu.memref_slice %arg5[%arg0, %add3A_78, %dma_start3A_89] : memref<2x10112x128xf32, #tpu.memory_space<hbm>> -> memref<1x64x128xf32, #tpu.memory_space<hbm>>
      %dma_start3A_91 = tpu.memref_squeeze %dma_start3A_90 : memref<1x64x128xf32, #tpu.memory_space<hbm>> -> memref<64x128xf32, #tpu.memory_space<hbm>>
      %dma_start3A_92 = arith.constant 0 : i32
      %dma_start3A_93 = tpu.memref_slice %arg5[%arg0, %add3A_78, %dma_start3A_92] : memref<2x10112x128xf32, #tpu.memory_space<hbm>> -> memref<1x64x128xf32, #tpu.memory_space<hbm>>
      %dma_start3A_94 = tpu.memref_squeeze %dma_start3A_93 : memref<1x64x128xf32, #tpu.memory_space<hbm>> -> memref<64x128xf32, #tpu.memory_space<hbm>>
      %dma_start3A_95 = arith.constant 0 : i32
      %dma_start3A_96 = arith.constant 0 : i32
      %dma_start3A_97 = tpu.memref_slice %arg9[%dma_start3A_95, %dma_start3A_96] : memref<64x128xf32, #tpu.memory_space<vmem>> -> memref<64x128xf32, #tpu.memory_space<vmem>>
      tpu.enqueue_dma source(%dma_start3A_97 : memref<64x128xf32, #tpu.memory_space<vmem>>) target(%dma_start3A_94 : memref<64x128xf32, #tpu.memory_space<hbm>>) target_semaphore(%run_scoped3A : memref<!tpu.dma_semaphore, #tpu.memory_space<semaphore_mem>>)
      %dma_wait3A = arith.constant 0 : i32
      %dma_wait3A_98 = arith.constant 0 : i32
      %dma_wait3A_99 = tpu.memref_slice %arg9[%dma_wait3A, %dma_wait3A_98] : memref<64x128xf32, #tpu.memory_space<vmem>> -> memref<64x128xf32, #tpu.memory_space<vmem>>
      %dma_wait3A_100 = arith.constant 0 : i32
      %dma_wait3A_101 = tpu.memref_slice %arg5[%arg0, %add3A_78, %dma_wait3A_100] : memref<2x10112x128xf32, #tpu.memory_space<hbm>> -> memref<1x64x128xf32, #tpu.memory_space<hbm>>
      %dma_wait3A_102 = tpu.memref_squeeze %dma_wait3A_101 : memref<1x64x128xf32, #tpu.memory_space<hbm>> -> memref<64x128xf32, #tpu.memory_space<hbm>>
      %dma_wait3A_103 = arith.constant 0 : i32
      %dma_wait3A_104 = tpu.memref_slice %arg5[%arg0, %add3A_78, %dma_wait3A_103] : memref<2x10112x128xf32, #tpu.memory_space<hbm>> -> memref<1x64x128xf32, #tpu.memory_space<hbm>>
      %dma_wait3A_105 = tpu.memref_squeeze %dma_wait3A_104 : memref<1x64x128xf32, #tpu.memory_space<hbm>> -> memref<64x128xf32, #tpu.memory_space<hbm>>
      %dma_wait3A_106 = arith.constant 0 : i32
      %dma_wait3A_107 = arith.constant 0 : i32
      %dma_wait3A_108 = tpu.memref_slice %arg9[%dma_wait3A_106, %dma_wait3A_107] : memref<64x128xf32, #tpu.memory_space<vmem>> -> memref<64x128xf32, #tpu.memory_space<vmem>>
      tpu.wait_dma2 semaphore(%run_scoped3A : memref<!tpu.dma_semaphore, #tpu.memory_space<semaphore_mem>>) src(%dma_wait3A_108 : memref<64x128xf32, #tpu.memory_space<vmem>>) dst(%dma_wait3A_105 : memref<64x128xf32, #tpu.memory_space<hbm>>)
      tpu.yield
    }) : () -> ()
    %add3A_79 = arith.constant 512 : i32
    %add3A_80 = arith.addi %mul3A_16, %add3A_79 : i32
    "tpu.region"() ({
      %run_scoped3A = tpu.sem_alloc : memref<!tpu.dma_semaphore, #tpu.memory_space<semaphore_mem>>
      %dma_start3A = arith.constant 0 : i32
      %dma_start3A_87 = arith.constant 0 : i32
      %dma_start3A_88 = tpu.memref_slice %arg9[%dma_start3A, %dma_start3A_87] : memref<64x128xf32, #tpu.memory_space<vmem>> -> memref<64x128xf32, #tpu.memory_space<vmem>>
      %dma_start3A_89 = arith.constant 0 : i32
      %dma_start3A_90 = tpu.memref_slice %arg11[%add3A_80, %dma_start3A_89] : memref<10112x128xf32, #tpu.memory_space<vmem_shared>> -> memref<64x128xf32, #tpu.memory_space<vmem_shared>>
      %dma_start3A_91 = arith.constant 0 : i32
      %dma_start3A_92 = arith.constant 0 : i32
      %dma_start3A_93 = tpu.memref_slice %arg9[%dma_start3A_91, %dma_start3A_92] : memref<64x128xf32, #tpu.memory_space<vmem>> -> memref<64x128xf32, #tpu.memory_space<vmem>>
      %dma_start3A_94 = arith.constant 0 : i32
      %dma_start3A_95 = tpu.memref_slice %arg11[%add3A_80, %dma_start3A_94] : memref<10112x128xf32, #tpu.memory_space<vmem_shared>> -> memref<64x128xf32, #tpu.memory_space<vmem_shared>>
      tpu.enqueue_dma source(%dma_start3A_95 : memref<64x128xf32, #tpu.memory_space<vmem_shared>>) target(%dma_start3A_93 : memref<64x128xf32, #tpu.memory_space<vmem>>) target_semaphore(%run_scoped3A : memref<!tpu.dma_semaphore, #tpu.memory_space<semaphore_mem>>)
      %dma_wait3A = arith.constant 0 : i32
      %dma_wait3A_96 = arith.constant 0 : i32
      %dma_wait3A_97 = tpu.memref_slice %arg9[%dma_wait3A, %dma_wait3A_96] : memref<64x128xf32, #tpu.memory_space<vmem>> -> memref<64x128xf32, #tpu.memory_space<vmem>>
      %dma_wait3A_98 = arith.constant 0 : i32
      %dma_wait3A_99 = tpu.memref_slice %arg11[%add3A_80, %dma_wait3A_98] : memref<10112x128xf32, #tpu.memory_space<vmem_shared>> -> memref<64x128xf32, #tpu.memory_space<vmem_shared>>
      %dma_wait3A_100 = arith.constant 0 : i32
      %dma_wait3A_101 = arith.constant 0 : i32
      %dma_wait3A_102 = tpu.memref_slice %arg9[%dma_wait3A_100, %dma_wait3A_101] : memref<64x128xf32, #tpu.memory_space<vmem>> -> memref<64x128xf32, #tpu.memory_space<vmem>>
      %dma_wait3A_103 = arith.constant 0 : i32
      %dma_wait3A_104 = tpu.memref_slice %arg11[%add3A_80, %dma_wait3A_103] : memref<10112x128xf32, #tpu.memory_space<vmem_shared>> -> memref<64x128xf32, #tpu.memory_space<vmem_shared>>
      tpu.wait_dma2 semaphore(%run_scoped3A : memref<!tpu.dma_semaphore, #tpu.memory_space<semaphore_mem>>) src(%dma_wait3A_104 : memref<64x128xf32, #tpu.memory_space<vmem_shared>>) dst(%dma_wait3A_102 : memref<64x128xf32, #tpu.memory_space<vmem>>)
      tpu.yield
    }) : () -> ()
    %add3A_81 = arith.constant 512 : i32
    %add3A_82 = arith.addi %mul3A_16, %add3A_81 : i32
    "tpu.region"() ({
      %run_scoped3A = tpu.sem_alloc : memref<!tpu.dma_semaphore, #tpu.memory_space<semaphore_mem>>
      %dma_start3A = arith.constant 0 : i32
      %dma_start3A_87 = arith.constant 0 : i32
      %dma_start3A_88 = tpu.memref_slice %arg9[%dma_start3A, %dma_start3A_87] : memref<64x128xf32, #tpu.memory_space<vmem>> -> memref<64x128xf32, #tpu.memory_space<vmem>>
      %dma_start3A_89 = arith.constant 0 : i32
      %dma_start3A_90 = tpu.memref_slice %arg5[%arg0, %add3A_82, %dma_start3A_89] : memref<2x10112x128xf32, #tpu.memory_space<hbm>> -> memref<1x64x128xf32, #tpu.memory_space<hbm>>
      %dma_start3A_91 = tpu.memref_squeeze %dma_start3A_90 : memref<1x64x128xf32, #tpu.memory_space<hbm>> -> memref<64x128xf32, #tpu.memory_space<hbm>>
      %dma_start3A_92 = arith.constant 0 : i32
      %dma_start3A_93 = tpu.memref_slice %arg5[%arg0, %add3A_82, %dma_start3A_92] : memref<2x10112x128xf32, #tpu.memory_space<hbm>> -> memref<1x64x128xf32, #tpu.memory_space<hbm>>
      %dma_start3A_94 = tpu.memref_squeeze %dma_start3A_93 : memref<1x64x128xf32, #tpu.memory_space<hbm>> -> memref<64x128xf32, #tpu.memory_space<hbm>>
      %dma_start3A_95 = arith.constant 0 : i32
      %dma_start3A_96 = arith.constant 0 : i32
      %dma_start3A_97 = tpu.memref_slice %arg9[%dma_start3A_95, %dma_start3A_96] : memref<64x128xf32, #tpu.memory_space<vmem>> -> memref<64x128xf32, #tpu.memory_space<vmem>>
      tpu.enqueue_dma source(%dma_start3A_97 : memref<64x128xf32, #tpu.memory_space<vmem>>) target(%dma_start3A_94 : memref<64x128xf32, #tpu.memory_space<hbm>>) target_semaphore(%run_scoped3A : memref<!tpu.dma_semaphore, #tpu.memory_space<semaphore_mem>>)
      %dma_wait3A = arith.constant 0 : i32
      %dma_wait3A_98 = arith.constant 0 : i32
      %dma_wait3A_99 = tpu.memref_slice %arg9[%dma_wait3A, %dma_wait3A_98] : memref<64x128xf32, #tpu.memory_space<vmem>> -> memref<64x128xf32, #tpu.memory_space<vmem>>
      %dma_wait3A_100 = arith.constant 0 : i32
      %dma_wait3A_101 = tpu.memref_slice %arg5[%arg0, %add3A_82, %dma_wait3A_100] : memref<2x10112x128xf32, #tpu.memory_space<hbm>> -> memref<1x64x128xf32, #tpu.memory_space<hbm>>
      %dma_wait3A_102 = tpu.memref_squeeze %dma_wait3A_101 : memref<1x64x128xf32, #tpu.memory_space<hbm>> -> memref<64x128xf32, #tpu.memory_space<hbm>>
      %dma_wait3A_103 = arith.constant 0 : i32
      %dma_wait3A_104 = tpu.memref_slice %arg5[%arg0, %add3A_82, %dma_wait3A_103] : memref<2x10112x128xf32, #tpu.memory_space<hbm>> -> memref<1x64x128xf32, #tpu.memory_space<hbm>>
      %dma_wait3A_105 = tpu.memref_squeeze %dma_wait3A_104 : memref<1x64x128xf32, #tpu.memory_space<hbm>> -> memref<64x128xf32, #tpu.memory_space<hbm>>
      %dma_wait3A_106 = arith.constant 0 : i32
      %dma_wait3A_107 = arith.constant 0 : i32
      %dma_wait3A_108 = tpu.memref_slice %arg9[%dma_wait3A_106, %dma_wait3A_107] : memref<64x128xf32, #tpu.memory_space<vmem>> -> memref<64x128xf32, #tpu.memory_space<vmem>>
      tpu.wait_dma2 semaphore(%run_scoped3A : memref<!tpu.dma_semaphore, #tpu.memory_space<semaphore_mem>>) src(%dma_wait3A_108 : memref<64x128xf32, #tpu.memory_space<vmem>>) dst(%dma_wait3A_105 : memref<64x128xf32, #tpu.memory_space<hbm>>)
      tpu.yield
    }) : () -> ()
    %add3A_83 = arith.constant 576 : i32
    %add3A_84 = arith.addi %mul3A_16, %add3A_83 : i32
    "tpu.region"() ({
      %run_scoped3A = tpu.sem_alloc : memref<!tpu.dma_semaphore, #tpu.memory_space<semaphore_mem>>
      %dma_start3A = arith.constant 0 : i32
      %dma_start3A_87 = arith.constant 0 : i32
      %dma_start3A_88 = tpu.memref_slice %arg9[%dma_start3A, %dma_start3A_87] : memref<64x128xf32, #tpu.memory_space<vmem>> -> memref<56x128xf32, #tpu.memory_space<vmem>>
      %dma_start3A_89 = arith.constant 0 : i32
      %dma_start3A_90 = tpu.memref_slice %arg11[%add3A_84, %dma_start3A_89] : memref<10112x128xf32, #tpu.memory_space<vmem_shared>> -> memref<56x128xf32, #tpu.memory_space<vmem_shared>>
      %dma_start3A_91 = arith.constant 0 : i32
      %dma_start3A_92 = arith.constant 0 : i32
      %dma_start3A_93 = tpu.memref_slice %arg9[%dma_start3A_91, %dma_start3A_92] : memref<64x128xf32, #tpu.memory_space<vmem>> -> memref<56x128xf32, #tpu.memory_space<vmem>>
      %dma_start3A_94 = arith.constant 0 : i32
      %dma_start3A_95 = tpu.memref_slice %arg11[%add3A_84, %dma_start3A_94] : memref<10112x128xf32, #tpu.memory_space<vmem_shared>> -> memref<56x128xf32, #tpu.memory_space<vmem_shared>>
      tpu.enqueue_dma source(%dma_start3A_95 : memref<56x128xf32, #tpu.memory_space<vmem_shared>>) target(%dma_start3A_93 : memref<56x128xf32, #tpu.memory_space<vmem>>) target_semaphore(%run_scoped3A : memref<!tpu.dma_semaphore, #tpu.memory_space<semaphore_mem>>)
      %dma_wait3A = arith.constant 0 : i32
      %dma_wait3A_96 = arith.constant 0 : i32
      %dma_wait3A_97 = tpu.memref_slice %arg9[%dma_wait3A, %dma_wait3A_96] : memref<64x128xf32, #tpu.memory_space<vmem>> -> memref<56x128xf32, #tpu.memory_space<vmem>>
      %dma_wait3A_98 = arith.constant 0 : i32
      %dma_wait3A_99 = tpu.memref_slice %arg11[%add3A_84, %dma_wait3A_98] : memref<10112x128xf32, #tpu.memory_space<vmem_shared>> -> memref<56x128xf32, #tpu.memory_space<vmem_shared>>
      %dma_wait3A_100 = arith.constant 0 : i32
      %dma_wait3A_101 = arith.constant 0 : i32
      %dma_wait3A_102 = tpu.memref_slice %arg9[%dma_wait3A_100, %dma_wait3A_101] : memref<64x128xf32, #tpu.memory_space<vmem>> -> memref<56x128xf32, #tpu.memory_space<vmem>>
      %dma_wait3A_103 = arith.constant 0 : i32
      %dma_wait3A_104 = tpu.memref_slice %arg11[%add3A_84, %dma_wait3A_103] : memref<10112x128xf32, #tpu.memory_space<vmem_shared>> -> memref<56x128xf32, #tpu.memory_space<vmem_shared>>
      tpu.wait_dma2 semaphore(%run_scoped3A : memref<!tpu.dma_semaphore, #tpu.memory_space<semaphore_mem>>) src(%dma_wait3A_104 : memref<56x128xf32, #tpu.memory_space<vmem_shared>>) dst(%dma_wait3A_102 : memref<56x128xf32, #tpu.memory_space<vmem>>)
      tpu.yield
    }) : () -> ()
    %add3A_85 = arith.constant 576 : i32
    %add3A_86 = arith.addi %mul3A_16, %add3A_85 : i32
    "tpu.region"() ({
      %run_scoped3A = tpu.sem_alloc : memref<!tpu.dma_semaphore, #tpu.memory_space<semaphore_mem>>
      %dma_start3A = arith.constant 0 : i32
      %dma_start3A_87 = arith.constant 0 : i32
      %dma_start3A_88 = tpu.memref_slice %arg9[%dma_start3A, %dma_start3A_87] : memref<64x128xf32, #tpu.memory_space<vmem>> -> memref<56x128xf32, #tpu.memory_space<vmem>>
      %dma_start3A_89 = arith.constant 0 : i32
      %dma_start3A_90 = tpu.memref_slice %arg5[%arg0, %add3A_86, %dma_start3A_89] : memref<2x10112x128xf32, #tpu.memory_space<hbm>> -> memref<1x56x128xf32, #tpu.memory_space<hbm>>
      %dma_start3A_91 = tpu.memref_squeeze %dma_start3A_90 : memref<1x56x128xf32, #tpu.memory_space<hbm>> -> memref<56x128xf32, #tpu.memory_space<hbm>>
      %dma_start3A_92 = arith.constant 0 : i32
      %dma_start3A_93 = tpu.memref_slice %arg5[%arg0, %add3A_86, %dma_start3A_92] : memref<2x10112x128xf32, #tpu.memory_space<hbm>> -> memref<1x56x128xf32, #tpu.memory_space<hbm>>
      %dma_start3A_94 = tpu.memref_squeeze %dma_start3A_93 : memref<1x56x128xf32, #tpu.memory_space<hbm>> -> memref<56x128xf32, #tpu.memory_space<hbm>>
      %dma_start3A_95 = arith.constant 0 : i32
      %dma_start3A_96 = arith.constant 0 : i32
      %dma_start3A_97 = tpu.memref_slice %arg9[%dma_start3A_95, %dma_start3A_96] : memref<64x128xf32, #tpu.memory_space<vmem>> -> memref<56x128xf32, #tpu.memory_space<vmem>>
      tpu.enqueue_dma source(%dma_start3A_97 : memref<56x128xf32, #tpu.memory_space<vmem>>) target(%dma_start3A_94 : memref<56x128xf32, #tpu.memory_space<hbm>>) target_semaphore(%run_scoped3A : memref<!tpu.dma_semaphore, #tpu.memory_space<semaphore_mem>>)
      %dma_wait3A = arith.constant 0 : i32
      %dma_wait3A_98 = arith.constant 0 : i32
      %dma_wait3A_99 = tpu.memref_slice %arg9[%dma_wait3A, %dma_wait3A_98] : memref<64x128xf32, #tpu.memory_space<vmem>> -> memref<56x128xf32, #tpu.memory_space<vmem>>
      %dma_wait3A_100 = arith.constant 0 : i32
      %dma_wait3A_101 = tpu.memref_slice %arg5[%arg0, %add3A_86, %dma_wait3A_100] : memref<2x10112x128xf32, #tpu.memory_space<hbm>> -> memref<1x56x128xf32, #tpu.memory_space<hbm>>
      %dma_wait3A_102 = tpu.memref_squeeze %dma_wait3A_101 : memref<1x56x128xf32, #tpu.memory_space<hbm>> -> memref<56x128xf32, #tpu.memory_space<hbm>>
      %dma_wait3A_103 = arith.constant 0 : i32
      %dma_wait3A_104 = tpu.memref_slice %arg5[%arg0, %add3A_86, %dma_wait3A_103] : memref<2x10112x128xf32, #tpu.memory_space<hbm>> -> memref<1x56x128xf32, #tpu.memory_space<hbm>>
      %dma_wait3A_105 = tpu.memref_squeeze %dma_wait3A_104 : memref<1x56x128xf32, #tpu.memory_space<hbm>> -> memref<56x128xf32, #tpu.memory_space<hbm>>
      %dma_wait3A_106 = arith.constant 0 : i32
      %dma_wait3A_107 = arith.constant 0 : i32
      %dma_wait3A_108 = tpu.memref_slice %arg9[%dma_wait3A_106, %dma_wait3A_107] : memref<64x128xf32, #tpu.memory_space<vmem>> -> memref<56x128xf32, #tpu.memory_space<vmem>>
      tpu.wait_dma2 semaphore(%run_scoped3A : memref<!tpu.dma_semaphore, #tpu.memory_space<semaphore_mem>>) src(%dma_wait3A_108 : memref<56x128xf32, #tpu.memory_space<vmem>>) dst(%dma_wait3A_105 : memref<56x128xf32, #tpu.memory_space<hbm>>)
      tpu.yield
    }) : () -> ()
    return
  }
}

module attributes {stable_mosaic.version = 14 : i64} {
  func.func @_tc_body(%arg0: i32, %arg1: memref<2x400x128xf32, #tpu.memory_space<vmem>>, %arg2: memref<2x400x128xf32, #tpu.memory_space<vmem>>, %arg3: memref<400x128xf32, #tpu.memory_space<vmem>>, %arg4: memref<128x128xf32, #tpu.memory_space<vmem>>, %arg5: memref<1x128xf32, #tpu.memory_space<vmem>>, %arg6: memref<128x128xf32, #tpu.memory_space<vmem>>, %arg7: memref<400x128xf32, #tpu.memory_space<vmem>>) attributes {dimension_semantics = [#tpu.dimension_semantics<arbitrary>], iteration_bounds = array<i64: 25>, scalar_prefetch = 0 : i64, scratch_operands = 0 : i64, tpu.core_type = #tpu.core_type<tc>, window_params = [{transform_indices = @transform_0, window_bounds = array<i64: 2, 400, 128>}, {transform_indices = @transform_1, window_bounds = array<i64: 2, 400, 128>}, {transform_indices = @transform_2, window_bounds = array<i64: 400, 128>}, {pipeline_mode = #tpu.pipeline_mode<synchronous>, transform_indices = @transform_3, window_bounds = array<i64: 128, 128>}, {pipeline_mode = #tpu.pipeline_mode<synchronous>, transform_indices = @transform_4, window_bounds = array<i64: 1, 128>}, {pipeline_mode = #tpu.pipeline_mode<synchronous>, transform_indices = @transform_5, window_bounds = array<i64: 128, 128>}, {transform_indices = @transform_6, window_bounds = array<i64: 400, 128>}]} {
    %get3A = arith.constant 0 : index
    %get3A_0 = arith.constant 0 : index
    %get3A_1 = arith.constant 0 : index
    %get3A_2 = vector.load %arg1[%get3A, %get3A_0, %get3A_1] : memref<2x400x128xf32, #tpu.memory_space<vmem>>, vector<1x400x128xf32>
    %get3A_3 = vector.shape_cast %get3A_2 : vector<1x400x128xf32> to vector<400x128xf32>
    %get3A_4 = arith.constant 1 : index
    %get3A_5 = arith.constant 0 : index
    %get3A_6 = arith.constant 0 : index
    %get3A_7 = vector.load %arg1[%get3A_4, %get3A_5, %get3A_6] : memref<2x400x128xf32, #tpu.memory_space<vmem>>, vector<1x400x128xf32>
    %get3A_8 = vector.shape_cast %get3A_7 : vector<1x400x128xf32> to vector<400x128xf32>
    %add3A = arith.addf %get3A_3, %get3A_8 : vector<400x128xf32>
    %get3A_9 = arith.constant 0 : index
    %get3A_10 = arith.constant 0 : index
    %get3A_11 = arith.constant 0 : index
    %get3A_12 = vector.load %arg2[%get3A_9, %get3A_10, %get3A_11] : memref<2x400x128xf32, #tpu.memory_space<vmem>>, vector<1x400x1xf32>
    %get3A_13 = vector.shape_cast %get3A_12 : vector<1x400x1xf32> to vector<400x1xf32>
    %get3A_14 = arith.constant 1 : index
    %get3A_15 = arith.constant 0 : index
    %get3A_16 = arith.constant 0 : index
    %get3A_17 = vector.load %arg2[%get3A_14, %get3A_15, %get3A_16] : memref<2x400x128xf32, #tpu.memory_space<vmem>>, vector<1x400x1xf32>
    %get3A_18 = vector.shape_cast %get3A_17 : vector<1x400x1xf32> to vector<400x1xf32>
    %add3A_19 = arith.addf %get3A_13, %get3A_18 : vector<400x1xf32>
    %max3A = arith.constant 1.000000e+00 : f32
    %max3A_20 = vector.broadcast %max3A : f32 to vector<400x1xf32>
    %max3A_21 = arith.maximumf %add3A_19, %max3A_20 : vector<400x1xf32>
    %div3A = vector.broadcast %max3A_21 : vector<400x1xf32> to vector<400x128xf32>
    %div3A_22 = arith.divf %add3A, %div3A : vector<400x128xf32>
    %get3A_23 = arith.constant 0 : index
    %get3A_24 = arith.constant 0 : index
    %get3A_25 = vector.load %arg4[%get3A_23, %get3A_24] : memref<128x128xf32, #tpu.memory_space<vmem>>, vector<128x128xf32>
    %dot_general3A = arith.constant dense<0.000000e+00> : vector<400x128xf32>
    %dot_general3A_26 = tpu.matmul %div3A_22, %get3A_25, %dot_general3A {dimension_numbers = #tpu.dot_dimension_numbers<[1], [0], [0], [1], [0, 0, 1, 1], [], []>, precision = #tpu.contract_precision<fp32>, transpose_lhs_hint = false} : vector<400x128xf32>, vector<128x128xf32>, vector<400x128xf32> -> vector<400x128xf32>
    %get3A_27 = arith.constant 0 : index
    %get3A_28 = arith.constant 0 : index
    %get3A_29 = vector.load %arg5[%get3A_27, %get3A_28] : memref<1x128xf32, #tpu.memory_space<vmem>>, vector<1x128xf32>
    %add3A_30 = vector.broadcast %get3A_29 : vector<1x128xf32> to vector<400x128xf32>
    %add3A_31 = arith.addf %dot_general3A_26, %add3A_30 : vector<400x128xf32>
    %get3A_32 = arith.constant 0 : index
    %get3A_33 = arith.constant 0 : index
    %get3A_34 = vector.load %arg3[%get3A_32, %get3A_33] : memref<400x128xf32, #tpu.memory_space<vmem>>, vector<400x128xf32>
    %get3A_35 = arith.constant 0 : index
    %get3A_36 = arith.constant 0 : index
    %get3A_37 = vector.load %arg6[%get3A_35, %get3A_36] : memref<128x128xf32, #tpu.memory_space<vmem>>, vector<128x128xf32>
    %dot_general3A_38 = arith.constant dense<0.000000e+00> : vector<400x128xf32>
    %dot_general3A_39 = tpu.matmul %get3A_34, %get3A_37, %dot_general3A_38 {dimension_numbers = #tpu.dot_dimension_numbers<[1], [0], [0], [1], [0, 0, 1, 1], [], []>, precision = #tpu.contract_precision<fp32>, transpose_lhs_hint = false} : vector<400x128xf32>, vector<128x128xf32>, vector<400x128xf32> -> vector<400x128xf32>
    %add3A_40 = arith.addf %add3A_31, %dot_general3A_39 : vector<400x128xf32>
    %mul3A = arith.mulf %add3A_40, %add3A_40 : vector<400x128xf32>
    %reduce_sum3A = arith.constant dense<0.000000e+00> : vector<400xf32>
    %reduce_sum3A_41 = vector.multi_reduction <add>, %mul3A, %reduce_sum3A [1] : vector<400x128xf32> to vector<400xf32>
    %broadcast_in_dim3A = vector.shape_cast %reduce_sum3A_41 : vector<400xf32> to vector<400x1xf32>
    %sqrt3A = math.sqrt %broadcast_in_dim3A : vector<400x1xf32>
    %max3A_42 = arith.constant 9.99999996E-13 : f32
    %max3A_43 = vector.broadcast %max3A_42 : f32 to vector<400x1xf32>
    %max3A_44 = arith.maximumf %sqrt3A, %max3A_43 : vector<400x1xf32>
    %div3A_45 = vector.broadcast %max3A_44 : vector<400x1xf32> to vector<400x128xf32>
    %div3A_46 = arith.divf %add3A_40, %div3A_45 : vector<400x128xf32>
    %max3A_47 = arith.constant 0.000000e+00 : f32
    %max3A_48 = vector.broadcast %max3A_47 : f32 to vector<400x128xf32>
    %max3A_49 = arith.maximumf %div3A_46, %max3A_48 : vector<400x128xf32>
    %swap3A = arith.constant 0 : index
    %swap3A_50 = arith.constant 0 : index
    %swap3A_51 = vector.load %arg7[%swap3A, %swap3A_50] : memref<400x128xf32, #tpu.memory_space<vmem>>, vector<400x128xf32>
    tpu.vector_store %arg7[%swap3A, %swap3A_50], %max3A_49 {strides = array<i32>} : memref<400x128xf32, #tpu.memory_space<vmem>>, vector<400x128xf32>,
    return
  }
  func.func @transform_0(%arg0: i32) -> (i32, i32, i32) {
    %c0_i32 = arith.constant 0 : i32
    %c0_i32_0 = arith.constant 0 : i32
    %c0_i32_1 = arith.constant 0 : i32
    return %c0_i32, %arg0, %c0_i32_0 : i32, i32, i32
  }
  func.func @transform_1(%arg0: i32) -> (i32, i32, i32) {
    %c0_i32 = arith.constant 0 : i32
    %c0_i32_0 = arith.constant 0 : i32
    %c0_i32_1 = arith.constant 0 : i32
    return %c0_i32, %arg0, %c0_i32_0 : i32, i32, i32
  }
  func.func @transform_2(%arg0: i32) -> (i32, i32) {
    %c0_i32 = arith.constant 0 : i32
    %c0_i32_0 = arith.constant 0 : i32
    return %arg0, %c0_i32 : i32, i32
  }
  func.func @transform_3(%arg0: i32) -> (i32, i32) {
    %c0_i32 = arith.constant 0 : i32
    %c0_i32_0 = arith.constant 0 : i32
    %c0_i32_1 = arith.constant 0 : i32
    return %c0_i32, %c0_i32_0 : i32, i32
  }
  func.func @transform_4(%arg0: i32) -> (i32, i32) {
    %c0_i32 = arith.constant 0 : i32
    %c0_i32_0 = arith.constant 0 : i32
    %c0_i32_1 = arith.constant 0 : i32
    return %c0_i32, %c0_i32_0 : i32, i32
  }
  func.func @transform_5(%arg0: i32) -> (i32, i32) {
    %c0_i32 = arith.constant 0 : i32
    %c0_i32_0 = arith.constant 0 : i32
    %c0_i32_1 = arith.constant 0 : i32
    return %c0_i32, %c0_i32_0 : i32, i32
  }
  func.func @transform_6(%arg0: i32) -> (i32, i32) {
    %c0_i32 = arith.constant 0 : i32
    %c0_i32_0 = arith.constant 0 : i32
    return %arg0, %c0_i32 : i32, i32
  }
}

module attributes {stable_mosaic.version = 14 : i64} {
  func.func @_tc_body(%arg0: i32, %arg1: memref<2x400x128xf32, #tpu.memory_space<vmem>>, %arg2: memref<2x400x128xf32, #tpu.memory_space<vmem>>, %arg3: memref<400x128xf32, #tpu.memory_space<vmem>>, %arg4: memref<128x128xf32, #tpu.memory_space<vmem>>, %arg5: memref<1x128xf32, #tpu.memory_space<vmem>>, %arg6: memref<128x128xf32, #tpu.memory_space<vmem>>, %arg7: memref<400x128xf32, #tpu.memory_space<vmem>>) attributes {dimension_semantics = [#tpu.dimension_semantics<arbitrary>], iteration_bounds = array<i64: 25>, scalar_prefetch = 0 : i64, scratch_operands = 0 : i64, tpu.core_type = #tpu.core_type<tc>, window_params = [{transform_indices = @transform_0, window_bounds = array<i64: 2, 400, 128>}, {transform_indices = @transform_1, window_bounds = array<i64: 2, 400, 128>}, {transform_indices = @transform_2, window_bounds = array<i64: 400, 128>}, {pipeline_mode = #tpu.pipeline_mode<synchronous>, transform_indices = @transform_3, window_bounds = array<i64: 128, 128>}, {pipeline_mode = #tpu.pipeline_mode<synchronous>, transform_indices = @transform_4, window_bounds = array<i64: 1, 128>}, {pipeline_mode = #tpu.pipeline_mode<synchronous>, transform_indices = @transform_5, window_bounds = array<i64: 128, 128>}, {transform_indices = @transform_6, window_bounds = array<i64: 400, 128>}]} {
    %get3A = arith.constant 0 : index
    %get3A_0 = arith.constant 0 : index
    %get3A_1 = arith.constant 0 : index
    %get3A_2 = vector.load %arg1[%get3A, %get3A_0, %get3A_1] : memref<2x400x128xf32, #tpu.memory_space<vmem>>, vector<1x400x128xf32>
    %get3A_3 = vector.shape_cast %get3A_2 : vector<1x400x128xf32> to vector<400x128xf32>
    %get3A_4 = arith.constant 1 : index
    %get3A_5 = arith.constant 0 : index
    %get3A_6 = arith.constant 0 : index
    %get3A_7 = vector.load %arg1[%get3A_4, %get3A_5, %get3A_6] : memref<2x400x128xf32, #tpu.memory_space<vmem>>, vector<1x400x128xf32>
    %get3A_8 = vector.shape_cast %get3A_7 : vector<1x400x128xf32> to vector<400x128xf32>
    %add3A = arith.addf %get3A_3, %get3A_8 : vector<400x128xf32>
    %get3A_9 = arith.constant 0 : index
    %get3A_10 = arith.constant 0 : index
    %get3A_11 = arith.constant 0 : index
    %get3A_12 = vector.load %arg2[%get3A_9, %get3A_10, %get3A_11] : memref<2x400x128xf32, #tpu.memory_space<vmem>>, vector<1x400x1xf32>
    %get3A_13 = vector.shape_cast %get3A_12 : vector<1x400x1xf32> to vector<400x1xf32>
    %get3A_14 = arith.constant 1 : index
    %get3A_15 = arith.constant 0 : index
    %get3A_16 = arith.constant 0 : index
    %get3A_17 = vector.load %arg2[%get3A_14, %get3A_15, %get3A_16] : memref<2x400x128xf32, #tpu.memory_space<vmem>>, vector<1x400x1xf32>
    %get3A_18 = vector.shape_cast %get3A_17 : vector<1x400x1xf32> to vector<400x1xf32>
    %add3A_19 = arith.addf %get3A_13, %get3A_18 : vector<400x1xf32>
    %max3A = arith.constant 1.000000e+00 : f32
    %max3A_20 = vector.broadcast %max3A : f32 to vector<400x1xf32>
    %max3A_21 = arith.maximumf %add3A_19, %max3A_20 : vector<400x1xf32>
    %div3A = vector.broadcast %max3A_21 : vector<400x1xf32> to vector<400x128xf32>
    %div3A_22 = arith.divf %add3A, %div3A : vector<400x128xf32>
    %get3A_23 = arith.constant 0 : index
    %get3A_24 = arith.constant 0 : index
    %get3A_25 = vector.load %arg4[%get3A_23, %get3A_24] : memref<128x128xf32, #tpu.memory_space<vmem>>, vector<128x128xf32>
    %dot_general3A = arith.constant dense<0.000000e+00> : vector<400x128xf32>
    %dot_general3A_26 = tpu.matmul %div3A_22, %get3A_25, %dot_general3A {dimension_numbers = #tpu.dot_dimension_numbers<[1], [0], [0], [1], [0, 0, 1, 1], [], []>, precision = #tpu.contract_precision<fp32>, transpose_lhs_hint = false} : vector<400x128xf32>, vector<128x128xf32>, vector<400x128xf32> -> vector<400x128xf32>
    %get3A_27 = arith.constant 0 : index
    %get3A_28 = arith.constant 0 : index
    %get3A_29 = vector.load %arg5[%get3A_27, %get3A_28] : memref<1x128xf32, #tpu.memory_space<vmem>>, vector<1x128xf32>
    %add3A_30 = vector.broadcast %get3A_29 : vector<1x128xf32> to vector<400x128xf32>
    %add3A_31 = arith.addf %dot_general3A_26, %add3A_30 : vector<400x128xf32>
    %get3A_32 = arith.constant 0 : index
    %get3A_33 = arith.constant 0 : index
    %get3A_34 = vector.load %arg3[%get3A_32, %get3A_33] : memref<400x128xf32, #tpu.memory_space<vmem>>, vector<400x128xf32>
    %get3A_35 = arith.constant 0 : index
    %get3A_36 = arith.constant 0 : index
    %get3A_37 = vector.load %arg6[%get3A_35, %get3A_36] : memref<128x128xf32, #tpu.memory_space<vmem>>, vector<128x128xf32>
    %dot_general3A_38 = arith.constant dense<0.000000e+00> : vector<400x128xf32>
    %dot_general3A_39 = tpu.matmul %get3A_34, %get3A_37, %dot_general3A_38 {dimension_numbers = #tpu.dot_dimension_numbers<[1], [0], [0], [1], [0, 0, 1, 1], [], []>, precision = #tpu.contract_precision<fp32>, transpose_lhs_hint = false} : vector<400x128xf32>, vector<128x128xf32>, vector<400x128xf32> -> vector<400x128xf32>
    %add3A_40 = arith.addf %add3A_31, %dot_general3A_39 : vector<400x128xf32>
    %mul3A = arith.mulf %add3A_40, %add3A_40 : vector<400x128xf32>
    %reduce_sum3A = arith.constant dense<0.000000e+00> : vector<400xf32>
    %reduce_sum3A_41 = vector.multi_reduction <add>, %mul3A, %reduce_sum3A [1] : vector<400x128xf32> to vector<400xf32>
    %broadcast_in_dim3A = vector.shape_cast %reduce_sum3A_41 : vector<400xf32> to vector<400x1xf32>
    %sqrt3A = math.sqrt %broadcast_in_dim3A : vector<400x1xf32>
    %max3A_42 = arith.constant 9.99999996E-13 : f32
    %max3A_43 = vector.broadcast %max3A_42 : f32 to vector<400x1xf32>
    %max3A_44 = arith.maximumf %sqrt3A, %max3A_43 : vector<400x1xf32>
    %div3A_45 = vector.broadcast %max3A_44 : vector<400x1xf32> to vector<400x128xf32>
    %div3A_46 = arith.divf %add3A_40, %div3A_45 : vector<400x128xf32>
    %max3A_47 = arith.constant 0.000000e+00 : f32
    %max3A_48 = vector.broadcast %max3A_47 : f32 to vector<400x128xf32>
    %max3A_49 = arith.maximumf %div3A_46, %max3A_48 : vector<400x128xf32>
    %reduce_max3A = arith.constant dense<0xFF800000> : vector<400xf32>
    %reduce_max3A_50 = vector.multi_reduction <maximumf>, %max3A_49, %reduce_max3A [1] : vector<400x128xf32> to vector<400xf32>
    %broadcast_in_dim3A_51 = vector.shape_cast %reduce_max3A_50 : vector<400xf32> to vector<400x1xf32>
    %sub3A = vector.broadcast %broadcast_in_dim3A_51 : vector<400x1xf32> to vector<400x128xf32>
    %sub3A_52 = arith.subf %max3A_49, %sub3A : vector<400x128xf32>
    %exp3A = math.exp %sub3A_52 : vector<400x128xf32>
    %reduce_sum3A_53 = arith.constant dense<0.000000e+00> : vector<400xf32>
    %reduce_sum3A_54 = vector.multi_reduction <add>, %exp3A, %reduce_sum3A_53 [1] : vector<400x128xf32> to vector<400xf32>
    %broadcast_in_dim3A_55 = vector.shape_cast %reduce_sum3A_54 : vector<400xf32> to vector<400x1xf32>
    %log3A = math.log %broadcast_in_dim3A_55 : vector<400x1xf32>
    %sub3A_56 = vector.broadcast %log3A : vector<400x1xf32> to vector<400x128xf32>
    %sub3A_57 = arith.subf %sub3A_52, %sub3A_56 : vector<400x128xf32>
    %swap3A = arith.constant 0 : index
    %swap3A_58 = arith.constant 0 : index
    %swap3A_59 = vector.load %arg7[%swap3A, %swap3A_58] : memref<400x128xf32, #tpu.memory_space<vmem>>, vector<400x128xf32>
    tpu.vector_store %arg7[%swap3A, %swap3A_58], %sub3A_57 {strides = array<i32>} : memref<400x128xf32, #tpu.memory_space<vmem>>, vector<400x128xf32>,
    return
  }
  func.func @transform_0(%arg0: i32) -> (i32, i32, i32) {
    %c0_i32 = arith.constant 0 : i32
    %c0_i32_0 = arith.constant 0 : i32
    %c0_i32_1 = arith.constant 0 : i32
    return %c0_i32, %arg0, %c0_i32_0 : i32, i32, i32
  }
  func.func @transform_1(%arg0: i32) -> (i32, i32, i32) {
    %c0_i32 = arith.constant 0 : i32
    %c0_i32_0 = arith.constant 0 : i32
    %c0_i32_1 = arith.constant 0 : i32
    return %c0_i32, %arg0, %c0_i32_0 : i32, i32, i32
  }
  func.func @transform_2(%arg0: i32) -> (i32, i32) {
    %c0_i32 = arith.constant 0 : i32
    %c0_i32_0 = arith.constant 0 : i32
    return %arg0, %c0_i32 : i32, i32
  }
  func.func @transform_3(%arg0: i32) -> (i32, i32) {
    %c0_i32 = arith.constant 0 : i32
    %c0_i32_0 = arith.constant 0 : i32
    %c0_i32_1 = arith.constant 0 : i32
    return %c0_i32, %c0_i32_0 : i32, i32
  }
  func.func @transform_4(%arg0: i32) -> (i32, i32) {
    %c0_i32 = arith.constant 0 : i32
    %c0_i32_0 = arith.constant 0 : i32
    %c0_i32_1 = arith.constant 0 : i32
    return %c0_i32, %c0_i32_0 : i32, i32
  }
  func.func @transform_5(%arg0: i32) -> (i32, i32) {
    %c0_i32 = arith.constant 0 : i32
    %c0_i32_0 = arith.constant 0 : i32
    %c0_i32_1 = arith.constant 0 : i32
    return %c0_i32, %c0_i32_0 : i32, i32
  }
  func.func @transform_6(%arg0: i32) -> (i32, i32) {
    %c0_i32 = arith.constant 0 : i32
    %c0_i32_0 = arith.constant 0 : i32
    return %arg0, %c0_i32 : i32, i32
  }
}

</mosaic_0001>

<sc_bundles>
// kernel: kernel.10.cloned.1.call-start
scs
__scs_entry_jumppad:
0x0: {  	(pc) =	sbr.rel $0x88, $3  }
0x1: {  	(tag) =	ssettag $0x0;
	lr =	simm.s32 $0x1  }
0x2: {  	[smem:$0x3F99] =	sst lr;
	_ =	strace $0xD0000000  }
0x3: {  	_ = 	snop  }
0x4: {  	_ = 	snop  }
0x5: {  	_ = 	snop  }
0x6: {  	_ = 	snop  }
0x7: {  	_ = 	snop  }
__scs_overlays_trampoline_lowered:
0x8: {  	[smem:$0x3FA8] =	sst s0  }
0x9: {  	[smem:$0x3FA9] =	sst s1  }
0xa: {  	[smem:$0x3FAA] =	sst s2  }
0xb: {  	[smem:$0x3FAB] =	sst s3  }
0xc: {  	[smem:$0x3FAC] =	sst s4  }
0xd: {  	[smem:$0x3FAD] =	sst s5  }
0xe: {  	[smem:$0x3FAE] =	sst s6  }
0xf: {  	[smem:$0x3FAF] =	sst s7  }
0x10: {  	[smem:$0x3FB0] =	sst s8  }
0x11: {  	[smem:$0x3FB1] =	sst s9;
	s0 =	simm.s32 @!p0 $0x0  }
0x12: {  	s1 =	sld [smem:$0x3F97];
	s0 =	simm.s32 @p0 $0x1  }
0x13: {  	[smem:$0x3FB2] =	sst s0;
	s0 =	simm.s32 @!p1 $0x0  }
0x14: {  	s2 =	sld [smem:$0x3F96];
	s0 =	simm.s32 @p1 $0x1  }
0x15: {  	[smem:$0x3FB3] =	sst s0;
	s0 =	simm.s32 @!p2 $0x0  }
0x16: {  	s3 =	sld [smem:$0x3FDB];
	s0 =	simm.s32 @p2 $0x1  }
0x17: {  	s4 =	simm.s32 $0x1BF5;
	[smem:$0x3FB5] =	sst s0  }
0x18: {  	s0 =	sld [smem:$0x3F98];
	_ =	swait.ge [sflag:s4], $0x0  }
0x19: {  	s7 =	sld [smem:$0x3F99]  }
0x1a: {  	s8 =	sadd.s32 $0xFFFFE003, lr  }
0x1b: {  	s9 =	sadd.s32 $0xFFFFFEF7, lr;
	s5 =	simm.s32 $0xFFFFFFFF;
	p2 =	slt.u32 s8, $0xFFFFF086  }
0x1c: {  	p1 =	slt.u32 s9, $0xF7A;
	s5 =	simm.s32 @!p2 $0x0  }
0x1d: {  	s5 =	simm.s32 @p1 $0x1;
	p0 =	seq.s32 s7, s2  }
0x1e: {  	s7 =	smul.u32 @!p0 $0xF7A, s2;
	p2 =	seq.s32 @!p0 s5, $0x0  }
0x1f: {  	s9 =	smul.u32 $0xF7A, s1;
	s8 =	simm.s32 @!p0 $0x1BF5;
	p2 =	por !p2, p0  }
0x20: {  	[sflag:s8] =	ssyncset.s32 @!p0 $0xFFFFF086;
	s6 =	sadd.s32 @!p0 s3, s7;
	s7 =	simm.s32 @!p0 $0x108  }
0x21: {  	s3 =	sadd.s32 s3, s9;
	s6 =	sadd.s32 @!p0 $0x88, s6;
	s7 =	simm.s32 @p2 $0x1082  }
0x22: {  	[simem:s7], [sflag:s8] =	dma.local @!p0 [hbm:s6], $0xF7A  }
0x23: {  	s9 =	sor.u32 $0xD0000000, s2;
	s6 =	simm.s32 $0x108;
	_ =	swait.ge @!p0 [sflag:s8], $0x0  }
0x24: {  	s3 =	sadd.s32 $0x88, s3;
	s6 =	simm.s32 @!p1 $0x1082;
	[sflag:s4] =	ssyncset.s32 $0xFFFFF086  }
0x25: {  	[simem:s6], [sflag:s4] =	dma.local [hbm:s3], $0xF7A  }
0x26: {  	[smem:$0x3F99] =	sst s1;
	(tag) =	ssettag s2;
	_ =	strace s9  }
0x27: {  	s1 =	sld [smem:$0x3FA9]  }
0x28: {  	s2 =	sld [smem:$0x3FAA]  }
0x29: {  	s4 =	sld [smem:$0x3FAC]  }
0x2a: {  	p0 =	seq.s32 s5, $0x0;
	s5 =	sld [smem:$0x3FAD]  }
0x2b: {  	s6 =	sld [smem:$0x3FAE]  }
0x2c: {  	s7 =	sld [smem:$0x3FAF]  }
0x2d: {  	s3 =	simm.s32 $0x108;
	s8 =	sld [smem:$0x3FB0]  }
0x2e: {  	s3 =	simm.s32 @!p0 $0x1082;
	s9 =	sld [smem:$0x3FB1]  }
0x2f: {  	lr =	sadd.s32 s0, s3;
	s0 =	sld [smem:$0x3FA8]  }
0x30: {  	s3 =	sld [smem:$0x3FAB]  }
0x31: {  	[smem:$0x3FB4] =	sst s10  }
0x32: {  	s10 =	sld [smem:$0x3FB2];
	_ =	sdelay $0x3  }
0x33: {  	p0 =	seq.s32 s10, $0x1;
	s10 =	sld [smem:$0x3FB4];
	_ =	sdelay $0x3  }
0x34: {  	[smem:$0x3FB4] =	sst s10  }
0x35: {  	s10 =	sld [smem:$0x3FB3];
	_ =	sdelay $0x3  }
0x36: {  	p1 =	seq.s32 s10, $0x1;
	s10 =	sld [smem:$0x3FB4];
	_ =	sdelay $0x3  }
0x37: {  	[smem:$0x3FB4] =	sst s10  }
0x38: {  	s10 =	sld [smem:$0x3FB5]  }
0x39: {  	_ = 	snop;
	(pc) =	sbr.ind lr, $3  }
0x3a: {  	_ = 	snop  }
0x3b: {  	_ = 	snop  }
0x3c: {  	p2 =	seq.s32 s10, $0x1;
	s10 =	sld [smem:$0x3FB4]  }
0x3d: {  	_ =	shalt  }
0x3e: {  	_ =	shalt  }
0x3f: {  	_ =	shalt  }
0x40: {  	_ =	shalt  }
0x41: {  	_ =	shalt  }
0x42: {  	_ =	shalt  }
0x43: {  	_ =	shalt  }
0x44: {  	_ =	shalt  }
0x45: {  	_ =	shalt  }
0x46: {  	_ =	shalt  }
0x47: {  	_ =	shalt  }
0x48: {  	_ =	shalt  }
0x49: {  	_ =	shalt  }
0x4a: {  	_ =	shalt  }
0x4b: {  	_ =	shalt  }
0x4c: {  	_ =	shalt  }
0x4d: {  	_ =	shalt  }
0x4e: {  	_ =	shalt  }
0x4f: {  	_ =	shalt  }
0x50: {  	_ =	shalt  }
0x51: {  	_ =	shalt  }
0x52: {  	_ =	shalt  }
0x53: {  	_ =	shalt  }
0x54: {  	_ =	shalt  }
0x55: {  	_ =	shalt  }
0x56: {  	_ =	shalt  }
0x57: {  	_ =	shalt  }
0x58: {  	_ =	shalt  }
0x59: {  	_ =	shalt  }
0x5a: {  	_ =	shalt  }
0x5b: {  	_ =	shalt  }
0x5c: {  	_ =	shalt  }
0x5d: {  	_ =	shalt  }
0x5e: {  	_ =	shalt  }
0x5f: {  	_ =	shalt  }
0x60: {  	_ =	shalt  }
0x61: {  	_ =	shalt  }
0x62: {  	_ =	shalt  }
0x63: {  	_ =	shalt  }
0x64: {  	_ =	shalt  }
0x65: {  	_ =	shalt  }
0x66: {  	_ =	shalt  }
0x67: {  	_ =	shalt  }
0x68: {  	_ =	shalt  }
0x69: {  	_ =	shalt  }
0x6a: {  	_ =	shalt  }
0x6b: {  	_ =	shalt  }
0x6c: {  	_ =	shalt  }
0x6d: {  	_ =	shalt  }
0x6e: {  	_ =	shalt  }
0x6f: {  	_ =	shalt  }
0x70: {  	_ =	shalt  }
0x71: {  	_ =	shalt  }
0x72: {  	_ =	shalt  }
0x73: {  	_ =	shalt  }
0x74: {  	_ =	shalt  }
0x75: {  	_ =	shalt  }
0x76: {  	_ =	shalt  }
0x77: {  	_ =	shalt  }
0x78: {  	_ =	shalt  }
0x79: {  	_ =	shalt  }
0x7a: {  	_ =	shalt  }
0x7b: {  	_ =	shalt  }
0x7c: {  	_ =	shalt  }
0x7d: {  	_ =	shalt  }
0x7e: {  	_ =	shalt  }
0x7f: {  	_ =	shalt  }
0x80: {  	_ =	shalt  }
0x81: {  	_ =	shalt  }
0x82: {  	_ =	shalt  }
0x83: {  	_ =	shalt  }
0x84: {  	_ =	shalt  }
0x85: {  	_ =	shalt  }
0x86: {  	_ =	shalt  }
0x87: {  	_ =	shalt  }
.Lfunc_end0:
.L_simem_size_0:
called_computation.1_lowered:
.L_overlay_start_0:
0x88: {  	s2 =	sld [smem:$0x3FD9]  }
0x89: {  	s3 =	sld [smem:$0x3FFE];
	_ =	sdelay $0x1  }
0x8a: {  	s1 =	srdreg.scid  }
0x8b: {  	s0 =	sand.u32 $0x1, s1  }
0x8c: {  	s17 =	sshll.u32 s0, $0xA;
	s2 =	sadd.s32 s3, s2  }
0x8d: {  	s2 =	sadd.s32 s2, s17  }
0x8e: {  	[smem:$0x3FC0] =	sst s2  }
0x8f: {  	_ = 	snop  }
0x90: {  	s2 =	sld [smem:$0x3FC9];
	(tm) =	ssettm $0x1  }
0x91: {  	s18 =	sld [smem:$0x3FFB];
	_ =	sdelay $0x3  }
0x92: {  	_ =	strace s18  }
0x93: {  	s3 =	sld [smem:$0x3FFC];
	_ =	sdelay $0x3  }
0x94: {  	_ =	strace s3  }
0x95: {  	s3 =	sld [smem:$0x3FFD];
	_ =	sdelay $0x3  }
0x96: {  	_ =	strace s3  }
0x97: {  	_ =	strace $0x8FFFFFFF  }
0x98: {  	s19 =	sld [smem:$0x3FDB];
	_ =	sdelay $0x1  }
0x99: {  	s4 =	simm.s32 $_scs_section_size  }
0x9a: {  	s5 =	simm.s32 $_size__tile_overlayer_lowered;
	s6 =	simm.s32 $_tile_overlayer_lowered  }
0x9b: {  	s22 =	simm.s32 $0x1BFF;
	s21 =	sshll.u32 s6, $0x1;
	s3 =	sadd.s32 s4, s19  }
0x9c: {  	s7 =	simm.s32 $0x0;
	s20 =	sshll.u32 s5, $0x1;
	s5 =	sadd.s32 s21, s3  }
0x9d: {  	[timem:s7], [sflag:s22] =	dma.local [hbm:s5], s20  }
0x9e: {  	_ =	swait.ge [sflag:s22], s20  }
0x9f: {  	s4 =	ssub.s32 $0x0, s20;
	[sflag:s22] =	ssyncset.done $0x0  }
0xa0: {  	[sflag:s22] =	ssyncadd.s32 s4;
	_ =	sdelay $0x1  }
0xa1: {  	s23 =	simm.s32 $0x1B8B  }
0xa2: {  	_ =	swait.ge [sflag:s23], $0x1  }
0xa3: {  	[sflag:s23] =	ssyncset.done $0x0  }
0xa4: {  	s25 =	simm.s32 $0x1B8E;
	s24 =	sld [smem:$0x3FFE];
	[sflag:s23] =	ssyncadd.s32 $0xFFFFFFFF  }
0xa5: {  	s26 =	simm.s32 $execute0_lowered;
	[smem:$0x3FD2] =	sst s25  }
0xa6: {  	s5 =	sshll.u32 s26, $0x1;
	_ =	strace $0x80000046;
	[dreg:$0x1] =	wrdreg $0xFFFFFFFF  }
0xa7: {  	s28 =	simm.s32 $_size_execute0_lowered;
	s3 =	sadd.s32 s3, s5;
	[dreg:$0x0] =	wrdreg $0x0  }
0xa8: {  	s5 =	sshll.u32 s28, $0x1;
	[dreg:$0x2] =	wrdreg s3  }
0xa9: {  	[dreg:$0x3] =	wrdreg s5  }
0xaa: {  	[dreg:$0x4] =	wrdreg $0xC0  }
0xab: {  	_ =	task [dreg:s7], $0x5FFFF  }
0xac: {  	[dreg:$0x1] =	wrdreg $0xFFFFFFFF  }
0xad: {  	[dreg:$0x0] =	wrdreg $0x60  }
0xae: {  	[dreg:$0x2] =	wrdreg s2  }
0xaf: {  	[dreg:$0x3] =	wrdreg s24  }
0xb0: {  	[dreg:$0x4] =	wrdreg $0x68000  }
0xb1: {  	[dreg:$0x5] =	wrdreg $0xA  }
0xb2: {  	_ =	task.clear_ibuf [dreg:s7], $0x6FFFF;
	_ =	strace $0x90000046  }
0xb3: {  	s29 =	simm.s32 $0xA;
	_ =	strace $0x80000048  }
0xb4: {  	_ =	swait.ge [sflag:s29], $0x1  }
0xb5: {  	[sflag:s29] =	ssyncadd.s32 $0xFFFFFFFF  }
0xb6: {  	_ =	strace $0x90000048  }
0xb7: {  	_ =	sfence  }
0xb8: {  	s30 =	sld [smem:$0x0];
	_ =	sdelay $0x2  }
0xb9: {  	s31 =	sshll.u32 s1, $0xD;
	s1 =	sshrl.u32 s1, $0x2  }
0xba: {  	s3 =	sand.u32 $0x4000, s31;
	s1 =	sadd.s32 s1, s30  }
0xbb: {  	s0 =	sor.u32 s3, s0;
	s1 =	sshll.u32 s1, $0x11  }
0xbc: {  	s0 =	sor.u32 s1, s0  }
0xbd: {  	s0 =	sadd.s32 $0x8F2B, s0  }
0xbe: {  	[sflag:s0] =	ssyncadd.remote.s32 $0x1  }
0xbf: {  	_ =	sfence.sel $0xFFFF  }
0xc0: {  	[dreg:$0x0] =	wrdreg $0xFFFFFFFF;
	(pc) =	sbr.abs _section_cstart, $3  }
0xc1: {  	[dreg:$0x1] =	wrdreg $0xFFFFFFFF  }
0xc2: {  	_ =	task.clear_ibuf [dreg:s7], $0x2FFFF;
	_ =	strace $0x9FFFFFFF  }
0xc3: {  	(tm) =	ssettm $0x7FFFFFFF  }
tec
execute0_lowered:
.L_overlay_start_1:
0x0: {  	(tag) =	ssettag $0x1  }
0x1: {  	s1 =	rddreg [dreg:$0x0]  }
0x2: {  	s0 =	srdreg.scid;
	s17 =	stileid.u32  }
0x3: {  	s4 =	rddreg [dreg:$0x1];
	s30 =	simm.s32 $0x800;
	s31 =	simm.s32 $0x4  }
0x4: {  	s2 =	sand.u32 $0x1, s0;
	s0 =	smul.u32 $0x120, s17;
	s3 =	sshll.u32 s17, $0x5  }
0x5: {  	s6 =	smul.u32 $0x13C00, s17;
	p0 =	seq.s32 s2, $0x0;
	s5 =	sor.u32 $0x1200, s3  }
0x6: {  	s3 =	rddreg [dreg:$0x2];
	s21 =	ssub.s32 $0x2, s2;
	s2 =	smul.u32 $0x13C000, s2  }
0x7: {  	s5 =	smov.u32 @p0 s0;
	s7 =	sshrl.u32 s21, $0x1;
	s8 =	sadd.s32 $0x4000, s6  }
0x8: {  	s9 =	sadd.s32 $0x6000, s6;
	s10 =	sadd.s32 $0x8000, s6;
	s11 =	sadd.s32 $0xA000, s6  }
0x9: {  	s12 =	sadd.s32 $0xC000, s6;
	s14 =	sadd.s32 $0xE000, s6;
	s15 =	sadd.s32 $0x10000, s6  }
0xa: {  	s0 =	sshll.u32 s5, $0x4;
	s5 =	ssub.s32 s21, s7;
	s7 =	sadd.s32 $0x2000, s6  }
0xb: {  	s13 =	sadd.s32 s6, s2;
	s6 =	sadd.s32 $0x12000, s6;
	s23 =	sadd.s32 s2, s8  }
0xc: {  	s25 =	sadd.s32 s2, s9;
	s28 =	sadd.s32 s2, s10;
	s18 =	sadd.s32 s2, s11  }
0xd: {  	s20 =	sadd.s32 s2, s12;
	s0 =	sadd.s32 s0, s4;
	s4 =	sadd.s32 $0x2A200, s4  }
0xe: {  	s13 =	sshrl.u32 s13, $0x3;
	s16 =	sadd.s32 s2, s7;
	s24 =	sshrl.u32 s23, $0x3  }
0xf: {  	s26 =	sshrl.u32 s25, $0x3;
	s19 =	sshrl.u32 s18, $0x3;
	s21 =	sshrl.u32 s20, $0x3  }
0x10: {  	s13 =	sadd.s32 s4, s13;
	s22 =	sshrl.u32 s16, $0x3;
	s16 =	sshrl.u32 s28, $0x3  }
0x11: {  	[dreg:$0x5] =	wrdreg s13;
	s13 =	sadd.s32 s4, s22;
	s22 =	sadd.s32 s2, s14  }
0x12: {  	[dreg:$0x6] =	wrdreg s13;
	s13 =	sadd.s32 s4, s24;
	s24 =	sadd.s32 s2, s15  }
0x13: {  	s2 =	sadd.s32 s2, s6;
	[dreg:$0x7] =	wrdreg s13;
	s13 =	sadd.s32 s4, s26  }
0x14: {  	s2 =	sshrl.u32 s2, $0x3;
	[dreg:$0x8] =	wrdreg s13;
	s13 =	sadd.s32 s4, s16  }
0x15: {  	s18 =	sadd.s32 s8, s3;
	s2 =	sadd.s32 s4, s2;
	[dreg:$0x9] =	wrdreg s13  }
0x16: {  	s20 =	sadd.s32 s10, s3;
	s13 =	sadd.s32 s4, s19;
	[dreg:$0xe] =	wrdreg s2  }
0x17: {  	s23 =	sshrl.u32 s22, $0x3;
	[dreg:$0xa] =	wrdreg s13;
	s13 =	sadd.s32 s4, s21  }
0x18: {  	s25 =	sshrl.u32 s24, $0x3;
	[dreg:$0xb] =	wrdreg s13;
	s13 =	sadd.s32 s4, s23  }
0x19: {  	s8 =	simm.s32 $0x180;
	[dreg:$0xc] =	wrdreg s13;
	s13 =	sadd.s32 s4, s25  }
0x1a: {  	s10 =	simm.s32 $0x480;
	[dreg:$0xd] =	wrdreg s13;
	s13 =	simm.s32 $0x0  }
0x1b: {  	s28 =	simm.s32 $0x80;
	s16 =	simm.s32 $0x24;
	[smem:$0x7FF] =	sst s13  }
0x1c: {  	s16 =	simm.s32 @!p0 $0x4;
	_ =	strace $0x80000047;
	[dreg:$0x4] =	wrdreg s28  }
0x1d: {  	s26 =	smul.u32 $0x4F000, s17;
	s17 =	sadd.s32 s7, s3;
	[dreg:$0xf] =	wrdreg s16  }
0x1e: {  	s22 =	sadd.s32 s12, s3;
	s12 =	simm.s32 $0x3;
	[dreg:$0x10] =	wrdreg s17  }
0x1f: {  	s24 =	sadd.s32 s15, s3;
	s19 =	sadd.s32 s9, s3;
	[dreg:$0x11] =	wrdreg s18  }
0x20: {  	s7 =	simm.s32 $0x1;
	s2 =	sshrl.u32 s26, $0x2;
	[dreg:$0x12] =	wrdreg s19  }
0x21: {  	s26 =	smax.u32 s5, $0x1;
	s21 =	sadd.s32 s11, s3;
	[dreg:$0x13] =	wrdreg s20  }
0x22: {  	s5 =	simm.s32 $0x100;
	s9 =	simm.s32 $0x2;
	[dreg:$0x14] =	wrdreg s21  }
0x23: {  	s29 =	sadd.s32 s2, s3;
	s23 =	sadd.s32 s14, s3;
	[dreg:$0x15] =	wrdreg s22  }
0x24: {  	s2 =	simm.s32 $0x400;
	s11 =	simm.s32 $0x200;
	[dreg:$0x16] =	wrdreg s23  }
0x25: {  	s14 =	simm.s32 $0x500;
	s25 =	sadd.s32 s6, s3;
	[dreg:$0x17] =	wrdreg s24  }
0x26: {  	s4 =	simm.s32 $0x2800;
	s6 =	simm.s32 $0x4800;
	[dreg:$0x18] =	wrdreg s25  }
0x27: {  	[dreg:$0x19] =	wrdreg s26;
	s28 =	sadd.s32 $0x2200, s0;
	s0 =	sadd.s32 $0x16200, s0  }
0x28: {  	s26 =	simm.s32 $0x280;
	s16 =	simm.s32 $0x580;
	s17 =	simm.s32 $0x300  }
0x29: {  	s18 =	simm.s32 $0x600;
	s19 =	simm.s32 $0x380;
	s20 =	simm.s32 $0x680  }
0x2a: {  	s21 =	simm.s32 $0x700;
	s22 =	simm.s32 $0x780;
	[dreg:$0x1a] =	wrdreg s28  }
0x2b: {  	v0 =	vimm.f32 $0.0e+00;
	s23 =	simm.s32 $0x0;
	[dreg:$0x1b] =	wrdreg s0;
	s0 =	simm.s32 $0x40  }
.LBB2_1:
0x2c: {  	s24 =	simm.s32 $0x0;
	s28 =	simm.s32 $0x200  }
.LBB2_2:
0x2d: {  	p0 =	sne.s32 s28, $0x7E00;
	[tilespmem:s24+$0x870] =	vst v0  }
0x2e: {  	[tilespmem:s24+$0x800] =	vst v0  }
0x2f: {  	[tilespmem:s24+$0x810] =	vst v0  }
.Ltmp0:
0x30: {  	[tilespmem:s24+$0x820] =	vst v0;
	(pc) =	sbr.rel @p0 .LBB2_2-.Ltmp0, $4  }
0x31: {  	[tilespmem:s24+$0x830] =	vst v0  }
0x32: {  	[tilespmem:s24+$0x840] =	vst v0  }
0x33: {  	[tilespmem:s24+$0x850] =	vst v0  }
0x34: {  	[tilespmem:s24+$0x860] =	vst v0;
	s24 =	sshra.s32 s28, $0x2;
	s28 =	sadd.s32 $0x200, s28  }
0x35: {  	[tilespmem:s24+$0x870] =	vst v0  }
0x36: {  	[tilespmem:s24+$0x800] =	vst v0  }
0x37: {  	[tilespmem:s24+$0x810] =	vst v0  }
0x38: {  	[tilespmem:s24+$0x820] =	vst v0  }
0x39: {  	[tilespmem:s24+$0x830] =	vst v0  }
0x3a: {  	[tilespmem:s24+$0x840] =	vst v0  }
0x3b: {  	[tilespmem:s24+$0x850] =	vst v0  }
0x3c: {  	[tilespmem:s24+$0x860] =	vst v0  }
0x3d: {  	[spmem:s29] =	stream.linear.scatter [tilespmem:s30], [sflag:$0x4], $0x2000, $0x38;
	[tilespmem:$0x1A400] =	vst v63  }
0x3e: {  	_ =	swait.ge [sflag:s31], $0x2000  }
0x3f: {  	[sflag:s31] =	ssyncset.done $0x0  }
0x40: {  	s15 =	rddreg [dreg:$0x10];
	[sflag:s31] =	ssyncadd.s32 $0xFFFFE000  }
0x41: {  	[spmem:s15] =	stream.linear.scatter [tilespmem:s30], [sflag:$0x4], $0x2000, $0x38;
	[tilespmem:$0x1A400] =	vst v63  }
0x42: {  	_ =	swait.ge [sflag:s31], $0x2000  }
0x43: {  	[sflag:s31] =	ssyncset.done $0x0  }
0x44: {  	s24 =	rddreg [dreg:$0x11];
	[sflag:s31] =	ssyncadd.s32 $0xFFFFE000  }
0x45: {  	[spmem:s24] =	stream.linear.scatter [tilespmem:s30], [sflag:$0x4], $0x2000, $0x38;
	[tilespmem:$0x1A400] =	vst v63  }
0x46: {  	_ =	swait.ge [sflag:s31], $0x2000  }
0x47: {  	[sflag:s31] =	ssyncset.done $0x0  }
0x48: {  	s24 =	rddreg [dreg:$0x12];
	[sflag:s31] =	ssyncadd.s32 $0xFFFFE000  }
0x49: {  	[spmem:s24] =	stream.linear.scatter [tilespmem:s30], [sflag:$0x4], $0x2000, $0x38;
	[tilespmem:$0x1A400] =	vst v63  }
0x4a: {  	_ =	swait.ge [sflag:s31], $0x2000  }
0x4b: {  	[sflag:s31] =	ssyncset.done $0x0  }
0x4c: {  	s24 =	rddreg [dreg:$0x13];
	[sflag:s31] =	ssyncadd.s32 $0xFFFFE000  }
0x4d: {  	[spmem:s24] =	stream.linear.scatter [tilespmem:s30], [sflag:$0x4], $0x2000, $0x38;
	[tilespmem:$0x1A400] =	vst v63  }
0x4e: {  	_ =	swait.ge [sflag:s31], $0x2000  }
0x4f: {  	[sflag:s31] =	ssyncset.done $0x0  }
0x50: {  	s24 =	rddreg [dreg:$0x14];
	[sflag:s31] =	ssyncadd.s32 $0xFFFFE000  }
0x51: {  	[spmem:s24] =	stream.linear.scatter [tilespmem:s30], [sflag:$0x4], $0x2000, $0x38;
	[tilespmem:$0x1A400] =	vst v63  }
0x52: {  	_ =	swait.ge [sflag:s31], $0x2000  }
0x53: {  	[sflag:s31] =	ssyncset.done $0x0  }
0x54: {  	s24 =	rddreg [dreg:$0x15];
	[sflag:s31] =	ssyncadd.s32 $0xFFFFE000  }
0x55: {  	[spmem:s24] =	stream.linear.scatter [tilespmem:s30], [sflag:$0x4], $0x2000, $0x38;
	[tilespmem:$0x1A400] =	vst v63  }
0x56: {  	_ =	swait.ge [sflag:s31], $0x2000  }
0x57: {  	[sflag:s31] =	ssyncset.done $0x0  }
0x58: {  	s24 =	rddreg [dreg:$0x16];
	[sflag:s31] =	ssyncadd.s32 $0xFFFFE000  }
0x59: {  	[spmem:s24] =	stream.linear.scatter [tilespmem:s30], [sflag:$0x4], $0x2000, $0x38;
	[tilespmem:$0x1A400] =	vst v63  }
0x5a: {  	_ =	swait.ge [sflag:s31], $0x2000  }
0x5b: {  	[sflag:s31] =	ssyncset.done $0x0  }
0x5c: {  	s24 =	rddreg [dreg:$0x17];
	[sflag:s31] =	ssyncadd.s32 $0xFFFFE000  }
0x5d: {  	[spmem:s24] =	stream.linear.scatter [tilespmem:s30], [sflag:$0x4], $0x2000, $0x38;
	[tilespmem:$0x1A400] =	vst v63  }
0x5e: {  	_ =	swait.ge [sflag:s31], $0x2000  }
0x5f: {  	[sflag:s31] =	ssyncset.done $0x0  }
0x60: {  	s24 =	rddreg [dreg:$0x18];
	[sflag:s31] =	ssyncadd.s32 $0xFFFFE000  }
0x61: {  	[spmem:s24] =	stream.linear.scatter [tilespmem:s30], [sflag:$0x4], $0x1C00, $0x38;
	[tilespmem:$0x1A400] =	vst v63  }
0x62: {  	_ =	swait.ge [sflag:s31], $0x1C00  }
0x63: {  	[sflag:s31] =	ssyncset.done $0x0  }
0x64: {  	[sflag:s31] =	ssyncadd.s32 $0xFFFFE400  }
0x65: {  	[bflag:$0x0] =	sbarrier.arrive $0xFFFF  }
0x66: {  	s25 =	smov.u32 s29;
	s29 =	rddreg [dreg:$0x1b]  }
0x67: {  	[tilespmem:s13], [sflag:$0x4] =	stream.linear.gather [hbm4b:s29+s13], $0x400, $0x38;
	[tilespmem:$0x1A400] =	vst v63  }
0x68: {  	_ =	swait.ge [sflag:s31], $0x400  }
0x69: {  	[sflag:s31] =	ssyncset.done $0x0  }
0x6a: {  	s28 =	rddreg [dreg:$0x1a];
	[sflag:s31] =	ssyncadd.s32 $0xFFFFFC00  }
0x6b: {  	[tilespmem:s2], [sflag:$0x4] =	stream.linear.gather [hbm4b:s28+s13], $0x400, $0x38;
	[tilespmem:$0x1A400] =	vst v63  }
0x6c: {  	_ =	swait.ge [sflag:s31], $0x400  }
0x6d: {  	[sflag:s31] =	ssyncset.done $0x0  }
0x6e: {  	[sflag:s31] =	ssyncadd.s32 $0xFFFFFC00  }
0x6f: {  	[tilespmem:s30], [sflag:$0x1] =	stream.indirect.gather [hbm4b:s1+s0], $0x80, s13, s0, $0xb8;
	[tilespmem:$0x1A400] =	vst v63  }
0x70: {  	s15 =	rddreg [dreg:$0x4]  }
0x71: {  	[tilespmem:s4], [sflag:$0x2] =	stream.indirect.gather [hbm4b:s1+s0], $0x80, s15, s0, $0xb8;
	[tilespmem:$0x1A400] =	vst v63  }
0x72: {  	_ = 	snop  }
0x73: {  	[tilespmem:s6], [sflag:$0x3] =	stream.indirect.gather [hbm4b:s1+s0], $0x80, s5, s0, $0xb8;
	[tilespmem:$0x1A400] =	vst v63  }
0x74: {  	_ =	swait.ge [sflag:s7], $0x2000  }
0x75: {  	[sflag:s7] =	ssyncset.done $0x0  }
0x76: {  	[sflag:s7] =	ssyncadd.s32 $0xFFFFE000  }
0x77: {  	[spmem:s3] =	stream.indirect.scatter.add.f32 [tilespmem:s30], [sflag:$0x4], $0x80, s2, s0, $0xb8;
	[tilespmem:$0x1A400] =	vst v63  }
0x78: {  	_ =	swait.ge [sflag:s31], $0x2000  }
0x79: {  	[sflag:s31] =	ssyncset.done $0x0  }
0x7a: {  	[sflag:s31] =	ssyncadd.s32 $0xFFFFE000  }
0x7b: {  	[tilespmem:s30], [sflag:$0x1] =	stream.indirect.gather [hbm4b:s1+s0], $0x80, s8, s0, $0xb8;
	[tilespmem:$0x1A400] =	vst v63  }
0x7c: {  	_ =	swait.ge [sflag:s9], $0x2000  }
0x7d: {  	[sflag:s9] =	ssyncset.done $0x0  }
0x7e: {  	[sflag:s9] =	ssyncadd.s32 $0xFFFFE000  }
0x7f: {  	[spmem:s3] =	stream.indirect.scatter.add.f32 [tilespmem:s4], [sflag:$0x4], $0x80, s10, s0, $0xb8;
	[tilespmem:$0x1A400] =	vst v63  }
0x80: {  	_ =	swait.ge [sflag:s31], $0x2000  }
0x81: {  	[sflag:s31] =	ssyncset.done $0x0  }
0x82: {  	[sflag:s31] =	ssyncadd.s32 $0xFFFFE000  }
0x83: {  	[tilespmem:s4], [sflag:$0x2] =	stream.indirect.gather [hbm4b:s1+s0], $0x80, s11, s0, $0xb8;
	[tilespmem:$0x1A400] =	vst v63  }
0x84: {  	_ =	swait.ge [sflag:s12], $0x2000  }
0x85: {  	[sflag:s12] =	ssyncset.done $0x0  }
0x86: {  	[sflag:s12] =	ssyncadd.s32 $0xFFFFE000  }
0x87: {  	[spmem:s3] =	stream.indirect.scatter.add.f32 [tilespmem:s6], [sflag:$0x4], $0x80, s14, s0, $0xb8;
	[tilespmem:$0x1A400] =	vst v63  }
0x88: {  	_ =	swait.ge [sflag:s31], $0x2000  }
0x89: {  	[sflag:s31] =	ssyncset.done $0x0  }
0x8a: {  	[sflag:s31] =	ssyncadd.s32 $0xFFFFE000  }
0x8b: {  	[tilespmem:s6], [sflag:$0x3] =	stream.indirect.gather [hbm4b:s1+s0], $0x80, s26, s0, $0xb8;
	[tilespmem:$0x1A400] =	vst v63  }
0x8c: {  	_ =	swait.ge [sflag:s7], $0x2000  }
0x8d: {  	[sflag:s7] =	ssyncset.done $0x0  }
0x8e: {  	[sflag:s7] =	ssyncadd.s32 $0xFFFFE000  }
0x8f: {  	[spmem:s3] =	stream.indirect.scatter.add.f32 [tilespmem:s30], [sflag:$0x4], $0x80, s16, s0, $0xb8;
	[tilespmem:$0x1A400] =	vst v63  }
0x90: {  	_ =	swait.ge [sflag:s31], $0x2000  }
0x91: {  	[sflag:s31] =	ssyncset.done $0x0  }
0x92: {  	[sflag:s31] =	ssyncadd.s32 $0xFFFFE000  }
0x93: {  	[tilespmem:s30], [sflag:$0x1] =	stream.indirect.gather [hbm4b:s1+s0], $0x80, s17, s0, $0xb8;
	[tilespmem:$0x1A400] =	vst v63  }
0x94: {  	_ =	swait.ge [sflag:s9], $0x2000  }
0x95: {  	[sflag:s9] =	ssyncset.done $0x0  }
0x96: {  	[sflag:s9] =	ssyncadd.s32 $0xFFFFE000  }
0x97: {  	[spmem:s3] =	stream.indirect.scatter.add.f32 [tilespmem:s4], [sflag:$0x4], $0x80, s18, s0, $0xb8;
	[tilespmem:$0x1A400] =	vst v63  }
0x98: {  	_ =	swait.ge [sflag:s31], $0x2000  }
0x99: {  	[sflag:s31] =	ssyncset.done $0x0  }
0x9a: {  	[sflag:s31] =	ssyncadd.s32 $0xFFFFE000  }
0x9b: {  	[tilespmem:s4], [sflag:$0x2] =	stream.indirect.gather [hbm4b:s1+s0], $0x80, s19, s0, $0xb8;
	[tilespmem:$0x1A400] =	vst v63  }
0x9c: {  	_ =	swait.ge [sflag:s12], $0x2000  }
0x9d: {  	[sflag:s12] =	ssyncset.done $0x0  }
0x9e: {  	[sflag:s12] =	ssyncadd.s32 $0xFFFFE000  }
0x9f: {  	[spmem:s3] =	stream.indirect.scatter.add.f32 [tilespmem:s6], [sflag:$0x4], $0x80, s20, s0, $0xb8;
	[tilespmem:$0x1A400] =	vst v63  }
0xa0: {  	_ =	swait.ge [sflag:s31], $0x2000  }
0xa1: {  	[sflag:s31] =	ssyncset.done $0x0  }
0xa2: {  	[sflag:s31] =	ssyncadd.s32 $0xFFFFE000  }
0xa3: {  	_ =	swait.ge [sflag:s7], $0x2000  }
0xa4: {  	[sflag:s7] =	ssyncset.done $0x0  }
0xa5: {  	[sflag:s7] =	ssyncadd.s32 $0xFFFFE000  }
0xa6: {  	[spmem:s3] =	stream.indirect.scatter.add.f32 [tilespmem:s30], [sflag:$0x4], $0x80, s21, s0, $0xb8;
	[tilespmem:$0x1A400] =	vst v63  }
0xa7: {  	_ =	swait.ge [sflag:s31], $0x2000  }
0xa8: {  	[sflag:s31] =	ssyncset.done $0x0  }
0xa9: {  	[sflag:s31] =	ssyncadd.s32 $0xFFFFE000  }
0xaa: {  	_ =	swait.ge [sflag:s9], $0x2000  }
0xab: {  	s24 =	rddreg [dreg:$0xf]  }
0xac: {  	p0 =	sne.s32 s24, $0x1  }
.Ltmp1:
0xad: {  	[sflag:s9] =	ssyncset.done $0x0;
	(pc) =	sbr.rel @!p0 .LBB2_5-.Ltmp1, $4  }
0xae: {  	[sflag:s9] =	ssyncadd.s32 $0xFFFFE000  }
0xaf: {  	[spmem:s3] =	stream.indirect.scatter.add.f32 [tilespmem:s4], [sflag:$0x4], $0x80, s22, s0, $0xb8;
	[tilespmem:$0x1A400] =	vst v63  }
0xb0: {  	_ =	swait.ge [sflag:s31], $0x2000  }
0xb1: {  	s24 =	sadd.s32 $0xFFFFFFFF, s24;
	[sflag:s31] =	ssyncset.done $0x0  }
.LBB2_4:
0xb2: {  	[sflag:s31] =	ssyncadd.s32 $0xFFFFE000;
	s29 =	sadd.s32 $0x80, s29  }
0xb3: {  	[tilespmem:s13], [sflag:$0x4] =	stream.linear.gather [hbm4b:s29+s13], $0x400, $0x38;
	[tilespmem:$0x1A400] =	vst v63  }
0xb4: {  	_ =	swait.ge [sflag:s31], $0x400  }
0xb5: {  	[sflag:s31] =	ssyncset.done $0x0  }
0xb6: {  	s28 =	sadd.s32 $0x80, s28;
	[sflag:s31] =	ssyncadd.s32 $0xFFFFFC00  }
0xb7: {  	[tilespmem:s2], [sflag:$0x4] =	stream.linear.gather [hbm4b:s28+s13], $0x400, $0x38;
	[tilespmem:$0x1A400] =	vst v63  }
0xb8: {  	_ =	swait.ge [sflag:s31], $0x400  }
0xb9: {  	[sflag:s31] =	ssyncset.done $0x0  }
0xba: {  	[sflag:s31] =	ssyncadd.s32 $0xFFFFFC00  }
0xbb: {  	[tilespmem:s30], [sflag:$0x1] =	stream.indirect.gather [hbm4b:s1+s0], $0x80, s13, s0, $0xb8;
	[tilespmem:$0x1A400] =	vst v63  }
0xbc: {  	s15 =	rddreg [dreg:$0x4]  }
0xbd: {  	[tilespmem:s4], [sflag:$0x2] =	stream.indirect.gather [hbm4b:s1+s0], $0x80, s15, s0, $0xb8;
	[tilespmem:$0x1A400] =	vst v63  }
0xbe: {  	_ = 	snop  }
0xbf: {  	[tilespmem:s6], [sflag:$0x3] =	stream.indirect.gather [hbm4b:s1+s0], $0x80, s5, s0, $0xb8;
	[tilespmem:$0x1A400] =	vst v63  }
0xc0: {  	_ =	swait.ge [sflag:s7], $0x2000  }
0xc1: {  	[sflag:s7] =	ssyncset.done $0x0  }
0xc2: {  	[sflag:s7] =	ssyncadd.s32 $0xFFFFE000  }
0xc3: {  	[spmem:s3] =	stream.indirect.scatter.add.f32 [tilespmem:s30], [sflag:$0x4], $0x80, s2, s0, $0xb8;
	[tilespmem:$0x1A400] =	vst v63  }
0xc4: {  	_ =	swait.ge [sflag:s31], $0x2000  }
0xc5: {  	[sflag:s31] =	ssyncset.done $0x0  }
0xc6: {  	[sflag:s31] =	ssyncadd.s32 $0xFFFFE000  }
0xc7: {  	[tilespmem:s30], [sflag:$0x1] =	stream.indirect.gather [hbm4b:s1+s0], $0x80, s8, s0, $0xb8;
	[tilespmem:$0x1A400] =	vst v63  }
0xc8: {  	_ =	swait.ge [sflag:s9], $0x2000  }
0xc9: {  	[sflag:s9] =	ssyncset.done $0x0  }
0xca: {  	[sflag:s9] =	ssyncadd.s32 $0xFFFFE000  }
0xcb: {  	[spmem:s3] =	stream.indirect.scatter.add.f32 [tilespmem:s4], [sflag:$0x4], $0x80, s10, s0, $0xb8;
	[tilespmem:$0x1A400] =	vst v63  }
0xcc: {  	_ =	swait.ge [sflag:s31], $0x2000  }
0xcd: {  	[sflag:s31] =	ssyncset.done $0x0  }
0xce: {  	[sflag:s31] =	ssyncadd.s32 $0xFFFFE000  }
0xcf: {  	[tilespmem:s4], [sflag:$0x2] =	stream.indirect.gather [hbm4b:s1+s0], $0x80, s11, s0, $0xb8;
	[tilespmem:$0x1A400] =	vst v63  }
0xd0: {  	_ =	swait.ge [sflag:s12], $0x2000  }
0xd1: {  	[sflag:s12] =	ssyncset.done $0x0  }
0xd2: {  	[sflag:s12] =	ssyncadd.s32 $0xFFFFE000  }
0xd3: {  	[spmem:s3] =	stream.indirect.scatter.add.f32 [tilespmem:s6], [sflag:$0x4], $0x80, s14, s0, $0xb8;
	[tilespmem:$0x1A400] =	vst v63  }
0xd4: {  	_ =	swait.ge [sflag:s31], $0x2000  }
0xd5: {  	[sflag:s31] =	ssyncset.done $0x0  }
0xd6: {  	[sflag:s31] =	ssyncadd.s32 $0xFFFFE000  }
0xd7: {  	[tilespmem:s6], [sflag:$0x3] =	stream.indirect.gather [hbm4b:s1+s0], $0x80, s26, s0, $0xb8;
	[tilespmem:$0x1A400] =	vst v63  }
0xd8: {  	_ =	swait.ge [sflag:s7], $0x2000  }
0xd9: {  	[sflag:s7] =	ssyncset.done $0x0  }
0xda: {  	[sflag:s7] =	ssyncadd.s32 $0xFFFFE000  }
0xdb: {  	[spmem:s3] =	stream.indirect.scatter.add.f32 [tilespmem:s30], [sflag:$0x4], $0x80, s16, s0, $0xb8;
	[tilespmem:$0x1A400] =	vst v63  }
0xdc: {  	_ =	swait.ge [sflag:s31], $0x2000  }
0xdd: {  	[sflag:s31] =	ssyncset.done $0x0  }
0xde: {  	[sflag:s31] =	ssyncadd.s32 $0xFFFFE000  }
0xdf: {  	[tilespmem:s30], [sflag:$0x1] =	stream.indirect.gather [hbm4b:s1+s0], $0x80, s17, s0, $0xb8;
	[tilespmem:$0x1A400] =	vst v63  }
0xe0: {  	_ =	swait.ge [sflag:s9], $0x2000  }
0xe1: {  	[sflag:s9] =	ssyncset.done $0x0  }
0xe2: {  	[sflag:s9] =	ssyncadd.s32 $0xFFFFE000  }
0xe3: {  	[spmem:s3] =	stream.indirect.scatter.add.f32 [tilespmem:s4], [sflag:$0x4], $0x80, s18, s0, $0xb8;
	[tilespmem:$0x1A400] =	vst v63  }
0xe4: {  	_ =	swait.ge [sflag:s31], $0x2000  }
0xe5: {  	[sflag:s31] =	ssyncset.done $0x0  }
0xe6: {  	[sflag:s31] =	ssyncadd.s32 $0xFFFFE000  }
0xe7: {  	[tilespmem:s4], [sflag:$0x2] =	stream.indirect.gather [hbm4b:s1+s0], $0x80, s19, s0, $0xb8;
	[tilespmem:$0x1A400] =	vst v63  }
0xe8: {  	_ =	swait.ge [sflag:s12], $0x2000  }
0xe9: {  	[sflag:s12] =	ssyncset.done $0x0  }
0xea: {  	[sflag:s12] =	ssyncadd.s32 $0xFFFFE000  }
0xeb: {  	[spmem:s3] =	stream.indirect.scatter.add.f32 [tilespmem:s6], [sflag:$0x4], $0x80, s20, s0, $0xb8;
	[tilespmem:$0x1A400] =	vst v63  }
0xec: {  	_ =	swait.ge [sflag:s31], $0x2000  }
0xed: {  	[sflag:s31] =	ssyncset.done $0x0  }
0xee: {  	[sflag:s31] =	ssyncadd.s32 $0xFFFFE000  }
0xef: {  	_ =	swait.ge [sflag:s7], $0x2000  }
0xf0: {  	[sflag:s7] =	ssyncset.done $0x0  }
0xf1: {  	[sflag:s7] =	ssyncadd.s32 $0xFFFFE000  }
0xf2: {  	[spmem:s3] =	stream.indirect.scatter.add.f32 [tilespmem:s30], [sflag:$0x4], $0x80, s21, s0, $0xb8;
	[tilespmem:$0x1A400] =	vst v63  }
0xf3: {  	_ =	swait.ge [sflag:s31], $0x2000  }
0xf4: {  	[sflag:s31] =	ssyncset.done $0x0  }
0xf5: {  	[sflag:s31] =	ssyncadd.s32 $0xFFFFE000  }
0xf6: {  	p0 =	sne.s32 s24, $0x1;
	_ =	swait.ge [sflag:s9], $0x2000  }
.Ltmp2:
0xf7: {  	[sflag:s9] =	ssyncset.done $0x0;
	(pc) =	sbr.rel @p0 .LBB2_4-.Ltmp2, $4  }
0xf8: {  	[sflag:s9] =	ssyncadd.s32 $0xFFFFE000  }
0xf9: {  	[spmem:s3] =	stream.indirect.scatter.add.f32 [tilespmem:s4], [sflag:$0x4], $0x80, s22, s0, $0xb8;
	[tilespmem:$0x1A400] =	vst v63  }
0xfa: {  	_ =	swait.ge [sflag:s31], $0x2000  }
0xfb: {  	s24 =	sadd.s32 $0xFFFFFFFF, s24;
	[sflag:s31] =	ssyncset.done $0x0  }
.LBB2_5:
0xfc: {  	[sflag:s31] =	ssyncadd.s32 $0xFFFFE000  }
0xfd: {  	[bflag:$0x0] =	sbarrier.arrive $0xFFFF  }
0xfe: {  	[tilespmem:s4], [sflag:$0x4] =	stream.linear.gather [spmem:s25], $0x2000, $0x38;
	[tilespmem:$0x1A400] =	vst v63  }
0xff: {  	_ =	swait.ge [sflag:s31], $0x2000  }
0x100: {  	[sflag:s31] =	ssyncset.done $0x0  }
0x101: {  	s15 =	rddreg [dreg:$0x5];
	[sflag:s31] =	ssyncadd.s32 $0xFFFFE000  }
0x102: {  	[hbm4b:s15+s13] =	stream.linear.scatter [tilespmem:s4], [sflag:$0x4], $0x2000, $0x38;
	[tilespmem:$0x1A400] =	vst v63  }
0x103: {  	_ =	swait.ge [sflag:s31], $0x2000  }
0x104: {  	[sflag:s31] =	ssyncset.done $0x0  }
0x105: {  	s28 =	rddreg [dreg:$0x10];
	[sflag:s31] =	ssyncadd.s32 $0xFFFFE000  }
0x106: {  	[tilespmem:s4], [sflag:$0x4] =	stream.linear.gather [spmem:s28], $0x2000, $0x38;
	[tilespmem:$0x1A400] =	vst v63  }
0x107: {  	_ =	swait.ge [sflag:s31], $0x2000  }
0x108: {  	[sflag:s31] =	ssyncset.done $0x0  }
0x109: {  	s24 =	rddreg [dreg:$0x6];
	[sflag:s31] =	ssyncadd.s32 $0xFFFFE000  }
0x10a: {  	[hbm4b:s24+s13] =	stream.linear.scatter [tilespmem:s4], [sflag:$0x4], $0x2000, $0x38;
	[tilespmem:$0x1A400] =	vst v63  }
0x10b: {  	_ =	swait.ge [sflag:s31], $0x2000  }
0x10c: {  	[sflag:s31] =	ssyncset.done $0x0  }
0x10d: {  	s29 =	smov.u32 s25;
	s25 =	rddreg [dreg:$0x11];
	[sflag:s31] =	ssyncadd.s32 $0xFFFFE000  }
0x10e: {  	[tilespmem:s4], [sflag:$0x4] =	stream.linear.gather [spmem:s25], $0x2000, $0x38;
	[tilespmem:$0x1A400] =	vst v63  }
0x10f: {  	_ =	swait.ge [sflag:s31], $0x2000  }
0x110: {  	[sflag:s31] =	ssyncset.done $0x0  }
0x111: {  	s28 =	rddreg [dreg:$0x7];
	[sflag:s31] =	ssyncadd.s32 $0xFFFFE000  }
0x112: {  	[hbm4b:s28+s13] =	stream.linear.scatter [tilespmem:s4], [sflag:$0x4], $0x2000, $0x38;
	[tilespmem:$0x1A400] =	vst v63  }
0x113: {  	_ =	swait.ge [sflag:s31], $0x2000  }
0x114: {  	[sflag:s31] =	ssyncset.done $0x0  }
0x115: {  	s24 =	rddreg [dreg:$0x12];
	[sflag:s31] =	ssyncadd.s32 $0xFFFFE000  }
0x116: {  	[tilespmem:s4], [sflag:$0x4] =	stream.linear.gather [spmem:s24], $0x2000, $0x38;
	[tilespmem:$0x1A400] =	vst v63  }
0x117: {  	_ =	swait.ge [sflag:s31], $0x2000  }
0x118: {  	[sflag:s31] =	ssyncset.done $0x0  }
0x119: {  	s25 =	rddreg [dreg:$0x8];
	[sflag:s31] =	ssyncadd.s32 $0xFFFFE000  }
0x11a: {  	[hbm4b:s25+s13] =	stream.linear.scatter [tilespmem:s4], [sflag:$0x4], $0x2000, $0x38;
	[tilespmem:$0x1A400] =	vst v63  }
0x11b: {  	_ =	swait.ge [sflag:s31], $0x2000  }
0x11c: {  	[sflag:s31] =	ssyncset.done $0x0  }
0x11d: {  	s28 =	rddreg [dreg:$0x13];
	[sflag:s31] =	ssyncadd.s32 $0xFFFFE000  }
0x11e: {  	[tilespmem:s4], [sflag:$0x4] =	stream.linear.gather [spmem:s28], $0x2000, $0x38;
	[tilespmem:$0x1A400] =	vst v63  }
0x11f: {  	_ =	swait.ge [sflag:s31], $0x2000  }
0x120: {  	[sflag:s31] =	ssyncset.done $0x0  }
0x121: {  	s24 =	rddreg [dreg:$0x9];
	[sflag:s31] =	ssyncadd.s32 $0xFFFFE000  }
0x122: {  	[hbm4b:s24+s13] =	stream.linear.scatter [tilespmem:s4], [sflag:$0x4], $0x2000, $0x38;
	[tilespmem:$0x1A400] =	vst v63  }
0x123: {  	_ =	swait.ge [sflag:s31], $0x2000  }
0x124: {  	[sflag:s31] =	ssyncset.done $0x0  }
0x125: {  	s25 =	rddreg [dreg:$0x14];
	[sflag:s31] =	ssyncadd.s32 $0xFFFFE000  }
0x126: {  	[tilespmem:s4], [sflag:$0x4] =	stream.linear.gather [spmem:s25], $0x2000, $0x38;
	[tilespmem:$0x1A400] =	vst v63  }
0x127: {  	_ =	swait.ge [sflag:s31], $0x2000  }
0x128: {  	[sflag:s31] =	ssyncset.done $0x0  }
0x129: {  	s28 =	rddreg [dreg:$0xa];
	[sflag:s31] =	ssyncadd.s32 $0xFFFFE000  }
0x12a: {  	[hbm4b:s28+s13] =	stream.linear.scatter [tilespmem:s4], [sflag:$0x4], $0x2000, $0x38;
	[tilespmem:$0x1A400] =	vst v63  }
0x12b: {  	_ =	swait.ge [sflag:s31], $0x2000  }
0x12c: {  	[sflag:s31] =	ssyncset.done $0x0  }
0x12d: {  	s24 =	rddreg [dreg:$0x15];
	[sflag:s31] =	ssyncadd.s32 $0xFFFFE000  }
0x12e: {  	[tilespmem:s4], [sflag:$0x4] =	stream.linear.gather [spmem:s24], $0x2000, $0x38;
	[tilespmem:$0x1A400] =	vst v63  }
0x12f: {  	_ =	swait.ge [sflag:s31], $0x2000  }
0x130: {  	[sflag:s31] =	ssyncset.done $0x0  }
0x131: {  	s25 =	rddreg [dreg:$0xb];
	[sflag:s31] =	ssyncadd.s32 $0xFFFFE000  }
0x132: {  	[hbm4b:s25+s13] =	stream.linear.scatter [tilespmem:s4], [sflag:$0x4], $0x2000, $0x38;
	[tilespmem:$0x1A400] =	vst v63  }
0x133: {  	_ =	swait.ge [sflag:s31], $0x2000  }
0x134: {  	[sflag:s31] =	ssyncset.done $0x0  }
0x135: {  	s28 =	rddreg [dreg:$0x16];
	[sflag:s31] =	ssyncadd.s32 $0xFFFFE000  }
0x136: {  	[tilespmem:s4], [sflag:$0x4] =	stream.linear.gather [spmem:s28], $0x2000, $0x38;
	[tilespmem:$0x1A400] =	vst v63  }
0x137: {  	_ =	swait.ge [sflag:s31], $0x2000  }
0x138: {  	[sflag:s31] =	ssyncset.done $0x0  }
0x139: {  	s24 =	rddreg [dreg:$0xc];
	[sflag:s31] =	ssyncadd.s32 $0xFFFFE000  }
0x13a: {  	[hbm4b:s24+s13] =	stream.linear.scatter [tilespmem:s4], [sflag:$0x4], $0x2000, $0x38;
	[tilespmem:$0x1A400] =	vst v63  }
0x13b: {  	_ =	swait.ge [sflag:s31], $0x2000  }
0x13c: {  	[sflag:s31] =	ssyncset.done $0x0  }
0x13d: {  	s25 =	rddreg [dreg:$0x17];
	[sflag:s31] =	ssyncadd.s32 $0xFFFFE000  }
0x13e: {  	[tilespmem:s4], [sflag:$0x4] =	stream.linear.gather [spmem:s25], $0x2000, $0x38;
	[tilespmem:$0x1A400] =	vst v63  }
0x13f: {  	_ =	swait.ge [sflag:s31], $0x2000  }
0x140: {  	[sflag:s31] =	ssyncset.done $0x0  }
0x141: {  	s28 =	rddreg [dreg:$0xd];
	[sflag:s31] =	ssyncadd.s32 $0xFFFFE000  }
0x142: {  	[hbm4b:s28+s13] =	stream.linear.scatter [tilespmem:s4], [sflag:$0x4], $0x2000, $0x38;
	[tilespmem:$0x1A400] =	vst v63  }
0x143: {  	_ =	swait.ge [sflag:s31], $0x2000  }
0x144: {  	[sflag:s31] =	ssyncset.done $0x0  }
0x145: {  	s24 =	rddreg [dreg:$0x18];
	[sflag:s31] =	ssyncadd.s32 $0xFFFFE000  }
0x146: {  	[tilespmem:s4], [sflag:$0x4] =	stream.linear.gather [spmem:s24], $0x1C00, $0x38;
	[tilespmem:$0x1A400] =	vst v63  }
0x147: {  	_ =	swait.ge [sflag:s31], $0x1C00  }
0x148: {  	[sflag:s31] =	ssyncset.done $0x0  }
0x149: {  	s25 =	rddreg [dreg:$0xe];
	[sflag:s31] =	ssyncadd.s32 $0xFFFFE400  }
0x14a: {  	[hbm4b:s25+s13] =	stream.linear.scatter [tilespmem:s4], [sflag:$0x4], $0x1C00, $0x38;
	[tilespmem:$0x1A400] =	vst v63  }
0x14b: {  	_ =	swait.ge [sflag:s31], $0x1C00  }
0x14c: {  	s23 =	sadd.s32 $0x1, s23;
	s28 =	rddreg [dreg:$0x19]  }
0x14d: {  	p0 =	sne.s32 s23, s28  }
.Ltmp3:
0x14e: {  	_ = 	snop;
	(pc) =	sbr.rel @p0 .LBB2_1-.Ltmp3, $3  }
0x14f: {  	_ =	sdelay $0x1  }
0x150: {  	[sflag:s31] =	ssyncset.done $0x0  }
0x151: {  	[sflag:s31] =	ssyncadd.s32 $0xFFFFE400  }
0x152: {  	_ =	sfence.sel $0x180000  }
0x153: {  	[bflag:$0x0] =	sbarrier.arrive $0xFFFF  }
0x154: {  	_ =	strace $0x90000047  }
0x155: {  	s0 =	stileid.u32;
	[bflag:$0x2] =	sbarrier.arrive $0xFFFF  }
0x156: {  	p0 =	sne.s32 s0, $0x0;
	s0 =	rddreg [dreg:$0x3]  }
0x157: {  	s0 =	sadd.s32 @!p0 $0x100000, s0  }
0x158: {  	[sflag:s0] =	ssyncadd.tile.s32 @!p0 $0x1;
	_ =	shalt  }
.Lfunc_end2:
_tile_overlayer_lowered:
.L_overlay_start_2:
0x159: {  	(tag) =	ssettag $0x2  }
0x15a: {  	s0 =	rddreg [dreg:$0x0];
	s2 =	stileid.u32  }
0x15b: {  	s1 =	rddreg [dreg:$0x1];
	p0 =	sne.s32 s2, $0x0  }
0x15c: {  	s3 =	rddreg [dreg:$0x2];
	[bflag:$0x3] =	sbarrier.arrive $0xFFFF;
	s2 =	simm.s32 @!p0 $0x1C04  }
0x15d: {  	[timem:s3], [sflag:s2] =	dma.local @!p0 [hbm:s0], s1  }
0x15e: {  	s0 =	simm.s32 @!p0 $0x4  }
0x15f: {  	_ =	swait.ge @!p0 [sflag:s0], s1  }
0x160: {  	s1 =	ssub.s32 @!p0 $0x0, s1;
	[sflag:s0] =	ssyncset.done @!p0 $0x0  }
0x161: {  	[sflag:s0] =	ssyncadd.s32 @!p0 s1  }
0x162: {  	[bflag:$0x3] =	sbarrier.arrive $0xFFFF  }
0x163: {  	_ =	shalt  }

// kernel: kernel.13.cloned.1.call-start
scs
__scs_entry_jumppad:
0x0: {  	(pc) =	sbr.rel $0x88, $3  }
0x1: {  	(tag) =	ssettag $0x0;
	lr =	simm.s32 $0x1  }
0x2: {  	[smem:$0x3F99] =	sst lr;
	_ =	strace $0xD0000000  }
0x3: {  	_ = 	snop  }
0x4: {  	_ = 	snop  }
0x5: {  	_ = 	snop  }
0x6: {  	_ = 	snop  }
0x7: {  	_ = 	snop  }
__scs_overlays_trampoline_lowered:
0x8: {  	[smem:$0x3FA8] =	sst s0  }
0x9: {  	[smem:$0x3FA9] =	sst s1  }
0xa: {  	[smem:$0x3FAA] =	sst s2  }
0xb: {  	[smem:$0x3FAB] =	sst s3  }
0xc: {  	[smem:$0x3FAC] =	sst s4  }
0xd: {  	[smem:$0x3FAD] =	sst s5  }
0xe: {  	[smem:$0x3FAE] =	sst s6  }
0xf: {  	[smem:$0x3FAF] =	sst s7  }
0x10: {  	[smem:$0x3FB0] =	sst s8  }
0x11: {  	[smem:$0x3FB1] =	sst s9;
	s0 =	simm.s32 @!p0 $0x0  }
0x12: {  	s1 =	sld [smem:$0x3F97];
	s0 =	simm.s32 @p0 $0x1  }
0x13: {  	[smem:$0x3FB2] =	sst s0;
	s0 =	simm.s32 @!p1 $0x0  }
0x14: {  	s2 =	sld [smem:$0x3F96];
	s0 =	simm.s32 @p1 $0x1  }
0x15: {  	[smem:$0x3FB3] =	sst s0;
	s0 =	simm.s32 @!p2 $0x0  }
0x16: {  	s3 =	sld [smem:$0x3FDB];
	s0 =	simm.s32 @p2 $0x1  }
0x17: {  	s4 =	simm.s32 $0x1BF5;
	[smem:$0x3FB5] =	sst s0  }
0x18: {  	s0 =	sld [smem:$0x3F98];
	_ =	swait.ge [sflag:s4], $0x0  }
0x19: {  	s7 =	sld [smem:$0x3F99]  }
0x1a: {  	s8 =	sadd.s32 $0xFFFFE003, lr  }
0x1b: {  	s9 =	sadd.s32 $0xFFFFFEF7, lr;
	s5 =	simm.s32 $0xFFFFFFFF;
	p2 =	slt.u32 s8, $0xFFFFF086  }
0x1c: {  	p1 =	slt.u32 s9, $0xF7A;
	s5 =	simm.s32 @!p2 $0x0  }
0x1d: {  	s5 =	simm.s32 @p1 $0x1;
	p0 =	seq.s32 s7, s2  }
0x1e: {  	s7 =	smul.u32 @!p0 $0xF7A, s2;
	p2 =	seq.s32 @!p0 s5, $0x0  }
0x1f: {  	s9 =	smul.u32 $0xF7A, s1;
	s8 =	simm.s32 @!p0 $0x1BF5;
	p2 =	por !p2, p0  }
0x20: {  	[sflag:s8] =	ssyncset.s32 @!p0 $0xFFFFF086;
	s6 =	sadd.s32 @!p0 s3, s7;
	s7 =	simm.s32 @!p0 $0x108  }
0x21: {  	s3 =	sadd.s32 s3, s9;
	s6 =	sadd.s32 @!p0 $0x88, s6;
	s7 =	simm.s32 @p2 $0x1082  }
0x22: {  	[simem:s7], [sflag:s8] =	dma.local @!p0 [hbm:s6], $0xF7A  }
0x23: {  	s9 =	sor.u32 $0xD0000000, s2;
	s6 =	simm.s32 $0x108;
	_ =	swait.ge @!p0 [sflag:s8], $0x0  }
0x24: {  	s3 =	sadd.s32 $0x88, s3;
	s6 =	simm.s32 @!p1 $0x1082;
	[sflag:s4] =	ssyncset.s32 $0xFFFFF086  }
0x25: {  	[simem:s6], [sflag:s4] =	dma.local [hbm:s3], $0xF7A  }
0x26: {  	[smem:$0x3F99] =	sst s1;
	(tag) =	ssettag s2;
	_ =	strace s9  }
0x27: {  	s1 =	sld [smem:$0x3FA9]  }
0x28: {  	s2 =	sld [smem:$0x3FAA]  }
0x29: {  	s4 =	sld [smem:$0x3FAC]  }
0x2a: {  	p0 =	seq.s32 s5, $0x0;
	s5 =	sld [smem:$0x3FAD]  }
0x2b: {  	s6 =	sld [smem:$0x3FAE]  }
0x2c: {  	s7 =	sld [smem:$0x3FAF]  }
0x2d: {  	s3 =	simm.s32 $0x108;
	s8 =	sld [smem:$0x3FB0]  }
0x2e: {  	s3 =	simm.s32 @!p0 $0x1082;
	s9 =	sld [smem:$0x3FB1]  }
0x2f: {  	lr =	sadd.s32 s0, s3;
	s0 =	sld [smem:$0x3FA8]  }
0x30: {  	s3 =	sld [smem:$0x3FAB]  }
0x31: {  	[smem:$0x3FB4] =	sst s10  }
0x32: {  	s10 =	sld [smem:$0x3FB2];
	_ =	sdelay $0x3  }
0x33: {  	p0 =	seq.s32 s10, $0x1;
	s10 =	sld [smem:$0x3FB4];
	_ =	sdelay $0x3  }
0x34: {  	[smem:$0x3FB4] =	sst s10  }
0x35: {  	s10 =	sld [smem:$0x3FB3];
	_ =	sdelay $0x3  }
0x36: {  	p1 =	seq.s32 s10, $0x1;
	s10 =	sld [smem:$0x3FB4];
	_ =	sdelay $0x3  }
0x37: {  	[smem:$0x3FB4] =	sst s10  }
0x38: {  	s10 =	sld [smem:$0x3FB5]  }
0x39: {  	_ = 	snop;
	(pc) =	sbr.ind lr, $3  }
0x3a: {  	_ = 	snop  }
0x3b: {  	_ = 	snop  }
0x3c: {  	p2 =	seq.s32 s10, $0x1;
	s10 =	sld [smem:$0x3FB4]  }
0x3d: {  	_ =	shalt  }
0x3e: {  	_ =	shalt  }
0x3f: {  	_ =	shalt  }
0x40: {  	_ =	shalt  }
0x41: {  	_ =	shalt  }
0x42: {  	_ =	shalt  }
0x43: {  	_ =	shalt  }
0x44: {  	_ =	shalt  }
0x45: {  	_ =	shalt  }
0x46: {  	_ =	shalt  }
0x47: {  	_ =	shalt  }
0x48: {  	_ =	shalt  }
0x49: {  	_ =	shalt  }
0x4a: {  	_ =	shalt  }
0x4b: {  	_ =	shalt  }
0x4c: {  	_ =	shalt  }
0x4d: {  	_ =	shalt  }
0x4e: {  	_ =	shalt  }
0x4f: {  	_ =	shalt  }
0x50: {  	_ =	shalt  }
0x51: {  	_ =	shalt  }
0x52: {  	_ =	shalt  }
0x53: {  	_ =	shalt  }
0x54: {  	_ =	shalt  }
0x55: {  	_ =	shalt  }
0x56: {  	_ =	shalt  }
0x57: {  	_ =	shalt  }
0x58: {  	_ =	shalt  }
0x59: {  	_ =	shalt  }
0x5a: {  	_ =	shalt  }
0x5b: {  	_ =	shalt  }
0x5c: {  	_ =	shalt  }
0x5d: {  	_ =	shalt  }
0x5e: {  	_ =	shalt  }
0x5f: {  	_ =	shalt  }
0x60: {  	_ =	shalt  }
0x61: {  	_ =	shalt  }
0x62: {  	_ =	shalt  }
0x63: {  	_ =	shalt  }
0x64: {  	_ =	shalt  }
0x65: {  	_ =	shalt  }
0x66: {  	_ =	shalt  }
0x67: {  	_ =	shalt  }
0x68: {  	_ =	shalt  }
0x69: {  	_ =	shalt  }
0x6a: {  	_ =	shalt  }
0x6b: {  	_ =	shalt  }
0x6c: {  	_ =	shalt  }
0x6d: {  	_ =	shalt  }
0x6e: {  	_ =	shalt  }
0x6f: {  	_ =	shalt  }
0x70: {  	_ =	shalt  }
0x71: {  	_ =	shalt  }
0x72: {  	_ =	shalt  }
0x73: {  	_ =	shalt  }
0x74: {  	_ =	shalt  }
0x75: {  	_ =	shalt  }
0x76: {  	_ =	shalt  }
0x77: {  	_ =	shalt  }
0x78: {  	_ =	shalt  }
0x79: {  	_ =	shalt  }
0x7a: {  	_ =	shalt  }
0x7b: {  	_ =	shalt  }
0x7c: {  	_ =	shalt  }
0x7d: {  	_ =	shalt  }
0x7e: {  	_ =	shalt  }
0x7f: {  	_ =	shalt  }
0x80: {  	_ =	shalt  }
0x81: {  	_ =	shalt  }
0x82: {  	_ =	shalt  }
0x83: {  	_ =	shalt  }
0x84: {  	_ =	shalt  }
0x85: {  	_ =	shalt  }
0x86: {  	_ =	shalt  }
0x87: {  	_ =	shalt  }
.Lfunc_end0:
.L_simem_size_0:
called_computation.2_lowered:
.L_overlay_start_0:
0x88: {  	s2 =	sld [smem:$0x3FD9]  }
0x89: {  	s3 =	sld [smem:$0x3FFE];
	_ =	sdelay $0x1  }
0x8a: {  	s1 =	srdreg.scid  }
0x8b: {  	s0 =	sand.u32 $0x1, s1  }
0x8c: {  	s17 =	sshll.u32 s0, $0xA;
	s2 =	sadd.s32 s3, s2  }
0x8d: {  	s2 =	sadd.s32 s2, s17  }
0x8e: {  	[smem:$0x3FC0] =	sst s2  }
0x8f: {  	_ = 	snop  }
0x90: {  	s2 =	sld [smem:$0x3FD0];
	(tm) =	ssettm $0x1  }
0x91: {  	s18 =	sld [smem:$0x3FFB];
	_ =	sdelay $0x3  }
0x92: {  	_ =	strace s18  }
0x93: {  	s3 =	sld [smem:$0x3FFC];
	_ =	sdelay $0x3  }
0x94: {  	_ =	strace s3  }
0x95: {  	s3 =	sld [smem:$0x3FFD];
	_ =	sdelay $0x3  }
0x96: {  	_ =	strace s3  }
0x97: {  	_ =	strace $0x8FFFFFFF  }
0x98: {  	s19 =	sld [smem:$0x3FDB];
	_ =	sdelay $0x1  }
0x99: {  	s4 =	simm.s32 $_scs_section_size  }
0x9a: {  	s5 =	simm.s32 $_size__tile_overlayer_lowered;
	s6 =	simm.s32 $_tile_overlayer_lowered  }
0x9b: {  	s22 =	simm.s32 $0x1BFF;
	s21 =	sshll.u32 s6, $0x1;
	s3 =	sadd.s32 s4, s19  }
0x9c: {  	s7 =	simm.s32 $0x0;
	s20 =	sshll.u32 s5, $0x1;
	s5 =	sadd.s32 s21, s3  }
0x9d: {  	[timem:s7], [sflag:s22] =	dma.local [hbm:s5], s20  }
0x9e: {  	_ =	swait.ge [sflag:s22], s20  }
0x9f: {  	s4 =	ssub.s32 $0x0, s20;
	[sflag:s22] =	ssyncset.done $0x0  }
0xa0: {  	[sflag:s22] =	ssyncadd.s32 s4;
	_ =	sdelay $0x1  }
0xa1: {  	s23 =	simm.s32 $0x1B8B  }
0xa2: {  	_ =	swait.ge [sflag:s23], $0x1  }
0xa3: {  	[sflag:s23] =	ssyncset.done $0x0  }
0xa4: {  	s25 =	simm.s32 $0x1B8E;
	s24 =	sld [smem:$0x3FFE];
	[sflag:s23] =	ssyncadd.s32 $0xFFFFFFFF  }
0xa5: {  	s26 =	simm.s32 $execute0_lowered;
	[smem:$0x3FD2] =	sst s25  }
0xa6: {  	s5 =	sshll.u32 s26, $0x1;
	_ =	strace $0x8000004C;
	[dreg:$0x1] =	wrdreg $0xFFFFFFFF  }
0xa7: {  	s28 =	simm.s32 $_size_execute0_lowered;
	s3 =	sadd.s32 s3, s5;
	[dreg:$0x0] =	wrdreg $0x0  }
0xa8: {  	s5 =	sshll.u32 s28, $0x1;
	[dreg:$0x2] =	wrdreg s3  }
0xa9: {  	[dreg:$0x3] =	wrdreg s5  }
0xaa: {  	[dreg:$0x4] =	wrdreg $0xC0  }
0xab: {  	_ =	task [dreg:s7], $0x5FFFF  }
0xac: {  	[dreg:$0x1] =	wrdreg $0xFFFFFFFF  }
0xad: {  	[dreg:$0x0] =	wrdreg $0x60  }
0xae: {  	[dreg:$0x2] =	wrdreg s2  }
0xaf: {  	[dreg:$0x3] =	wrdreg s24  }
0xb0: {  	[dreg:$0x4] =	wrdreg $0x68000  }
0xb1: {  	[dreg:$0x5] =	wrdreg $0x9  }
0xb2: {  	_ =	task.clear_ibuf [dreg:s7], $0x6FFFF;
	_ =	strace $0x9000004C  }
0xb3: {  	s29 =	simm.s32 $0x9;
	_ =	strace $0x8000004E  }
0xb4: {  	_ =	swait.ge [sflag:s29], $0x1  }
0xb5: {  	[sflag:s29] =	ssyncadd.s32 $0xFFFFFFFF  }
0xb6: {  	_ =	strace $0x9000004E  }
0xb7: {  	_ =	sfence  }
0xb8: {  	s30 =	sld [smem:$0x0];
	_ =	sdelay $0x2  }
0xb9: {  	s31 =	sshll.u32 s1, $0xD;
	s1 =	sshrl.u32 s1, $0x2  }
0xba: {  	s3 =	sand.u32 $0x4000, s31;
	s1 =	sadd.s32 s1, s30  }
0xbb: {  	s0 =	sor.u32 s3, s0;
	s1 =	sshll.u32 s1, $0x11  }
0xbc: {  	s0 =	sor.u32 s1, s0  }
0xbd: {  	s0 =	sadd.s32 $0x8F2B, s0  }
0xbe: {  	[sflag:s0] =	ssyncadd.remote.s32 $0x1  }
0xbf: {  	_ =	sfence.sel $0xFFFF  }
0xc0: {  	[dreg:$0x0] =	wrdreg $0xFFFFFFFF;
	(pc) =	sbr.abs _section_cstart, $3  }
0xc1: {  	[dreg:$0x1] =	wrdreg $0xFFFFFFFF  }
0xc2: {  	_ =	task.clear_ibuf [dreg:s7], $0x2FFFF;
	_ =	strace $0x9FFFFFFF  }
0xc3: {  	(tm) =	ssettm $0x7FFFFFFF  }
tec
execute0_lowered:
.L_overlay_start_1:
0x0: {  	(tag) =	ssettag $0x1  }
0x1: {  	s1 =	rddreg [dreg:$0x0]  }
0x2: {  	s0 =	srdreg.scid;
	s17 =	stileid.u32  }
0x3: {  	s4 =	rddreg [dreg:$0x1];
	s30 =	simm.s32 $0x800;
	s31 =	simm.s32 $0x4  }
0x4: {  	s2 =	sand.u32 $0x1, s0;
	s0 =	smul.u32 $0x120, s17;
	s3 =	sshll.u32 s17, $0x5  }
0x5: {  	s6 =	smul.u32 $0x13C00, s17;
	p0 =	seq.s32 s2, $0x0;
	s5 =	sor.u32 $0x1200, s3  }
0x6: {  	s3 =	rddreg [dreg:$0x2];
	s21 =	ssub.s32 $0x2, s2;
	s2 =	smul.u32 $0x13C000, s2  }
0x7: {  	s5 =	smov.u32 @p0 s0;
	s7 =	sshrl.u32 s21, $0x1;
	s8 =	sadd.s32 $0x4000, s6  }
0x8: {  	s9 =	sadd.s32 $0x6000, s6;
	s10 =	sadd.s32 $0x8000, s6;
	s11 =	sadd.s32 $0xA000, s6  }
0x9: {  	s12 =	sadd.s32 $0xC000, s6;
	s14 =	sadd.s32 $0xE000, s6;
	s15 =	sadd.s32 $0x10000, s6  }
0xa: {  	s0 =	sshll.u32 s5, $0x4;
	s5 =	ssub.s32 s21, s7;
	s7 =	sadd.s32 $0x2000, s6  }
0xb: {  	s13 =	sadd.s32 s6, s2;
	s6 =	sadd.s32 $0x12000, s6;
	s23 =	sadd.s32 s2, s8  }
0xc: {  	s25 =	sadd.s32 s2, s9;
	s28 =	sadd.s32 s2, s10;
	s18 =	sadd.s32 s2, s11  }
0xd: {  	s20 =	sadd.s32 s2, s12;
	s0 =	sadd.s32 s0, s4;
	s4 =	sadd.s32 $0x2A200, s4  }
0xe: {  	s13 =	sshrl.u32 s13, $0x3;
	s16 =	sadd.s32 s2, s7;
	s24 =	sshrl.u32 s23, $0x3  }
0xf: {  	s26 =	sshrl.u32 s25, $0x3;
	s19 =	sshrl.u32 s18, $0x3;
	s21 =	sshrl.u32 s20, $0x3  }
0x10: {  	s13 =	sadd.s32 s4, s13;
	s22 =	sshrl.u32 s16, $0x3;
	s16 =	sshrl.u32 s28, $0x3  }
0x11: {  	[dreg:$0x5] =	wrdreg s13;
	s13 =	sadd.s32 s4, s22;
	s22 =	sadd.s32 s2, s14  }
0x12: {  	[dreg:$0x6] =	wrdreg s13;
	s13 =	sadd.s32 s4, s24;
	s24 =	sadd.s32 s2, s15  }
0x13: {  	s2 =	sadd.s32 s2, s6;
	[dreg:$0x7] =	wrdreg s13;
	s13 =	sadd.s32 s4, s26  }
0x14: {  	s2 =	sshrl.u32 s2, $0x3;
	[dreg:$0x8] =	wrdreg s13;
	s13 =	sadd.s32 s4, s16  }
0x15: {  	s18 =	sadd.s32 s8, s3;
	s2 =	sadd.s32 s4, s2;
	[dreg:$0x9] =	wrdreg s13  }
0x16: {  	s20 =	sadd.s32 s10, s3;
	s13 =	sadd.s32 s4, s19;
	[dreg:$0xe] =	wrdreg s2  }
0x17: {  	s23 =	sshrl.u32 s22, $0x3;
	[dreg:$0xa] =	wrdreg s13;
	s13 =	sadd.s32 s4, s21  }
0x18: {  	s25 =	sshrl.u32 s24, $0x3;
	[dreg:$0xb] =	wrdreg s13;
	s13 =	sadd.s32 s4, s23  }
0x19: {  	s8 =	simm.s32 $0x180;
	[dreg:$0xc] =	wrdreg s13;
	s13 =	sadd.s32 s4, s25  }
0x1a: {  	s10 =	simm.s32 $0x480;
	[dreg:$0xd] =	wrdreg s13;
	s13 =	simm.s32 $0x0  }
0x1b: {  	s28 =	simm.s32 $0x80;
	s16 =	simm.s32 $0x24;
	[smem:$0x7FF] =	sst s13  }
0x1c: {  	s16 =	simm.s32 @!p0 $0x4;
	_ =	strace $0x8000004D;
	[dreg:$0x4] =	wrdreg s28  }
0x1d: {  	s26 =	smul.u32 $0x4F000, s17;
	s17 =	sadd.s32 s7, s3;
	[dreg:$0xf] =	wrdreg s16  }
0x1e: {  	s22 =	sadd.s32 s12, s3;
	s12 =	simm.s32 $0x3;
	[dreg:$0x10] =	wrdreg s17  }
0x1f: {  	s24 =	sadd.s32 s15, s3;
	s19 =	sadd.s32 s9, s3;
	[dreg:$0x11] =	wrdreg s18  }
0x20: {  	s7 =	simm.s32 $0x1;
	s2 =	sshrl.u32 s26, $0x2;
	[dreg:$0x12] =	wrdreg s19  }
0x21: {  	s26 =	smax.u32 s5, $0x1;
	s21 =	sadd.s32 s11, s3;
	[dreg:$0x13] =	wrdreg s20  }
0x22: {  	s5 =	simm.s32 $0x100;
	s9 =	simm.s32 $0x2;
	[dreg:$0x14] =	wrdreg s21  }
0x23: {  	s29 =	sadd.s32 s2, s3;
	s23 =	sadd.s32 s14, s3;
	[dreg:$0x15] =	wrdreg s22  }
0x24: {  	s2 =	simm.s32 $0x400;
	s11 =	simm.s32 $0x200;
	[dreg:$0x16] =	wrdreg s23  }
0x25: {  	s14 =	simm.s32 $0x500;
	s25 =	sadd.s32 s6, s3;
	[dreg:$0x17] =	wrdreg s24  }
0x26: {  	s4 =	simm.s32 $0x2800;
	s6 =	simm.s32 $0x4800;
	[dreg:$0x18] =	wrdreg s25  }
0x27: {  	[dreg:$0x19] =	wrdreg s26;
	s28 =	sadd.s32 $0x2200, s0;
	s0 =	sadd.s32 $0x16200, s0  }
0x28: {  	s26 =	simm.s32 $0x280;
	s16 =	simm.s32 $0x580;
	s17 =	simm.s32 $0x300  }
0x29: {  	s18 =	simm.s32 $0x600;
	s19 =	simm.s32 $0x380;
	s20 =	simm.s32 $0x680  }
0x2a: {  	s21 =	simm.s32 $0x700;
	s22 =	simm.s32 $0x780;
	[dreg:$0x1a] =	wrdreg s28  }
0x2b: {  	v0 =	vimm.f32 $0.0e+00;
	s23 =	simm.s32 $0x0;
	[dreg:$0x1b] =	wrdreg s0;
	s0 =	simm.s32 $0x40  }
.LBB2_1:
0x2c: {  	s24 =	simm.s32 $0x0;
	s28 =	simm.s32 $0x200  }
.LBB2_2:
0x2d: {  	p0 =	sne.s32 s28, $0x7E00;
	[tilespmem:s24+$0x870] =	vst v0  }
0x2e: {  	[tilespmem:s24+$0x800] =	vst v0  }
0x2f: {  	[tilespmem:s24+$0x810] =	vst v0  }
.Ltmp0:
0x30: {  	[tilespmem:s24+$0x820] =	vst v0;
	(pc) =	sbr.rel @p0 .LBB2_2-.Ltmp0, $4  }
0x31: {  	[tilespmem:s24+$0x830] =	vst v0  }
0x32: {  	[tilespmem:s24+$0x840] =	vst v0  }
0x33: {  	[tilespmem:s24+$0x850] =	vst v0  }
0x34: {  	[tilespmem:s24+$0x860] =	vst v0;
	s24 =	sshra.s32 s28, $0x2;
	s28 =	sadd.s32 $0x200, s28  }
0x35: {  	[tilespmem:s24+$0x870] =	vst v0  }
0x36: {  	[tilespmem:s24+$0x800] =	vst v0  }
0x37: {  	[tilespmem:s24+$0x810] =	vst v0  }
0x38: {  	[tilespmem:s24+$0x820] =	vst v0  }
0x39: {  	[tilespmem:s24+$0x830] =	vst v0  }
0x3a: {  	[tilespmem:s24+$0x840] =	vst v0  }
0x3b: {  	[tilespmem:s24+$0x850] =	vst v0  }
0x3c: {  	[tilespmem:s24+$0x860] =	vst v0  }
0x3d: {  	[spmem:s29] =	stream.linear.scatter [tilespmem:s30], [sflag:$0x4], $0x2000, $0x38;
	[tilespmem:$0x1A400] =	vst v63  }
0x3e: {  	_ =	swait.ge [sflag:s31], $0x2000  }
0x3f: {  	[sflag:s31] =	ssyncset.done $0x0  }
0x40: {  	s15 =	rddreg [dreg:$0x10];
	[sflag:s31] =	ssyncadd.s32 $0xFFFFE000  }
0x41: {  	[spmem:s15] =	stream.linear.scatter [tilespmem:s30], [sflag:$0x4], $0x2000, $0x38;
	[tilespmem:$0x1A400] =	vst v63  }
0x42: {  	_ =	swait.ge [sflag:s31], $0x2000  }
0x43: {  	[sflag:s31] =	ssyncset.done $0x0  }
0x44: {  	s24 =	rddreg [dreg:$0x11];
	[sflag:s31] =	ssyncadd.s32 $0xFFFFE000  }
0x45: {  	[spmem:s24] =	stream.linear.scatter [tilespmem:s30], [sflag:$0x4], $0x2000, $0x38;
	[tilespmem:$0x1A400] =	vst v63  }
0x46: {  	_ =	swait.ge [sflag:s31], $0x2000  }
0x47: {  	[sflag:s31] =	ssyncset.done $0x0  }
0x48: {  	s24 =	rddreg [dreg:$0x12];
	[sflag:s31] =	ssyncadd.s32 $0xFFFFE000  }
0x49: {  	[spmem:s24] =	stream.linear.scatter [tilespmem:s30], [sflag:$0x4], $0x2000, $0x38;
	[tilespmem:$0x1A400] =	vst v63  }
0x4a: {  	_ =	swait.ge [sflag:s31], $0x2000  }
0x4b: {  	[sflag:s31] =	ssyncset.done $0x0  }
0x4c: {  	s24 =	rddreg [dreg:$0x13];
	[sflag:s31] =	ssyncadd.s32 $0xFFFFE000  }
0x4d: {  	[spmem:s24] =	stream.linear.scatter [tilespmem:s30], [sflag:$0x4], $0x2000, $0x38;
	[tilespmem:$0x1A400] =	vst v63  }
0x4e: {  	_ =	swait.ge [sflag:s31], $0x2000  }
0x4f: {  	[sflag:s31] =	ssyncset.done $0x0  }
0x50: {  	s24 =	rddreg [dreg:$0x14];
	[sflag:s31] =	ssyncadd.s32 $0xFFFFE000  }
0x51: {  	[spmem:s24] =	stream.linear.scatter [tilespmem:s30], [sflag:$0x4], $0x2000, $0x38;
	[tilespmem:$0x1A400] =	vst v63  }
0x52: {  	_ =	swait.ge [sflag:s31], $0x2000  }
0x53: {  	[sflag:s31] =	ssyncset.done $0x0  }
0x54: {  	s24 =	rddreg [dreg:$0x15];
	[sflag:s31] =	ssyncadd.s32 $0xFFFFE000  }
0x55: {  	[spmem:s24] =	stream.linear.scatter [tilespmem:s30], [sflag:$0x4], $0x2000, $0x38;
	[tilespmem:$0x1A400] =	vst v63  }
0x56: {  	_ =	swait.ge [sflag:s31], $0x2000  }
0x57: {  	[sflag:s31] =	ssyncset.done $0x0  }
0x58: {  	s24 =	rddreg [dreg:$0x16];
	[sflag:s31] =	ssyncadd.s32 $0xFFFFE000  }
0x59: {  	[spmem:s24] =	stream.linear.scatter [tilespmem:s30], [sflag:$0x4], $0x2000, $0x38;
	[tilespmem:$0x1A400] =	vst v63  }
0x5a: {  	_ =	swait.ge [sflag:s31], $0x2000  }
0x5b: {  	[sflag:s31] =	ssyncset.done $0x0  }
0x5c: {  	s24 =	rddreg [dreg:$0x17];
	[sflag:s31] =	ssyncadd.s32 $0xFFFFE000  }
0x5d: {  	[spmem:s24] =	stream.linear.scatter [tilespmem:s30], [sflag:$0x4], $0x2000, $0x38;
	[tilespmem:$0x1A400] =	vst v63  }
0x5e: {  	_ =	swait.ge [sflag:s31], $0x2000  }
0x5f: {  	[sflag:s31] =	ssyncset.done $0x0  }
0x60: {  	s24 =	rddreg [dreg:$0x18];
	[sflag:s31] =	ssyncadd.s32 $0xFFFFE000  }
0x61: {  	[spmem:s24] =	stream.linear.scatter [tilespmem:s30], [sflag:$0x4], $0x1C00, $0x38;
	[tilespmem:$0x1A400] =	vst v63  }
0x62: {  	_ =	swait.ge [sflag:s31], $0x1C00  }
0x63: {  	[sflag:s31] =	ssyncset.done $0x0  }
0x64: {  	[sflag:s31] =	ssyncadd.s32 $0xFFFFE400  }
0x65: {  	[bflag:$0x0] =	sbarrier.arrive $0xFFFF  }
0x66: {  	s25 =	smov.u32 s29;
	s29 =	rddreg [dreg:$0x1b]  }
0x67: {  	[tilespmem:s13], [sflag:$0x4] =	stream.linear.gather [hbm4b:s29+s13], $0x400, $0x38;
	[tilespmem:$0x1A400] =	vst v63  }
0x68: {  	_ =	swait.ge [sflag:s31], $0x400  }
0x69: {  	[sflag:s31] =	ssyncset.done $0x0  }
0x6a: {  	s28 =	rddreg [dreg:$0x1a];
	[sflag:s31] =	ssyncadd.s32 $0xFFFFFC00  }
0x6b: {  	[tilespmem:s2], [sflag:$0x4] =	stream.linear.gather [hbm4b:s28+s13], $0x400, $0x38;
	[tilespmem:$0x1A400] =	vst v63  }
0x6c: {  	_ =	swait.ge [sflag:s31], $0x400  }
0x6d: {  	[sflag:s31] =	ssyncset.done $0x0  }
0x6e: {  	[sflag:s31] =	ssyncadd.s32 $0xFFFFFC00  }
0x6f: {  	[tilespmem:s30], [sflag:$0x1] =	stream.indirect.gather [hbm4b:s1+s0], $0x80, s13, s0, $0xb8;
	[tilespmem:$0x1A400] =	vst v63  }
0x70: {  	s15 =	rddreg [dreg:$0x4]  }
0x71: {  	[tilespmem:s4], [sflag:$0x2] =	stream.indirect.gather [hbm4b:s1+s0], $0x80, s15, s0, $0xb8;
	[tilespmem:$0x1A400] =	vst v63  }
0x72: {  	_ = 	snop  }
0x73: {  	[tilespmem:s6], [sflag:$0x3] =	stream.indirect.gather [hbm4b:s1+s0], $0x80, s5, s0, $0xb8;
	[tilespmem:$0x1A400] =	vst v63  }
0x74: {  	_ =	swait.ge [sflag:s7], $0x2000  }
0x75: {  	[sflag:s7] =	ssyncset.done $0x0  }
0x76: {  	[sflag:s7] =	ssyncadd.s32 $0xFFFFE000  }
0x77: {  	[spmem:s3] =	stream.indirect.scatter.add.f32 [tilespmem:s30], [sflag:$0x4], $0x80, s2, s0, $0xb8;
	[tilespmem:$0x1A400] =	vst v63  }
0x78: {  	_ =	swait.ge [sflag:s31], $0x2000  }
0x79: {  	[sflag:s31] =	ssyncset.done $0x0  }
0x7a: {  	[sflag:s31] =	ssyncadd.s32 $0xFFFFE000  }
0x7b: {  	[tilespmem:s30], [sflag:$0x1] =	stream.indirect.gather [hbm4b:s1+s0], $0x80, s8, s0, $0xb8;
	[tilespmem:$0x1A400] =	vst v63  }
0x7c: {  	_ =	swait.ge [sflag:s9], $0x2000  }
0x7d: {  	[sflag:s9] =	ssyncset.done $0x0  }
0x7e: {  	[sflag:s9] =	ssyncadd.s32 $0xFFFFE000  }
0x7f: {  	[spmem:s3] =	stream.indirect.scatter.add.f32 [tilespmem:s4], [sflag:$0x4], $0x80, s10, s0, $0xb8;
	[tilespmem:$0x1A400] =	vst v63  }
0x80: {  	_ =	swait.ge [sflag:s31], $0x2000  }
0x81: {  	[sflag:s31] =	ssyncset.done $0x0  }
0x82: {  	[sflag:s31] =	ssyncadd.s32 $0xFFFFE000  }
0x83: {  	[tilespmem:s4], [sflag:$0x2] =	stream.indirect.gather [hbm4b:s1+s0], $0x80, s11, s0, $0xb8;
	[tilespmem:$0x1A400] =	vst v63  }
0x84: {  	_ =	swait.ge [sflag:s12], $0x2000  }
0x85: {  	[sflag:s12] =	ssyncset.done $0x0  }
0x86: {  	[sflag:s12] =	ssyncadd.s32 $0xFFFFE000  }
0x87: {  	[spmem:s3] =	stream.indirect.scatter.add.f32 [tilespmem:s6], [sflag:$0x4], $0x80, s14, s0, $0xb8;
	[tilespmem:$0x1A400] =	vst v63  }
0x88: {  	_ =	swait.ge [sflag:s31], $0x2000  }
0x89: {  	[sflag:s31] =	ssyncset.done $0x0  }
0x8a: {  	[sflag:s31] =	ssyncadd.s32 $0xFFFFE000  }
0x8b: {  	[tilespmem:s6], [sflag:$0x3] =	stream.indirect.gather [hbm4b:s1+s0], $0x80, s26, s0, $0xb8;
	[tilespmem:$0x1A400] =	vst v63  }
0x8c: {  	_ =	swait.ge [sflag:s7], $0x2000  }
0x8d: {  	[sflag:s7] =	ssyncset.done $0x0  }
0x8e: {  	[sflag:s7] =	ssyncadd.s32 $0xFFFFE000  }
0x8f: {  	[spmem:s3] =	stream.indirect.scatter.add.f32 [tilespmem:s30], [sflag:$0x4], $0x80, s16, s0, $0xb8;
	[tilespmem:$0x1A400] =	vst v63  }
0x90: {  	_ =	swait.ge [sflag:s31], $0x2000  }
0x91: {  	[sflag:s31] =	ssyncset.done $0x0  }
0x92: {  	[sflag:s31] =	ssyncadd.s32 $0xFFFFE000  }
0x93: {  	[tilespmem:s30], [sflag:$0x1] =	stream.indirect.gather [hbm4b:s1+s0], $0x80, s17, s0, $0xb8;
	[tilespmem:$0x1A400] =	vst v63  }
0x94: {  	_ =	swait.ge [sflag:s9], $0x2000  }
0x95: {  	[sflag:s9] =	ssyncset.done $0x0  }
0x96: {  	[sflag:s9] =	ssyncadd.s32 $0xFFFFE000  }
0x97: {  	[spmem:s3] =	stream.indirect.scatter.add.f32 [tilespmem:s4], [sflag:$0x4], $0x80, s18, s0, $0xb8;
	[tilespmem:$0x1A400] =	vst v63  }
0x98: {  	_ =	swait.ge [sflag:s31], $0x2000  }
0x99: {  	[sflag:s31] =	ssyncset.done $0x0  }
0x9a: {  	[sflag:s31] =	ssyncadd.s32 $0xFFFFE000  }
0x9b: {  	[tilespmem:s4], [sflag:$0x2] =	stream.indirect.gather [hbm4b:s1+s0], $0x80, s19, s0, $0xb8;
	[tilespmem:$0x1A400] =	vst v63  }
0x9c: {  	_ =	swait.ge [sflag:s12], $0x2000  }
0x9d: {  	[sflag:s12] =	ssyncset.done $0x0  }
0x9e: {  	[sflag:s12] =	ssyncadd.s32 $0xFFFFE000  }
0x9f: {  	[spmem:s3] =	stream.indirect.scatter.add.f32 [tilespmem:s6], [sflag:$0x4], $0x80, s20, s0, $0xb8;
	[tilespmem:$0x1A400] =	vst v63  }
0xa0: {  	_ =	swait.ge [sflag:s31], $0x2000  }
0xa1: {  	[sflag:s31] =	ssyncset.done $0x0  }
0xa2: {  	[sflag:s31] =	ssyncadd.s32 $0xFFFFE000  }
0xa3: {  	_ =	swait.ge [sflag:s7], $0x2000  }
0xa4: {  	[sflag:s7] =	ssyncset.done $0x0  }
0xa5: {  	[sflag:s7] =	ssyncadd.s32 $0xFFFFE000  }
0xa6: {  	[spmem:s3] =	stream.indirect.scatter.add.f32 [tilespmem:s30], [sflag:$0x4], $0x80, s21, s0, $0xb8;
	[tilespmem:$0x1A400] =	vst v63  }
0xa7: {  	_ =	swait.ge [sflag:s31], $0x2000  }
0xa8: {  	[sflag:s31] =	ssyncset.done $0x0  }
0xa9: {  	[sflag:s31] =	ssyncadd.s32 $0xFFFFE000  }
0xaa: {  	_ =	swait.ge [sflag:s9], $0x2000  }
0xab: {  	s24 =	rddreg [dreg:$0xf]  }
0xac: {  	p0 =	sne.s32 s24, $0x1  }
.Ltmp1:
0xad: {  	[sflag:s9] =	ssyncset.done $0x0;
	(pc) =	sbr.rel @!p0 .LBB2_5-.Ltmp1, $4  }
0xae: {  	[sflag:s9] =	ssyncadd.s32 $0xFFFFE000  }
0xaf: {  	[spmem:s3] =	stream.indirect.scatter.add.f32 [tilespmem:s4], [sflag:$0x4], $0x80, s22, s0, $0xb8;
	[tilespmem:$0x1A400] =	vst v63  }
0xb0: {  	_ =	swait.ge [sflag:s31], $0x2000  }
0xb1: {  	s24 =	sadd.s32 $0xFFFFFFFF, s24;
	[sflag:s31] =	ssyncset.done $0x0  }
.LBB2_4:
0xb2: {  	[sflag:s31] =	ssyncadd.s32 $0xFFFFE000;
	s29 =	sadd.s32 $0x80, s29  }
0xb3: {  	[tilespmem:s13], [sflag:$0x4] =	stream.linear.gather [hbm4b:s29+s13], $0x400, $0x38;
	[tilespmem:$0x1A400] =	vst v63  }
0xb4: {  	_ =	swait.ge [sflag:s31], $0x400  }
0xb5: {  	[sflag:s31] =	ssyncset.done $0x0  }
0xb6: {  	s28 =	sadd.s32 $0x80, s28;
	[sflag:s31] =	ssyncadd.s32 $0xFFFFFC00  }
0xb7: {  	[tilespmem:s2], [sflag:$0x4] =	stream.linear.gather [hbm4b:s28+s13], $0x400, $0x38;
	[tilespmem:$0x1A400] =	vst v63  }
0xb8: {  	_ =	swait.ge [sflag:s31], $0x400  }
0xb9: {  	[sflag:s31] =	ssyncset.done $0x0  }
0xba: {  	[sflag:s31] =	ssyncadd.s32 $0xFFFFFC00  }
0xbb: {  	[tilespmem:s30], [sflag:$0x1] =	stream.indirect.gather [hbm4b:s1+s0], $0x80, s13, s0, $0xb8;
	[tilespmem:$0x1A400] =	vst v63  }
0xbc: {  	s15 =	rddreg [dreg:$0x4]  }
0xbd: {  	[tilespmem:s4], [sflag:$0x2] =	stream.indirect.gather [hbm4b:s1+s0], $0x80, s15, s0, $0xb8;
	[tilespmem:$0x1A400] =	vst v63  }
0xbe: {  	_ = 	snop  }
0xbf: {  	[tilespmem:s6], [sflag:$0x3] =	stream.indirect.gather [hbm4b:s1+s0], $0x80, s5, s0, $0xb8;
	[tilespmem:$0x1A400] =	vst v63  }
0xc0: {  	_ =	swait.ge [sflag:s7], $0x2000  }
0xc1: {  	[sflag:s7] =	ssyncset.done $0x0  }
0xc2: {  	[sflag:s7] =	ssyncadd.s32 $0xFFFFE000  }
0xc3: {  	[spmem:s3] =	stream.indirect.scatter.add.f32 [tilespmem:s30], [sflag:$0x4], $0x80, s2, s0, $0xb8;
	[tilespmem:$0x1A400] =	vst v63  }
0xc4: {  	_ =	swait.ge [sflag:s31], $0x2000  }
0xc5: {  	[sflag:s31] =	ssyncset.done $0x0  }
0xc6: {  	[sflag:s31] =	ssyncadd.s32 $0xFFFFE000  }
0xc7: {  	[tilespmem:s30], [sflag:$0x1] =	stream.indirect.gather [hbm4b:s1+s0], $0x80, s8, s0, $0xb8;
	[tilespmem:$0x1A400] =	vst v63  }
0xc8: {  	_ =	swait.ge [sflag:s9], $0x2000  }
0xc9: {  	[sflag:s9] =	ssyncset.done $0x0  }
0xca: {  	[sflag:s9] =	ssyncadd.s32 $0xFFFFE000  }
0xcb: {  	[spmem:s3] =	stream.indirect.scatter.add.f32 [tilespmem:s4], [sflag:$0x4], $0x80, s10, s0, $0xb8;
	[tilespmem:$0x1A400] =	vst v63  }
0xcc: {  	_ =	swait.ge [sflag:s31], $0x2000  }
0xcd: {  	[sflag:s31] =	ssyncset.done $0x0  }
0xce: {  	[sflag:s31] =	ssyncadd.s32 $0xFFFFE000  }
0xcf: {  	[tilespmem:s4], [sflag:$0x2] =	stream.indirect.gather [hbm4b:s1+s0], $0x80, s11, s0, $0xb8;
	[tilespmem:$0x1A400] =	vst v63  }
0xd0: {  	_ =	swait.ge [sflag:s12], $0x2000  }
0xd1: {  	[sflag:s12] =	ssyncset.done $0x0  }
0xd2: {  	[sflag:s12] =	ssyncadd.s32 $0xFFFFE000  }
0xd3: {  	[spmem:s3] =	stream.indirect.scatter.add.f32 [tilespmem:s6], [sflag:$0x4], $0x80, s14, s0, $0xb8;
	[tilespmem:$0x1A400] =	vst v63  }
0xd4: {  	_ =	swait.ge [sflag:s31], $0x2000  }
0xd5: {  	[sflag:s31] =	ssyncset.done $0x0  }
0xd6: {  	[sflag:s31] =	ssyncadd.s32 $0xFFFFE000  }
0xd7: {  	[tilespmem:s6], [sflag:$0x3] =	stream.indirect.gather [hbm4b:s1+s0], $0x80, s26, s0, $0xb8;
	[tilespmem:$0x1A400] =	vst v63  }
0xd8: {  	_ =	swait.ge [sflag:s7], $0x2000  }
0xd9: {  	[sflag:s7] =	ssyncset.done $0x0  }
0xda: {  	[sflag:s7] =	ssyncadd.s32 $0xFFFFE000  }
0xdb: {  	[spmem:s3] =	stream.indirect.scatter.add.f32 [tilespmem:s30], [sflag:$0x4], $0x80, s16, s0, $0xb8;
	[tilespmem:$0x1A400] =	vst v63  }
0xdc: {  	_ =	swait.ge [sflag:s31], $0x2000  }
0xdd: {  	[sflag:s31] =	ssyncset.done $0x0  }
0xde: {  	[sflag:s31] =	ssyncadd.s32 $0xFFFFE000  }
0xdf: {  	[tilespmem:s30], [sflag:$0x1] =	stream.indirect.gather [hbm4b:s1+s0], $0x80, s17, s0, $0xb8;
	[tilespmem:$0x1A400] =	vst v63  }
0xe0: {  	_ =	swait.ge [sflag:s9], $0x2000  }
0xe1: {  	[sflag:s9] =	ssyncset.done $0x0  }
0xe2: {  	[sflag:s9] =	ssyncadd.s32 $0xFFFFE000  }
0xe3: {  	[spmem:s3] =	stream.indirect.scatter.add.f32 [tilespmem:s4], [sflag:$0x4], $0x80, s18, s0, $0xb8;
	[tilespmem:$0x1A400] =	vst v63  }
0xe4: {  	_ =	swait.ge [sflag:s31], $0x2000  }
0xe5: {  	[sflag:s31] =	ssyncset.done $0x0  }
0xe6: {  	[sflag:s31] =	ssyncadd.s32 $0xFFFFE000  }
0xe7: {  	[tilespmem:s4], [sflag:$0x2] =	stream.indirect.gather [hbm4b:s1+s0], $0x80, s19, s0, $0xb8;
	[tilespmem:$0x1A400] =	vst v63  }
0xe8: {  	_ =	swait.ge [sflag:s12], $0x2000  }
0xe9: {  	[sflag:s12] =	ssyncset.done $0x0  }
0xea: {  	[sflag:s12] =	ssyncadd.s32 $0xFFFFE000  }
0xeb: {  	[spmem:s3] =	stream.indirect.scatter.add.f32 [tilespmem:s6], [sflag:$0x4], $0x80, s20, s0, $0xb8;
	[tilespmem:$0x1A400] =	vst v63  }
0xec: {  	_ =	swait.ge [sflag:s31], $0x2000  }
0xed: {  	[sflag:s31] =	ssyncset.done $0x0  }
0xee: {  	[sflag:s31] =	ssyncadd.s32 $0xFFFFE000  }
0xef: {  	_ =	swait.ge [sflag:s7], $0x2000  }
0xf0: {  	[sflag:s7] =	ssyncset.done $0x0  }
0xf1: {  	[sflag:s7] =	ssyncadd.s32 $0xFFFFE000  }
0xf2: {  	[spmem:s3] =	stream.indirect.scatter.add.f32 [tilespmem:s30], [sflag:$0x4], $0x80, s21, s0, $0xb8;
	[tilespmem:$0x1A400] =	vst v63  }
0xf3: {  	_ =	swait.ge [sflag:s31], $0x2000  }
0xf4: {  	[sflag:s31] =	ssyncset.done $0x0  }
0xf5: {  	[sflag:s31] =	ssyncadd.s32 $0xFFFFE000  }
0xf6: {  	p0 =	sne.s32 s24, $0x1;
	_ =	swait.ge [sflag:s9], $0x2000  }
.Ltmp2:
0xf7: {  	[sflag:s9] =	ssyncset.done $0x0;
	(pc) =	sbr.rel @p0 .LBB2_4-.Ltmp2, $4  }
0xf8: {  	[sflag:s9] =	ssyncadd.s32 $0xFFFFE000  }
0xf9: {  	[spmem:s3] =	stream.indirect.scatter.add.f32 [tilespmem:s4], [sflag:$0x4], $0x80, s22, s0, $0xb8;
	[tilespmem:$0x1A400] =	vst v63  }
0xfa: {  	_ =	swait.ge [sflag:s31], $0x2000  }
0xfb: {  	s24 =	sadd.s32 $0xFFFFFFFF, s24;
	[sflag:s31] =	ssyncset.done $0x0  }
.LBB2_5:
0xfc: {  	[sflag:s31] =	ssyncadd.s32 $0xFFFFE000  }
0xfd: {  	[bflag:$0x0] =	sbarrier.arrive $0xFFFF  }
0xfe: {  	[tilespmem:s4], [sflag:$0x4] =	stream.linear.gather [spmem:s25], $0x2000, $0x38;
	[tilespmem:$0x1A400] =	vst v63  }
0xff: {  	_ =	swait.ge [sflag:s31], $0x2000  }
0x100: {  	[sflag:s31] =	ssyncset.done $0x0  }
0x101: {  	s15 =	rddreg [dreg:$0x5];
	[sflag:s31] =	ssyncadd.s32 $0xFFFFE000  }
0x102: {  	[hbm4b:s15+s13] =	stream.linear.scatter [tilespmem:s4], [sflag:$0x4], $0x2000, $0x38;
	[tilespmem:$0x1A400] =	vst v63  }
0x103: {  	_ =	swait.ge [sflag:s31], $0x2000  }
0x104: {  	[sflag:s31] =	ssyncset.done $0x0  }
0x105: {  	s28 =	rddreg [dreg:$0x10];
	[sflag:s31] =	ssyncadd.s32 $0xFFFFE000  }
0x106: {  	[tilespmem:s4], [sflag:$0x4] =	stream.linear.gather [spmem:s28], $0x2000, $0x38;
	[tilespmem:$0x1A400] =	vst v63  }
0x107: {  	_ =	swait.ge [sflag:s31], $0x2000  }
0x108: {  	[sflag:s31] =	ssyncset.done $0x0  }
0x109: {  	s24 =	rddreg [dreg:$0x6];
	[sflag:s31] =	ssyncadd.s32 $0xFFFFE000  }
0x10a: {  	[hbm4b:s24+s13] =	stream.linear.scatter [tilespmem:s4], [sflag:$0x4], $0x2000, $0x38;
	[tilespmem:$0x1A400] =	vst v63  }
0x10b: {  	_ =	swait.ge [sflag:s31], $0x2000  }
0x10c: {  	[sflag:s31] =	ssyncset.done $0x0  }
0x10d: {  	s29 =	smov.u32 s25;
	s25 =	rddreg [dreg:$0x11];
	[sflag:s31] =	ssyncadd.s32 $0xFFFFE000  }
0x10e: {  	[tilespmem:s4], [sflag:$0x4] =	stream.linear.gather [spmem:s25], $0x2000, $0x38;
	[tilespmem:$0x1A400] =	vst v63  }
0x10f: {  	_ =	swait.ge [sflag:s31], $0x2000  }
0x110: {  	[sflag:s31] =	ssyncset.done $0x0  }
0x111: {  	s28 =	rddreg [dreg:$0x7];
	[sflag:s31] =	ssyncadd.s32 $0xFFFFE000  }
0x112: {  	[hbm4b:s28+s13] =	stream.linear.scatter [tilespmem:s4], [sflag:$0x4], $0x2000, $0x38;
	[tilespmem:$0x1A400] =	vst v63  }
0x113: {  	_ =	swait.ge [sflag:s31], $0x2000  }
0x114: {  	[sflag:s31] =	ssyncset.done $0x0  }
0x115: {  	s24 =	rddreg [dreg:$0x12];
	[sflag:s31] =	ssyncadd.s32 $0xFFFFE000  }
0x116: {  	[tilespmem:s4], [sflag:$0x4] =	stream.linear.gather [spmem:s24], $0x2000, $0x38;
	[tilespmem:$0x1A400] =	vst v63  }
0x117: {  	_ =	swait.ge [sflag:s31], $0x2000  }
0x118: {  	[sflag:s31] =	ssyncset.done $0x0  }
0x119: {  	s25 =	rddreg [dreg:$0x8];
	[sflag:s31] =	ssyncadd.s32 $0xFFFFE000  }
0x11a: {  	[hbm4b:s25+s13] =	stream.linear.scatter [tilespmem:s4], [sflag:$0x4], $0x2000, $0x38;
	[tilespmem:$0x1A400] =	vst v63  }
0x11b: {  	_ =	swait.ge [sflag:s31], $0x2000  }
0x11c: {  	[sflag:s31] =	ssyncset.done $0x0  }
0x11d: {  	s28 =	rddreg [dreg:$0x13];
	[sflag:s31] =	ssyncadd.s32 $0xFFFFE000  }
0x11e: {  	[tilespmem:s4], [sflag:$0x4] =	stream.linear.gather [spmem:s28], $0x2000, $0x38;
	[tilespmem:$0x1A400] =	vst v63  }
0x11f: {  	_ =	swait.ge [sflag:s31], $0x2000  }
0x120: {  	[sflag:s31] =	ssyncset.done $0x0  }
0x121: {  	s24 =	rddreg [dreg:$0x9];
	[sflag:s31] =	ssyncadd.s32 $0xFFFFE000  }
0x122: {  	[hbm4b:s24+s13] =	stream.linear.scatter [tilespmem:s4], [sflag:$0x4], $0x2000, $0x38;
	[tilespmem:$0x1A400] =	vst v63  }
0x123: {  	_ =	swait.ge [sflag:s31], $0x2000  }
0x124: {  	[sflag:s31] =	ssyncset.done $0x0  }
0x125: {  	s25 =	rddreg [dreg:$0x14];
	[sflag:s31] =	ssyncadd.s32 $0xFFFFE000  }
0x126: {  	[tilespmem:s4], [sflag:$0x4] =	stream.linear.gather [spmem:s25], $0x2000, $0x38;
	[tilespmem:$0x1A400] =	vst v63  }
0x127: {  	_ =	swait.ge [sflag:s31], $0x2000  }
0x128: {  	[sflag:s31] =	ssyncset.done $0x0  }
0x129: {  	s28 =	rddreg [dreg:$0xa];
	[sflag:s31] =	ssyncadd.s32 $0xFFFFE000  }
0x12a: {  	[hbm4b:s28+s13] =	stream.linear.scatter [tilespmem:s4], [sflag:$0x4], $0x2000, $0x38;
	[tilespmem:$0x1A400] =	vst v63  }
0x12b: {  	_ =	swait.ge [sflag:s31], $0x2000  }
0x12c: {  	[sflag:s31] =	ssyncset.done $0x0  }
0x12d: {  	s24 =	rddreg [dreg:$0x15];
	[sflag:s31] =	ssyncadd.s32 $0xFFFFE000  }
0x12e: {  	[tilespmem:s4], [sflag:$0x4] =	stream.linear.gather [spmem:s24], $0x2000, $0x38;
	[tilespmem:$0x1A400] =	vst v63  }
0x12f: {  	_ =	swait.ge [sflag:s31], $0x2000  }
0x130: {  	[sflag:s31] =	ssyncset.done $0x0  }
0x131: {  	s25 =	rddreg [dreg:$0xb];
	[sflag:s31] =	ssyncadd.s32 $0xFFFFE000  }
0x132: {  	[hbm4b:s25+s13] =	stream.linear.scatter [tilespmem:s4], [sflag:$0x4], $0x2000, $0x38;
	[tilespmem:$0x1A400] =	vst v63  }
0x133: {  	_ =	swait.ge [sflag:s31], $0x2000  }
0x134: {  	[sflag:s31] =	ssyncset.done $0x0  }
0x135: {  	s28 =	rddreg [dreg:$0x16];
	[sflag:s31] =	ssyncadd.s32 $0xFFFFE000  }
0x136: {  	[tilespmem:s4], [sflag:$0x4] =	stream.linear.gather [spmem:s28], $0x2000, $0x38;
	[tilespmem:$0x1A400] =	vst v63  }
0x137: {  	_ =	swait.ge [sflag:s31], $0x2000  }
0x138: {  	[sflag:s31] =	ssyncset.done $0x0  }
0x139: {  	s24 =	rddreg [dreg:$0xc];
	[sflag:s31] =	ssyncadd.s32 $0xFFFFE000  }
0x13a: {  	[hbm4b:s24+s13] =	stream.linear.scatter [tilespmem:s4], [sflag:$0x4], $0x2000, $0x38;
	[tilespmem:$0x1A400] =	vst v63  }
0x13b: {  	_ =	swait.ge [sflag:s31], $0x2000  }
0x13c: {  	[sflag:s31] =	ssyncset.done $0x0  }
0x13d: {  	s25 =	rddreg [dreg:$0x17];
	[sflag:s31] =	ssyncadd.s32 $0xFFFFE000  }
0x13e: {  	[tilespmem:s4], [sflag:$0x4] =	stream.linear.gather [spmem:s25], $0x2000, $0x38;
	[tilespmem:$0x1A400] =	vst v63  }
0x13f: {  	_ =	swait.ge [sflag:s31], $0x2000  }
0x140: {  	[sflag:s31] =	ssyncset.done $0x0  }
0x141: {  	s28 =	rddreg [dreg:$0xd];
	[sflag:s31] =	ssyncadd.s32 $0xFFFFE000  }
0x142: {  	[hbm4b:s28+s13] =	stream.linear.scatter [tilespmem:s4], [sflag:$0x4], $0x2000, $0x38;
	[tilespmem:$0x1A400] =	vst v63  }
0x143: {  	_ =	swait.ge [sflag:s31], $0x2000  }
0x144: {  	[sflag:s31] =	ssyncset.done $0x0  }
0x145: {  	s24 =	rddreg [dreg:$0x18];
	[sflag:s31] =	ssyncadd.s32 $0xFFFFE000  }
0x146: {  	[tilespmem:s4], [sflag:$0x4] =	stream.linear.gather [spmem:s24], $0x1C00, $0x38;
	[tilespmem:$0x1A400] =	vst v63  }
0x147: {  	_ =	swait.ge [sflag:s31], $0x1C00  }
0x148: {  	[sflag:s31] =	ssyncset.done $0x0  }
0x149: {  	s25 =	rddreg [dreg:$0xe];
	[sflag:s31] =	ssyncadd.s32 $0xFFFFE400  }
0x14a: {  	[hbm4b:s25+s13] =	stream.linear.scatter [tilespmem:s4], [sflag:$0x4], $0x1C00, $0x38;
	[tilespmem:$0x1A400] =	vst v63  }
0x14b: {  	_ =	swait.ge [sflag:s31], $0x1C00  }
0x14c: {  	s23 =	sadd.s32 $0x1, s23;
	s28 =	rddreg [dreg:$0x19]  }
0x14d: {  	p0 =	sne.s32 s23, s28  }
.Ltmp3:
0x14e: {  	_ = 	snop;
	(pc) =	sbr.rel @p0 .LBB2_1-.Ltmp3, $3  }
0x14f: {  	_ =	sdelay $0x1  }
0x150: {  	[sflag:s31] =	ssyncset.done $0x0  }
0x151: {  	[sflag:s31] =	ssyncadd.s32 $0xFFFFE400  }
0x152: {  	_ =	sfence.sel $0x180000  }
0x153: {  	[bflag:$0x0] =	sbarrier.arrive $0xFFFF  }
0x154: {  	_ =	strace $0x9000004D  }
0x155: {  	s0 =	stileid.u32;
	[bflag:$0x2] =	sbarrier.arrive $0xFFFF  }
0x156: {  	p0 =	sne.s32 s0, $0x0;
	s0 =	rddreg [dreg:$0x3]  }
0x157: {  	s0 =	sadd.s32 @!p0 $0x100000, s0  }
0x158: {  	[sflag:s0] =	ssyncadd.tile.s32 @!p0 $0x1;
	_ =	shalt  }
.Lfunc_end2:
_tile_overlayer_lowered:
.L_overlay_start_2:
0x159: {  	(tag) =	ssettag $0x2  }
0x15a: {  	s0 =	rddreg [dreg:$0x0];
	s2 =	stileid.u32  }
0x15b: {  	s1 =	rddreg [dreg:$0x1];
	p0 =	sne.s32 s2, $0x0  }
0x15c: {  	s3 =	rddreg [dreg:$0x2];
	[bflag:$0x3] =	sbarrier.arrive $0xFFFF;
	s2 =	simm.s32 @!p0 $0x1C04  }
0x15d: {  	[timem:s3], [sflag:s2] =	dma.local @!p0 [hbm:s0], s1  }
0x15e: {  	s0 =	simm.s32 @!p0 $0x4  }
0x15f: {  	_ =	swait.ge @!p0 [sflag:s0], s1  }
0x160: {  	s1 =	ssub.s32 @!p0 $0x0, s1;
	[sflag:s0] =	ssyncset.done @!p0 $0x0  }
0x161: {  	[sflag:s0] =	ssyncadd.s32 @!p0 s1  }
0x162: {  	[bflag:$0x3] =	sbarrier.arrive $0xFFFF  }
0x163: {  	_ =	shalt  }

// kernel: kernel.7.cloned.1.call-start
scs
__scs_entry_jumppad:
0x0: {  	(pc) =	sbr.rel $0x88, $3  }
0x1: {  	(tag) =	ssettag $0x0;
	lr =	simm.s32 $0x1  }
0x2: {  	[smem:$0x3F99] =	sst lr;
	_ =	strace $0xD0000000  }
0x3: {  	_ = 	snop  }
0x4: {  	_ = 	snop  }
0x5: {  	_ = 	snop  }
0x6: {  	_ = 	snop  }
0x7: {  	_ = 	snop  }
__scs_overlays_trampoline_lowered:
0x8: {  	[smem:$0x3FA8] =	sst s0  }
0x9: {  	[smem:$0x3FA9] =	sst s1  }
0xa: {  	[smem:$0x3FAA] =	sst s2  }
0xb: {  	[smem:$0x3FAB] =	sst s3  }
0xc: {  	[smem:$0x3FAC] =	sst s4  }
0xd: {  	[smem:$0x3FAD] =	sst s5  }
0xe: {  	[smem:$0x3FAE] =	sst s6  }
0xf: {  	[smem:$0x3FAF] =	sst s7  }
0x10: {  	[smem:$0x3FB0] =	sst s8  }
0x11: {  	[smem:$0x3FB1] =	sst s9;
	s0 =	simm.s32 @!p0 $0x0  }
0x12: {  	s1 =	sld [smem:$0x3F97];
	s0 =	simm.s32 @p0 $0x1  }
0x13: {  	[smem:$0x3FB2] =	sst s0;
	s0 =	simm.s32 @!p1 $0x0  }
0x14: {  	s2 =	sld [smem:$0x3F96];
	s0 =	simm.s32 @p1 $0x1  }
0x15: {  	[smem:$0x3FB3] =	sst s0;
	s0 =	simm.s32 @!p2 $0x0  }
0x16: {  	s3 =	sld [smem:$0x3FDB];
	s0 =	simm.s32 @p2 $0x1  }
0x17: {  	s4 =	simm.s32 $0x1BF5;
	[smem:$0x3FB5] =	sst s0  }
0x18: {  	s0 =	sld [smem:$0x3F98];
	_ =	swait.ge [sflag:s4], $0x0  }
0x19: {  	s7 =	sld [smem:$0x3F99]  }
0x1a: {  	s8 =	sadd.s32 $0xFFFFE003, lr  }
0x1b: {  	s9 =	sadd.s32 $0xFFFFFEF7, lr;
	s5 =	simm.s32 $0xFFFFFFFF;
	p2 =	slt.u32 s8, $0xFFFFF086  }
0x1c: {  	p1 =	slt.u32 s9, $0xF7A;
	s5 =	simm.s32 @!p2 $0x0  }
0x1d: {  	s5 =	simm.s32 @p1 $0x1;
	p0 =	seq.s32 s7, s2  }
0x1e: {  	s7 =	smul.u32 @!p0 $0xF7A, s2;
	p2 =	seq.s32 @!p0 s5, $0x0  }
0x1f: {  	s9 =	smul.u32 $0xF7A, s1;
	s8 =	simm.s32 @!p0 $0x1BF5;
	p2 =	por !p2, p0  }
0x20: {  	[sflag:s8] =	ssyncset.s32 @!p0 $0xFFFFF086;
	s6 =	sadd.s32 @!p0 s3, s7;
	s7 =	simm.s32 @!p0 $0x108  }
0x21: {  	s3 =	sadd.s32 s3, s9;
	s6 =	sadd.s32 @!p0 $0x88, s6;
	s7 =	simm.s32 @p2 $0x1082  }
0x22: {  	[simem:s7], [sflag:s8] =	dma.local @!p0 [hbm:s6], $0xF7A  }
0x23: {  	s9 =	sor.u32 $0xD0000000, s2;
	s6 =	simm.s32 $0x108;
	_ =	swait.ge @!p0 [sflag:s8], $0x0  }
0x24: {  	s3 =	sadd.s32 $0x88, s3;
	s6 =	simm.s32 @!p1 $0x1082;
	[sflag:s4] =	ssyncset.s32 $0xFFFFF086  }
0x25: {  	[simem:s6], [sflag:s4] =	dma.local [hbm:s3], $0xF7A  }
0x26: {  	[smem:$0x3F99] =	sst s1;
	(tag) =	ssettag s2;
	_ =	strace s9  }
0x27: {  	s1 =	sld [smem:$0x3FA9]  }
0x28: {  	s2 =	sld [smem:$0x3FAA]  }
0x29: {  	s4 =	sld [smem:$0x3FAC]  }
0x2a: {  	p0 =	seq.s32 s5, $0x0;
	s5 =	sld [smem:$0x3FAD]  }
0x2b: {  	s6 =	sld [smem:$0x3FAE]  }
0x2c: {  	s7 =	sld [smem:$0x3FAF]  }
0x2d: {  	s3 =	simm.s32 $0x108;
	s8 =	sld [smem:$0x3FB0]  }
0x2e: {  	s3 =	simm.s32 @!p0 $0x1082;
	s9 =	sld [smem:$0x3FB1]  }
0x2f: {  	lr =	sadd.s32 s0, s3;
	s0 =	sld [smem:$0x3FA8]  }
0x30: {  	s3 =	sld [smem:$0x3FAB]  }
0x31: {  	[smem:$0x3FB4] =	sst s10  }
0x32: {  	s10 =	sld [smem:$0x3FB2];
	_ =	sdelay $0x3  }
0x33: {  	p0 =	seq.s32 s10, $0x1;
	s10 =	sld [smem:$0x3FB4];
	_ =	sdelay $0x3  }
0x34: {  	[smem:$0x3FB4] =	sst s10  }
0x35: {  	s10 =	sld [smem:$0x3FB3];
	_ =	sdelay $0x3  }
0x36: {  	p1 =	seq.s32 s10, $0x1;
	s10 =	sld [smem:$0x3FB4];
	_ =	sdelay $0x3  }
0x37: {  	[smem:$0x3FB4] =	sst s10  }
0x38: {  	s10 =	sld [smem:$0x3FB5]  }
0x39: {  	_ = 	snop;
	(pc) =	sbr.ind lr, $3  }
0x3a: {  	_ = 	snop  }
0x3b: {  	_ = 	snop  }
0x3c: {  	p2 =	seq.s32 s10, $0x1;
	s10 =	sld [smem:$0x3FB4]  }
0x3d: {  	_ =	shalt  }
0x3e: {  	_ =	shalt  }
0x3f: {  	_ =	shalt  }
0x40: {  	_ =	shalt  }
0x41: {  	_ =	shalt  }
0x42: {  	_ =	shalt  }
0x43: {  	_ =	shalt  }
0x44: {  	_ =	shalt  }
0x45: {  	_ =	shalt  }
0x46: {  	_ =	shalt  }
0x47: {  	_ =	shalt  }
0x48: {  	_ =	shalt  }
0x49: {  	_ =	shalt  }
0x4a: {  	_ =	shalt  }
0x4b: {  	_ =	shalt  }
0x4c: {  	_ =	shalt  }
0x4d: {  	_ =	shalt  }
0x4e: {  	_ =	shalt  }
0x4f: {  	_ =	shalt  }
0x50: {  	_ =	shalt  }
0x51: {  	_ =	shalt  }
0x52: {  	_ =	shalt  }
0x53: {  	_ =	shalt  }
0x54: {  	_ =	shalt  }
0x55: {  	_ =	shalt  }
0x56: {  	_ =	shalt  }
0x57: {  	_ =	shalt  }
0x58: {  	_ =	shalt  }
0x59: {  	_ =	shalt  }
0x5a: {  	_ =	shalt  }
0x5b: {  	_ =	shalt  }
0x5c: {  	_ =	shalt  }
0x5d: {  	_ =	shalt  }
0x5e: {  	_ =	shalt  }
0x5f: {  	_ =	shalt  }
0x60: {  	_ =	shalt  }
0x61: {  	_ =	shalt  }
0x62: {  	_ =	shalt  }
0x63: {  	_ =	shalt  }
0x64: {  	_ =	shalt  }
0x65: {  	_ =	shalt  }
0x66: {  	_ =	shalt  }
0x67: {  	_ =	shalt  }
0x68: {  	_ =	shalt  }
0x69: {  	_ =	shalt  }
0x6a: {  	_ =	shalt  }
0x6b: {  	_ =	shalt  }
0x6c: {  	_ =	shalt  }
0x6d: {  	_ =	shalt  }
0x6e: {  	_ =	shalt  }
0x6f: {  	_ =	shalt  }
0x70: {  	_ =	shalt  }
0x71: {  	_ =	shalt  }
0x72: {  	_ =	shalt  }
0x73: {  	_ =	shalt  }
0x74: {  	_ =	shalt  }
0x75: {  	_ =	shalt  }
0x76: {  	_ =	shalt  }
0x77: {  	_ =	shalt  }
0x78: {  	_ =	shalt  }
0x79: {  	_ =	shalt  }
0x7a: {  	_ =	shalt  }
0x7b: {  	_ =	shalt  }
0x7c: {  	_ =	shalt  }
0x7d: {  	_ =	shalt  }
0x7e: {  	_ =	shalt  }
0x7f: {  	_ =	shalt  }
0x80: {  	_ =	shalt  }
0x81: {  	_ =	shalt  }
0x82: {  	_ =	shalt  }
0x83: {  	_ =	shalt  }
0x84: {  	_ =	shalt  }
0x85: {  	_ =	shalt  }
0x86: {  	_ =	shalt  }
0x87: {  	_ =	shalt  }
.Lfunc_end0:
.L_simem_size_0:
called_computation_lowered:
.L_overlay_start_0:
0x88: {  	s2 =	sld [smem:$0x3FD9]  }
0x89: {  	s3 =	sld [smem:$0x3FFE];
	_ =	sdelay $0x1  }
0x8a: {  	s1 =	srdreg.scid  }
0x8b: {  	s0 =	sand.u32 $0x1, s1  }
0x8c: {  	s17 =	sshll.u32 s0, $0xA;
	s2 =	sadd.s32 s3, s2  }
0x8d: {  	s2 =	sadd.s32 s2, s17  }
0x8e: {  	[smem:$0x3FC0] =	sst s2  }
0x8f: {  	_ = 	snop  }
0x90: {  	s18 =	sld [smem:$0x3FD0];
	(tm) =	ssettm $0x1  }
0x91: {  	s19 =	sld [smem:$0x3FFB];
	_ =	sdelay $0x3  }
0x92: {  	_ =	strace s19  }
0x93: {  	s2 =	sld [smem:$0x3FFC];
	_ =	sdelay $0x3  }
0x94: {  	_ =	strace s2  }
0x95: {  	s2 =	sld [smem:$0x3FFD];
	_ =	sdelay $0x3  }
0x96: {  	_ =	strace s2  }
0x97: {  	_ =	strace $0x8FFFFFFF  }
0x98: {  	s20 =	sld [smem:$0x3FDB];
	_ =	sdelay $0x1  }
0x99: {  	s4 =	simm.s32 $_scs_section_size  }
0x9a: {  	s5 =	simm.s32 $_size__tile_overlayer_lowered;
	s6 =	simm.s32 $_tile_overlayer_lowered  }
0x9b: {  	s7 =	simm.s32 $0x1BFF;
	s21 =	sshll.u32 s6, $0x1;
	s4 =	sadd.s32 s4, s20  }
0x9c: {  	s22 =	simm.s32 $0x0;
	s5 =	sshll.u32 s5, $0x1;
	s6 =	sadd.s32 s21, s4  }
0x9d: {  	[timem:s22], [sflag:s7] =	dma.local [hbm:s6], s5  }
0x9e: {  	_ =	swait.ge [sflag:s7], s5  }
0x9f: {  	s5 =	ssub.s32 $0x0, s5;
	[sflag:s7] =	ssyncset.done $0x0  }
0xa0: {  	[sflag:s7] =	ssyncadd.s32 s5;
	_ =	sdelay $0x1  }
0xa1: {  	s23 =	simm.s32 $0x1B8B  }
0xa2: {  	_ =	swait.ge [sflag:s23], $0x1  }
0xa3: {  	[sflag:s23] =	ssyncset.done $0x0  }
0xa4: {  	[sflag:s23] =	ssyncadd.s32 $0xFFFFFFFF  }
0xa5: {  	s5 =	sld [smem:$0x0]  }
0xa6: {  	s6 =	sand.u32 $0xFFFFFFFE, s1  }
0xa7: {  	p0 =	sne.s32 s1, s6  }
0xa8: {  	s6 =	sshll.u32 @p0 s6, $0xE  }
0xa9: {  	s6 =	sadd.s32 @p0 $0x11B8D, s6;
	s7 =	sshll.u32 @p0 s5, $0x11  }
0xaa: {  	s6 =	sor.u32 @p0 s7, s6  }
0xab: {  	[sflag:s6] =	ssyncadd.remote.s32 @p0 $0x1;
	_ =	sdelay $0x1  }
0xac: {  	s6 =	simm.s32 @p0 $0x1B8D  }
0xad: {  	_ =	swait.eq @p0 [sflag:s6], $0x1  }
0xae: {  	[sflag:s6] =	ssyncadd.s32 @p0 $0xFFFFFFFF  }
0xaf: {  	s7 =	sshll.u32 @!p0 s1, $0xE  }
0xb0: {  	s7 =	sor.u32 @!p0 $0x4000, s7;
	s6 =	simm.s32 @!p0 $0x1B8D  }
0xb1: {  	s5 =	sshll.u32 @!p0 s5, $0x11;
	s7 =	sadd.s32 @!p0 $0x11B8D, s7;
	_ =	swait.eq @!p0 [sflag:s6], $0x1  }
0xb2: {  	s5 =	sor.u32 @!p0 s5, s7;
	[sflag:s6] =	ssyncadd.s32 @!p0 $0xFFFFFFFF  }
0xb3: {  	s25 =	simm.s32 $0x1B8E;
	s24 =	sld [smem:$0x3FFE];
	[sflag:s5] =	ssyncadd.remote.s32 @!p0 $0x1  }
0xb4: {  	s26 =	simm.s32 $execute0_lowered;
	[smem:$0x3FD2] =	sst s25  }
0xb5: {  	s6 =	sshll.u32 s26, $0x1;
	_ =	strace $0x80000049;
	[dreg:$0x1] =	wrdreg $0xFFFFFFFF  }
0xb6: {  	s28 =	simm.s32 $_size_execute0_lowered;
	s4 =	sadd.s32 s4, s6;
	[dreg:$0x0] =	wrdreg $0x0  }
0xb7: {  	s6 =	sshll.u32 s28, $0x1;
	[dreg:$0x2] =	wrdreg s4  }
0xb8: {  	[dreg:$0x3] =	wrdreg s6  }
0xb9: {  	[dreg:$0x4] =	wrdreg $0xC0  }
0xba: {  	_ =	task [dreg:s22], $0x5FFFF  }
0xbb: {  	[dreg:$0x1] =	wrdreg $0xFFFFFFFF  }
0xbc: {  	[dreg:$0x0] =	wrdreg $0x60  }
0xbd: {  	[dreg:$0x2] =	wrdreg s18  }
0xbe: {  	[dreg:$0x3] =	wrdreg s24  }
0xbf: {  	[dreg:$0x4] =	wrdreg $0x44000  }
0xc0: {  	[dreg:$0x5] =	wrdreg $0x9  }
0xc1: {  	_ =	task.clear_ibuf [dreg:s22], $0x6FFFF;
	_ =	strace $0x90000049  }
0xc2: {  	s29 =	simm.s32 $0x9;
	_ =	strace $0x8000004B  }
0xc3: {  	_ =	swait.ge [sflag:s29], $0x1  }
0xc4: {  	[sflag:s29] =	ssyncadd.s32 $0xFFFFFFFF  }
0xc5: {  	_ =	strace $0x9000004B  }
0xc6: {  	_ =	sfence  }
0xc7: {  	s30 =	sld [smem:$0x0];
	_ =	sdelay $0x2  }
0xc8: {  	s31 =	sshll.u32 s1, $0xD;
	s1 =	sshrl.u32 s1, $0x2  }
0xc9: {  	s4 =	sand.u32 $0x4000, s31;
	s1 =	sadd.s32 s1, s30  }
0xca: {  	s0 =	sor.u32 s4, s0;
	s1 =	sshll.u32 s1, $0x11  }
0xcb: {  	s0 =	sor.u32 s1, s0  }
0xcc: {  	s0 =	sadd.s32 $0x8F2B, s0  }
0xcd: {  	[sflag:s0] =	ssyncadd.remote.s32 $0x1  }
0xce: {  	_ =	sfence.sel $0xFFFF  }
0xcf: {  	[dreg:$0x0] =	wrdreg $0xFFFFFFFF;
	(pc) =	sbr.abs _section_cstart, $3  }
0xd0: {  	[dreg:$0x1] =	wrdreg $0xFFFFFFFF  }
0xd1: {  	_ =	task.clear_ibuf [dreg:s22], $0x2FFFF;
	_ =	strace $0x9FFFFFFF  }
0xd2: {  	(tm) =	ssettm $0x7FFFFFFF  }
0xd3: {  	_ =	shalt  }
tec
execute0_lowered:
.L_overlay_start_1:
0x0: {  	(tag) =	ssettag $0x1  }
0x1: {  	s15 =	rddreg [dreg:$0x0]  }
0x2: {  	s4 =	rddreg [dreg:$0x1]  }
0x3: {  	s2 =	rddreg [dreg:$0x2];
	s3 =	srdreg.scid  }
0x4: {  	s0 =	rddreg [dreg:$0x3];
	s1 =	stileid.u32;
	s21 =	simm.s32 $0x200  }
0x5: {  	s22 =	simm.s32 $0x280;
	s23 =	simm.s32 $0x300;
	s6 =	smul.u32 $0x4F000, s1  }
0x6: {  	s24 =	simm.s32 $0x380;
	s25 =	simm.s32 $0x0;
	s8 =	smul.u32 $0x13C00, s1  }
0x7: {  	s11 =	sand.u32 $0x1, s3;
	s3 =	simm.s32 $0x0;
	s19 =	smul.u32 $0x5000, s1  }
0x8: {  	s13 =	sadd.s32 $0x79200, s4;
	s5 =	ssub.s32 $0x2, s11;
	s12 =	smul.u32 $0x13C000, s11  }
0x9: {  	[smem:$0x7FF] =	sst s3;
	s20 =	smul.u32 $0x2800, s11;
	s7 =	sshrl.u32 s5, $0x1  }
0xa: {  	_ =	strace $0x8000004A;
	s26 =	sshrl.u32 s6, $0x2;
	s10 =	sadd.s32 $0x4000, s8  }
0xb: {  	s16 =	sadd.s32 $0x8000, s8;
	s17 =	sadd.s32 $0xC000, s8;
	s18 =	sadd.s32 $0x10000, s8  }
0xc: {  	s14 =	ssub.s32 s5, s7;
	s4 =	sadd.s32 s26, s2;
	s5 =	sadd.s32 s10, s2  }
0xd: {  	s6 =	sadd.s32 s16, s2;
	s9 =	sadd.s32 s8, s12;
	s7 =	sadd.s32 s17, s2  }
0xe: {  	s8 =	sadd.s32 s18, s2;
	s10 =	sadd.s32 s12, s10;
	s16 =	sadd.s32 s12, s16  }
0xf: {  	s28 =	sadd.s32 s12, s17;
	s12 =	sadd.s32 s12, s18;
	s30 =	sadd.s32 s20, s19  }
0x10: {  	s17 =	simm.s32 $0x1;
	s18 =	simm.s32 $0x80;
	s19 =	simm.s32 $0x100  }
0x11: {  	s20 =	simm.s32 $0x180;
	s9 =	sshrl.u32 s9, $0x3;
	s10 =	sshrl.u32 s10, $0x3  }
0x12: {  	s16 =	sshrl.u32 s16, $0x3;
	s29 =	sshrl.u32 s12, $0x3;
	s31 =	sshrl.u32 s30, $0x3  }
0x13: {  	s14 =	smax.u32 s14, $0x1;
	s9 =	sadd.s32 s13, s9;
	s10 =	sadd.s32 s13, s10  }
0x14: {  	s11 =	sadd.s32 s13, s16;
	s16 =	sshrl.u32 s28, $0x3;
	s15 =	sadd.s32 s31, s15  }
0x15: {  	v0 =	vimm.f32 $0.0e+00;
	v1 =	vimm.f32 $1.000000000e+00;
	s12 =	sadd.s32 s13, s16;
	s13 =	sadd.s32 s13, s29;
	s16 =	simm.s32 $0x400  }
.LBB2_1:
0x16: {  	s26 =	simm.s32 $0x0;
	s28 =	simm.s32 $0x200  }
.LBB2_2:
0x17: {  	p0 =	sne.s32 s28, $0xFE00;
	[tilespmem:s26+$0x470] =	vst v0  }
0x18: {  	[tilespmem:s26+$0x400] =	vst v0  }
0x19: {  	[tilespmem:s26+$0x410] =	vst v0  }
.Ltmp0:
0x1a: {  	[tilespmem:s26+$0x420] =	vst v0;
	(pc) =	sbr.rel @p0 .LBB2_2-.Ltmp0, $4  }
0x1b: {  	[tilespmem:s26+$0x430] =	vst v0  }
0x1c: {  	[tilespmem:s26+$0x440] =	vst v0  }
0x1d: {  	[tilespmem:s26+$0x450] =	vst v0  }
0x1e: {  	[tilespmem:s26+$0x460] =	vst v0;
	s26 =	sshra.s32 s28, $0x2;
	s28 =	sadd.s32 $0x200, s28  }
0x1f: {  	[tilespmem:s26+$0x470] =	vst v0  }
0x20: {  	[tilespmem:s26+$0x400] =	vst v0  }
0x21: {  	[tilespmem:s26+$0x410] =	vst v0  }
0x22: {  	[tilespmem:s26+$0x420] =	vst v0  }
0x23: {  	[tilespmem:s26+$0x430] =	vst v0  }
0x24: {  	[tilespmem:s26+$0x440] =	vst v0  }
0x25: {  	[tilespmem:s26+$0x450] =	vst v0  }
0x26: {  	[tilespmem:s26+$0x460] =	vst v0  }
0x27: {  	[spmem:s4] =	stream.linear.scatter [tilespmem:s16], [sflag:$0x1], $0x4000, $0x38;
	[tilespmem:$0x18000] =	vst v63  }
0x28: {  	_ =	swait.ge [sflag:s17], $0x4000  }
0x29: {  	[sflag:s17] =	ssyncset.done $0x0  }
0x2a: {  	[sflag:s17] =	ssyncadd.s32 $0xFFFFC000  }
0x2b: {  	[spmem:s5] =	stream.linear.scatter [tilespmem:s16], [sflag:$0x1], $0x4000, $0x38;
	[tilespmem:$0x18000] =	vst v63  }
0x2c: {  	_ =	swait.ge [sflag:s17], $0x4000  }
0x2d: {  	[sflag:s17] =	ssyncset.done $0x0  }
0x2e: {  	[sflag:s17] =	ssyncadd.s32 $0xFFFFC000  }
0x2f: {  	[spmem:s6] =	stream.linear.scatter [tilespmem:s16], [sflag:$0x1], $0x4000, $0x38;
	[tilespmem:$0x18000] =	vst v63  }
0x30: {  	_ =	swait.ge [sflag:s17], $0x4000  }
0x31: {  	[sflag:s17] =	ssyncset.done $0x0  }
0x32: {  	[sflag:s17] =	ssyncadd.s32 $0xFFFFC000  }
0x33: {  	[spmem:s7] =	stream.linear.scatter [tilespmem:s16], [sflag:$0x1], $0x4000, $0x38;
	[tilespmem:$0x18000] =	vst v63  }
0x34: {  	_ =	swait.ge [sflag:s17], $0x4000  }
0x35: {  	[sflag:s17] =	ssyncset.done $0x0  }
0x36: {  	[sflag:s17] =	ssyncadd.s32 $0xFFFFC000  }
0x37: {  	[spmem:s8] =	stream.linear.scatter [tilespmem:s16], [sflag:$0x1], $0x3C00, $0x38;
	[tilespmem:$0x18000] =	vst v63  }
0x38: {  	_ =	swait.ge [sflag:s17], $0x3C00  }
0x39: {  	[sflag:s17] =	ssyncset.done $0x0  }
0x3a: {  	s26 =	simm.s32 $0x0;
	s28 =	simm.s32 $0x200;
	[sflag:s17] =	ssyncadd.s32 $0xFFFFC400  }
.LBB2_4:
0x3b: {  	p0 =	sne.s32 s28, $0xFE00;
	[tilespmem:s26+$0x470] =	vst v1  }
0x3c: {  	[tilespmem:s26+$0x400] =	vst v1  }
0x3d: {  	[tilespmem:s26+$0x410] =	vst v1  }
.Ltmp1:
0x3e: {  	[tilespmem:s26+$0x420] =	vst v1;
	(pc) =	sbr.rel @p0 .LBB2_4-.Ltmp1, $4  }
0x3f: {  	[tilespmem:s26+$0x430] =	vst v1  }
0x40: {  	[tilespmem:s26+$0x440] =	vst v1  }
0x41: {  	[tilespmem:s26+$0x450] =	vst v1  }
0x42: {  	[tilespmem:s26+$0x460] =	vst v1;
	s26 =	sshra.s32 s28, $0x2;
	s28 =	sadd.s32 $0x200, s28  }
0x43: {  	[tilespmem:s26+$0x470] =	vst v1  }
0x44: {  	[tilespmem:s26+$0x400] =	vst v1  }
0x45: {  	[tilespmem:s26+$0x410] =	vst v1  }
0x46: {  	[tilespmem:s26+$0x420] =	vst v1  }
0x47: {  	[tilespmem:s26+$0x430] =	vst v1  }
0x48: {  	[tilespmem:s26+$0x440] =	vst v1  }
0x49: {  	[tilespmem:s26+$0x450] =	vst v1  }
0x4a: {  	[tilespmem:s26+$0x460] =	vst v1  }
0x4b: {  	s31 =	sadd.s32 $0x0, s15;
	[bflag:$0x0] =	sbarrier.arrive $0xFFFF  }
0x4c: {  	[tilespmem:s3], [sflag:$0x1] =	stream.linear.gather [hbm4b:s31+s3], $0x400, $0x38;
	[tilespmem:$0x18000] =	vst v63  }
0x4d: {  	_ =	swait.ge [sflag:s17], $0x400  }
0x4e: {  	[sflag:s17] =	ssyncset.done $0x0  }
0x4f: {  	[sflag:s17] =	ssyncadd.s32 $0xFFFFFC00  }
0x50: {  	[spmem:s2] =	stream.indirect.scatter.add.f32 [tilespmem:s16], [sflag:$0x1], $0x80, s3, s18, $0xb8;
	[tilespmem:$0x18000] =	vst v63  }
0x51: {  	_ =	swait.ge [sflag:s17], $0x4000  }
0x52: {  	[sflag:s17] =	ssyncset.done $0x0  }
0x53: {  	[sflag:s17] =	ssyncadd.s32 $0xFFFFC000  }
0x54: {  	[spmem:s2] =	stream.indirect.scatter.add.f32 [tilespmem:s16], [sflag:$0x1], $0x80, s18, s18, $0xb8;
	[tilespmem:$0x18000] =	vst v63  }
0x55: {  	_ =	swait.ge [sflag:s17], $0x4000  }
0x56: {  	[sflag:s17] =	ssyncset.done $0x0  }
0x57: {  	[sflag:s17] =	ssyncadd.s32 $0xFFFFC000  }
0x58: {  	[spmem:s2] =	stream.indirect.scatter.add.f32 [tilespmem:s16], [sflag:$0x1], $0x80, s19, s18, $0xb8;
	[tilespmem:$0x18000] =	vst v63  }
0x59: {  	_ =	swait.ge [sflag:s17], $0x4000  }
0x5a: {  	[sflag:s17] =	ssyncset.done $0x0  }
0x5b: {  	[sflag:s17] =	ssyncadd.s32 $0xFFFFC000  }
0x5c: {  	[spmem:s2] =	stream.indirect.scatter.add.f32 [tilespmem:s16], [sflag:$0x1], $0x80, s20, s18, $0xb8;
	[tilespmem:$0x18000] =	vst v63  }
0x5d: {  	_ =	swait.ge [sflag:s17], $0x4000  }
0x5e: {  	[sflag:s17] =	ssyncset.done $0x0  }
0x5f: {  	[sflag:s17] =	ssyncadd.s32 $0xFFFFC000  }
0x60: {  	[spmem:s2] =	stream.indirect.scatter.add.f32 [tilespmem:s16], [sflag:$0x1], $0x80, s21, s18, $0xb8;
	[tilespmem:$0x18000] =	vst v63  }
0x61: {  	_ =	swait.ge [sflag:s17], $0x4000  }
0x62: {  	[sflag:s17] =	ssyncset.done $0x0  }
0x63: {  	[sflag:s17] =	ssyncadd.s32 $0xFFFFC000  }
0x64: {  	[spmem:s2] =	stream.indirect.scatter.add.f32 [tilespmem:s16], [sflag:$0x1], $0x80, s22, s18, $0xb8;
	[tilespmem:$0x18000] =	vst v63  }
0x65: {  	_ =	swait.ge [sflag:s17], $0x4000  }
0x66: {  	[sflag:s17] =	ssyncset.done $0x0  }
0x67: {  	[sflag:s17] =	ssyncadd.s32 $0xFFFFC000  }
0x68: {  	[spmem:s2] =	stream.indirect.scatter.add.f32 [tilespmem:s16], [sflag:$0x1], $0x80, s23, s18, $0xb8;
	[tilespmem:$0x18000] =	vst v63  }
0x69: {  	_ =	swait.ge [sflag:s17], $0x4000  }
0x6a: {  	[sflag:s17] =	ssyncset.done $0x0  }
0x6b: {  	[sflag:s17] =	ssyncadd.s32 $0xFFFFC000  }
0x6c: {  	[spmem:s2] =	stream.indirect.scatter.add.f32 [tilespmem:s16], [sflag:$0x1], $0x80, s24, s18, $0xb8;
	[tilespmem:$0x18000] =	vst v63  }
0x6d: {  	_ =	swait.ge [sflag:s17], $0x4000  }
0x6e: {  	s26 =	simm.s32 $0x80;
	s29 =	simm.s32 $0x100;
	[sflag:s17] =	ssyncset.done $0x0  }
.LBB2_6:
0x6f: {  	s30 =	sadd.s32 s26, s15  }
0x70: {  	[sflag:s17] =	ssyncadd.s32 $0xFFFFC000;
	s26 =	smov.u32 s29;
	s28 =	sadd.s32 $0x80, s29  }
0x71: {  	[tilespmem:s3], [sflag:$0x1] =	stream.linear.gather [hbm4b:s30+s3], $0x400, $0x38;
	[tilespmem:$0x18000] =	vst v63  }
0x72: {  	p0 =	sne.s32 s29, $0x480;
	_ =	swait.ge [sflag:s17], $0x400  }
0x73: {  	[sflag:s17] =	ssyncset.done $0x0  }
0x74: {  	[sflag:s17] =	ssyncadd.s32 $0xFFFFFC00  }
0x75: {  	[spmem:s2] =	stream.indirect.scatter.add.f32 [tilespmem:s16], [sflag:$0x1], $0x80, s3, s18, $0xb8;
	[tilespmem:$0x18000] =	vst v63  }
0x76: {  	_ =	swait.ge [sflag:s17], $0x4000  }
0x77: {  	[sflag:s17] =	ssyncset.done $0x0  }
0x78: {  	[sflag:s17] =	ssyncadd.s32 $0xFFFFC000  }
0x79: {  	[spmem:s2] =	stream.indirect.scatter.add.f32 [tilespmem:s16], [sflag:$0x1], $0x80, s18, s18, $0xb8;
	[tilespmem:$0x18000] =	vst v63  }
0x7a: {  	_ =	swait.ge [sflag:s17], $0x4000  }
0x7b: {  	[sflag:s17] =	ssyncset.done $0x0  }
0x7c: {  	[sflag:s17] =	ssyncadd.s32 $0xFFFFC000  }
0x7d: {  	[spmem:s2] =	stream.indirect.scatter.add.f32 [tilespmem:s16], [sflag:$0x1], $0x80, s19, s18, $0xb8;
	[tilespmem:$0x18000] =	vst v63  }
0x7e: {  	_ =	swait.ge [sflag:s17], $0x4000  }
0x7f: {  	[sflag:s17] =	ssyncset.done $0x0  }
0x80: {  	[sflag:s17] =	ssyncadd.s32 $0xFFFFC000  }
0x81: {  	[spmem:s2] =	stream.indirect.scatter.add.f32 [tilespmem:s16], [sflag:$0x1], $0x80, s20, s18, $0xb8;
	[tilespmem:$0x18000] =	vst v63  }
0x82: {  	_ =	swait.ge [sflag:s17], $0x4000  }
0x83: {  	[sflag:s17] =	ssyncset.done $0x0  }
0x84: {  	[sflag:s17] =	ssyncadd.s32 $0xFFFFC000  }
0x85: {  	[spmem:s2] =	stream.indirect.scatter.add.f32 [tilespmem:s16], [sflag:$0x1], $0x80, s21, s18, $0xb8;
	[tilespmem:$0x18000] =	vst v63  }
0x86: {  	_ =	swait.ge [sflag:s17], $0x4000  }
0x87: {  	[sflag:s17] =	ssyncset.done $0x0  }
0x88: {  	[sflag:s17] =	ssyncadd.s32 $0xFFFFC000  }
0x89: {  	[spmem:s2] =	stream.indirect.scatter.add.f32 [tilespmem:s16], [sflag:$0x1], $0x80, s22, s18, $0xb8;
	[tilespmem:$0x18000] =	vst v63  }
0x8a: {  	_ =	swait.ge [sflag:s17], $0x4000  }
0x8b: {  	[sflag:s17] =	ssyncset.done $0x0  }
0x8c: {  	[sflag:s17] =	ssyncadd.s32 $0xFFFFC000  }
0x8d: {  	[spmem:s2] =	stream.indirect.scatter.add.f32 [tilespmem:s16], [sflag:$0x1], $0x80, s23, s18, $0xb8;
	[tilespmem:$0x18000] =	vst v63  }
0x8e: {  	_ =	swait.ge [sflag:s17], $0x4000  }
.Ltmp2:
0x8f: {  	[sflag:s17] =	ssyncset.done $0x0;
	(pc) =	sbr.rel @p0 .LBB2_6-.Ltmp2, $4  }
0x90: {  	[sflag:s17] =	ssyncadd.s32 $0xFFFFC000  }
0x91: {  	[spmem:s2] =	stream.indirect.scatter.add.f32 [tilespmem:s16], [sflag:$0x1], $0x80, s24, s18, $0xb8;
	[tilespmem:$0x18000] =	vst v63  }
0x92: {  	_ =	swait.ge [sflag:s17], $0x4000  }
0x93: {  	s29 =	smov.u32 s28;
	[sflag:s17] =	ssyncset.done $0x0  }
0x94: {  	s26 =	sadd.s32 s26, s15;
	[sflag:s17] =	ssyncadd.s32 $0xFFFFC000  }
0x95: {  	[tilespmem:s3], [sflag:$0x1] =	stream.linear.gather [hbm4b:s26+s3], $0x400, $0x38;
	[tilespmem:$0x18000] =	vst v63  }
0x96: {  	_ =	swait.ge [sflag:s17], $0x400  }
0x97: {  	[sflag:s17] =	ssyncset.done $0x0  }
0x98: {  	[sflag:s17] =	ssyncadd.s32 $0xFFFFFC00  }
0x99: {  	[spmem:s2] =	stream.indirect.scatter.add.f32 [tilespmem:s16], [sflag:$0x1], $0x80, s3, s18, $0xb8;
	[tilespmem:$0x18000] =	vst v63  }
0x9a: {  	_ =	swait.ge [sflag:s17], $0x4000  }
0x9b: {  	[sflag:s17] =	ssyncset.done $0x0  }
0x9c: {  	[sflag:s17] =	ssyncadd.s32 $0xFFFFC000  }
0x9d: {  	[spmem:s2] =	stream.indirect.scatter.add.f32 [tilespmem:s16], [sflag:$0x1], $0x80, s18, s18, $0xb8;
	[tilespmem:$0x18000] =	vst v63  }
0x9e: {  	_ =	swait.ge [sflag:s17], $0x4000  }
0x9f: {  	[sflag:s17] =	ssyncset.done $0x0  }
0xa0: {  	[sflag:s17] =	ssyncadd.s32 $0xFFFFC000  }
0xa1: {  	[spmem:s2] =	stream.indirect.scatter.add.f32 [tilespmem:s16], [sflag:$0x1], $0x80, s19, s18, $0xb8;
	[tilespmem:$0x18000] =	vst v63  }
0xa2: {  	_ =	swait.ge [sflag:s17], $0x4000  }
0xa3: {  	[sflag:s17] =	ssyncset.done $0x0  }
0xa4: {  	[sflag:s17] =	ssyncadd.s32 $0xFFFFC000  }
0xa5: {  	[spmem:s2] =	stream.indirect.scatter.add.f32 [tilespmem:s16], [sflag:$0x1], $0x80, s20, s18, $0xb8;
	[tilespmem:$0x18000] =	vst v63  }
0xa6: {  	_ =	swait.ge [sflag:s17], $0x4000  }
0xa7: {  	[sflag:s17] =	ssyncset.done $0x0  }
0xa8: {  	[sflag:s17] =	ssyncadd.s32 $0xFFFFC000  }
0xa9: {  	[spmem:s2] =	stream.indirect.scatter.add.f32 [tilespmem:s16], [sflag:$0x1], $0x80, s21, s18, $0xb8;
	[tilespmem:$0x18000] =	vst v63  }
0xaa: {  	_ =	swait.ge [sflag:s17], $0x4000  }
0xab: {  	[sflag:s17] =	ssyncset.done $0x0  }
0xac: {  	[sflag:s17] =	ssyncadd.s32 $0xFFFFC000  }
0xad: {  	[spmem:s2] =	stream.indirect.scatter.add.f32 [tilespmem:s16], [sflag:$0x1], $0x80, s22, s18, $0xb8;
	[tilespmem:$0x18000] =	vst v63  }
0xae: {  	_ =	swait.ge [sflag:s17], $0x4000  }
0xaf: {  	[sflag:s17] =	ssyncset.done $0x0  }
0xb0: {  	[sflag:s17] =	ssyncadd.s32 $0xFFFFC000  }
0xb1: {  	[spmem:s2] =	stream.indirect.scatter.add.f32 [tilespmem:s16], [sflag:$0x1], $0x80, s23, s18, $0xb8;
	[tilespmem:$0x18000] =	vst v63  }
0xb2: {  	_ =	swait.ge [sflag:s17], $0x4000  }
0xb3: {  	[sflag:s17] =	ssyncset.done $0x0  }
0xb4: {  	[sflag:s17] =	ssyncadd.s32 $0xFFFFC000  }
0xb5: {  	[spmem:s2] =	stream.indirect.scatter.add.f32 [tilespmem:s16], [sflag:$0x1], $0x80, s24, s18, $0xb8;
	[tilespmem:$0x18000] =	vst v63  }
0xb6: {  	_ =	swait.ge [sflag:s17], $0x4000  }
0xb7: {  	[sflag:s17] =	ssyncset.done $0x0  }
0xb8: {  	[sflag:s17] =	ssyncadd.s32 $0xFFFFC000  }
0xb9: {  	[bflag:$0x0] =	sbarrier.arrive $0xFFFF  }
0xba: {  	[tilespmem:s16], [sflag:$0x1] =	stream.linear.gather [spmem:s4], $0x4000, $0x38;
	[tilespmem:$0x18000] =	vst v63  }
0xbb: {  	_ =	swait.ge [sflag:s17], $0x4000  }
0xbc: {  	[sflag:s17] =	ssyncset.done $0x0  }
0xbd: {  	[sflag:s17] =	ssyncadd.s32 $0xFFFFC000  }
0xbe: {  	[hbm4b:s9+s3] =	stream.linear.scatter [tilespmem:s16], [sflag:$0x1], $0x4000, $0x38;
	[tilespmem:$0x18000] =	vst v63  }
0xbf: {  	_ =	swait.ge [sflag:s17], $0x4000  }
0xc0: {  	[sflag:s17] =	ssyncset.done $0x0  }
0xc1: {  	[sflag:s17] =	ssyncadd.s32 $0xFFFFC000  }
0xc2: {  	[tilespmem:s16], [sflag:$0x1] =	stream.linear.gather [spmem:s5], $0x4000, $0x38;
	[tilespmem:$0x18000] =	vst v63  }
0xc3: {  	_ =	swait.ge [sflag:s17], $0x4000  }
0xc4: {  	[sflag:s17] =	ssyncset.done $0x0  }
0xc5: {  	[sflag:s17] =	ssyncadd.s32 $0xFFFFC000  }
0xc6: {  	[hbm4b:s10+s3] =	stream.linear.scatter [tilespmem:s16], [sflag:$0x1], $0x4000, $0x38;
	[tilespmem:$0x18000] =	vst v63  }
0xc7: {  	_ =	swait.ge [sflag:s17], $0x4000  }
0xc8: {  	[sflag:s17] =	ssyncset.done $0x0  }
0xc9: {  	[sflag:s17] =	ssyncadd.s32 $0xFFFFC000  }
0xca: {  	[tilespmem:s16], [sflag:$0x1] =	stream.linear.gather [spmem:s6], $0x4000, $0x38;
	[tilespmem:$0x18000] =	vst v63  }
0xcb: {  	_ =	swait.ge [sflag:s17], $0x4000  }
0xcc: {  	[sflag:s17] =	ssyncset.done $0x0  }
0xcd: {  	[sflag:s17] =	ssyncadd.s32 $0xFFFFC000  }
0xce: {  	[hbm4b:s11+s3] =	stream.linear.scatter [tilespmem:s16], [sflag:$0x1], $0x4000, $0x38;
	[tilespmem:$0x18000] =	vst v63  }
0xcf: {  	_ =	swait.ge [sflag:s17], $0x4000  }
0xd0: {  	[sflag:s17] =	ssyncset.done $0x0  }
0xd1: {  	[sflag:s17] =	ssyncadd.s32 $0xFFFFC000  }
0xd2: {  	[tilespmem:s16], [sflag:$0x1] =	stream.linear.gather [spmem:s7], $0x4000, $0x38;
	[tilespmem:$0x18000] =	vst v63  }
0xd3: {  	_ =	swait.ge [sflag:s17], $0x4000  }
0xd4: {  	[sflag:s17] =	ssyncset.done $0x0  }
0xd5: {  	[sflag:s17] =	ssyncadd.s32 $0xFFFFC000  }
0xd6: {  	[hbm4b:s12+s3] =	stream.linear.scatter [tilespmem:s16], [sflag:$0x1], $0x4000, $0x38;
	[tilespmem:$0x18000] =	vst v63  }
0xd7: {  	_ =	swait.ge [sflag:s17], $0x4000  }
0xd8: {  	[sflag:s17] =	ssyncset.done $0x0  }
0xd9: {  	[sflag:s17] =	ssyncadd.s32 $0xFFFFC000  }
0xda: {  	[tilespmem:s16], [sflag:$0x1] =	stream.linear.gather [spmem:s8], $0x3C00, $0x38;
	[tilespmem:$0x18000] =	vst v63  }
0xdb: {  	s25 =	sadd.s32 $0x1, s25;
	_ =	swait.ge [sflag:s17], $0x3C00  }
0xdc: {  	p0 =	sne.s32 s25, s14;
	[sflag:s17] =	ssyncset.done $0x0  }
.Ltmp3:
0xdd: {  	[sflag:s17] =	ssyncadd.s32 $0xFFFFC400;
	(pc) =	sbr.rel @p0 .LBB2_1-.Ltmp3, $4  }
0xde: {  	[hbm4b:s13+s3] =	stream.linear.scatter [tilespmem:s16], [sflag:$0x1], $0x3C00, $0x38;
	[tilespmem:$0x18000] =	vst v63  }
0xdf: {  	_ =	swait.ge [sflag:s17], $0x3C00  }
0xe0: {  	[sflag:s17] =	ssyncset.done $0x0  }
0xe1: {  	[sflag:s17] =	ssyncadd.s32 $0xFFFFC400  }
0xe2: {  	_ =	sfence.sel $0x180000  }
0xe3: {  	[bflag:$0x0] =	sbarrier.arrive $0xFFFF  }
0xe4: {  	p0 =	sne.s32 s1, $0x0;
	_ =	strace $0x9000004A  }
0xe5: {  	s0 =	sadd.s32 @!p0 $0x100000, s0;
	[bflag:$0x2] =	sbarrier.arrive $0xFFFF  }
0xe6: {  	[sflag:s0] =	ssyncadd.tile.s32 @!p0 $0x1;
	_ =	shalt  }
.Lfunc_end2:
_tile_overlayer_lowered:
.L_overlay_start_2:
0xe7: {  	(tag) =	ssettag $0x2  }
0xe8: {  	s0 =	rddreg [dreg:$0x0];
	s2 =	stileid.u32  }
0xe9: {  	s1 =	rddreg [dreg:$0x1];
	p0 =	sne.s32 s2, $0x0  }
0xea: {  	s3 =	rddreg [dreg:$0x2];
	[bflag:$0x3] =	sbarrier.arrive $0xFFFF;
	s2 =	simm.s32 @!p0 $0x1C01  }
0xeb: {  	[timem:s3], [sflag:s2] =	dma.local @!p0 [hbm:s0], s1  }
0xec: {  	s0 =	simm.s32 @!p0 $0x1  }
0xed: {  	_ =	swait.ge @!p0 [sflag:s0], s1  }
0xee: {  	s1 =	ssub.s32 @!p0 $0x0, s1;
	[sflag:s0] =	ssyncset.done @!p0 $0x0  }
0xef: {  	[sflag:s0] =	ssyncadd.s32 @!p0 s1  }
0xf0: {  	[bflag:$0x3] =	sbarrier.arrive $0xFFFF  }
0xf1: {  	_ =	shalt  }

</sc_bundles>
